<compile_context>
chip_gen: v7x
topology: tpu7x:2x2x1
jax: 0.10.2.dev20260603
libtpu: 0.0.44.dev20260713+nightly
codegen_flags: <defaults>
</compile_context>

<pallas_src>
import functools

import jax
import jax.numpy as jnp
from jax import lax
from jax.experimental import pallas as pl
from jax.experimental.pallas import tpu as pltpu
from jax.experimental.pallas import tpu_sc as plsc

NC = 2
NS = 16
NW = NC * NS
K = 80


def _mesh():
    return plsc.VectorSubcoreMesh(core_axis_name="c", subcore_axis_name="s")


def _make_deg(N, E):
    EPW = E // NW
    NCH = EPW // K
    G = 25
    NG = NCH // G

    @functools.partial(
        pl.kernel,
        out_type=jax.ShapeDtypeStruct((NC, N, 16), jnp.float32),
        mesh=_mesh(),
        compiler_params=pltpu.CompilerParams(use_tc_tiling_on_sc=False),
        scratch_types=[
            pltpu.VMEM((NCH, K), jnp.int32),
            pltpu.VMEM((K, 16), jnp.float32),
            pltpu.VMEM_SHARED((N, 16), jnp.float32),
            pltpu.SemaphoreType.DMA,
        ],
    )
    def deg_kernel(dst_hbm, ones_hbm, zeros_hbm, out_hbm, idx_v, ones_v, accum, sem):
        c = lax.axis_index("c")
        s = lax.axis_index("s")
        w = s * NC + c
        rp = N // NS
        pltpu.sync_copy(dst_hbm.at[w], idx_v)
        pltpu.sync_copy(ones_hbm, ones_v)
        pltpu.sync_copy(zeros_hbm.at[pl.ds(s * rp, rp)], accum.at[pl.ds(s * rp, rp)])
        plsc.subcore_barrier()

        def body(g, carry):
            base = g * G
            for t in range(G):
                pltpu.async_copy(ones_v, accum.at[idx_v.at[base + t]], sem, add=True)
            for t in range(G):
                pltpu.make_async_copy(ones_v, accum.at[idx_v.at[base]], sem).wait()
            return carry

        lax.fori_loop(0, NG, body, 0)
        plsc.subcore_barrier()
        pltpu.sync_copy(accum.at[pl.ds(s * rp, rp)], out_hbm.at[c, pl.ds(s * rp, rp)])

    return deg_kernel


def _make_agg(N, E, D, NBUF, KA):
    EPW = E // NW
    NCH = EPW // KA
    NGRP = NCH // NBUF

    @functools.partial(
        pl.kernel,
        out_type=jax.ShapeDtypeStruct((NC, N, D), jnp.float32),
        mesh=_mesh(),
        compiler_params=pltpu.CompilerParams(use_tc_tiling_on_sc=False),
        scratch_types=(
            [pltpu.VMEM((NCH, KA), jnp.int32)] * 2
            + [pltpu.VMEM((KA, D), jnp.float32)] * NBUF
            + [pltpu.SemaphoreType.DMA] * (2 * NBUF)
            + [pltpu.VMEM_SHARED((N, D), jnp.float32)]
        ),
    )
    def agg_kernel(table, srci, dsti, zeros, out, sidx, didx, *rest):
        rows = rest[0:NBUF]
        gsem = rest[NBUF:2 * NBUF]
        ssem = rest[2 * NBUF:3 * NBUF]
        accum = rest[3 * NBUF]
        c = lax.axis_index("c")
        s = lax.axis_index("s")
        w = s * NC + c
        rp = N // NS
        pltpu.sync_copy(srci.at[w], sidx)
        pltpu.sync_copy(dsti.at[w], didx)
        pltpu.sync_copy(zeros.at[pl.ds(s * rp, rp)], accum.at[pl.ds(s * rp, rp)])
        plsc.subcore_barrier()

        for b in range(NBUF):
            pltpu.async_copy(table.at[sidx.at[b]], rows[b], gsem[b])

        def body(g, carry):
            for b in range(NBUF):
                j = g * NBUF + b
                pltpu.make_async_copy(table.at[sidx.at[j]], rows[b], gsem[b]).wait()
                pltpu.async_copy(rows[b], accum.at[didx.at[j]], ssem[b], add=True)
            for b in range(NBUF):
                jn = g * NBUF + NBUF + b

                @pl.when(jn < NCH)
                def _():
                    pltpu.make_async_copy(rows[b], accum.at[didx.at[0]], ssem[b]).wait()
                    pltpu.async_copy(table.at[sidx.at[jn]], rows[b], gsem[b])

            return carry

        lax.fori_loop(0, NGRP, body, 0)
        for j in range(NGRP * NBUF, NCH):
            b = j % NBUF
            pltpu.make_async_copy(table.at[sidx.at[j]], rows[b], gsem[b]).wait()
            pltpu.async_copy(rows[b], accum.at[didx.at[j]], ssem[b], add=True)
        for b in range(NBUF):
            pltpu.make_async_copy(rows[b], accum.at[didx.at[0]], ssem[b]).wait()
        plsc.subcore_barrier()
        pltpu.sync_copy(accum.at[pl.ds(s * rp, rp)], out.at[c, pl.ds(s * rp, rp)])

    return agg_kernel


def _make_decode(N, E, D):
    EPW = E // NW
    NCH = EPW // K
    NT2 = D // 32
    DB = 4

    @functools.partial(
        pl.kernel,
        out_type=jax.ShapeDtypeStruct((E,), jnp.float32),
        mesh=_mesh(),
        compiler_params=pltpu.CompilerParams(
            use_tc_tiling_on_sc=False, needs_layout_passes=False),
        scratch_types=(
            [pltpu.VMEM((NCH, K), jnp.int32)] * 2
            + [pltpu.VMEM((K, D), jnp.bfloat16)] * (2 * DB)
            + [pltpu.VMEM((K,), jnp.float32)]
            + [pltpu.SemaphoreType.DMA] * (2 * DB)
        ),
    )
    def dec_kernel(z, rowi, coli, out, ridx, cidx, *rest):
        bR = rest[0:DB]
        bC = rest[DB:2 * DB]
        sv = rest[2 * DB]
        sR = rest[2 * DB + 1:3 * DB + 1]
        sC = rest[3 * DB + 1:4 * DB + 1]
        c = lax.axis_index("c")
        s = lax.axis_index("s")
        w = s * NC + c
        pltpu.sync_copy(rowi.at[w], ridx)
        pltpu.sync_copy(coli.at[w], cidx)

        def gath(j, b):
            pltpu.async_copy(z.at[ridx.at[j]], bR[b], sR[b])
            pltpu.async_copy(z.at[cidx.at[j]], bC[b], sC[b])

        def waitg(b):
            pltpu.make_async_copy(z.at[ridx.at[0]], bR[b], sR[b]).wait()
            pltpu.make_async_copy(z.at[cidx.at[0]], bC[b], sC[b]).wait()

        def compute(j, bR, bC):
            lane = lax.iota(jnp.int32, 16)
            m0 = lane == 0
            perms = [lane ^ b for b in (8, 4, 2, 1)]
            gdn = lax.GatherDimensionNumbers(
                offset_dims=(), collapsed_slice_dims=(0,), start_index_map=(0,))

            def xlane(v, pv):
                return lax.gather(
                    v, pv[:, None], dimension_numbers=gdn, slice_sizes=(1,),
                    mode=lax.GatherScatterMode.PROMISE_IN_BOUNDS)

            @plsc.parallel_loop(0, K)
            def edge(e):
                acc = jnp.zeros((16,), jnp.float32)
                for t in range(NT2):
                    p = bR[e, pl.ds(t * 32, 32)] * bC[e, pl.ds(t * 32, 32)]
                    p0, p1 = plsc.unpack(p, format=plsc.PackFormat.INTERLEAVED)
                    acc = acc + p0 + p1
                for pv in perms:
                    acc = acc + xlane(acc, pv)
                plsc.store_scatter(sv, [jnp.full((16,), e, jnp.int32)], acc, mask=m0)

            @plsc.parallel_loop(0, K // 16)
            def grp(gi):
                v = sv[pl.ds(gi * 16, 16)]
                sv[pl.ds(gi * 16, 16)] = 1.0 / (1.0 + jnp.exp(-v))
            pltpu.sync_copy(sv, out.at[pl.ds(w * EPW + j * K, K)])

        for b in range(DB):
            gath(b, b)

        def body(g, carry):
            for b in range(DB):
                j = g * DB + b
                waitg(b)
                compute(j, bR[b], bC[b])
                jn = j + DB

                @pl.when(jn < NCH)
                def _():
                    gath(jn, b)

            return carry

        lax.fori_loop(0, NCH // DB, body, 0)
        for j in range((NCH // DB) * DB, NCH):
            b = j % DB
            waitg(b)
            compute(j, bR[b], bC[b])

    return dec_kernel


def _tc1_body(x_ref, w_ref, degp_ref, hp_ref, dinv_ref):
    d = degp_ref[...]
    deg = d[0, :, :1] + d[1, :, :1] + 1.0
    dinv = lax.rsqrt(deg)
    h = jnp.dot(x_ref[...], w_ref[...], preferred_element_type=jnp.float32)
    hp_ref[...] = h * dinv
    dinv_ref[...] = dinv


def _tc2_body(p_ref, hp_ref, dinv_ref, b1_ref, w2_ref, gp_ref):
    p = p_ref[...]
    t = (p[0] + p[1] + hp_ref[...]) * dinv_ref[...] + b1_ref[...]
    r = jnp.maximum(t, 0.0)
    g = jnp.dot(r, w2_ref[...], preferred_element_type=jnp.float32)
    gp_ref[...] = g * dinv_ref[...]


def _tc3_body(q_ref, gp_ref, dinv_ref, b2_ref, z_ref):
    q = q_ref[...]
    z = (q[0] + q[1] + gp_ref[...]) * dinv_ref[...] + b2_ref[...]
    z_ref[...] = z.astype(jnp.bfloat16)


_BLK = 1000


def _tc1(x, W1, degp):
    N, Din = x.shape
    Dh = W1.shape[1]
    return pl.pallas_call(
        _tc1_body,
        grid=(N // _BLK,),
        in_specs=[
            pl.BlockSpec((_BLK, Din), lambda i: (i, 0)),
            pl.BlockSpec((Din, Dh), lambda i: (0, 0)),
            pl.BlockSpec((NC, _BLK, 16), lambda i: (0, i, 0)),
        ],
        out_specs=[
            pl.BlockSpec((_BLK, Dh), lambda i: (i, 0)),
            pl.BlockSpec((_BLK, 1), lambda i: (i, 0)),
        ],
        out_shape=[
            jax.ShapeDtypeStruct((N, Dh), jnp.float32),
            jax.ShapeDtypeStruct((N, 1), jnp.float32),
        ],
    )(x, W1, degp)


def _tc2(p, hp, dinv, b1, W2):
    N, Dh = hp.shape
    Dl = W2.shape[1]
    return pl.pallas_call(
        _tc2_body,
        grid=(N // _BLK,),
        in_specs=[
            pl.BlockSpec((NC, _BLK, Dh), lambda i: (0, i, 0)),
            pl.BlockSpec((_BLK, Dh), lambda i: (i, 0)),
            pl.BlockSpec((_BLK, 1), lambda i: (i, 0)),
            pl.BlockSpec((1, Dh), lambda i: (0, 0)),
            pl.BlockSpec((Dh, Dl), lambda i: (0, 0)),
        ],
        out_specs=pl.BlockSpec((_BLK, Dl), lambda i: (i, 0)),
        out_shape=jax.ShapeDtypeStruct((N, Dl), jnp.float32),
    )(p, hp, dinv, b1, W2)


def _tc3(q, gp, dinv, b2):
    N, Dl = gp.shape
    return pl.pallas_call(
        _tc3_body,
        grid=(N // _BLK,),
        in_specs=[
            pl.BlockSpec((NC, _BLK, Dl), lambda i: (0, i, 0)),
            pl.BlockSpec((_BLK, Dl), lambda i: (i, 0)),
            pl.BlockSpec((_BLK, 1), lambda i: (i, 0)),
            pl.BlockSpec((1, Dl), lambda i: (0, 0)),
        ],
        out_specs=pl.BlockSpec((_BLK, Dl), lambda i: (i, 0)),
        out_shape=jax.ShapeDtypeStruct((N, Dl), jnp.bfloat16),
    )(q, gp, dinv, b2)


def kernel(x, edge_index, W1, b1, W2, b2):
    N, Din = x.shape
    Dh = W1.shape[1]
    Dl = W2.shape[1]
    E = edge_index.shape[1]
    EPW = E // NW
    NCH = EPW // K
    KA = K
    src = edge_index[0].reshape(NW, NCH, K)
    dst = edge_index[1].reshape(NW, NCH, K)
    srca = edge_index[0].reshape(NW, EPW // KA, KA)
    dsta = edge_index[1].reshape(NW, EPW // KA, KA)
    ones16 = jnp.ones((K, 16), jnp.float32)
    z16 = jnp.zeros((N, 16), jnp.float32)
    zh = jnp.zeros((N, Dh), jnp.float32)
    zl = jnp.zeros((N, Dl), jnp.float32)

    degp = _make_deg(N, E)(dst, ones16, z16)
    hp, dinv = _tc1(x, W1, degp)
    p = _make_agg(N, E, Dh, 3, KA)(hp, srca, dsta, zh)
    gp = _tc2(p, hp, dinv, b1.reshape(1, Dh), W2)
    q = _make_agg(N, E, Dl, 12, KA)(gp, srca, dsta, zl)
    z = _tc3(q, gp, dinv, b2.reshape(1, Dl))
    return _make_decode(N, E, Dl)(z, src, dst)

# --- scband reference (transcript-rebuilt; emitter-appended) ---
"""Pipeline reference for scband-gae-51539607552044 (READ-ONLY COPY).

The authoritative reference and input builder live on the scoring server;
editing this copy changes nothing except your own understanding.
"""

import jax, jax.numpy as jnp
import numpy as np

N_NODES = 10000
N_EDGES = 320000
D_IN = 128
D_HID = 128
D_LAT = 64


def gcn_conv(x, edge_index, W, b):
    # PyG-style GCNConv: add self-loops, symmetric normalization, aggregate, linear
    N = x.shape[0]
    loop = jnp.arange(N, dtype=edge_index.dtype)
    src = jnp.concatenate([edge_index[0], loop])
    dst = jnp.concatenate([edge_index[1], loop])
    deg = jnp.zeros((N,), dtype=x.dtype).at[dst].add(1.0)
    deg_inv_sqrt = jnp.where(deg > 0, 1.0 / jnp.sqrt(deg), 0.0)
    norm = deg_inv_sqrt[src] * deg_inv_sqrt[dst]
    h = x @ W
    msg = h[src] * norm[:, None]
    out = jnp.zeros((N, W.shape[1]), dtype=x.dtype).at[dst].add(msg)
    return out + b


def setup_inputs(seed: int = 0) -> dict:
    key = jax.random.key(seed)
    ks = jax.random.split(key, 6)
    x = jax.random.normal(ks[0], (N_NODES, D_IN), dtype=jnp.float32)
    edge_index = jax.random.randint(ks[1], (2, N_EDGES), 0, N_NODES, dtype=jnp.int32)
    W1 = jax.random.normal(ks[2], (D_IN, D_HID), dtype=jnp.float32) * (1.0 / np.sqrt(D_IN))
    b1 = jnp.zeros((D_HID,), dtype=jnp.float32)
    W2 = jax.random.normal(ks[3], (D_HID, D_LAT), dtype=jnp.float32) * (1.0 / np.sqrt(D_HID))
    b2 = jnp.zeros((D_LAT,), dtype=jnp.float32)
    return {"x": x, "edge_index": edge_index, "W1": W1, "b1": b1, "W2": W2, "b2": b2}


def reference(x, edge_index, W1, b1, W2, b2):
    # Encoder: two-layer GCN
    h = gcn_conv(x, edge_index, W1, b1)
    h = jax.nn.relu(h)
    z = gcn_conv(h, edge_index, W2, b2)
    # InnerProductDecoder over the same edges (sigmoid=True)
    row = edge_index[0]
    col = edge_index[1]
    scores = jnp.sum(z[row] * z[col], axis=1)
    return jax.nn.sigmoid(scores)

if __name__ == "__main__":
    import jax
    _d = setup_inputs()
    print(jax.jit(kernel)(*tuple(_d.values())))

</pallas_src>

<mosaic_0001>
#map = affine_map<(d0, d1) -> (0, 0)>
#map1 = affine_map<(d0, d1) -> (0, 0, 0)>
#map2 = affine_map<(d0, d1) -> (0)>
module attributes {stable_mosaic.version = 14 : i64} {
  func.func @dec_kernel(%arg0: i32, %arg1: i32, %arg2: memref<10000x64xbf16, #tpu.memory_space<hbm>>, %arg3: memref<32x125x80xi32, #tpu.memory_space<hbm>>, %arg4: memref<32x125x80xi32, #tpu.memory_space<hbm>>, %arg5: memref<320000xf32, #tpu.memory_space<hbm>>, %arg6: memref<125x80xi32, #tpu.memory_space<vmem>>, %arg7: memref<125x80xi32, #tpu.memory_space<vmem>>, %arg8: memref<80x64xbf16, #tpu.memory_space<vmem>>, %arg9: memref<80x64xbf16, #tpu.memory_space<vmem>>, %arg10: memref<80x64xbf16, #tpu.memory_space<vmem>>, %arg11: memref<80x64xbf16, #tpu.memory_space<vmem>>, %arg12: memref<80x64xbf16, #tpu.memory_space<vmem>>, %arg13: memref<80x64xbf16, #tpu.memory_space<vmem>>, %arg14: memref<80x64xbf16, #tpu.memory_space<vmem>>, %arg15: memref<80x64xbf16, #tpu.memory_space<vmem>>, %arg16: memref<80xf32, #tpu.memory_space<vmem>>, %arg17: memref<!tpu.dma_semaphore, #tpu.memory_space<semaphore_mem>>, %arg18: memref<!tpu.dma_semaphore, #tpu.memory_space<semaphore_mem>>, %arg19: memref<!tpu.dma_semaphore, #tpu.memory_space<semaphore_mem>>, %arg20: memref<!tpu.dma_semaphore, #tpu.memory_space<semaphore_mem>>, %arg21: memref<!tpu.dma_semaphore, #tpu.memory_space<semaphore_mem>>, %arg22: memref<!tpu.dma_semaphore, #tpu.memory_space<semaphore_mem>>, %arg23: memref<!tpu.dma_semaphore, #tpu.memory_space<semaphore_mem>>, %arg24: memref<!tpu.dma_semaphore, #tpu.memory_space<semaphore_mem>>) attributes {dimension_semantics = [#tpu.dimension_semantics<core_parallel>, #tpu.dimension_semantics<subcore_parallel>], iteration_bounds = array<i64: 2, 16>, scalar_prefetch = 0 : i64, scratch_operands = 19 : i64, tpu.core_type = #tpu.core_type<sc_vector_subcore>, window_params = [{transform_indices = #map}, {transform_indices = #map1}, {transform_indices = #map1}, {transform_indices = #map2}]} {
    %mul3A = arith.constant 2 : i32
    %mul3A_0 = arith.muli %arg1, %mul3A : i32
    %add3A = arith.addi %mul3A_0, %arg0 : i32
    "tpu.region"() ({
      %run_scoped3A = tpu.sem_alloc : memref<!tpu.dma_semaphore, #tpu.memory_space<semaphore_mem>>
      %dma_start3A_96 = arith.constant 0 : i32
      %dma_start3A_97 = arith.constant 0 : i32
      %dma_start3A_98 = tpu.memref_slice %arg3[%add3A, %dma_start3A_96, %dma_start3A_97] : memref<32x125x80xi32, #tpu.memory_space<hbm>> -> memref<1x125x80xi32, #tpu.memory_space<hbm>>
      %dma_start3A_99 = tpu.memref_squeeze %dma_start3A_98 : memref<1x125x80xi32, #tpu.memory_space<hbm>> -> memref<125x80xi32, #tpu.memory_space<hbm>>
      %dma_start3A_100 = arith.constant 0 : i32
      %dma_start3A_101 = arith.constant 0 : i32
      %dma_start3A_102 = tpu.memref_slice %arg3[%add3A, %dma_start3A_100, %dma_start3A_101] : memref<32x125x80xi32, #tpu.memory_space<hbm>> -> memref<1x125x80xi32, #tpu.memory_space<hbm>>
      %dma_start3A_103 = tpu.memref_squeeze %dma_start3A_102 : memref<1x125x80xi32, #tpu.memory_space<hbm>> -> memref<125x80xi32, #tpu.memory_space<hbm>>
      tpu.enqueue_dma source(%dma_start3A_103 : memref<125x80xi32, #tpu.memory_space<hbm>>) target(%arg6 : memref<125x80xi32, #tpu.memory_space<vmem>>) target_semaphore(%run_scoped3A : memref<!tpu.dma_semaphore, #tpu.memory_space<semaphore_mem>>)
      %dma_wait3A_104 = arith.constant 0 : i32
      %dma_wait3A_105 = arith.constant 0 : i32
      %dma_wait3A_106 = tpu.memref_slice %arg3[%add3A, %dma_wait3A_104, %dma_wait3A_105] : memref<32x125x80xi32, #tpu.memory_space<hbm>> -> memref<1x125x80xi32, #tpu.memory_space<hbm>>
      %dma_wait3A_107 = tpu.memref_squeeze %dma_wait3A_106 : memref<1x125x80xi32, #tpu.memory_space<hbm>> -> memref<125x80xi32, #tpu.memory_space<hbm>>
      %dma_wait3A_108 = arith.constant 0 : i32
      %dma_wait3A_109 = arith.constant 0 : i32
      %dma_wait3A_110 = tpu.memref_slice %arg3[%add3A, %dma_wait3A_108, %dma_wait3A_109] : memref<32x125x80xi32, #tpu.memory_space<hbm>> -> memref<1x125x80xi32, #tpu.memory_space<hbm>>
      %dma_wait3A_111 = tpu.memref_squeeze %dma_wait3A_110 : memref<1x125x80xi32, #tpu.memory_space<hbm>> -> memref<125x80xi32, #tpu.memory_space<hbm>>
      tpu.wait_dma2 semaphore(%run_scoped3A : memref<!tpu.dma_semaphore, #tpu.memory_space<semaphore_mem>>) src(%dma_wait3A_111 : memref<125x80xi32, #tpu.memory_space<hbm>>) dst(%arg6 : memref<125x80xi32, #tpu.memory_space<vmem>>)
      tpu.yield
    }) : () -> ()
    "tpu.region"() ({
      %run_scoped3A = tpu.sem_alloc : memref<!tpu.dma_semaphore, #tpu.memory_space<semaphore_mem>>
      %dma_start3A_96 = arith.constant 0 : i32
      %dma_start3A_97 = arith.constant 0 : i32
      %dma_start3A_98 = tpu.memref_slice %arg4[%add3A, %dma_start3A_96, %dma_start3A_97] : memref<32x125x80xi32, #tpu.memory_space<hbm>> -> memref<1x125x80xi32, #tpu.memory_space<hbm>>
      %dma_start3A_99 = tpu.memref_squeeze %dma_start3A_98 : memref<1x125x80xi32, #tpu.memory_space<hbm>> -> memref<125x80xi32, #tpu.memory_space<hbm>>
      %dma_start3A_100 = arith.constant 0 : i32
      %dma_start3A_101 = arith.constant 0 : i32
      %dma_start3A_102 = tpu.memref_slice %arg4[%add3A, %dma_start3A_100, %dma_start3A_101] : memref<32x125x80xi32, #tpu.memory_space<hbm>> -> memref<1x125x80xi32, #tpu.memory_space<hbm>>
      %dma_start3A_103 = tpu.memref_squeeze %dma_start3A_102 : memref<1x125x80xi32, #tpu.memory_space<hbm>> -> memref<125x80xi32, #tpu.memory_space<hbm>>
      tpu.enqueue_dma source(%dma_start3A_103 : memref<125x80xi32, #tpu.memory_space<hbm>>) target(%arg7 : memref<125x80xi32, #tpu.memory_space<vmem>>) target_semaphore(%run_scoped3A : memref<!tpu.dma_semaphore, #tpu.memory_space<semaphore_mem>>)
      %dma_wait3A_104 = arith.constant 0 : i32
      %dma_wait3A_105 = arith.constant 0 : i32
      %dma_wait3A_106 = tpu.memref_slice %arg4[%add3A, %dma_wait3A_104, %dma_wait3A_105] : memref<32x125x80xi32, #tpu.memory_space<hbm>> -> memref<1x125x80xi32, #tpu.memory_space<hbm>>
      %dma_wait3A_107 = tpu.memref_squeeze %dma_wait3A_106 : memref<1x125x80xi32, #tpu.memory_space<hbm>> -> memref<125x80xi32, #tpu.memory_space<hbm>>
      %dma_wait3A_108 = arith.constant 0 : i32
      %dma_wait3A_109 = arith.constant 0 : i32
      %dma_wait3A_110 = tpu.memref_slice %arg4[%add3A, %dma_wait3A_108, %dma_wait3A_109] : memref<32x125x80xi32, #tpu.memory_space<hbm>> -> memref<1x125x80xi32, #tpu.memory_space<hbm>>
      %dma_wait3A_111 = tpu.memref_squeeze %dma_wait3A_110 : memref<1x125x80xi32, #tpu.memory_space<hbm>> -> memref<125x80xi32, #tpu.memory_space<hbm>>
      tpu.wait_dma2 semaphore(%run_scoped3A : memref<!tpu.dma_semaphore, #tpu.memory_space<semaphore_mem>>) src(%dma_wait3A_111 : memref<125x80xi32, #tpu.memory_space<hbm>>) dst(%arg7 : memref<125x80xi32, #tpu.memory_space<vmem>>)
      tpu.yield
    }) : () -> ()
    %dma_start3A = arith.constant 0 : i32
    %dma_start3A_1 = arith.constant 0 : i32
    %dma_start3A_2 = tpu.memref_slice %arg6[%dma_start3A, %dma_start3A_1] : memref<125x80xi32, #tpu.memory_space<vmem>> -> memref<1x80xi32, #tpu.memory_space<vmem>>
    %dma_start3A_3 = tpu.memref_squeeze %dma_start3A_2 : memref<1x80xi32, #tpu.memory_space<vmem>> -> memref<80xi32, #tpu.memory_space<vmem>>
    %dma_start3A_4 = arith.constant 0 : i32
    %dma_start3A_5 = arith.constant 0 : i32
    %dma_start3A_6 = tpu.memref_slice %arg2[%dma_start3A_4, %dma_start3A_5] : memref<10000x64xbf16, #tpu.memory_space<hbm>> -> memref<10000x64xbf16, #tpu.memory_space<hbm>>
    tpu.enqueue_indirect_dma source(%dma_start3A_6 : memref<10000x64xbf16, #tpu.memory_space<hbm>>) target(%arg8 : memref<80x64xbf16, #tpu.memory_space<vmem>>) offsets(%dma_start3A_3 : memref<80xi32, #tpu.memory_space<vmem>>) semaphore(%arg17 : memref<!tpu.dma_semaphore, #tpu.memory_space<semaphore_mem>>)
    %dma_start3A_7 = arith.constant 0 : i32
    %dma_start3A_8 = arith.constant 0 : i32
    %dma_start3A_9 = tpu.memref_slice %arg7[%dma_start3A_7, %dma_start3A_8] : memref<125x80xi32, #tpu.memory_space<vmem>> -> memref<1x80xi32, #tpu.memory_space<vmem>>
    %dma_start3A_10 = tpu.memref_squeeze %dma_start3A_9 : memref<1x80xi32, #tpu.memory_space<vmem>> -> memref<80xi32, #tpu.memory_space<vmem>>
    %dma_start3A_11 = arith.constant 0 : i32
    %dma_start3A_12 = arith.constant 0 : i32
    %dma_start3A_13 = tpu.memref_slice %arg2[%dma_start3A_11, %dma_start3A_12] : memref<10000x64xbf16, #tpu.memory_space<hbm>> -> memref<10000x64xbf16, #tpu.memory_space<hbm>>
    tpu.enqueue_indirect_dma source(%dma_start3A_13 : memref<10000x64xbf16, #tpu.memory_space<hbm>>) target(%arg12 : memref<80x64xbf16, #tpu.memory_space<vmem>>) offsets(%dma_start3A_10 : memref<80xi32, #tpu.memory_space<vmem>>) semaphore(%arg21 : memref<!tpu.dma_semaphore, #tpu.memory_space<semaphore_mem>>)
    %dma_start3A_14 = arith.constant 1 : i32
    %dma_start3A_15 = arith.constant 0 : i32
    %dma_start3A_16 = tpu.memref_slice %arg6[%dma_start3A_14, %dma_start3A_15] : memref<125x80xi32, #tpu.memory_space<vmem>> -> memref<1x80xi32, #tpu.memory_space<vmem>>
    %dma_start3A_17 = tpu.memref_squeeze %dma_start3A_16 : memref<1x80xi32, #tpu.memory_space<vmem>> -> memref<80xi32, #tpu.memory_space<vmem>>
    %dma_start3A_18 = arith.constant 0 : i32
    %dma_start3A_19 = arith.constant 0 : i32
    %dma_start3A_20 = tpu.memref_slice %arg2[%dma_start3A_18, %dma_start3A_19] : memref<10000x64xbf16, #tpu.memory_space<hbm>> -> memref<10000x64xbf16, #tpu.memory_space<hbm>>
    tpu.enqueue_indirect_dma source(%dma_start3A_20 : memref<10000x64xbf16, #tpu.memory_space<hbm>>) target(%arg9 : memref<80x64xbf16, #tpu.memory_space<vmem>>) offsets(%dma_start3A_17 : memref<80xi32, #tpu.memory_space<vmem>>) semaphore(%arg18 : memref<!tpu.dma_semaphore, #tpu.memory_space<semaphore_mem>>)
    %dma_start3A_21 = arith.constant 1 : i32
    %dma_start3A_22 = arith.constant 0 : i32
    %dma_start3A_23 = tpu.memref_slice %arg7[%dma_start3A_21, %dma_start3A_22] : memref<125x80xi32, #tpu.memory_space<vmem>> -> memref<1x80xi32, #tpu.memory_space<vmem>>
    %dma_start3A_24 = tpu.memref_squeeze %dma_start3A_23 : memref<1x80xi32, #tpu.memory_space<vmem>> -> memref<80xi32, #tpu.memory_space<vmem>>
    %dma_start3A_25 = arith.constant 0 : i32
    %dma_start3A_26 = arith.constant 0 : i32
    %dma_start3A_27 = tpu.memref_slice %arg2[%dma_start3A_25, %dma_start3A_26] : memref<10000x64xbf16, #tpu.memory_space<hbm>> -> memref<10000x64xbf16, #tpu.memory_space<hbm>>
    tpu.enqueue_indirect_dma source(%dma_start3A_27 : memref<10000x64xbf16, #tpu.memory_space<hbm>>) target(%arg13 : memref<80x64xbf16, #tpu.memory_space<vmem>>) offsets(%dma_start3A_24 : memref<80xi32, #tpu.memory_space<vmem>>) semaphore(%arg22 : memref<!tpu.dma_semaphore, #tpu.memory_space<semaphore_mem>>)
    %dma_start3A_28 = arith.constant 2 : i32
    %dma_start3A_29 = arith.constant 0 : i32
    %dma_start3A_30 = tpu.memref_slice %arg6[%dma_start3A_28, %dma_start3A_29] : memref<125x80xi32, #tpu.memory_space<vmem>> -> memref<1x80xi32, #tpu.memory_space<vmem>>
    %dma_start3A_31 = tpu.memref_squeeze %dma_start3A_30 : memref<1x80xi32, #tpu.memory_space<vmem>> -> memref<80xi32, #tpu.memory_space<vmem>>
    %dma_start3A_32 = arith.constant 0 : i32
    %dma_start3A_33 = arith.constant 0 : i32
    %dma_start3A_34 = tpu.memref_slice %arg2[%dma_start3A_32, %dma_start3A_33] : memref<10000x64xbf16, #tpu.memory_space<hbm>> -> memref<10000x64xbf16, #tpu.memory_space<hbm>>
    tpu.enqueue_indirect_dma source(%dma_start3A_34 : memref<10000x64xbf16, #tpu.memory_space<hbm>>) target(%arg10 : memref<80x64xbf16, #tpu.memory_space<vmem>>) offsets(%dma_start3A_31 : memref<80xi32, #tpu.memory_space<vmem>>) semaphore(%arg19 : memref<!tpu.dma_semaphore, #tpu.memory_space<semaphore_mem>>)
    %dma_start3A_35 = arith.constant 2 : i32
    %dma_start3A_36 = arith.constant 0 : i32
    %dma_start3A_37 = tpu.memref_slice %arg7[%dma_start3A_35, %dma_start3A_36] : memref<125x80xi32, #tpu.memory_space<vmem>> -> memref<1x80xi32, #tpu.memory_space<vmem>>
    %dma_start3A_38 = tpu.memref_squeeze %dma_start3A_37 : memref<1x80xi32, #tpu.memory_space<vmem>> -> memref<80xi32, #tpu.memory_space<vmem>>
    %dma_start3A_39 = arith.constant 0 : i32
    %dma_start3A_40 = arith.constant 0 : i32
    %dma_start3A_41 = tpu.memref_slice %arg2[%dma_start3A_39, %dma_start3A_40] : memref<10000x64xbf16, #tpu.memory_space<hbm>> -> memref<10000x64xbf16, #tpu.memory_space<hbm>>
    tpu.enqueue_indirect_dma source(%dma_start3A_41 : memref<10000x64xbf16, #tpu.memory_space<hbm>>) target(%arg14 : memref<80x64xbf16, #tpu.memory_space<vmem>>) offsets(%dma_start3A_38 : memref<80xi32, #tpu.memory_space<vmem>>) semaphore(%arg23 : memref<!tpu.dma_semaphore, #tpu.memory_space<semaphore_mem>>)
    %dma_start3A_42 = arith.constant 3 : i32
    %dma_start3A_43 = arith.constant 0 : i32
    %dma_start3A_44 = tpu.memref_slice %arg6[%dma_start3A_42, %dma_start3A_43] : memref<125x80xi32, #tpu.memory_space<vmem>> -> memref<1x80xi32, #tpu.memory_space<vmem>>
    %dma_start3A_45 = tpu.memref_squeeze %dma_start3A_44 : memref<1x80xi32, #tpu.memory_space<vmem>> -> memref<80xi32, #tpu.memory_space<vmem>>
    %dma_start3A_46 = arith.constant 0 : i32
    %dma_start3A_47 = arith.constant 0 : i32
    %dma_start3A_48 = tpu.memref_slice %arg2[%dma_start3A_46, %dma_start3A_47] : memref<10000x64xbf16, #tpu.memory_space<hbm>> -> memref<10000x64xbf16, #tpu.memory_space<hbm>>
    tpu.enqueue_indirect_dma source(%dma_start3A_48 : memref<10000x64xbf16, #tpu.memory_space<hbm>>) target(%arg11 : memref<80x64xbf16, #tpu.memory_space<vmem>>) offsets(%dma_start3A_45 : memref<80xi32, #tpu.memory_space<vmem>>) semaphore(%arg20 : memref<!tpu.dma_semaphore, #tpu.memory_space<semaphore_mem>>)
    %dma_start3A_49 = arith.constant 3 : i32
    %dma_start3A_50 = arith.constant 0 : i32
    %dma_start3A_51 = tpu.memref_slice %arg7[%dma_start3A_49, %dma_start3A_50] : memref<125x80xi32, #tpu.memory_space<vmem>> -> memref<1x80xi32, #tpu.memory_space<vmem>>
    %dma_start3A_52 = tpu.memref_squeeze %dma_start3A_51 : memref<1x80xi32, #tpu.memory_space<vmem>> -> memref<80xi32, #tpu.memory_space<vmem>>
    %dma_start3A_53 = arith.constant 0 : i32
    %dma_start3A_54 = arith.constant 0 : i32
    %dma_start3A_55 = tpu.memref_slice %arg2[%dma_start3A_53, %dma_start3A_54] : memref<10000x64xbf16, #tpu.memory_space<hbm>> -> memref<10000x64xbf16, #tpu.memory_space<hbm>>
    tpu.enqueue_indirect_dma source(%dma_start3A_55 : memref<10000x64xbf16, #tpu.memory_space<hbm>>) target(%arg15 : memref<80x64xbf16, #tpu.memory_space<vmem>>) offsets(%dma_start3A_52 : memref<80xi32, #tpu.memory_space<vmem>>) semaphore(%arg24 : memref<!tpu.dma_semaphore, #tpu.memory_space<semaphore_mem>>)
    %scan3A = arith.constant 0 : i32
    %scan3A_56 = arith.constant 0 : i32
    %scan3A_57 = arith.constant 31 : i32
    %scan3A_58 = arith.addi %scan3A_56, %scan3A_57 : i32
    %scan3A_59 = arith.constant 1 : i32
    scf.for %scan3A_96 = %scan3A_56 to %scan3A_58 step %scan3A_59  : i32 {
      %mul3A_97 = arith.constant 4 : i32
      %mul3A_98 = arith.muli %scan3A_96, %mul3A_97 : i32
      %add3A_99 = arith.constant 0 : i32
      %add3A_100 = arith.addi %mul3A_98, %add3A_99 : i32
      %dma_wait3A_101 = arith.constant 0 : i32
      %dma_wait3A_102 = arith.constant 0 : i32
      %dma_wait3A_103 = tpu.memref_slice %arg6[%dma_wait3A_101, %dma_wait3A_102] : memref<125x80xi32, #tpu.memory_space<vmem>> -> memref<1x80xi32, #tpu.memory_space<vmem>>
      %dma_wait3A_104 = tpu.memref_squeeze %dma_wait3A_103 : memref<1x80xi32, #tpu.memory_space<vmem>> -> memref<80xi32, #tpu.memory_space<vmem>>
      %dma_wait3A_105 = arith.constant 0 : i32
      %dma_wait3A_106 = arith.constant 0 : i32
      %dma_wait3A_107 = tpu.memref_slice %arg2[%dma_wait3A_105, %dma_wait3A_106] : memref<10000x64xbf16, #tpu.memory_space<hbm>> -> memref<10000x64xbf16, #tpu.memory_space<hbm>>
      tpu.wait_indirect_dma semaphore(%arg17 : memref<!tpu.dma_semaphore, #tpu.memory_space<semaphore_mem>>) src(%dma_wait3A_107 : memref<10000x64xbf16, #tpu.memory_space<hbm>>) dst(%arg8 : memref<80x64xbf16, #tpu.memory_space<vmem>>)
      %dma_wait3A_108 = arith.constant 0 : i32
      %dma_wait3A_109 = arith.constant 0 : i32
      %dma_wait3A_110 = tpu.memref_slice %arg7[%dma_wait3A_108, %dma_wait3A_109] : memref<125x80xi32, #tpu.memory_space<vmem>> -> memref<1x80xi32, #tpu.memory_space<vmem>>
      %dma_wait3A_111 = tpu.memref_squeeze %dma_wait3A_110 : memref<1x80xi32, #tpu.memory_space<vmem>> -> memref<80xi32, #tpu.memory_space<vmem>>
      %dma_wait3A_112 = arith.constant 0 : i32
      %dma_wait3A_113 = arith.constant 0 : i32
      %dma_wait3A_114 = tpu.memref_slice %arg2[%dma_wait3A_112, %dma_wait3A_113] : memref<10000x64xbf16, #tpu.memory_space<hbm>> -> memref<10000x64xbf16, #tpu.memory_space<hbm>>
      tpu.wait_indirect_dma semaphore(%arg21 : memref<!tpu.dma_semaphore, #tpu.memory_space<semaphore_mem>>) src(%dma_wait3A_114 : memref<10000x64xbf16, #tpu.memory_space<hbm>>) dst(%arg12 : memref<80x64xbf16, #tpu.memory_space<vmem>>)
      %iota3A_115 = tpu.iota {dimensions = array<i32: 0>} : vector<16xi32>
      %eq3A_116 = arith.constant 0 : i32
      %eq3A_117 = vector.broadcast %eq3A_116 : i32 to vector<16xi32>
      %eq3A_118 = arith.cmpi eq, %iota3A_115, %eq3A_117 : vector<16xi32>
      %xor3A_119 = arith.constant 8 : i32
      %xor3A_120 = vector.broadcast %xor3A_119 : i32 to vector<16xi32>
      %xor3A_121 = arith.xori %iota3A_115, %xor3A_120 : vector<16xi32>
      %xor3A_122 = arith.constant 4 : i32
      %xor3A_123 = vector.broadcast %xor3A_122 : i32 to vector<16xi32>
      %xor3A_124 = arith.xori %iota3A_115, %xor3A_123 : vector<16xi32>
      %xor3A_125 = arith.constant 2 : i32
      %xor3A_126 = vector.broadcast %xor3A_125 : i32 to vector<16xi32>
      %xor3A_127 = arith.xori %iota3A_115, %xor3A_126 : vector<16xi32>
      %xor3A_128 = arith.constant 1 : i32
      %xor3A_129 = vector.broadcast %xor3A_128 : i32 to vector<16xi32>
      %xor3A_130 = arith.xori %iota3A_115, %xor3A_129 : vector<16xi32>
      %parallel_loop3A_131 = arith.constant 0 : i32
      %parallel_loop3A_132 = arith.constant 80 : i32
      %parallel_loop3A_133 = arith.constant 1 : i32
      scf.for %parallel_loop3A_302 = %parallel_loop3A_131 to %parallel_loop3A_132 step %parallel_loop3A_133  : i32 {
        %parallel_loop3A_303 = arith.constant 0.000000e+00 : f32
        %parallel_loop3A_304 = vector.broadcast %parallel_loop3A_303 : f32 to vector<16xf32>
        %parallel_loop3A_305 = arith.index_cast %parallel_loop3A_302 : i32 to index
        %parallel_loop3A_306 = arith.constant 0 : index
        %parallel_loop3A_307 = tpu.vector_load %arg8[%parallel_loop3A_305, %parallel_loop3A_306] {strides = array<i32>} : memref<80x64xbf16, #tpu.memory_space<vmem>>, vector<32xbf16>,
        %parallel_loop3A_308 = arith.index_cast %parallel_loop3A_302 : i32 to index
        %parallel_loop3A_309 = arith.constant 0 : index
        %parallel_loop3A_310 = tpu.vector_load %arg12[%parallel_loop3A_308, %parallel_loop3A_309] {strides = array<i32>} : memref<80x64xbf16, #tpu.memory_space<vmem>>, vector<32xbf16>,
        %parallel_loop3A_311 = arith.mulf %parallel_loop3A_307, %parallel_loop3A_310 : vector<32xbf16>
        %parallel_loop3A_312 = tpu.unpack_subelements %parallel_loop3A_311, 0 {pack_format = #tpu.pack_format<interleaved>} : vector<32xbf16> -> vector<16xf32>
        %parallel_loop3A_313 = tpu.unpack_subelements %parallel_loop3A_311, 1 {pack_format = #tpu.pack_format<interleaved>} : vector<32xbf16> -> vector<16xf32>
        %parallel_loop3A_314 = arith.addf %parallel_loop3A_304, %parallel_loop3A_312 : vector<16xf32>
        %parallel_loop3A_315 = arith.addf %parallel_loop3A_314, %parallel_loop3A_313 : vector<16xf32>
        %parallel_loop3A_316 = arith.index_cast %parallel_loop3A_302 : i32 to index
        %parallel_loop3A_317 = arith.constant 32 : index
        %parallel_loop3A_318 = tpu.vector_load %arg8[%parallel_loop3A_316, %parallel_loop3A_317] {strides = array<i32>} : memref<80x64xbf16, #tpu.memory_space<vmem>>, vector<32xbf16>,
        %parallel_loop3A_319 = arith.index_cast %parallel_loop3A_302 : i32 to index
        %parallel_loop3A_320 = arith.constant 32 : index
        %parallel_loop3A_321 = tpu.vector_load %arg12[%parallel_loop3A_319, %parallel_loop3A_320] {strides = array<i32>} : memref<80x64xbf16, #tpu.memory_space<vmem>>, vector<32xbf16>,
        %parallel_loop3A_322 = arith.mulf %parallel_loop3A_318, %parallel_loop3A_321 : vector<32xbf16>
        %parallel_loop3A_323 = tpu.unpack_subelements %parallel_loop3A_322, 0 {pack_format = #tpu.pack_format<interleaved>} : vector<32xbf16> -> vector<16xf32>
        %parallel_loop3A_324 = tpu.unpack_subelements %parallel_loop3A_322, 1 {pack_format = #tpu.pack_format<interleaved>} : vector<32xbf16> -> vector<16xf32>
        %parallel_loop3A_325 = arith.addf %parallel_loop3A_315, %parallel_loop3A_323 : vector<16xf32>
        %parallel_loop3A_326 = arith.addf %parallel_loop3A_325, %parallel_loop3A_324 : vector<16xf32>
        %parallel_loop3A_327 = vector.shape_cast %xor3A_121 : vector<16xi32> to vector<16x1xi32>
        %parallel_loop3A_328 = vector.shape_cast %parallel_loop3A_327 : vector<16x1xi32> to vector<16xi32>
        %parallel_loop3A_329 = tpu.dynamic_gather %parallel_loop3A_326[%parallel_loop3A_328] in [0] : vector<16xf32>, vector<16xi32> -> vector<16xf32>
        %parallel_loop3A_330 = arith.addf %parallel_loop3A_326, %parallel_loop3A_329 : vector<16xf32>
        %parallel_loop3A_331 = vector.shape_cast %xor3A_124 : vector<16xi32> to vector<16x1xi32>
        %parallel_loop3A_332 = vector.shape_cast %parallel_loop3A_331 : vector<16x1xi32> to vector<16xi32>
        %parallel_loop3A_333 = tpu.dynamic_gather %parallel_loop3A_330[%parallel_loop3A_332] in [0] : vector<16xf32>, vector<16xi32> -> vector<16xf32>
        %parallel_loop3A_334 = arith.addf %parallel_loop3A_330, %parallel_loop3A_333 : vector<16xf32>
        %parallel_loop3A_335 = vector.shape_cast %xor3A_127 : vector<16xi32> to vector<16x1xi32>
        %parallel_loop3A_336 = vector.shape_cast %parallel_loop3A_335 : vector<16x1xi32> to vector<16xi32>
        %parallel_loop3A_337 = tpu.dynamic_gather %parallel_loop3A_334[%parallel_loop3A_336] in [0] : vector<16xf32>, vector<16xi32> -> vector<16xf32>
        %parallel_loop3A_338 = arith.addf %parallel_loop3A_334, %parallel_loop3A_337 : vector<16xf32>
        %parallel_loop3A_339 = vector.shape_cast %xor3A_130 : vector<16xi32> to vector<16x1xi32>
        %parallel_loop3A_340 = vector.shape_cast %parallel_loop3A_339 : vector<16x1xi32> to vector<16xi32>
        %parallel_loop3A_341 = tpu.dynamic_gather %parallel_loop3A_338[%parallel_loop3A_340] in [0] : vector<16xf32>, vector<16xi32> -> vector<16xf32>
        %parallel_loop3A_342 = arith.addf %parallel_loop3A_338, %parallel_loop3A_341 : vector<16xf32>
        %parallel_loop3A_343 = vector.broadcast %parallel_loop3A_302 : i32 to vector<16xi32>
        tpu.vector_store_idx %arg16[%parallel_loop3A_343], %parallel_loop3A_342 masked %eq3A_118 : memref<80xf32, #tpu.memory_space<vmem>>[vector<16xi32>], vector<16xf32>, vector<16xi1>
      } {sc.loop_unroll_factor = 1 : i64, sc.parallel_access}
      %parallel_loop3A_134 = arith.constant 0 : i32
      %parallel_loop3A_135 = arith.constant 5 : i32
      %parallel_loop3A_136 = arith.constant 1 : i32
      scf.for %parallel_loop3A_302 = %parallel_loop3A_134 to %parallel_loop3A_135 step %parallel_loop3A_136  : i32 {
        %parallel_loop3A_303 = arith.constant 16 : i32
        %parallel_loop3A_304 = arith.muli %parallel_loop3A_302, %parallel_loop3A_303 : i32
        %parallel_loop3A_305 = arith.index_cast %parallel_loop3A_304 : i32 to index
        %parallel_loop3A_306 = tpu.vector_load %arg16[%parallel_loop3A_305] {strides = array<i32>} : memref<80xf32, #tpu.memory_space<vmem>>, vector<16xf32>,
        %parallel_loop3A_307 = arith.constant 0.000000e+00 : f32
        %parallel_loop3A_308 = vector.broadcast %parallel_loop3A_307 : f32 to vector<16xf32>
        %parallel_loop3A_309 = arith.subf %parallel_loop3A_308, %parallel_loop3A_306 : vector<16xf32>
        %parallel_loop3A_310 = math.exp %parallel_loop3A_309 : vector<16xf32>
        %parallel_loop3A_311 = arith.constant 1.000000e+00 : f32
        %parallel_loop3A_312 = vector.broadcast %parallel_loop3A_311 : f32 to vector<16xf32>
        %parallel_loop3A_313 = arith.addf %parallel_loop3A_312, %parallel_loop3A_310 : vector<16xf32>
        %parallel_loop3A_314 = arith.constant 1.000000e+00 : f32
        %parallel_loop3A_315 = vector.broadcast %parallel_loop3A_314 : f32 to vector<16xf32>
        %parallel_loop3A_316 = arith.divf %parallel_loop3A_315, %parallel_loop3A_313 : vector<16xf32>
        %parallel_loop3A_317 = arith.constant 16 : i32
        %parallel_loop3A_318 = arith.muli %parallel_loop3A_302, %parallel_loop3A_317 : i32
        %parallel_loop3A_319 = arith.index_cast %parallel_loop3A_318 : i32 to index
        %parallel_loop3A_320 = tpu.vector_load %arg16[%parallel_loop3A_319] {strides = array<i32>} : memref<80xf32, #tpu.memory_space<vmem>>, vector<16xf32>,
        tpu.vector_store %arg16[%parallel_loop3A_319], %parallel_loop3A_316 {strides = array<i32>} : memref<80xf32, #tpu.memory_space<vmem>>, vector<16xf32>,
      } {sc.loop_unroll_factor = 1 : i64, sc.parallel_access}
      %mul3A_137 = arith.constant 10000 : i32
      %mul3A_138 = arith.muli %add3A, %mul3A_137 : i32
      %mul3A_139 = arith.constant 80 : i32
      %mul3A_140 = arith.muli %add3A_100, %mul3A_139 : i32
      %add3A_141 = arith.addi %mul3A_138, %mul3A_140 : i32
      "tpu.region"() ({
        %run_scoped3A = tpu.sem_alloc : memref<!tpu.dma_semaphore, #tpu.memory_space<semaphore_mem>>
        %dma_start3A_302 = tpu.memref_slice %arg5[%add3A_141] : memref<320000xf32, #tpu.memory_space<hbm>> -> memref<80xf32, #tpu.memory_space<hbm>>
        %dma_start3A_303 = tpu.memref_slice %arg5[%add3A_141] : memref<320000xf32, #tpu.memory_space<hbm>> -> memref<80xf32, #tpu.memory_space<hbm>>
        tpu.enqueue_dma source(%arg16 : memref<80xf32, #tpu.memory_space<vmem>>) target(%dma_start3A_303 : memref<80xf32, #tpu.memory_space<hbm>>) target_semaphore(%run_scoped3A : memref<!tpu.dma_semaphore, #tpu.memory_space<semaphore_mem>>)
        %dma_wait3A_304 = tpu.memref_slice %arg5[%add3A_141] : memref<320000xf32, #tpu.memory_space<hbm>> -> memref<80xf32, #tpu.memory_space<hbm>>
        %dma_wait3A_305 = tpu.memref_slice %arg5[%add3A_141] : memref<320000xf32, #tpu.memory_space<hbm>> -> memref<80xf32, #tpu.memory_space<hbm>>
        tpu.wait_dma2 semaphore(%run_scoped3A : memref<!tpu.dma_semaphore, #tpu.memory_space<semaphore_mem>>) src(%arg16 : memref<80xf32, #tpu.memory_space<vmem>>) dst(%dma_wait3A_305 : memref<80xf32, #tpu.memory_space<hbm>>)
        tpu.yield
      }) : () -> ()
      %add3A_142 = arith.constant 4 : i32
      %add3A_143 = arith.addi %add3A_100, %add3A_142 : i32
      %lt3A = arith.constant 125 : i32
      %lt3A_144 = arith.cmpi slt, %add3A_143, %lt3A : i32
      %convert_element_type3A = arith.extui %lt3A_144 : i1 to i32
      %cond3A = arith.constant 0 : i32
      %cond3A_145 = arith.cmpi ne, %convert_element_type3A, %cond3A : i32
      scf.if %cond3A_145 {
        %dma_start3A_302 = arith.constant 0 : i32
        %dma_start3A_303 = tpu.memref_slice %arg6[%add3A_143, %dma_start3A_302] : memref<125x80xi32, #tpu.memory_space<vmem>> -> memref<1x80xi32, #tpu.memory_space<vmem>>
        %dma_start3A_304 = tpu.memref_squeeze %dma_start3A_303 : memref<1x80xi32, #tpu.memory_space<vmem>> -> memref<80xi32, #tpu.memory_space<vmem>>
        %dma_start3A_305 = arith.constant 0 : i32
        %dma_start3A_306 = arith.constant 0 : i32
        %dma_start3A_307 = tpu.memref_slice %arg2[%dma_start3A_305, %dma_start3A_306] : memref<10000x64xbf16, #tpu.memory_space<hbm>> -> memref<10000x64xbf16, #tpu.memory_space<hbm>>
        tpu.enqueue_indirect_dma source(%dma_start3A_307 : memref<10000x64xbf16, #tpu.memory_space<hbm>>) target(%arg8 : memref<80x64xbf16, #tpu.memory_space<vmem>>) offsets(%dma_start3A_304 : memref<80xi32, #tpu.memory_space<vmem>>) semaphore(%arg17 : memref<!tpu.dma_semaphore, #tpu.memory_space<semaphore_mem>>)
        %dma_start3A_308 = arith.constant 0 : i32
        %dma_start3A_309 = tpu.memref_slice %arg7[%add3A_143, %dma_start3A_308] : memref<125x80xi32, #tpu.memory_space<vmem>> -> memref<1x80xi32, #tpu.memory_space<vmem>>
        %dma_start3A_310 = tpu.memref_squeeze %dma_start3A_309 : memref<1x80xi32, #tpu.memory_space<vmem>> -> memref<80xi32, #tpu.memory_space<vmem>>
        %dma_start3A_311 = arith.constant 0 : i32
        %dma_start3A_312 = arith.constant 0 : i32
        %dma_start3A_313 = tpu.memref_slice %arg2[%dma_start3A_311, %dma_start3A_312] : memref<10000x64xbf16, #tpu.memory_space<hbm>> -> memref<10000x64xbf16, #tpu.memory_space<hbm>>
        tpu.enqueue_indirect_dma source(%dma_start3A_313 : memref<10000x64xbf16, #tpu.memory_space<hbm>>) target(%arg12 : memref<80x64xbf16, #tpu.memory_space<vmem>>) offsets(%dma_start3A_310 : memref<80xi32, #tpu.memory_space<vmem>>) semaphore(%arg21 : memref<!tpu.dma_semaphore, #tpu.memory_space<semaphore_mem>>)
      } else {
      }
      %mul3A_146 = arith.constant 4 : i32
      %mul3A_147 = arith.muli %scan3A_96, %mul3A_146 : i32
      %add3A_148 = arith.constant 1 : i32
      %add3A_149 = arith.addi %mul3A_147, %add3A_148 : i32
      %dma_wait3A_150 = arith.constant 0 : i32
      %dma_wait3A_151 = arith.constant 0 : i32
      %dma_wait3A_152 = tpu.memref_slice %arg6[%dma_wait3A_150, %dma_wait3A_151] : memref<125x80xi32, #tpu.memory_space<vmem>> -> memref<1x80xi32, #tpu.memory_space<vmem>>
      %dma_wait3A_153 = tpu.memref_squeeze %dma_wait3A_152 : memref<1x80xi32, #tpu.memory_space<vmem>> -> memref<80xi32, #tpu.memory_space<vmem>>
      %dma_wait3A_154 = arith.constant 0 : i32
      %dma_wait3A_155 = arith.constant 0 : i32
      %dma_wait3A_156 = tpu.memref_slice %arg2[%dma_wait3A_154, %dma_wait3A_155] : memref<10000x64xbf16, #tpu.memory_space<hbm>> -> memref<10000x64xbf16, #tpu.memory_space<hbm>>
      tpu.wait_indirect_dma semaphore(%arg18 : memref<!tpu.dma_semaphore, #tpu.memory_space<semaphore_mem>>) src(%dma_wait3A_156 : memref<10000x64xbf16, #tpu.memory_space<hbm>>) dst(%arg9 : memref<80x64xbf16, #tpu.memory_space<vmem>>)
      %dma_wait3A_157 = arith.constant 0 : i32
      %dma_wait3A_158 = arith.constant 0 : i32
      %dma_wait3A_159 = tpu.memref_slice %arg7[%dma_wait3A_157, %dma_wait3A_158] : memref<125x80xi32, #tpu.memory_space<vmem>> -> memref<1x80xi32, #tpu.memory_space<vmem>>
      %dma_wait3A_160 = tpu.memref_squeeze %dma_wait3A_159 : memref<1x80xi32, #tpu.memory_space<vmem>> -> memref<80xi32, #tpu.memory_space<vmem>>
      %dma_wait3A_161 = arith.constant 0 : i32
      %dma_wait3A_162 = arith.constant 0 : i32
      %dma_wait3A_163 = tpu.memref_slice %arg2[%dma_wait3A_161, %dma_wait3A_162] : memref<10000x64xbf16, #tpu.memory_space<hbm>> -> memref<10000x64xbf16, #tpu.memory_space<hbm>>
      tpu.wait_indirect_dma semaphore(%arg22 : memref<!tpu.dma_semaphore, #tpu.memory_space<semaphore_mem>>) src(%dma_wait3A_163 : memref<10000x64xbf16, #tpu.memory_space<hbm>>) dst(%arg13 : memref<80x64xbf16, #tpu.memory_space<vmem>>)
      %iota3A_164 = tpu.iota {dimensions = array<i32: 0>} : vector<16xi32>
      %eq3A_165 = arith.constant 0 : i32
      %eq3A_166 = vector.broadcast %eq3A_165 : i32 to vector<16xi32>
      %eq3A_167 = arith.cmpi eq, %iota3A_164, %eq3A_166 : vector<16xi32>
      %xor3A_168 = arith.constant 8 : i32
      %xor3A_169 = vector.broadcast %xor3A_168 : i32 to vector<16xi32>
      %xor3A_170 = arith.xori %iota3A_164, %xor3A_169 : vector<16xi32>
      %xor3A_171 = arith.constant 4 : i32
      %xor3A_172 = vector.broadcast %xor3A_171 : i32 to vector<16xi32>
      %xor3A_173 = arith.xori %iota3A_164, %xor3A_172 : vector<16xi32>
      %xor3A_174 = arith.constant 2 : i32
      %xor3A_175 = vector.broadcast %xor3A_174 : i32 to vector<16xi32>
      %xor3A_176 = arith.xori %iota3A_164, %xor3A_175 : vector<16xi32>
      %xor3A_177 = arith.constant 1 : i32
      %xor3A_178 = vector.broadcast %xor3A_177 : i32 to vector<16xi32>
      %xor3A_179 = arith.xori %iota3A_164, %xor3A_178 : vector<16xi32>
      %parallel_loop3A_180 = arith.constant 0 : i32
      %parallel_loop3A_181 = arith.constant 80 : i32
      %parallel_loop3A_182 = arith.constant 1 : i32
      scf.for %parallel_loop3A_302 = %parallel_loop3A_180 to %parallel_loop3A_181 step %parallel_loop3A_182  : i32 {
        %parallel_loop3A_303 = arith.constant 0.000000e+00 : f32
        %parallel_loop3A_304 = vector.broadcast %parallel_loop3A_303 : f32 to vector<16xf32>
        %parallel_loop3A_305 = arith.index_cast %parallel_loop3A_302 : i32 to index
        %parallel_loop3A_306 = arith.constant 0 : index
        %parallel_loop3A_307 = tpu.vector_load %arg9[%parallel_loop3A_305, %parallel_loop3A_306] {strides = array<i32>} : memref<80x64xbf16, #tpu.memory_space<vmem>>, vector<32xbf16>,
        %parallel_loop3A_308 = arith.index_cast %parallel_loop3A_302 : i32 to index
        %parallel_loop3A_309 = arith.constant 0 : index
        %parallel_loop3A_310 = tpu.vector_load %arg13[%parallel_loop3A_308, %parallel_loop3A_309] {strides = array<i32>} : memref<80x64xbf16, #tpu.memory_space<vmem>>, vector<32xbf16>,
        %parallel_loop3A_311 = arith.mulf %parallel_loop3A_307, %parallel_loop3A_310 : vector<32xbf16>
        %parallel_loop3A_312 = tpu.unpack_subelements %parallel_loop3A_311, 0 {pack_format = #tpu.pack_format<interleaved>} : vector<32xbf16> -> vector<16xf32>
        %parallel_loop3A_313 = tpu.unpack_subelements %parallel_loop3A_311, 1 {pack_format = #tpu.pack_format<interleaved>} : vector<32xbf16> -> vector<16xf32>
        %parallel_loop3A_314 = arith.addf %parallel_loop3A_304, %parallel_loop3A_312 : vector<16xf32>
        %parallel_loop3A_315 = arith.addf %parallel_loop3A_314, %parallel_loop3A_313 : vector<16xf32>
        %parallel_loop3A_316 = arith.index_cast %parallel_loop3A_302 : i32 to index
        %parallel_loop3A_317 = arith.constant 32 : index
        %parallel_loop3A_318 = tpu.vector_load %arg9[%parallel_loop3A_316, %parallel_loop3A_317] {strides = array<i32>} : memref<80x64xbf16, #tpu.memory_space<vmem>>, vector<32xbf16>,
        %parallel_loop3A_319 = arith.index_cast %parallel_loop3A_302 : i32 to index
        %parallel_loop3A_320 = arith.constant 32 : index
        %parallel_loop3A_321 = tpu.vector_load %arg13[%parallel_loop3A_319, %parallel_loop3A_320] {strides = array<i32>} : memref<80x64xbf16, #tpu.memory_space<vmem>>, vector<32xbf16>,
        %parallel_loop3A_322 = arith.mulf %parallel_loop3A_318, %parallel_loop3A_321 : vector<32xbf16>
        %parallel_loop3A_323 = tpu.unpack_subelements %parallel_loop3A_322, 0 {pack_format = #tpu.pack_format<interleaved>} : vector<32xbf16> -> vector<16xf32>
        %parallel_loop3A_324 = tpu.unpack_subelements %parallel_loop3A_322, 1 {pack_format = #tpu.pack_format<interleaved>} : vector<32xbf16> -> vector<16xf32>
        %parallel_loop3A_325 = arith.addf %parallel_loop3A_315, %parallel_loop3A_323 : vector<16xf32>
        %parallel_loop3A_326 = arith.addf %parallel_loop3A_325, %parallel_loop3A_324 : vector<16xf32>
        %parallel_loop3A_327 = vector.shape_cast %xor3A_170 : vector<16xi32> to vector<16x1xi32>
        %parallel_loop3A_328 = vector.shape_cast %parallel_loop3A_327 : vector<16x1xi32> to vector<16xi32>
        %parallel_loop3A_329 = tpu.dynamic_gather %parallel_loop3A_326[%parallel_loop3A_328] in [0] : vector<16xf32>, vector<16xi32> -> vector<16xf32>
        %parallel_loop3A_330 = arith.addf %parallel_loop3A_326, %parallel_loop3A_329 : vector<16xf32>
        %parallel_loop3A_331 = vector.shape_cast %xor3A_173 : vector<16xi32> to vector<16x1xi32>
        %parallel_loop3A_332 = vector.shape_cast %parallel_loop3A_331 : vector<16x1xi32> to vector<16xi32>
        %parallel_loop3A_333 = tpu.dynamic_gather %parallel_loop3A_330[%parallel_loop3A_332] in [0] : vector<16xf32>, vector<16xi32> -> vector<16xf32>
        %parallel_loop3A_334 = arith.addf %parallel_loop3A_330, %parallel_loop3A_333 : vector<16xf32>
        %parallel_loop3A_335 = vector.shape_cast %xor3A_176 : vector<16xi32> to vector<16x1xi32>
        %parallel_loop3A_336 = vector.shape_cast %parallel_loop3A_335 : vector<16x1xi32> to vector<16xi32>
        %parallel_loop3A_337 = tpu.dynamic_gather %parallel_loop3A_334[%parallel_loop3A_336] in [0] : vector<16xf32>, vector<16xi32> -> vector<16xf32>
        %parallel_loop3A_338 = arith.addf %parallel_loop3A_334, %parallel_loop3A_337 : vector<16xf32>
        %parallel_loop3A_339 = vector.shape_cast %xor3A_179 : vector<16xi32> to vector<16x1xi32>
        %parallel_loop3A_340 = vector.shape_cast %parallel_loop3A_339 : vector<16x1xi32> to vector<16xi32>
        %parallel_loop3A_341 = tpu.dynamic_gather %parallel_loop3A_338[%parallel_loop3A_340] in [0] : vector<16xf32>, vector<16xi32> -> vector<16xf32>
        %parallel_loop3A_342 = arith.addf %parallel_loop3A_338, %parallel_loop3A_341 : vector<16xf32>
        %parallel_loop3A_343 = vector.broadcast %parallel_loop3A_302 : i32 to vector<16xi32>
        tpu.vector_store_idx %arg16[%parallel_loop3A_343], %parallel_loop3A_342 masked %eq3A_167 : memref<80xf32, #tpu.memory_space<vmem>>[vector<16xi32>], vector<16xf32>, vector<16xi1>
      } {sc.loop_unroll_factor = 1 : i64, sc.parallel_access}
      %parallel_loop3A_183 = arith.constant 0 : i32
      %parallel_loop3A_184 = arith.constant 5 : i32
      %parallel_loop3A_185 = arith.constant 1 : i32
      scf.for %parallel_loop3A_302 = %parallel_loop3A_183 to %parallel_loop3A_184 step %parallel_loop3A_185  : i32 {
        %parallel_loop3A_303 = arith.constant 16 : i32
        %parallel_loop3A_304 = arith.muli %parallel_loop3A_302, %parallel_loop3A_303 : i32
        %parallel_loop3A_305 = arith.index_cast %parallel_loop3A_304 : i32 to index
        %parallel_loop3A_306 = tpu.vector_load %arg16[%parallel_loop3A_305] {strides = array<i32>} : memref<80xf32, #tpu.memory_space<vmem>>, vector<16xf32>,
        %parallel_loop3A_307 = arith.constant 0.000000e+00 : f32
        %parallel_loop3A_308 = vector.broadcast %parallel_loop3A_307 : f32 to vector<16xf32>
        %parallel_loop3A_309 = arith.subf %parallel_loop3A_308, %parallel_loop3A_306 : vector<16xf32>
        %parallel_loop3A_310 = math.exp %parallel_loop3A_309 : vector<16xf32>
        %parallel_loop3A_311 = arith.constant 1.000000e+00 : f32
        %parallel_loop3A_312 = vector.broadcast %parallel_loop3A_311 : f32 to vector<16xf32>
        %parallel_loop3A_313 = arith.addf %parallel_loop3A_312, %parallel_loop3A_310 : vector<16xf32>
        %parallel_loop3A_314 = arith.constant 1.000000e+00 : f32
        %parallel_loop3A_315 = vector.broadcast %parallel_loop3A_314 : f32 to vector<16xf32>
        %parallel_loop3A_316 = arith.divf %parallel_loop3A_315, %parallel_loop3A_313 : vector<16xf32>
        %parallel_loop3A_317 = arith.constant 16 : i32
        %parallel_loop3A_318 = arith.muli %parallel_loop3A_302, %parallel_loop3A_317 : i32
        %parallel_loop3A_319 = arith.index_cast %parallel_loop3A_318 : i32 to index
        %parallel_loop3A_320 = tpu.vector_load %arg16[%parallel_loop3A_319] {strides = array<i32>} : memref<80xf32, #tpu.memory_space<vmem>>, vector<16xf32>,
        tpu.vector_store %arg16[%parallel_loop3A_319], %parallel_loop3A_316 {strides = array<i32>} : memref<80xf32, #tpu.memory_space<vmem>>, vector<16xf32>,
      } {sc.loop_unroll_factor = 1 : i64, sc.parallel_access}
      %mul3A_186 = arith.constant 10000 : i32
      %mul3A_187 = arith.muli %add3A, %mul3A_186 : i32
      %mul3A_188 = arith.constant 80 : i32
      %mul3A_189 = arith.muli %add3A_149, %mul3A_188 : i32
      %add3A_190 = arith.addi %mul3A_187, %mul3A_189 : i32
      "tpu.region"() ({
        %run_scoped3A = tpu.sem_alloc : memref<!tpu.dma_semaphore, #tpu.memory_space<semaphore_mem>>
        %dma_start3A_302 = tpu.memref_slice %arg5[%add3A_190] : memref<320000xf32, #tpu.memory_space<hbm>> -> memref<80xf32, #tpu.memory_space<hbm>>
        %dma_start3A_303 = tpu.memref_slice %arg5[%add3A_190] : memref<320000xf32, #tpu.memory_space<hbm>> -> memref<80xf32, #tpu.memory_space<hbm>>
        tpu.enqueue_dma source(%arg16 : memref<80xf32, #tpu.memory_space<vmem>>) target(%dma_start3A_303 : memref<80xf32, #tpu.memory_space<hbm>>) target_semaphore(%run_scoped3A : memref<!tpu.dma_semaphore, #tpu.memory_space<semaphore_mem>>)
        %dma_wait3A_304 = tpu.memref_slice %arg5[%add3A_190] : memref<320000xf32, #tpu.memory_space<hbm>> -> memref<80xf32, #tpu.memory_space<hbm>>
        %dma_wait3A_305 = tpu.memref_slice %arg5[%add3A_190] : memref<320000xf32, #tpu.memory_space<hbm>> -> memref<80xf32, #tpu.memory_space<hbm>>
        tpu.wait_dma2 semaphore(%run_scoped3A : memref<!tpu.dma_semaphore, #tpu.memory_space<semaphore_mem>>) src(%arg16 : memref<80xf32, #tpu.memory_space<vmem>>) dst(%dma_wait3A_305 : memref<80xf32, #tpu.memory_space<hbm>>)
        tpu.yield
      }) : () -> ()
      %add3A_191 = arith.constant 4 : i32
      %add3A_192 = arith.addi %add3A_149, %add3A_191 : i32
      %lt3A_193 = arith.constant 125 : i32
      %lt3A_194 = arith.cmpi slt, %add3A_192, %lt3A_193 : i32
      %convert_element_type3A_195 = arith.extui %lt3A_194 : i1 to i32
      %cond3A_196 = arith.constant 0 : i32
      %cond3A_197 = arith.cmpi ne, %convert_element_type3A_195, %cond3A_196 : i32
      scf.if %cond3A_197 {
        %dma_start3A_302 = arith.constant 0 : i32
        %dma_start3A_303 = tpu.memref_slice %arg6[%add3A_192, %dma_start3A_302] : memref<125x80xi32, #tpu.memory_space<vmem>> -> memref<1x80xi32, #tpu.memory_space<vmem>>
        %dma_start3A_304 = tpu.memref_squeeze %dma_start3A_303 : memref<1x80xi32, #tpu.memory_space<vmem>> -> memref<80xi32, #tpu.memory_space<vmem>>
        %dma_start3A_305 = arith.constant 0 : i32
        %dma_start3A_306 = arith.constant 0 : i32
        %dma_start3A_307 = tpu.memref_slice %arg2[%dma_start3A_305, %dma_start3A_306] : memref<10000x64xbf16, #tpu.memory_space<hbm>> -> memref<10000x64xbf16, #tpu.memory_space<hbm>>
        tpu.enqueue_indirect_dma source(%dma_start3A_307 : memref<10000x64xbf16, #tpu.memory_space<hbm>>) target(%arg9 : memref<80x64xbf16, #tpu.memory_space<vmem>>) offsets(%dma_start3A_304 : memref<80xi32, #tpu.memory_space<vmem>>) semaphore(%arg18 : memref<!tpu.dma_semaphore, #tpu.memory_space<semaphore_mem>>)
        %dma_start3A_308 = arith.constant 0 : i32
        %dma_start3A_309 = tpu.memref_slice %arg7[%add3A_192, %dma_start3A_308] : memref<125x80xi32, #tpu.memory_space<vmem>> -> memref<1x80xi32, #tpu.memory_space<vmem>>
        %dma_start3A_310 = tpu.memref_squeeze %dma_start3A_309 : memref<1x80xi32, #tpu.memory_space<vmem>> -> memref<80xi32, #tpu.memory_space<vmem>>
        %dma_start3A_311 = arith.constant 0 : i32
        %dma_start3A_312 = arith.constant 0 : i32
        %dma_start3A_313 = tpu.memref_slice %arg2[%dma_start3A_311, %dma_start3A_312] : memref<10000x64xbf16, #tpu.memory_space<hbm>> -> memref<10000x64xbf16, #tpu.memory_space<hbm>>
        tpu.enqueue_indirect_dma source(%dma_start3A_313 : memref<10000x64xbf16, #tpu.memory_space<hbm>>) target(%arg13 : memref<80x64xbf16, #tpu.memory_space<vmem>>) offsets(%dma_start3A_310 : memref<80xi32, #tpu.memory_space<vmem>>) semaphore(%arg22 : memref<!tpu.dma_semaphore, #tpu.memory_space<semaphore_mem>>)
      } else {
      }
      %mul3A_198 = arith.constant 4 : i32
      %mul3A_199 = arith.muli %scan3A_96, %mul3A_198 : i32
      %add3A_200 = arith.constant 2 : i32
      %add3A_201 = arith.addi %mul3A_199, %add3A_200 : i32
      %dma_wait3A_202 = arith.constant 0 : i32
      %dma_wait3A_203 = arith.constant 0 : i32
      %dma_wait3A_204 = tpu.memref_slice %arg6[%dma_wait3A_202, %dma_wait3A_203] : memref<125x80xi32, #tpu.memory_space<vmem>> -> memref<1x80xi32, #tpu.memory_space<vmem>>
      %dma_wait3A_205 = tpu.memref_squeeze %dma_wait3A_204 : memref<1x80xi32, #tpu.memory_space<vmem>> -> memref<80xi32, #tpu.memory_space<vmem>>
      %dma_wait3A_206 = arith.constant 0 : i32
      %dma_wait3A_207 = arith.constant 0 : i32
      %dma_wait3A_208 = tpu.memref_slice %arg2[%dma_wait3A_206, %dma_wait3A_207] : memref<10000x64xbf16, #tpu.memory_space<hbm>> -> memref<10000x64xbf16, #tpu.memory_space<hbm>>
      tpu.wait_indirect_dma semaphore(%arg19 : memref<!tpu.dma_semaphore, #tpu.memory_space<semaphore_mem>>) src(%dma_wait3A_208 : memref<10000x64xbf16, #tpu.memory_space<hbm>>) dst(%arg10 : memref<80x64xbf16, #tpu.memory_space<vmem>>)
      %dma_wait3A_209 = arith.constant 0 : i32
      %dma_wait3A_210 = arith.constant 0 : i32
      %dma_wait3A_211 = tpu.memref_slice %arg7[%dma_wait3A_209, %dma_wait3A_210] : memref<125x80xi32, #tpu.memory_space<vmem>> -> memref<1x80xi32, #tpu.memory_space<vmem>>
      %dma_wait3A_212 = tpu.memref_squeeze %dma_wait3A_211 : memref<1x80xi32, #tpu.memory_space<vmem>> -> memref<80xi32, #tpu.memory_space<vmem>>
      %dma_wait3A_213 = arith.constant 0 : i32
      %dma_wait3A_214 = arith.constant 0 : i32
      %dma_wait3A_215 = tpu.memref_slice %arg2[%dma_wait3A_213, %dma_wait3A_214] : memref<10000x64xbf16, #tpu.memory_space<hbm>> -> memref<10000x64xbf16, #tpu.memory_space<hbm>>
      tpu.wait_indirect_dma semaphore(%arg23 : memref<!tpu.dma_semaphore, #tpu.memory_space<semaphore_mem>>) src(%dma_wait3A_215 : memref<10000x64xbf16, #tpu.memory_space<hbm>>) dst(%arg14 : memref<80x64xbf16, #tpu.memory_space<vmem>>)
      %iota3A_216 = tpu.iota {dimensions = array<i32: 0>} : vector<16xi32>
      %eq3A_217 = arith.constant 0 : i32
      %eq3A_218 = vector.broadcast %eq3A_217 : i32 to vector<16xi32>
      %eq3A_219 = arith.cmpi eq, %iota3A_216, %eq3A_218 : vector<16xi32>
      %xor3A_220 = arith.constant 8 : i32
      %xor3A_221 = vector.broadcast %xor3A_220 : i32 to vector<16xi32>
      %xor3A_222 = arith.xori %iota3A_216, %xor3A_221 : vector<16xi32>
      %xor3A_223 = arith.constant 4 : i32
      %xor3A_224 = vector.broadcast %xor3A_223 : i32 to vector<16xi32>
      %xor3A_225 = arith.xori %iota3A_216, %xor3A_224 : vector<16xi32>
      %xor3A_226 = arith.constant 2 : i32
      %xor3A_227 = vector.broadcast %xor3A_226 : i32 to vector<16xi32>
      %xor3A_228 = arith.xori %iota3A_216, %xor3A_227 : vector<16xi32>
      %xor3A_229 = arith.constant 1 : i32
      %xor3A_230 = vector.broadcast %xor3A_229 : i32 to vector<16xi32>
      %xor3A_231 = arith.xori %iota3A_216, %xor3A_230 : vector<16xi32>
      %parallel_loop3A_232 = arith.constant 0 : i32
      %parallel_loop3A_233 = arith.constant 80 : i32
      %parallel_loop3A_234 = arith.constant 1 : i32
      scf.for %parallel_loop3A_302 = %parallel_loop3A_232 to %parallel_loop3A_233 step %parallel_loop3A_234  : i32 {
        %parallel_loop3A_303 = arith.constant 0.000000e+00 : f32
        %parallel_loop3A_304 = vector.broadcast %parallel_loop3A_303 : f32 to vector<16xf32>
        %parallel_loop3A_305 = arith.index_cast %parallel_loop3A_302 : i32 to index
        %parallel_loop3A_306 = arith.constant 0 : index
        %parallel_loop3A_307 = tpu.vector_load %arg10[%parallel_loop3A_305, %parallel_loop3A_306] {strides = array<i32>} : memref<80x64xbf16, #tpu.memory_space<vmem>>, vector<32xbf16>,
        %parallel_loop3A_308 = arith.index_cast %parallel_loop3A_302 : i32 to index
        %parallel_loop3A_309 = arith.constant 0 : index
        %parallel_loop3A_310 = tpu.vector_load %arg14[%parallel_loop3A_308, %parallel_loop3A_309] {strides = array<i32>} : memref<80x64xbf16, #tpu.memory_space<vmem>>, vector<32xbf16>,
        %parallel_loop3A_311 = arith.mulf %parallel_loop3A_307, %parallel_loop3A_310 : vector<32xbf16>
        %parallel_loop3A_312 = tpu.unpack_subelements %parallel_loop3A_311, 0 {pack_format = #tpu.pack_format<interleaved>} : vector<32xbf16> -> vector<16xf32>
        %parallel_loop3A_313 = tpu.unpack_subelements %parallel_loop3A_311, 1 {pack_format = #tpu.pack_format<interleaved>} : vector<32xbf16> -> vector<16xf32>
        %parallel_loop3A_314 = arith.addf %parallel_loop3A_304, %parallel_loop3A_312 : vector<16xf32>
        %parallel_loop3A_315 = arith.addf %parallel_loop3A_314, %parallel_loop3A_313 : vector<16xf32>
        %parallel_loop3A_316 = arith.index_cast %parallel_loop3A_302 : i32 to index
        %parallel_loop3A_317 = arith.constant 32 : index
        %parallel_loop3A_318 = tpu.vector_load %arg10[%parallel_loop3A_316, %parallel_loop3A_317] {strides = array<i32>} : memref<80x64xbf16, #tpu.memory_space<vmem>>, vector<32xbf16>,
        %parallel_loop3A_319 = arith.index_cast %parallel_loop3A_302 : i32 to index
        %parallel_loop3A_320 = arith.constant 32 : index
        %parallel_loop3A_321 = tpu.vector_load %arg14[%parallel_loop3A_319, %parallel_loop3A_320] {strides = array<i32>} : memref<80x64xbf16, #tpu.memory_space<vmem>>, vector<32xbf16>,
        %parallel_loop3A_322 = arith.mulf %parallel_loop3A_318, %parallel_loop3A_321 : vector<32xbf16>
        %parallel_loop3A_323 = tpu.unpack_subelements %parallel_loop3A_322, 0 {pack_format = #tpu.pack_format<interleaved>} : vector<32xbf16> -> vector<16xf32>
        %parallel_loop3A_324 = tpu.unpack_subelements %parallel_loop3A_322, 1 {pack_format = #tpu.pack_format<interleaved>} : vector<32xbf16> -> vector<16xf32>
        %parallel_loop3A_325 = arith.addf %parallel_loop3A_315, %parallel_loop3A_323 : vector<16xf32>
        %parallel_loop3A_326 = arith.addf %parallel_loop3A_325, %parallel_loop3A_324 : vector<16xf32>
        %parallel_loop3A_327 = vector.shape_cast %xor3A_222 : vector<16xi32> to vector<16x1xi32>
        %parallel_loop3A_328 = vector.shape_cast %parallel_loop3A_327 : vector<16x1xi32> to vector<16xi32>
        %parallel_loop3A_329 = tpu.dynamic_gather %parallel_loop3A_326[%parallel_loop3A_328] in [0] : vector<16xf32>, vector<16xi32> -> vector<16xf32>
        %parallel_loop3A_330 = arith.addf %parallel_loop3A_326, %parallel_loop3A_329 : vector<16xf32>
        %parallel_loop3A_331 = vector.shape_cast %xor3A_225 : vector<16xi32> to vector<16x1xi32>
        %parallel_loop3A_332 = vector.shape_cast %parallel_loop3A_331 : vector<16x1xi32> to vector<16xi32>
        %parallel_loop3A_333 = tpu.dynamic_gather %parallel_loop3A_330[%parallel_loop3A_332] in [0] : vector<16xf32>, vector<16xi32> -> vector<16xf32>
        %parallel_loop3A_334 = arith.addf %parallel_loop3A_330, %parallel_loop3A_333 : vector<16xf32>
        %parallel_loop3A_335 = vector.shape_cast %xor3A_228 : vector<16xi32> to vector<16x1xi32>
        %parallel_loop3A_336 = vector.shape_cast %parallel_loop3A_335 : vector<16x1xi32> to vector<16xi32>
        %parallel_loop3A_337 = tpu.dynamic_gather %parallel_loop3A_334[%parallel_loop3A_336] in [0] : vector<16xf32>, vector<16xi32> -> vector<16xf32>
        %parallel_loop3A_338 = arith.addf %parallel_loop3A_334, %parallel_loop3A_337 : vector<16xf32>
        %parallel_loop3A_339 = vector.shape_cast %xor3A_231 : vector<16xi32> to vector<16x1xi32>
        %parallel_loop3A_340 = vector.shape_cast %parallel_loop3A_339 : vector<16x1xi32> to vector<16xi32>
        %parallel_loop3A_341 = tpu.dynamic_gather %parallel_loop3A_338[%parallel_loop3A_340] in [0] : vector<16xf32>, vector<16xi32> -> vector<16xf32>
        %parallel_loop3A_342 = arith.addf %parallel_loop3A_338, %parallel_loop3A_341 : vector<16xf32>
        %parallel_loop3A_343 = vector.broadcast %parallel_loop3A_302 : i32 to vector<16xi32>
        tpu.vector_store_idx %arg16[%parallel_loop3A_343], %parallel_loop3A_342 masked %eq3A_219 : memref<80xf32, #tpu.memory_space<vmem>>[vector<16xi32>], vector<16xf32>, vector<16xi1>
      } {sc.loop_unroll_factor = 1 : i64, sc.parallel_access}
      %parallel_loop3A_235 = arith.constant 0 : i32
      %parallel_loop3A_236 = arith.constant 5 : i32
      %parallel_loop3A_237 = arith.constant 1 : i32
      scf.for %parallel_loop3A_302 = %parallel_loop3A_235 to %parallel_loop3A_236 step %parallel_loop3A_237  : i32 {
        %parallel_loop3A_303 = arith.constant 16 : i32
        %parallel_loop3A_304 = arith.muli %parallel_loop3A_302, %parallel_loop3A_303 : i32
        %parallel_loop3A_305 = arith.index_cast %parallel_loop3A_304 : i32 to index
        %parallel_loop3A_306 = tpu.vector_load %arg16[%parallel_loop3A_305] {strides = array<i32>} : memref<80xf32, #tpu.memory_space<vmem>>, vector<16xf32>,
        %parallel_loop3A_307 = arith.constant 0.000000e+00 : f32
        %parallel_loop3A_308 = vector.broadcast %parallel_loop3A_307 : f32 to vector<16xf32>
        %parallel_loop3A_309 = arith.subf %parallel_loop3A_308, %parallel_loop3A_306 : vector<16xf32>
        %parallel_loop3A_310 = math.exp %parallel_loop3A_309 : vector<16xf32>
        %parallel_loop3A_311 = arith.constant 1.000000e+00 : f32
        %parallel_loop3A_312 = vector.broadcast %parallel_loop3A_311 : f32 to vector<16xf32>
        %parallel_loop3A_313 = arith.addf %parallel_loop3A_312, %parallel_loop3A_310 : vector<16xf32>
        %parallel_loop3A_314 = arith.constant 1.000000e+00 : f32
        %parallel_loop3A_315 = vector.broadcast %parallel_loop3A_314 : f32 to vector<16xf32>
        %parallel_loop3A_316 = arith.divf %parallel_loop3A_315, %parallel_loop3A_313 : vector<16xf32>
        %parallel_loop3A_317 = arith.constant 16 : i32
        %parallel_loop3A_318 = arith.muli %parallel_loop3A_302, %parallel_loop3A_317 : i32
        %parallel_loop3A_319 = arith.index_cast %parallel_loop3A_318 : i32 to index
        %parallel_loop3A_320 = tpu.vector_load %arg16[%parallel_loop3A_319] {strides = array<i32>} : memref<80xf32, #tpu.memory_space<vmem>>, vector<16xf32>,
        tpu.vector_store %arg16[%parallel_loop3A_319], %parallel_loop3A_316 {strides = array<i32>} : memref<80xf32, #tpu.memory_space<vmem>>, vector<16xf32>,
      } {sc.loop_unroll_factor = 1 : i64, sc.parallel_access}
      %mul3A_238 = arith.constant 10000 : i32
      %mul3A_239 = arith.muli %add3A, %mul3A_238 : i32
      %mul3A_240 = arith.constant 80 : i32
      %mul3A_241 = arith.muli %add3A_201, %mul3A_240 : i32
      %add3A_242 = arith.addi %mul3A_239, %mul3A_241 : i32
      "tpu.region"() ({
        %run_scoped3A = tpu.sem_alloc : memref<!tpu.dma_semaphore, #tpu.memory_space<semaphore_mem>>
        %dma_start3A_302 = tpu.memref_slice %arg5[%add3A_242] : memref<320000xf32, #tpu.memory_space<hbm>> -> memref<80xf32, #tpu.memory_space<hbm>>
        %dma_start3A_303 = tpu.memref_slice %arg5[%add3A_242] : memref<320000xf32, #tpu.memory_space<hbm>> -> memref<80xf32, #tpu.memory_space<hbm>>
        tpu.enqueue_dma source(%arg16 : memref<80xf32, #tpu.memory_space<vmem>>) target(%dma_start3A_303 : memref<80xf32, #tpu.memory_space<hbm>>) target_semaphore(%run_scoped3A : memref<!tpu.dma_semaphore, #tpu.memory_space<semaphore_mem>>)
        %dma_wait3A_304 = tpu.memref_slice %arg5[%add3A_242] : memref<320000xf32, #tpu.memory_space<hbm>> -> memref<80xf32, #tpu.memory_space<hbm>>
        %dma_wait3A_305 = tpu.memref_slice %arg5[%add3A_242] : memref<320000xf32, #tpu.memory_space<hbm>> -> memref<80xf32, #tpu.memory_space<hbm>>
        tpu.wait_dma2 semaphore(%run_scoped3A : memref<!tpu.dma_semaphore, #tpu.memory_space<semaphore_mem>>) src(%arg16 : memref<80xf32, #tpu.memory_space<vmem>>) dst(%dma_wait3A_305 : memref<80xf32, #tpu.memory_space<hbm>>)
        tpu.yield
      }) : () -> ()
      %add3A_243 = arith.constant 4 : i32
      %add3A_244 = arith.addi %add3A_201, %add3A_243 : i32
      %lt3A_245 = arith.constant 125 : i32
      %lt3A_246 = arith.cmpi slt, %add3A_244, %lt3A_245 : i32
      %convert_element_type3A_247 = arith.extui %lt3A_246 : i1 to i32
      %cond3A_248 = arith.constant 0 : i32
      %cond3A_249 = arith.cmpi ne, %convert_element_type3A_247, %cond3A_248 : i32
      scf.if %cond3A_249 {
        %dma_start3A_302 = arith.constant 0 : i32
        %dma_start3A_303 = tpu.memref_slice %arg6[%add3A_244, %dma_start3A_302] : memref<125x80xi32, #tpu.memory_space<vmem>> -> memref<1x80xi32, #tpu.memory_space<vmem>>
        %dma_start3A_304 = tpu.memref_squeeze %dma_start3A_303 : memref<1x80xi32, #tpu.memory_space<vmem>> -> memref<80xi32, #tpu.memory_space<vmem>>
        %dma_start3A_305 = arith.constant 0 : i32
        %dma_start3A_306 = arith.constant 0 : i32
        %dma_start3A_307 = tpu.memref_slice %arg2[%dma_start3A_305, %dma_start3A_306] : memref<10000x64xbf16, #tpu.memory_space<hbm>> -> memref<10000x64xbf16, #tpu.memory_space<hbm>>
        tpu.enqueue_indirect_dma source(%dma_start3A_307 : memref<10000x64xbf16, #tpu.memory_space<hbm>>) target(%arg10 : memref<80x64xbf16, #tpu.memory_space<vmem>>) offsets(%dma_start3A_304 : memref<80xi32, #tpu.memory_space<vmem>>) semaphore(%arg19 : memref<!tpu.dma_semaphore, #tpu.memory_space<semaphore_mem>>)
        %dma_start3A_308 = arith.constant 0 : i32
        %dma_start3A_309 = tpu.memref_slice %arg7[%add3A_244, %dma_start3A_308] : memref<125x80xi32, #tpu.memory_space<vmem>> -> memref<1x80xi32, #tpu.memory_space<vmem>>
        %dma_start3A_310 = tpu.memref_squeeze %dma_start3A_309 : memref<1x80xi32, #tpu.memory_space<vmem>> -> memref<80xi32, #tpu.memory_space<vmem>>
        %dma_start3A_311 = arith.constant 0 : i32
        %dma_start3A_312 = arith.constant 0 : i32
        %dma_start3A_313 = tpu.memref_slice %arg2[%dma_start3A_311, %dma_start3A_312] : memref<10000x64xbf16, #tpu.memory_space<hbm>> -> memref<10000x64xbf16, #tpu.memory_space<hbm>>
        tpu.enqueue_indirect_dma source(%dma_start3A_313 : memref<10000x64xbf16, #tpu.memory_space<hbm>>) target(%arg14 : memref<80x64xbf16, #tpu.memory_space<vmem>>) offsets(%dma_start3A_310 : memref<80xi32, #tpu.memory_space<vmem>>) semaphore(%arg23 : memref<!tpu.dma_semaphore, #tpu.memory_space<semaphore_mem>>)
      } else {
      }
      %mul3A_250 = arith.constant 4 : i32
      %mul3A_251 = arith.muli %scan3A_96, %mul3A_250 : i32
      %add3A_252 = arith.constant 3 : i32
      %add3A_253 = arith.addi %mul3A_251, %add3A_252 : i32
      %dma_wait3A_254 = arith.constant 0 : i32
      %dma_wait3A_255 = arith.constant 0 : i32
      %dma_wait3A_256 = tpu.memref_slice %arg6[%dma_wait3A_254, %dma_wait3A_255] : memref<125x80xi32, #tpu.memory_space<vmem>> -> memref<1x80xi32, #tpu.memory_space<vmem>>
      %dma_wait3A_257 = tpu.memref_squeeze %dma_wait3A_256 : memref<1x80xi32, #tpu.memory_space<vmem>> -> memref<80xi32, #tpu.memory_space<vmem>>
      %dma_wait3A_258 = arith.constant 0 : i32
      %dma_wait3A_259 = arith.constant 0 : i32
      %dma_wait3A_260 = tpu.memref_slice %arg2[%dma_wait3A_258, %dma_wait3A_259] : memref<10000x64xbf16, #tpu.memory_space<hbm>> -> memref<10000x64xbf16, #tpu.memory_space<hbm>>
      tpu.wait_indirect_dma semaphore(%arg20 : memref<!tpu.dma_semaphore, #tpu.memory_space<semaphore_mem>>) src(%dma_wait3A_260 : memref<10000x64xbf16, #tpu.memory_space<hbm>>) dst(%arg11 : memref<80x64xbf16, #tpu.memory_space<vmem>>)
      %dma_wait3A_261 = arith.constant 0 : i32
      %dma_wait3A_262 = arith.constant 0 : i32
      %dma_wait3A_263 = tpu.memref_slice %arg7[%dma_wait3A_261, %dma_wait3A_262] : memref<125x80xi32, #tpu.memory_space<vmem>> -> memref<1x80xi32, #tpu.memory_space<vmem>>
      %dma_wait3A_264 = tpu.memref_squeeze %dma_wait3A_263 : memref<1x80xi32, #tpu.memory_space<vmem>> -> memref<80xi32, #tpu.memory_space<vmem>>
      %dma_wait3A_265 = arith.constant 0 : i32
      %dma_wait3A_266 = arith.constant 0 : i32
      %dma_wait3A_267 = tpu.memref_slice %arg2[%dma_wait3A_265, %dma_wait3A_266] : memref<10000x64xbf16, #tpu.memory_space<hbm>> -> memref<10000x64xbf16, #tpu.memory_space<hbm>>
      tpu.wait_indirect_dma semaphore(%arg24 : memref<!tpu.dma_semaphore, #tpu.memory_space<semaphore_mem>>) src(%dma_wait3A_267 : memref<10000x64xbf16, #tpu.memory_space<hbm>>) dst(%arg15 : memref<80x64xbf16, #tpu.memory_space<vmem>>)
      %iota3A_268 = tpu.iota {dimensions = array<i32: 0>} : vector<16xi32>
      %eq3A_269 = arith.constant 0 : i32
      %eq3A_270 = vector.broadcast %eq3A_269 : i32 to vector<16xi32>
      %eq3A_271 = arith.cmpi eq, %iota3A_268, %eq3A_270 : vector<16xi32>
      %xor3A_272 = arith.constant 8 : i32
      %xor3A_273 = vector.broadcast %xor3A_272 : i32 to vector<16xi32>
      %xor3A_274 = arith.xori %iota3A_268, %xor3A_273 : vector<16xi32>
      %xor3A_275 = arith.constant 4 : i32
      %xor3A_276 = vector.broadcast %xor3A_275 : i32 to vector<16xi32>
      %xor3A_277 = arith.xori %iota3A_268, %xor3A_276 : vector<16xi32>
      %xor3A_278 = arith.constant 2 : i32
      %xor3A_279 = vector.broadcast %xor3A_278 : i32 to vector<16xi32>
      %xor3A_280 = arith.xori %iota3A_268, %xor3A_279 : vector<16xi32>
      %xor3A_281 = arith.constant 1 : i32
      %xor3A_282 = vector.broadcast %xor3A_281 : i32 to vector<16xi32>
      %xor3A_283 = arith.xori %iota3A_268, %xor3A_282 : vector<16xi32>
      %parallel_loop3A_284 = arith.constant 0 : i32
      %parallel_loop3A_285 = arith.constant 80 : i32
      %parallel_loop3A_286 = arith.constant 1 : i32
      scf.for %parallel_loop3A_302 = %parallel_loop3A_284 to %parallel_loop3A_285 step %parallel_loop3A_286  : i32 {
        %parallel_loop3A_303 = arith.constant 0.000000e+00 : f32
        %parallel_loop3A_304 = vector.broadcast %parallel_loop3A_303 : f32 to vector<16xf32>
        %parallel_loop3A_305 = arith.index_cast %parallel_loop3A_302 : i32 to index
        %parallel_loop3A_306 = arith.constant 0 : index
        %parallel_loop3A_307 = tpu.vector_load %arg11[%parallel_loop3A_305, %parallel_loop3A_306] {strides = array<i32>} : memref<80x64xbf16, #tpu.memory_space<vmem>>, vector<32xbf16>,
        %parallel_loop3A_308 = arith.index_cast %parallel_loop3A_302 : i32 to index
        %parallel_loop3A_309 = arith.constant 0 : index
        %parallel_loop3A_310 = tpu.vector_load %arg15[%parallel_loop3A_308, %parallel_loop3A_309] {strides = array<i32>} : memref<80x64xbf16, #tpu.memory_space<vmem>>, vector<32xbf16>,
        %parallel_loop3A_311 = arith.mulf %parallel_loop3A_307, %parallel_loop3A_310 : vector<32xbf16>
        %parallel_loop3A_312 = tpu.unpack_subelements %parallel_loop3A_311, 0 {pack_format = #tpu.pack_format<interleaved>} : vector<32xbf16> -> vector<16xf32>
        %parallel_loop3A_313 = tpu.unpack_subelements %parallel_loop3A_311, 1 {pack_format = #tpu.pack_format<interleaved>} : vector<32xbf16> -> vector<16xf32>
        %parallel_loop3A_314 = arith.addf %parallel_loop3A_304, %parallel_loop3A_312 : vector<16xf32>
        %parallel_loop3A_315 = arith.addf %parallel_loop3A_314, %parallel_loop3A_313 : vector<16xf32>
        %parallel_loop3A_316 = arith.index_cast %parallel_loop3A_302 : i32 to index
        %parallel_loop3A_317 = arith.constant 32 : index
        %parallel_loop3A_318 = tpu.vector_load %arg11[%parallel_loop3A_316, %parallel_loop3A_317] {strides = array<i32>} : memref<80x64xbf16, #tpu.memory_space<vmem>>, vector<32xbf16>,
        %parallel_loop3A_319 = arith.index_cast %parallel_loop3A_302 : i32 to index
        %parallel_loop3A_320 = arith.constant 32 : index
        %parallel_loop3A_321 = tpu.vector_load %arg15[%parallel_loop3A_319, %parallel_loop3A_320] {strides = array<i32>} : memref<80x64xbf16, #tpu.memory_space<vmem>>, vector<32xbf16>,
        %parallel_loop3A_322 = arith.mulf %parallel_loop3A_318, %parallel_loop3A_321 : vector<32xbf16>
        %parallel_loop3A_323 = tpu.unpack_subelements %parallel_loop3A_322, 0 {pack_format = #tpu.pack_format<interleaved>} : vector<32xbf16> -> vector<16xf32>
        %parallel_loop3A_324 = tpu.unpack_subelements %parallel_loop3A_322, 1 {pack_format = #tpu.pack_format<interleaved>} : vector<32xbf16> -> vector<16xf32>
        %parallel_loop3A_325 = arith.addf %parallel_loop3A_315, %parallel_loop3A_323 : vector<16xf32>
        %parallel_loop3A_326 = arith.addf %parallel_loop3A_325, %parallel_loop3A_324 : vector<16xf32>
        %parallel_loop3A_327 = vector.shape_cast %xor3A_274 : vector<16xi32> to vector<16x1xi32>
        %parallel_loop3A_328 = vector.shape_cast %parallel_loop3A_327 : vector<16x1xi32> to vector<16xi32>
        %parallel_loop3A_329 = tpu.dynamic_gather %parallel_loop3A_326[%parallel_loop3A_328] in [0] : vector<16xf32>, vector<16xi32> -> vector<16xf32>
        %parallel_loop3A_330 = arith.addf %parallel_loop3A_326, %parallel_loop3A_329 : vector<16xf32>
        %parallel_loop3A_331 = vector.shape_cast %xor3A_277 : vector<16xi32> to vector<16x1xi32>
        %parallel_loop3A_332 = vector.shape_cast %parallel_loop3A_331 : vector<16x1xi32> to vector<16xi32>
        %parallel_loop3A_333 = tpu.dynamic_gather %parallel_loop3A_330[%parallel_loop3A_332] in [0] : vector<16xf32>, vector<16xi32> -> vector<16xf32>
        %parallel_loop3A_334 = arith.addf %parallel_loop3A_330, %parallel_loop3A_333 : vector<16xf32>
        %parallel_loop3A_335 = vector.shape_cast %xor3A_280 : vector<16xi32> to vector<16x1xi32>
        %parallel_loop3A_336 = vector.shape_cast %parallel_loop3A_335 : vector<16x1xi32> to vector<16xi32>
        %parallel_loop3A_337 = tpu.dynamic_gather %parallel_loop3A_334[%parallel_loop3A_336] in [0] : vector<16xf32>, vector<16xi32> -> vector<16xf32>
        %parallel_loop3A_338 = arith.addf %parallel_loop3A_334, %parallel_loop3A_337 : vector<16xf32>
        %parallel_loop3A_339 = vector.shape_cast %xor3A_283 : vector<16xi32> to vector<16x1xi32>
        %parallel_loop3A_340 = vector.shape_cast %parallel_loop3A_339 : vector<16x1xi32> to vector<16xi32>
        %parallel_loop3A_341 = tpu.dynamic_gather %parallel_loop3A_338[%parallel_loop3A_340] in [0] : vector<16xf32>, vector<16xi32> -> vector<16xf32>
        %parallel_loop3A_342 = arith.addf %parallel_loop3A_338, %parallel_loop3A_341 : vector<16xf32>
        %parallel_loop3A_343 = vector.broadcast %parallel_loop3A_302 : i32 to vector<16xi32>
        tpu.vector_store_idx %arg16[%parallel_loop3A_343], %parallel_loop3A_342 masked %eq3A_271 : memref<80xf32, #tpu.memory_space<vmem>>[vector<16xi32>], vector<16xf32>, vector<16xi1>
      } {sc.loop_unroll_factor = 1 : i64, sc.parallel_access}
      %parallel_loop3A_287 = arith.constant 0 : i32
      %parallel_loop3A_288 = arith.constant 5 : i32
      %parallel_loop3A_289 = arith.constant 1 : i32
      scf.for %parallel_loop3A_302 = %parallel_loop3A_287 to %parallel_loop3A_288 step %parallel_loop3A_289  : i32 {
        %parallel_loop3A_303 = arith.constant 16 : i32
        %parallel_loop3A_304 = arith.muli %parallel_loop3A_302, %parallel_loop3A_303 : i32
        %parallel_loop3A_305 = arith.index_cast %parallel_loop3A_304 : i32 to index
        %parallel_loop3A_306 = tpu.vector_load %arg16[%parallel_loop3A_305] {strides = array<i32>} : memref<80xf32, #tpu.memory_space<vmem>>, vector<16xf32>,
        %parallel_loop3A_307 = arith.constant 0.000000e+00 : f32
        %parallel_loop3A_308 = vector.broadcast %parallel_loop3A_307 : f32 to vector<16xf32>
        %parallel_loop3A_309 = arith.subf %parallel_loop3A_308, %parallel_loop3A_306 : vector<16xf32>
        %parallel_loop3A_310 = math.exp %parallel_loop3A_309 : vector<16xf32>
        %parallel_loop3A_311 = arith.constant 1.000000e+00 : f32
        %parallel_loop3A_312 = vector.broadcast %parallel_loop3A_311 : f32 to vector<16xf32>
        %parallel_loop3A_313 = arith.addf %parallel_loop3A_312, %parallel_loop3A_310 : vector<16xf32>
        %parallel_loop3A_314 = arith.constant 1.000000e+00 : f32
        %parallel_loop3A_315 = vector.broadcast %parallel_loop3A_314 : f32 to vector<16xf32>
        %parallel_loop3A_316 = arith.divf %parallel_loop3A_315, %parallel_loop3A_313 : vector<16xf32>
        %parallel_loop3A_317 = arith.constant 16 : i32
        %parallel_loop3A_318 = arith.muli %parallel_loop3A_302, %parallel_loop3A_317 : i32
        %parallel_loop3A_319 = arith.index_cast %parallel_loop3A_318 : i32 to index
        %parallel_loop3A_320 = tpu.vector_load %arg16[%parallel_loop3A_319] {strides = array<i32>} : memref<80xf32, #tpu.memory_space<vmem>>, vector<16xf32>,
        tpu.vector_store %arg16[%parallel_loop3A_319], %parallel_loop3A_316 {strides = array<i32>} : memref<80xf32, #tpu.memory_space<vmem>>, vector<16xf32>,
      } {sc.loop_unroll_factor = 1 : i64, sc.parallel_access}
      %mul3A_290 = arith.constant 10000 : i32
      %mul3A_291 = arith.muli %add3A, %mul3A_290 : i32
      %mul3A_292 = arith.constant 80 : i32
      %mul3A_293 = arith.muli %add3A_253, %mul3A_292 : i32
      %add3A_294 = arith.addi %mul3A_291, %mul3A_293 : i32
      "tpu.region"() ({
        %run_scoped3A = tpu.sem_alloc : memref<!tpu.dma_semaphore, #tpu.memory_space<semaphore_mem>>
        %dma_start3A_302 = tpu.memref_slice %arg5[%add3A_294] : memref<320000xf32, #tpu.memory_space<hbm>> -> memref<80xf32, #tpu.memory_space<hbm>>
        %dma_start3A_303 = tpu.memref_slice %arg5[%add3A_294] : memref<320000xf32, #tpu.memory_space<hbm>> -> memref<80xf32, #tpu.memory_space<hbm>>
        tpu.enqueue_dma source(%arg16 : memref<80xf32, #tpu.memory_space<vmem>>) target(%dma_start3A_303 : memref<80xf32, #tpu.memory_space<hbm>>) target_semaphore(%run_scoped3A : memref<!tpu.dma_semaphore, #tpu.memory_space<semaphore_mem>>)
        %dma_wait3A_304 = tpu.memref_slice %arg5[%add3A_294] : memref<320000xf32, #tpu.memory_space<hbm>> -> memref<80xf32, #tpu.memory_space<hbm>>
        %dma_wait3A_305 = tpu.memref_slice %arg5[%add3A_294] : memref<320000xf32, #tpu.memory_space<hbm>> -> memref<80xf32, #tpu.memory_space<hbm>>
        tpu.wait_dma2 semaphore(%run_scoped3A : memref<!tpu.dma_semaphore, #tpu.memory_space<semaphore_mem>>) src(%arg16 : memref<80xf32, #tpu.memory_space<vmem>>) dst(%dma_wait3A_305 : memref<80xf32, #tpu.memory_space<hbm>>)
        tpu.yield
      }) : () -> ()
      %add3A_295 = arith.constant 4 : i32
      %add3A_296 = arith.addi %add3A_253, %add3A_295 : i32
      %lt3A_297 = arith.constant 125 : i32
      %lt3A_298 = arith.cmpi slt, %add3A_296, %lt3A_297 : i32
      %convert_element_type3A_299 = arith.extui %lt3A_298 : i1 to i32
      %cond3A_300 = arith.constant 0 : i32
      %cond3A_301 = arith.cmpi ne, %convert_element_type3A_299, %cond3A_300 : i32
      scf.if %cond3A_301 {
        %dma_start3A_302 = arith.constant 0 : i32
        %dma_start3A_303 = tpu.memref_slice %arg6[%add3A_296, %dma_start3A_302] : memref<125x80xi32, #tpu.memory_space<vmem>> -> memref<1x80xi32, #tpu.memory_space<vmem>>
        %dma_start3A_304 = tpu.memref_squeeze %dma_start3A_303 : memref<1x80xi32, #tpu.memory_space<vmem>> -> memref<80xi32, #tpu.memory_space<vmem>>
        %dma_start3A_305 = arith.constant 0 : i32
        %dma_start3A_306 = arith.constant 0 : i32
        %dma_start3A_307 = tpu.memref_slice %arg2[%dma_start3A_305, %dma_start3A_306] : memref<10000x64xbf16, #tpu.memory_space<hbm>> -> memref<10000x64xbf16, #tpu.memory_space<hbm>>
        tpu.enqueue_indirect_dma source(%dma_start3A_307 : memref<10000x64xbf16, #tpu.memory_space<hbm>>) target(%arg11 : memref<80x64xbf16, #tpu.memory_space<vmem>>) offsets(%dma_start3A_304 : memref<80xi32, #tpu.memory_space<vmem>>) semaphore(%arg20 : memref<!tpu.dma_semaphore, #tpu.memory_space<semaphore_mem>>)
        %dma_start3A_308 = arith.constant 0 : i32
        %dma_start3A_309 = tpu.memref_slice %arg7[%add3A_296, %dma_start3A_308] : memref<125x80xi32, #tpu.memory_space<vmem>> -> memref<1x80xi32, #tpu.memory_space<vmem>>
        %dma_start3A_310 = tpu.memref_squeeze %dma_start3A_309 : memref<1x80xi32, #tpu.memory_space<vmem>> -> memref<80xi32, #tpu.memory_space<vmem>>
        %dma_start3A_311 = arith.constant 0 : i32
        %dma_start3A_312 = arith.constant 0 : i32
        %dma_start3A_313 = tpu.memref_slice %arg2[%dma_start3A_311, %dma_start3A_312] : memref<10000x64xbf16, #tpu.memory_space<hbm>> -> memref<10000x64xbf16, #tpu.memory_space<hbm>>
        tpu.enqueue_indirect_dma source(%dma_start3A_313 : memref<10000x64xbf16, #tpu.memory_space<hbm>>) target(%arg15 : memref<80x64xbf16, #tpu.memory_space<vmem>>) offsets(%dma_start3A_310 : memref<80xi32, #tpu.memory_space<vmem>>) semaphore(%arg24 : memref<!tpu.dma_semaphore, #tpu.memory_space<semaphore_mem>>)
      } else {
      }
    }
    %scan3A_60 = arith.constant 31 : i32
    %dma_wait3A = arith.constant 0 : i32
    %dma_wait3A_61 = arith.constant 0 : i32
    %dma_wait3A_62 = tpu.memref_slice %arg6[%dma_wait3A, %dma_wait3A_61] : memref<125x80xi32, #tpu.memory_space<vmem>> -> memref<1x80xi32, #tpu.memory_space<vmem>>
    %dma_wait3A_63 = tpu.memref_squeeze %dma_wait3A_62 : memref<1x80xi32, #tpu.memory_space<vmem>> -> memref<80xi32, #tpu.memory_space<vmem>>
    %dma_wait3A_64 = arith.constant 0 : i32
    %dma_wait3A_65 = arith.constant 0 : i32
    %dma_wait3A_66 = tpu.memref_slice %arg2[%dma_wait3A_64, %dma_wait3A_65] : memref<10000x64xbf16, #tpu.memory_space<hbm>> -> memref<10000x64xbf16, #tpu.memory_space<hbm>>
    tpu.wait_indirect_dma semaphore(%arg17 : memref<!tpu.dma_semaphore, #tpu.memory_space<semaphore_mem>>) src(%dma_wait3A_66 : memref<10000x64xbf16, #tpu.memory_space<hbm>>) dst(%arg8 : memref<80x64xbf16, #tpu.memory_space<vmem>>)
    %dma_wait3A_67 = arith.constant 0 : i32
    %dma_wait3A_68 = arith.constant 0 : i32
    %dma_wait3A_69 = tpu.memref_slice %arg7[%dma_wait3A_67, %dma_wait3A_68] : memref<125x80xi32, #tpu.memory_space<vmem>> -> memref<1x80xi32, #tpu.memory_space<vmem>>
    %dma_wait3A_70 = tpu.memref_squeeze %dma_wait3A_69 : memref<1x80xi32, #tpu.memory_space<vmem>> -> memref<80xi32, #tpu.memory_space<vmem>>
    %dma_wait3A_71 = arith.constant 0 : i32
    %dma_wait3A_72 = arith.constant 0 : i32
    %dma_wait3A_73 = tpu.memref_slice %arg2[%dma_wait3A_71, %dma_wait3A_72] : memref<10000x64xbf16, #tpu.memory_space<hbm>> -> memref<10000x64xbf16, #tpu.memory_space<hbm>>
    tpu.wait_indirect_dma semaphore(%arg21 : memref<!tpu.dma_semaphore, #tpu.memory_space<semaphore_mem>>) src(%dma_wait3A_73 : memref<10000x64xbf16, #tpu.memory_space<hbm>>) dst(%arg12 : memref<80x64xbf16, #tpu.memory_space<vmem>>)
    %iota3A = tpu.iota {dimensions = array<i32: 0>} : vector<16xi32>
    %eq3A = arith.constant 0 : i32
    %eq3A_74 = vector.broadcast %eq3A : i32 to vector<16xi32>
    %eq3A_75 = arith.cmpi eq, %iota3A, %eq3A_74 : vector<16xi32>
    %xor3A = arith.constant 8 : i32
    %xor3A_76 = vector.broadcast %xor3A : i32 to vector<16xi32>
    %xor3A_77 = arith.xori %iota3A, %xor3A_76 : vector<16xi32>
    %xor3A_78 = arith.constant 4 : i32
    %xor3A_79 = vector.broadcast %xor3A_78 : i32 to vector<16xi32>
    %xor3A_80 = arith.xori %iota3A, %xor3A_79 : vector<16xi32>
    %xor3A_81 = arith.constant 2 : i32
    %xor3A_82 = vector.broadcast %xor3A_81 : i32 to vector<16xi32>
    %xor3A_83 = arith.xori %iota3A, %xor3A_82 : vector<16xi32>
    %xor3A_84 = arith.constant 1 : i32
    %xor3A_85 = vector.broadcast %xor3A_84 : i32 to vector<16xi32>
    %xor3A_86 = arith.xori %iota3A, %xor3A_85 : vector<16xi32>
    %parallel_loop3A = arith.constant 0 : i32
    %parallel_loop3A_87 = arith.constant 80 : i32
    %parallel_loop3A_88 = arith.constant 1 : i32
    scf.for %parallel_loop3A_96 = %parallel_loop3A to %parallel_loop3A_87 step %parallel_loop3A_88  : i32 {
      %parallel_loop3A_97 = arith.constant 0.000000e+00 : f32
      %parallel_loop3A_98 = vector.broadcast %parallel_loop3A_97 : f32 to vector<16xf32>
      %parallel_loop3A_99 = arith.index_cast %parallel_loop3A_96 : i32 to index
      %parallel_loop3A_100 = arith.constant 0 : index
      %parallel_loop3A_101 = tpu.vector_load %arg8[%parallel_loop3A_99, %parallel_loop3A_100] {strides = array<i32>} : memref<80x64xbf16, #tpu.memory_space<vmem>>, vector<32xbf16>,
      %parallel_loop3A_102 = arith.index_cast %parallel_loop3A_96 : i32 to index
      %parallel_loop3A_103 = arith.constant 0 : index
      %parallel_loop3A_104 = tpu.vector_load %arg12[%parallel_loop3A_102, %parallel_loop3A_103] {strides = array<i32>} : memref<80x64xbf16, #tpu.memory_space<vmem>>, vector<32xbf16>,
      %parallel_loop3A_105 = arith.mulf %parallel_loop3A_101, %parallel_loop3A_104 : vector<32xbf16>
      %parallel_loop3A_106 = tpu.unpack_subelements %parallel_loop3A_105, 0 {pack_format = #tpu.pack_format<interleaved>} : vector<32xbf16> -> vector<16xf32>
      %parallel_loop3A_107 = tpu.unpack_subelements %parallel_loop3A_105, 1 {pack_format = #tpu.pack_format<interleaved>} : vector<32xbf16> -> vector<16xf32>
      %parallel_loop3A_108 = arith.addf %parallel_loop3A_98, %parallel_loop3A_106 : vector<16xf32>
      %parallel_loop3A_109 = arith.addf %parallel_loop3A_108, %parallel_loop3A_107 : vector<16xf32>
      %parallel_loop3A_110 = arith.index_cast %parallel_loop3A_96 : i32 to index
      %parallel_loop3A_111 = arith.constant 32 : index
      %parallel_loop3A_112 = tpu.vector_load %arg8[%parallel_loop3A_110, %parallel_loop3A_111] {strides = array<i32>} : memref<80x64xbf16, #tpu.memory_space<vmem>>, vector<32xbf16>,
      %parallel_loop3A_113 = arith.index_cast %parallel_loop3A_96 : i32 to index
      %parallel_loop3A_114 = arith.constant 32 : index
      %parallel_loop3A_115 = tpu.vector_load %arg12[%parallel_loop3A_113, %parallel_loop3A_114] {strides = array<i32>} : memref<80x64xbf16, #tpu.memory_space<vmem>>, vector<32xbf16>,
      %parallel_loop3A_116 = arith.mulf %parallel_loop3A_112, %parallel_loop3A_115 : vector<32xbf16>
      %parallel_loop3A_117 = tpu.unpack_subelements %parallel_loop3A_116, 0 {pack_format = #tpu.pack_format<interleaved>} : vector<32xbf16> -> vector<16xf32>
      %parallel_loop3A_118 = tpu.unpack_subelements %parallel_loop3A_116, 1 {pack_format = #tpu.pack_format<interleaved>} : vector<32xbf16> -> vector<16xf32>
      %parallel_loop3A_119 = arith.addf %parallel_loop3A_109, %parallel_loop3A_117 : vector<16xf32>
      %parallel_loop3A_120 = arith.addf %parallel_loop3A_119, %parallel_loop3A_118 : vector<16xf32>
      %parallel_loop3A_121 = vector.shape_cast %xor3A_77 : vector<16xi32> to vector<16x1xi32>
      %parallel_loop3A_122 = vector.shape_cast %parallel_loop3A_121 : vector<16x1xi32> to vector<16xi32>
      %parallel_loop3A_123 = tpu.dynamic_gather %parallel_loop3A_120[%parallel_loop3A_122] in [0] : vector<16xf32>, vector<16xi32> -> vector<16xf32>
      %parallel_loop3A_124 = arith.addf %parallel_loop3A_120, %parallel_loop3A_123 : vector<16xf32>
      %parallel_loop3A_125 = vector.shape_cast %xor3A_80 : vector<16xi32> to vector<16x1xi32>
      %parallel_loop3A_126 = vector.shape_cast %parallel_loop3A_125 : vector<16x1xi32> to vector<16xi32>
      %parallel_loop3A_127 = tpu.dynamic_gather %parallel_loop3A_124[%parallel_loop3A_126] in [0] : vector<16xf32>, vector<16xi32> -> vector<16xf32>
      %parallel_loop3A_128 = arith.addf %parallel_loop3A_124, %parallel_loop3A_127 : vector<16xf32>
      %parallel_loop3A_129 = vector.shape_cast %xor3A_83 : vector<16xi32> to vector<16x1xi32>
      %parallel_loop3A_130 = vector.shape_cast %parallel_loop3A_129 : vector<16x1xi32> to vector<16xi32>
      %parallel_loop3A_131 = tpu.dynamic_gather %parallel_loop3A_128[%parallel_loop3A_130] in [0] : vector<16xf32>, vector<16xi32> -> vector<16xf32>
      %parallel_loop3A_132 = arith.addf %parallel_loop3A_128, %parallel_loop3A_131 : vector<16xf32>
      %parallel_loop3A_133 = vector.shape_cast %xor3A_86 : vector<16xi32> to vector<16x1xi32>
      %parallel_loop3A_134 = vector.shape_cast %parallel_loop3A_133 : vector<16x1xi32> to vector<16xi32>
      %parallel_loop3A_135 = tpu.dynamic_gather %parallel_loop3A_132[%parallel_loop3A_134] in [0] : vector<16xf32>, vector<16xi32> -> vector<16xf32>
      %parallel_loop3A_136 = arith.addf %parallel_loop3A_132, %parallel_loop3A_135 : vector<16xf32>
      %parallel_loop3A_137 = vector.broadcast %parallel_loop3A_96 : i32 to vector<16xi32>
      tpu.vector_store_idx %arg16[%parallel_loop3A_137], %parallel_loop3A_136 masked %eq3A_75 : memref<80xf32, #tpu.memory_space<vmem>>[vector<16xi32>], vector<16xf32>, vector<16xi1>
    } {sc.loop_unroll_factor = 1 : i64, sc.parallel_access}
    %parallel_loop3A_89 = arith.constant 0 : i32
    %parallel_loop3A_90 = arith.constant 5 : i32
    %parallel_loop3A_91 = arith.constant 1 : i32
    scf.for %parallel_loop3A_96 = %parallel_loop3A_89 to %parallel_loop3A_90 step %parallel_loop3A_91  : i32 {
      %parallel_loop3A_97 = arith.constant 16 : i32
      %parallel_loop3A_98 = arith.muli %parallel_loop3A_96, %parallel_loop3A_97 : i32
      %parallel_loop3A_99 = arith.index_cast %parallel_loop3A_98 : i32 to index
      %parallel_loop3A_100 = tpu.vector_load %arg16[%parallel_loop3A_99] {strides = array<i32>} : memref<80xf32, #tpu.memory_space<vmem>>, vector<16xf32>,
      %parallel_loop3A_101 = arith.constant 0.000000e+00 : f32
      %parallel_loop3A_102 = vector.broadcast %parallel_loop3A_101 : f32 to vector<16xf32>
      %parallel_loop3A_103 = arith.subf %parallel_loop3A_102, %parallel_loop3A_100 : vector<16xf32>
      %parallel_loop3A_104 = math.exp %parallel_loop3A_103 : vector<16xf32>
      %parallel_loop3A_105 = arith.constant 1.000000e+00 : f32
      %parallel_loop3A_106 = vector.broadcast %parallel_loop3A_105 : f32 to vector<16xf32>
      %parallel_loop3A_107 = arith.addf %parallel_loop3A_106, %parallel_loop3A_104 : vector<16xf32>
      %parallel_loop3A_108 = arith.constant 1.000000e+00 : f32
      %parallel_loop3A_109 = vector.broadcast %parallel_loop3A_108 : f32 to vector<16xf32>
      %parallel_loop3A_110 = arith.divf %parallel_loop3A_109, %parallel_loop3A_107 : vector<16xf32>
      %parallel_loop3A_111 = arith.constant 16 : i32
      %parallel_loop3A_112 = arith.muli %parallel_loop3A_96, %parallel_loop3A_111 : i32
      %parallel_loop3A_113 = arith.index_cast %parallel_loop3A_112 : i32 to index
      %parallel_loop3A_114 = tpu.vector_load %arg16[%parallel_loop3A_113] {strides = array<i32>} : memref<80xf32, #tpu.memory_space<vmem>>, vector<16xf32>,
      tpu.vector_store %arg16[%parallel_loop3A_113], %parallel_loop3A_110 {strides = array<i32>} : memref<80xf32, #tpu.memory_space<vmem>>, vector<16xf32>,
    } {sc.loop_unroll_factor = 1 : i64, sc.parallel_access}
    %mul3A_92 = arith.constant 10000 : i32
    %mul3A_93 = arith.muli %add3A, %mul3A_92 : i32
    %add3A_94 = arith.constant 9920 : i32
    %add3A_95 = arith.addi %mul3A_93, %add3A_94 : i32
    "tpu.region"() ({
      %run_scoped3A = tpu.sem_alloc : memref<!tpu.dma_semaphore, #tpu.memory_space<semaphore_mem>>
      %dma_start3A_96 = tpu.memref_slice %arg5[%add3A_95] : memref<320000xf32, #tpu.memory_space<hbm>> -> memref<80xf32, #tpu.memory_space<hbm>>
      %dma_start3A_97 = tpu.memref_slice %arg5[%add3A_95] : memref<320000xf32, #tpu.memory_space<hbm>> -> memref<80xf32, #tpu.memory_space<hbm>>
      tpu.enqueue_dma source(%arg16 : memref<80xf32, #tpu.memory_space<vmem>>) target(%dma_start3A_97 : memref<80xf32, #tpu.memory_space<hbm>>) target_semaphore(%run_scoped3A : memref<!tpu.dma_semaphore, #tpu.memory_space<semaphore_mem>>)
      %dma_wait3A_98 = tpu.memref_slice %arg5[%add3A_95] : memref<320000xf32, #tpu.memory_space<hbm>> -> memref<80xf32, #tpu.memory_space<hbm>>
      %dma_wait3A_99 = tpu.memref_slice %arg5[%add3A_95] : memref<320000xf32, #tpu.memory_space<hbm>> -> memref<80xf32, #tpu.memory_space<hbm>>
      tpu.wait_dma2 semaphore(%run_scoped3A : memref<!tpu.dma_semaphore, #tpu.memory_space<semaphore_mem>>) src(%arg16 : memref<80xf32, #tpu.memory_space<vmem>>) dst(%dma_wait3A_99 : memref<80xf32, #tpu.memory_space<hbm>>)
      tpu.yield
    }) : () -> ()
    return
  }
}

#map = affine_map<(d0, d1) -> (0, 0)>
#map1 = affine_map<(d0, d1) -> (0, 0, 0)>
module attributes {stable_mosaic.version = 14 : i64} {
  func.func @agg_kernel(%arg0: i32, %arg1: i32, %arg2: memref<10000x64xf32, #tpu.memory_space<hbm>>, %arg3: memref<32x125x80xi32, #tpu.memory_space<hbm>>, %arg4: memref<32x125x80xi32, #tpu.memory_space<hbm>>, %arg5: memref<10000x64xf32, #tpu.memory_space<hbm>>, %arg6: memref<2x10000x64xf32, #tpu.memory_space<hbm>>, %arg7: memref<125x80xi32, #tpu.memory_space<vmem>>, %arg8: memref<125x80xi32, #tpu.memory_space<vmem>>, %arg9: memref<80x64xf32, #tpu.memory_space<vmem>>, %arg10: memref<80x64xf32, #tpu.memory_space<vmem>>, %arg11: memref<80x64xf32, #tpu.memory_space<vmem>>, %arg12: memref<80x64xf32, #tpu.memory_space<vmem>>, %arg13: memref<80x64xf32, #tpu.memory_space<vmem>>, %arg14: memref<80x64xf32, #tpu.memory_space<vmem>>, %arg15: memref<80x64xf32, #tpu.memory_space<vmem>>, %arg16: memref<80x64xf32, #tpu.memory_space<vmem>>, %arg17: memref<80x64xf32, #tpu.memory_space<vmem>>, %arg18: memref<80x64xf32, #tpu.memory_space<vmem>>, %arg19: memref<80x64xf32, #tpu.memory_space<vmem>>, %arg20: memref<80x64xf32, #tpu.memory_space<vmem>>, %arg21: memref<!tpu.dma_semaphore, #tpu.memory_space<semaphore_mem>>, %arg22: memref<!tpu.dma_semaphore, #tpu.memory_space<semaphore_mem>>, %arg23: memref<!tpu.dma_semaphore, #tpu.memory_space<semaphore_mem>>, %arg24: memref<!tpu.dma_semaphore, #tpu.memory_space<semaphore_mem>>, %arg25: memref<!tpu.dma_semaphore, #tpu.memory_space<semaphore_mem>>, %arg26: memref<!tpu.dma_semaphore, #tpu.memory_space<semaphore_mem>>, %arg27: memref<!tpu.dma_semaphore, #tpu.memory_space<semaphore_mem>>, %arg28: memref<!tpu.dma_semaphore, #tpu.memory_space<semaphore_mem>>, %arg29: memref<!tpu.dma_semaphore, #tpu.memory_space<semaphore_mem>>, %arg30: memref<!tpu.dma_semaphore, #tpu.memory_space<semaphore_mem>>, %arg31: memref<!tpu.dma_semaphore, #tpu.memory_space<semaphore_mem>>, %arg32: memref<!tpu.dma_semaphore, #tpu.memory_space<semaphore_mem>>, %arg33: memref<!tpu.dma_semaphore, #tpu.memory_space<semaphore_mem>>, %arg34: memref<!tpu.dma_semaphore, #tpu.memory_space<semaphore_mem>>, %arg35: memref<!tpu.dma_semaphore, #tpu.memory_space<semaphore_mem>>, %arg36: memref<!tpu.dma_semaphore, #tpu.memory_space<semaphore_mem>>, %arg37: memref<!tpu.dma_semaphore, #tpu.memory_space<semaphore_mem>>, %arg38: memref<!tpu.dma_semaphore, #tpu.memory_space<semaphore_mem>>, %arg39: memref<!tpu.dma_semaphore, #tpu.memory_space<semaphore_mem>>, %arg40: memref<!tpu.dma_semaphore, #tpu.memory_space<semaphore_mem>>, %arg41: memref<!tpu.dma_semaphore, #tpu.memory_space<semaphore_mem>>, %arg42: memref<!tpu.dma_semaphore, #tpu.memory_space<semaphore_mem>>, %arg43: memref<!tpu.dma_semaphore, #tpu.memory_space<semaphore_mem>>, %arg44: memref<!tpu.dma_semaphore, #tpu.memory_space<semaphore_mem>>, %arg45: memref<10000x64xf32, #tpu.memory_space<vmem_shared>>) attributes {dimension_semantics = [#tpu.dimension_semantics<core_parallel>, #tpu.dimension_semantics<subcore_parallel>], iteration_bounds = array<i64: 2, 16>, scalar_prefetch = 0 : i64, scratch_operands = 39 : i64, tpu.core_type = #tpu.core_type<sc_vector_subcore>, window_params = [{transform_indices = #map}, {transform_indices = #map1}, {transform_indices = #map1}, {transform_indices = #map}, {transform_indices = #map1}]} {
    %mul3A = arith.constant 2 : i32
    %mul3A_0 = arith.muli %arg1, %mul3A : i32
    %add3A = arith.addi %mul3A_0, %arg0 : i32
    "tpu.region"() ({
      %run_scoped3A = tpu.sem_alloc : memref<!tpu.dma_semaphore, #tpu.memory_space<semaphore_mem>>
      %dma_start3A_251 = arith.constant 0 : i32
      %dma_start3A_252 = arith.constant 0 : i32
      %dma_start3A_253 = tpu.memref_slice %arg3[%add3A, %dma_start3A_251, %dma_start3A_252] : memref<32x125x80xi32, #tpu.memory_space<hbm>> -> memref<1x125x80xi32, #tpu.memory_space<hbm>>
      %dma_start3A_254 = tpu.memref_squeeze %dma_start3A_253 : memref<1x125x80xi32, #tpu.memory_space<hbm>> -> memref<125x80xi32, #tpu.memory_space<hbm>>
      %dma_start3A_255 = arith.constant 0 : i32
      %dma_start3A_256 = arith.constant 0 : i32
      %dma_start3A_257 = tpu.memref_slice %arg3[%add3A, %dma_start3A_255, %dma_start3A_256] : memref<32x125x80xi32, #tpu.memory_space<hbm>> -> memref<1x125x80xi32, #tpu.memory_space<hbm>>
      %dma_start3A_258 = tpu.memref_squeeze %dma_start3A_257 : memref<1x125x80xi32, #tpu.memory_space<hbm>> -> memref<125x80xi32, #tpu.memory_space<hbm>>
      tpu.enqueue_dma source(%dma_start3A_258 : memref<125x80xi32, #tpu.memory_space<hbm>>) target(%arg7 : memref<125x80xi32, #tpu.memory_space<vmem>>) target_semaphore(%run_scoped3A : memref<!tpu.dma_semaphore, #tpu.memory_space<semaphore_mem>>)
      %dma_wait3A_259 = arith.constant 0 : i32
      %dma_wait3A_260 = arith.constant 0 : i32
      %dma_wait3A_261 = tpu.memref_slice %arg3[%add3A, %dma_wait3A_259, %dma_wait3A_260] : memref<32x125x80xi32, #tpu.memory_space<hbm>> -> memref<1x125x80xi32, #tpu.memory_space<hbm>>
      %dma_wait3A_262 = tpu.memref_squeeze %dma_wait3A_261 : memref<1x125x80xi32, #tpu.memory_space<hbm>> -> memref<125x80xi32, #tpu.memory_space<hbm>>
      %dma_wait3A_263 = arith.constant 0 : i32
      %dma_wait3A_264 = arith.constant 0 : i32
      %dma_wait3A_265 = tpu.memref_slice %arg3[%add3A, %dma_wait3A_263, %dma_wait3A_264] : memref<32x125x80xi32, #tpu.memory_space<hbm>> -> memref<1x125x80xi32, #tpu.memory_space<hbm>>
      %dma_wait3A_266 = tpu.memref_squeeze %dma_wait3A_265 : memref<1x125x80xi32, #tpu.memory_space<hbm>> -> memref<125x80xi32, #tpu.memory_space<hbm>>
      tpu.wait_dma2 semaphore(%run_scoped3A : memref<!tpu.dma_semaphore, #tpu.memory_space<semaphore_mem>>) src(%dma_wait3A_266 : memref<125x80xi32, #tpu.memory_space<hbm>>) dst(%arg7 : memref<125x80xi32, #tpu.memory_space<vmem>>)
      tpu.yield
    }) : () -> ()
    "tpu.region"() ({
      %run_scoped3A = tpu.sem_alloc : memref<!tpu.dma_semaphore, #tpu.memory_space<semaphore_mem>>
      %dma_start3A_251 = arith.constant 0 : i32
      %dma_start3A_252 = arith.constant 0 : i32
      %dma_start3A_253 = tpu.memref_slice %arg4[%add3A, %dma_start3A_251, %dma_start3A_252] : memref<32x125x80xi32, #tpu.memory_space<hbm>> -> memref<1x125x80xi32, #tpu.memory_space<hbm>>
      %dma_start3A_254 = tpu.memref_squeeze %dma_start3A_253 : memref<1x125x80xi32, #tpu.memory_space<hbm>> -> memref<125x80xi32, #tpu.memory_space<hbm>>
      %dma_start3A_255 = arith.constant 0 : i32
      %dma_start3A_256 = arith.constant 0 : i32
      %dma_start3A_257 = tpu.memref_slice %arg4[%add3A, %dma_start3A_255, %dma_start3A_256] : memref<32x125x80xi32, #tpu.memory_space<hbm>> -> memref<1x125x80xi32, #tpu.memory_space<hbm>>
      %dma_start3A_258 = tpu.memref_squeeze %dma_start3A_257 : memref<1x125x80xi32, #tpu.memory_space<hbm>> -> memref<125x80xi32, #tpu.memory_space<hbm>>
      tpu.enqueue_dma source(%dma_start3A_258 : memref<125x80xi32, #tpu.memory_space<hbm>>) target(%arg8 : memref<125x80xi32, #tpu.memory_space<vmem>>) target_semaphore(%run_scoped3A : memref<!tpu.dma_semaphore, #tpu.memory_space<semaphore_mem>>)
      %dma_wait3A_259 = arith.constant 0 : i32
      %dma_wait3A_260 = arith.constant 0 : i32
      %dma_wait3A_261 = tpu.memref_slice %arg4[%add3A, %dma_wait3A_259, %dma_wait3A_260] : memref<32x125x80xi32, #tpu.memory_space<hbm>> -> memref<1x125x80xi32, #tpu.memory_space<hbm>>
      %dma_wait3A_262 = tpu.memref_squeeze %dma_wait3A_261 : memref<1x125x80xi32, #tpu.memory_space<hbm>> -> memref<125x80xi32, #tpu.memory_space<hbm>>
      %dma_wait3A_263 = arith.constant 0 : i32
      %dma_wait3A_264 = arith.constant 0 : i32
      %dma_wait3A_265 = tpu.memref_slice %arg4[%add3A, %dma_wait3A_263, %dma_wait3A_264] : memref<32x125x80xi32, #tpu.memory_space<hbm>> -> memref<1x125x80xi32, #tpu.memory_space<hbm>>
      %dma_wait3A_266 = tpu.memref_squeeze %dma_wait3A_265 : memref<1x125x80xi32, #tpu.memory_space<hbm>> -> memref<125x80xi32, #tpu.memory_space<hbm>>
      tpu.wait_dma2 semaphore(%run_scoped3A : memref<!tpu.dma_semaphore, #tpu.memory_space<semaphore_mem>>) src(%dma_wait3A_266 : memref<125x80xi32, #tpu.memory_space<hbm>>) dst(%arg8 : memref<125x80xi32, #tpu.memory_space<vmem>>)
      tpu.yield
    }) : () -> ()
    %mul3A_1 = arith.constant 625 : i32
    %mul3A_2 = arith.muli %arg1, %mul3A_1 : i32
    %mul3A_3 = arith.constant 625 : i32
    %mul3A_4 = arith.muli %arg1, %mul3A_3 : i32
    "tpu.region"() ({
      %run_scoped3A = tpu.sem_alloc : memref<!tpu.dma_semaphore, #tpu.memory_space<semaphore_mem>>
      %dma_start3A_251 = arith.constant 0 : i32
      %dma_start3A_252 = tpu.memref_slice %arg45[%mul3A_4, %dma_start3A_251] : memref<10000x64xf32, #tpu.memory_space<vmem_shared>> -> memref<625x64xf32, #tpu.memory_space<vmem_shared>>
      %dma_start3A_253 = arith.constant 0 : i32
      %dma_start3A_254 = tpu.memref_slice %arg5[%mul3A_2, %dma_start3A_253] : memref<10000x64xf32, #tpu.memory_space<hbm>> -> memref<625x64xf32, #tpu.memory_space<hbm>>
      tpu.enqueue_dma source(%dma_start3A_254 : memref<625x64xf32, #tpu.memory_space<hbm>>) target(%dma_start3A_252 : memref<625x64xf32, #tpu.memory_space<vmem_shared>>) target_semaphore(%run_scoped3A : memref<!tpu.dma_semaphore, #tpu.memory_space<semaphore_mem>>)
      %dma_wait3A_255 = arith.constant 0 : i32
      %dma_wait3A_256 = tpu.memref_slice %arg45[%mul3A_4, %dma_wait3A_255] : memref<10000x64xf32, #tpu.memory_space<vmem_shared>> -> memref<625x64xf32, #tpu.memory_space<vmem_shared>>
      %dma_wait3A_257 = arith.constant 0 : i32
      %dma_wait3A_258 = tpu.memref_slice %arg5[%mul3A_2, %dma_wait3A_257] : memref<10000x64xf32, #tpu.memory_space<hbm>> -> memref<625x64xf32, #tpu.memory_space<hbm>>
      tpu.wait_dma2 semaphore(%run_scoped3A : memref<!tpu.dma_semaphore, #tpu.memory_space<semaphore_mem>>) src(%dma_wait3A_258 : memref<625x64xf32, #tpu.memory_space<hbm>>) dst(%dma_wait3A_256 : memref<625x64xf32, #tpu.memory_space<vmem_shared>>)
      tpu.yield
    }) : () -> ()
    %barrier3A = arith.constant 0 : index
    tpu.barrier barrier_id(%barrier3A)
    %dma_start3A = arith.constant 0 : i32
    %dma_start3A_5 = arith.constant 0 : i32
    %dma_start3A_6 = tpu.memref_slice %arg7[%dma_start3A, %dma_start3A_5] : memref<125x80xi32, #tpu.memory_space<vmem>> -> memref<1x80xi32, #tpu.memory_space<vmem>>
    %dma_start3A_7 = tpu.memref_squeeze %dma_start3A_6 : memref<1x80xi32, #tpu.memory_space<vmem>> -> memref<80xi32, #tpu.memory_space<vmem>>
    %dma_start3A_8 = arith.constant 0 : i32
    %dma_start3A_9 = arith.constant 0 : i32
    %dma_start3A_10 = tpu.memref_slice %arg2[%dma_start3A_8, %dma_start3A_9] : memref<10000x64xf32, #tpu.memory_space<hbm>> -> memref<10000x64xf32, #tpu.memory_space<hbm>>
    tpu.enqueue_indirect_dma source(%dma_start3A_10 : memref<10000x64xf32, #tpu.memory_space<hbm>>) target(%arg9 : memref<80x64xf32, #tpu.memory_space<vmem>>) offsets(%dma_start3A_7 : memref<80xi32, #tpu.memory_space<vmem>>) semaphore(%arg21 : memref<!tpu.dma_semaphore, #tpu.memory_space<semaphore_mem>>)
    %dma_start3A_11 = arith.constant 1 : i32
    %dma_start3A_12 = arith.constant 0 : i32
    %dma_start3A_13 = tpu.memref_slice %arg7[%dma_start3A_11, %dma_start3A_12] : memref<125x80xi32, #tpu.memory_space<vmem>> -> memref<1x80xi32, #tpu.memory_space<vmem>>
    %dma_start3A_14 = tpu.memref_squeeze %dma_start3A_13 : memref<1x80xi32, #tpu.memory_space<vmem>> -> memref<80xi32, #tpu.memory_space<vmem>>
    %dma_start3A_15 = arith.constant 0 : i32
    %dma_start3A_16 = arith.constant 0 : i32
    %dma_start3A_17 = tpu.memref_slice %arg2[%dma_start3A_15, %dma_start3A_16] : memref<10000x64xf32, #tpu.memory_space<hbm>> -> memref<10000x64xf32, #tpu.memory_space<hbm>>
    tpu.enqueue_indirect_dma source(%dma_start3A_17 : memref<10000x64xf32, #tpu.memory_space<hbm>>) target(%arg10 : memref<80x64xf32, #tpu.memory_space<vmem>>) offsets(%dma_start3A_14 : memref<80xi32, #tpu.memory_space<vmem>>) semaphore(%arg22 : memref<!tpu.dma_semaphore, #tpu.memory_space<semaphore_mem>>)
    %dma_start3A_18 = arith.constant 2 : i32
    %dma_start3A_19 = arith.constant 0 : i32
    %dma_start3A_20 = tpu.memref_slice %arg7[%dma_start3A_18, %dma_start3A_19] : memref<125x80xi32, #tpu.memory_space<vmem>> -> memref<1x80xi32, #tpu.memory_space<vmem>>
    %dma_start3A_21 = tpu.memref_squeeze %dma_start3A_20 : memref<1x80xi32, #tpu.memory_space<vmem>> -> memref<80xi32, #tpu.memory_space<vmem>>
    %dma_start3A_22 = arith.constant 0 : i32
    %dma_start3A_23 = arith.constant 0 : i32
    %dma_start3A_24 = tpu.memref_slice %arg2[%dma_start3A_22, %dma_start3A_23] : memref<10000x64xf32, #tpu.memory_space<hbm>> -> memref<10000x64xf32, #tpu.memory_space<hbm>>
    tpu.enqueue_indirect_dma source(%dma_start3A_24 : memref<10000x64xf32, #tpu.memory_space<hbm>>) target(%arg11 : memref<80x64xf32, #tpu.memory_space<vmem>>) offsets(%dma_start3A_21 : memref<80xi32, #tpu.memory_space<vmem>>) semaphore(%arg23 : memref<!tpu.dma_semaphore, #tpu.memory_space<semaphore_mem>>)
    %dma_start3A_25 = arith.constant 3 : i32
    %dma_start3A_26 = arith.constant 0 : i32
    %dma_start3A_27 = tpu.memref_slice %arg7[%dma_start3A_25, %dma_start3A_26] : memref<125x80xi32, #tpu.memory_space<vmem>> -> memref<1x80xi32, #tpu.memory_space<vmem>>
    %dma_start3A_28 = tpu.memref_squeeze %dma_start3A_27 : memref<1x80xi32, #tpu.memory_space<vmem>> -> memref<80xi32, #tpu.memory_space<vmem>>
    %dma_start3A_29 = arith.constant 0 : i32
    %dma_start3A_30 = arith.constant 0 : i32
    %dma_start3A_31 = tpu.memref_slice %arg2[%dma_start3A_29, %dma_start3A_30] : memref<10000x64xf32, #tpu.memory_space<hbm>> -> memref<10000x64xf32, #tpu.memory_space<hbm>>
    tpu.enqueue_indirect_dma source(%dma_start3A_31 : memref<10000x64xf32, #tpu.memory_space<hbm>>) target(%arg12 : memref<80x64xf32, #tpu.memory_space<vmem>>) offsets(%dma_start3A_28 : memref<80xi32, #tpu.memory_space<vmem>>) semaphore(%arg24 : memref<!tpu.dma_semaphore, #tpu.memory_space<semaphore_mem>>)
    %dma_start3A_32 = arith.constant 4 : i32
    %dma_start3A_33 = arith.constant 0 : i32
    %dma_start3A_34 = tpu.memref_slice %arg7[%dma_start3A_32, %dma_start3A_33] : memref<125x80xi32, #tpu.memory_space<vmem>> -> memref<1x80xi32, #tpu.memory_space<vmem>>
    %dma_start3A_35 = tpu.memref_squeeze %dma_start3A_34 : memref<1x80xi32, #tpu.memory_space<vmem>> -> memref<80xi32, #tpu.memory_space<vmem>>
    %dma_start3A_36 = arith.constant 0 : i32
    %dma_start3A_37 = arith.constant 0 : i32
    %dma_start3A_38 = tpu.memref_slice %arg2[%dma_start3A_36, %dma_start3A_37] : memref<10000x64xf32, #tpu.memory_space<hbm>> -> memref<10000x64xf32, #tpu.memory_space<hbm>>
    tpu.enqueue_indirect_dma source(%dma_start3A_38 : memref<10000x64xf32, #tpu.memory_space<hbm>>) target(%arg13 : memref<80x64xf32, #tpu.memory_space<vmem>>) offsets(%dma_start3A_35 : memref<80xi32, #tpu.memory_space<vmem>>) semaphore(%arg25 : memref<!tpu.dma_semaphore, #tpu.memory_space<semaphore_mem>>)
    %dma_start3A_39 = arith.constant 5 : i32
    %dma_start3A_40 = arith.constant 0 : i32
    %dma_start3A_41 = tpu.memref_slice %arg7[%dma_start3A_39, %dma_start3A_40] : memref<125x80xi32, #tpu.memory_space<vmem>> -> memref<1x80xi32, #tpu.memory_space<vmem>>
    %dma_start3A_42 = tpu.memref_squeeze %dma_start3A_41 : memref<1x80xi32, #tpu.memory_space<vmem>> -> memref<80xi32, #tpu.memory_space<vmem>>
    %dma_start3A_43 = arith.constant 0 : i32
    %dma_start3A_44 = arith.constant 0 : i32
    %dma_start3A_45 = tpu.memref_slice %arg2[%dma_start3A_43, %dma_start3A_44] : memref<10000x64xf32, #tpu.memory_space<hbm>> -> memref<10000x64xf32, #tpu.memory_space<hbm>>
    tpu.enqueue_indirect_dma source(%dma_start3A_45 : memref<10000x64xf32, #tpu.memory_space<hbm>>) target(%arg14 : memref<80x64xf32, #tpu.memory_space<vmem>>) offsets(%dma_start3A_42 : memref<80xi32, #tpu.memory_space<vmem>>) semaphore(%arg26 : memref<!tpu.dma_semaphore, #tpu.memory_space<semaphore_mem>>)
    %dma_start3A_46 = arith.constant 6 : i32
    %dma_start3A_47 = arith.constant 0 : i32
    %dma_start3A_48 = tpu.memref_slice %arg7[%dma_start3A_46, %dma_start3A_47] : memref<125x80xi32, #tpu.memory_space<vmem>> -> memref<1x80xi32, #tpu.memory_space<vmem>>
    %dma_start3A_49 = tpu.memref_squeeze %dma_start3A_48 : memref<1x80xi32, #tpu.memory_space<vmem>> -> memref<80xi32, #tpu.memory_space<vmem>>
    %dma_start3A_50 = arith.constant 0 : i32
    %dma_start3A_51 = arith.constant 0 : i32
    %dma_start3A_52 = tpu.memref_slice %arg2[%dma_start3A_50, %dma_start3A_51] : memref<10000x64xf32, #tpu.memory_space<hbm>> -> memref<10000x64xf32, #tpu.memory_space<hbm>>
    tpu.enqueue_indirect_dma source(%dma_start3A_52 : memref<10000x64xf32, #tpu.memory_space<hbm>>) target(%arg15 : memref<80x64xf32, #tpu.memory_space<vmem>>) offsets(%dma_start3A_49 : memref<80xi32, #tpu.memory_space<vmem>>) semaphore(%arg27 : memref<!tpu.dma_semaphore, #tpu.memory_space<semaphore_mem>>)
    %dma_start3A_53 = arith.constant 7 : i32
    %dma_start3A_54 = arith.constant 0 : i32
    %dma_start3A_55 = tpu.memref_slice %arg7[%dma_start3A_53, %dma_start3A_54] : memref<125x80xi32, #tpu.memory_space<vmem>> -> memref<1x80xi32, #tpu.memory_space<vmem>>
    %dma_start3A_56 = tpu.memref_squeeze %dma_start3A_55 : memref<1x80xi32, #tpu.memory_space<vmem>> -> memref<80xi32, #tpu.memory_space<vmem>>
    %dma_start3A_57 = arith.constant 0 : i32
    %dma_start3A_58 = arith.constant 0 : i32
    %dma_start3A_59 = tpu.memref_slice %arg2[%dma_start3A_57, %dma_start3A_58] : memref<10000x64xf32, #tpu.memory_space<hbm>> -> memref<10000x64xf32, #tpu.memory_space<hbm>>
    tpu.enqueue_indirect_dma source(%dma_start3A_59 : memref<10000x64xf32, #tpu.memory_space<hbm>>) target(%arg16 : memref<80x64xf32, #tpu.memory_space<vmem>>) offsets(%dma_start3A_56 : memref<80xi32, #tpu.memory_space<vmem>>) semaphore(%arg28 : memref<!tpu.dma_semaphore, #tpu.memory_space<semaphore_mem>>)
    %dma_start3A_60 = arith.constant 8 : i32
    %dma_start3A_61 = arith.constant 0 : i32
    %dma_start3A_62 = tpu.memref_slice %arg7[%dma_start3A_60, %dma_start3A_61] : memref<125x80xi32, #tpu.memory_space<vmem>> -> memref<1x80xi32, #tpu.memory_space<vmem>>
    %dma_start3A_63 = tpu.memref_squeeze %dma_start3A_62 : memref<1x80xi32, #tpu.memory_space<vmem>> -> memref<80xi32, #tpu.memory_space<vmem>>
    %dma_start3A_64 = arith.constant 0 : i32
    %dma_start3A_65 = arith.constant 0 : i32
    %dma_start3A_66 = tpu.memref_slice %arg2[%dma_start3A_64, %dma_start3A_65] : memref<10000x64xf32, #tpu.memory_space<hbm>> -> memref<10000x64xf32, #tpu.memory_space<hbm>>
    tpu.enqueue_indirect_dma source(%dma_start3A_66 : memref<10000x64xf32, #tpu.memory_space<hbm>>) target(%arg17 : memref<80x64xf32, #tpu.memory_space<vmem>>) offsets(%dma_start3A_63 : memref<80xi32, #tpu.memory_space<vmem>>) semaphore(%arg29 : memref<!tpu.dma_semaphore, #tpu.memory_space<semaphore_mem>>)
    %dma_start3A_67 = arith.constant 9 : i32
    %dma_start3A_68 = arith.constant 0 : i32
    %dma_start3A_69 = tpu.memref_slice %arg7[%dma_start3A_67, %dma_start3A_68] : memref<125x80xi32, #tpu.memory_space<vmem>> -> memref<1x80xi32, #tpu.memory_space<vmem>>
    %dma_start3A_70 = tpu.memref_squeeze %dma_start3A_69 : memref<1x80xi32, #tpu.memory_space<vmem>> -> memref<80xi32, #tpu.memory_space<vmem>>
    %dma_start3A_71 = arith.constant 0 : i32
    %dma_start3A_72 = arith.constant 0 : i32
    %dma_start3A_73 = tpu.memref_slice %arg2[%dma_start3A_71, %dma_start3A_72] : memref<10000x64xf32, #tpu.memory_space<hbm>> -> memref<10000x64xf32, #tpu.memory_space<hbm>>
    tpu.enqueue_indirect_dma source(%dma_start3A_73 : memref<10000x64xf32, #tpu.memory_space<hbm>>) target(%arg18 : memref<80x64xf32, #tpu.memory_space<vmem>>) offsets(%dma_start3A_70 : memref<80xi32, #tpu.memory_space<vmem>>) semaphore(%arg30 : memref<!tpu.dma_semaphore, #tpu.memory_space<semaphore_mem>>)
    %dma_start3A_74 = arith.constant 10 : i32
    %dma_start3A_75 = arith.constant 0 : i32
    %dma_start3A_76 = tpu.memref_slice %arg7[%dma_start3A_74, %dma_start3A_75] : memref<125x80xi32, #tpu.memory_space<vmem>> -> memref<1x80xi32, #tpu.memory_space<vmem>>
    %dma_start3A_77 = tpu.memref_squeeze %dma_start3A_76 : memref<1x80xi32, #tpu.memory_space<vmem>> -> memref<80xi32, #tpu.memory_space<vmem>>
    %dma_start3A_78 = arith.constant 0 : i32
    %dma_start3A_79 = arith.constant 0 : i32
    %dma_start3A_80 = tpu.memref_slice %arg2[%dma_start3A_78, %dma_start3A_79] : memref<10000x64xf32, #tpu.memory_space<hbm>> -> memref<10000x64xf32, #tpu.memory_space<hbm>>
    tpu.enqueue_indirect_dma source(%dma_start3A_80 : memref<10000x64xf32, #tpu.memory_space<hbm>>) target(%arg19 : memref<80x64xf32, #tpu.memory_space<vmem>>) offsets(%dma_start3A_77 : memref<80xi32, #tpu.memory_space<vmem>>) semaphore(%arg31 : memref<!tpu.dma_semaphore, #tpu.memory_space<semaphore_mem>>)
    %dma_start3A_81 = arith.constant 11 : i32
    %dma_start3A_82 = arith.constant 0 : i32
    %dma_start3A_83 = tpu.memref_slice %arg7[%dma_start3A_81, %dma_start3A_82] : memref<125x80xi32, #tpu.memory_space<vmem>> -> memref<1x80xi32, #tpu.memory_space<vmem>>
    %dma_start3A_84 = tpu.memref_squeeze %dma_start3A_83 : memref<1x80xi32, #tpu.memory_space<vmem>> -> memref<80xi32, #tpu.memory_space<vmem>>
    %dma_start3A_85 = arith.constant 0 : i32
    %dma_start3A_86 = arith.constant 0 : i32
    %dma_start3A_87 = tpu.memref_slice %arg2[%dma_start3A_85, %dma_start3A_86] : memref<10000x64xf32, #tpu.memory_space<hbm>> -> memref<10000x64xf32, #tpu.memory_space<hbm>>
    tpu.enqueue_indirect_dma source(%dma_start3A_87 : memref<10000x64xf32, #tpu.memory_space<hbm>>) target(%arg20 : memref<80x64xf32, #tpu.memory_space<vmem>>) offsets(%dma_start3A_84 : memref<80xi32, #tpu.memory_space<vmem>>) semaphore(%arg32 : memref<!tpu.dma_semaphore, #tpu.memory_space<semaphore_mem>>)
    %scan3A = arith.constant 0 : i32
    %scan3A_88 = arith.constant 0 : i32
    %scan3A_89 = arith.constant 10 : i32
    %scan3A_90 = arith.addi %scan3A_88, %scan3A_89 : i32
    %scan3A_91 = arith.constant 1 : i32
    scf.for %scan3A_251 = %scan3A_88 to %scan3A_90 step %scan3A_91  : i32 {
      %mul3A_252 = arith.constant 12 : i32
      %mul3A_253 = arith.muli %scan3A_251, %mul3A_252 : i32
      %add3A_254 = arith.constant 0 : i32
      %add3A_255 = arith.addi %mul3A_253, %add3A_254 : i32
      %dma_wait3A_256 = arith.constant 0 : i32
      %dma_wait3A_257 = tpu.memref_slice %arg7[%add3A_255, %dma_wait3A_256] : memref<125x80xi32, #tpu.memory_space<vmem>> -> memref<1x80xi32, #tpu.memory_space<vmem>>
      %dma_wait3A_258 = tpu.memref_squeeze %dma_wait3A_257 : memref<1x80xi32, #tpu.memory_space<vmem>> -> memref<80xi32, #tpu.memory_space<vmem>>
      %dma_wait3A_259 = arith.constant 0 : i32
      %dma_wait3A_260 = arith.constant 0 : i32
      %dma_wait3A_261 = tpu.memref_slice %arg2[%dma_wait3A_259, %dma_wait3A_260] : memref<10000x64xf32, #tpu.memory_space<hbm>> -> memref<10000x64xf32, #tpu.memory_space<hbm>>
      tpu.wait_indirect_dma semaphore(%arg21 : memref<!tpu.dma_semaphore, #tpu.memory_space<semaphore_mem>>) src(%dma_wait3A_261 : memref<10000x64xf32, #tpu.memory_space<hbm>>) dst(%arg9 : memref<80x64xf32, #tpu.memory_space<vmem>>)
      %dma_start3A_262 = arith.constant 0 : i32
      %dma_start3A_263 = tpu.memref_slice %arg8[%add3A_255, %dma_start3A_262] : memref<125x80xi32, #tpu.memory_space<vmem>> -> memref<1x80xi32, #tpu.memory_space<vmem>>
      %dma_start3A_264 = tpu.memref_squeeze %dma_start3A_263 : memref<1x80xi32, #tpu.memory_space<vmem>> -> memref<80xi32, #tpu.memory_space<vmem>>
      %dma_start3A_265 = arith.constant 0 : i32
      %dma_start3A_266 = arith.constant 0 : i32
      %dma_start3A_267 = tpu.memref_slice %arg45[%dma_start3A_265, %dma_start3A_266] : memref<10000x64xf32, #tpu.memory_space<vmem_shared>> -> memref<10000x64xf32, #tpu.memory_space<vmem_shared>>
      tpu.enqueue_indirect_dma source(%arg9 : memref<80x64xf32, #tpu.memory_space<vmem>>) target(%dma_start3A_267 : memref<10000x64xf32, #tpu.memory_space<vmem_shared>>) offsets(%dma_start3A_264 : memref<80xi32, #tpu.memory_space<vmem>>) semaphore(%arg33 : memref<!tpu.dma_semaphore, #tpu.memory_space<semaphore_mem>>) {add = true}
      %mul3A_268 = arith.constant 12 : i32
      %mul3A_269 = arith.muli %scan3A_251, %mul3A_268 : i32
      %add3A_270 = arith.constant 1 : i32
      %add3A_271 = arith.addi %mul3A_269, %add3A_270 : i32
      %dma_wait3A_272 = arith.constant 0 : i32
      %dma_wait3A_273 = tpu.memref_slice %arg7[%add3A_271, %dma_wait3A_272] : memref<125x80xi32, #tpu.memory_space<vmem>> -> memref<1x80xi32, #tpu.memory_space<vmem>>
      %dma_wait3A_274 = tpu.memref_squeeze %dma_wait3A_273 : memref<1x80xi32, #tpu.memory_space<vmem>> -> memref<80xi32, #tpu.memory_space<vmem>>
      %dma_wait3A_275 = arith.constant 0 : i32
      %dma_wait3A_276 = arith.constant 0 : i32
      %dma_wait3A_277 = tpu.memref_slice %arg2[%dma_wait3A_275, %dma_wait3A_276] : memref<10000x64xf32, #tpu.memory_space<hbm>> -> memref<10000x64xf32, #tpu.memory_space<hbm>>
      tpu.wait_indirect_dma semaphore(%arg22 : memref<!tpu.dma_semaphore, #tpu.memory_space<semaphore_mem>>) src(%dma_wait3A_277 : memref<10000x64xf32, #tpu.memory_space<hbm>>) dst(%arg10 : memref<80x64xf32, #tpu.memory_space<vmem>>)
      %dma_start3A_278 = arith.constant 0 : i32
      %dma_start3A_279 = tpu.memref_slice %arg8[%add3A_271, %dma_start3A_278] : memref<125x80xi32, #tpu.memory_space<vmem>> -> memref<1x80xi32, #tpu.memory_space<vmem>>
      %dma_start3A_280 = tpu.memref_squeeze %dma_start3A_279 : memref<1x80xi32, #tpu.memory_space<vmem>> -> memref<80xi32, #tpu.memory_space<vmem>>
      %dma_start3A_281 = arith.constant 0 : i32
      %dma_start3A_282 = arith.constant 0 : i32
      %dma_start3A_283 = tpu.memref_slice %arg45[%dma_start3A_281, %dma_start3A_282] : memref<10000x64xf32, #tpu.memory_space<vmem_shared>> -> memref<10000x64xf32, #tpu.memory_space<vmem_shared>>
      tpu.enqueue_indirect_dma source(%arg10 : memref<80x64xf32, #tpu.memory_space<vmem>>) target(%dma_start3A_283 : memref<10000x64xf32, #tpu.memory_space<vmem_shared>>) offsets(%dma_start3A_280 : memref<80xi32, #tpu.memory_space<vmem>>) semaphore(%arg34 : memref<!tpu.dma_semaphore, #tpu.memory_space<semaphore_mem>>) {add = true}
      %mul3A_284 = arith.constant 12 : i32
      %mul3A_285 = arith.muli %scan3A_251, %mul3A_284 : i32
      %add3A_286 = arith.constant 2 : i32
      %add3A_287 = arith.addi %mul3A_285, %add3A_286 : i32
      %dma_wait3A_288 = arith.constant 0 : i32
      %dma_wait3A_289 = tpu.memref_slice %arg7[%add3A_287, %dma_wait3A_288] : memref<125x80xi32, #tpu.memory_space<vmem>> -> memref<1x80xi32, #tpu.memory_space<vmem>>
      %dma_wait3A_290 = tpu.memref_squeeze %dma_wait3A_289 : memref<1x80xi32, #tpu.memory_space<vmem>> -> memref<80xi32, #tpu.memory_space<vmem>>
      %dma_wait3A_291 = arith.constant 0 : i32
      %dma_wait3A_292 = arith.constant 0 : i32
      %dma_wait3A_293 = tpu.memref_slice %arg2[%dma_wait3A_291, %dma_wait3A_292] : memref<10000x64xf32, #tpu.memory_space<hbm>> -> memref<10000x64xf32, #tpu.memory_space<hbm>>
      tpu.wait_indirect_dma semaphore(%arg23 : memref<!tpu.dma_semaphore, #tpu.memory_space<semaphore_mem>>) src(%dma_wait3A_293 : memref<10000x64xf32, #tpu.memory_space<hbm>>) dst(%arg11 : memref<80x64xf32, #tpu.memory_space<vmem>>)
      %dma_start3A_294 = arith.constant 0 : i32
      %dma_start3A_295 = tpu.memref_slice %arg8[%add3A_287, %dma_start3A_294] : memref<125x80xi32, #tpu.memory_space<vmem>> -> memref<1x80xi32, #tpu.memory_space<vmem>>
      %dma_start3A_296 = tpu.memref_squeeze %dma_start3A_295 : memref<1x80xi32, #tpu.memory_space<vmem>> -> memref<80xi32, #tpu.memory_space<vmem>>
      %dma_start3A_297 = arith.constant 0 : i32
      %dma_start3A_298 = arith.constant 0 : i32
      %dma_start3A_299 = tpu.memref_slice %arg45[%dma_start3A_297, %dma_start3A_298] : memref<10000x64xf32, #tpu.memory_space<vmem_shared>> -> memref<10000x64xf32, #tpu.memory_space<vmem_shared>>
      tpu.enqueue_indirect_dma source(%arg11 : memref<80x64xf32, #tpu.memory_space<vmem>>) target(%dma_start3A_299 : memref<10000x64xf32, #tpu.memory_space<vmem_shared>>) offsets(%dma_start3A_296 : memref<80xi32, #tpu.memory_space<vmem>>) semaphore(%arg35 : memref<!tpu.dma_semaphore, #tpu.memory_space<semaphore_mem>>) {add = true}
      %mul3A_300 = arith.constant 12 : i32
      %mul3A_301 = arith.muli %scan3A_251, %mul3A_300 : i32
      %add3A_302 = arith.constant 3 : i32
      %add3A_303 = arith.addi %mul3A_301, %add3A_302 : i32
      %dma_wait3A_304 = arith.constant 0 : i32
      %dma_wait3A_305 = tpu.memref_slice %arg7[%add3A_303, %dma_wait3A_304] : memref<125x80xi32, #tpu.memory_space<vmem>> -> memref<1x80xi32, #tpu.memory_space<vmem>>
      %dma_wait3A_306 = tpu.memref_squeeze %dma_wait3A_305 : memref<1x80xi32, #tpu.memory_space<vmem>> -> memref<80xi32, #tpu.memory_space<vmem>>
      %dma_wait3A_307 = arith.constant 0 : i32
      %dma_wait3A_308 = arith.constant 0 : i32
      %dma_wait3A_309 = tpu.memref_slice %arg2[%dma_wait3A_307, %dma_wait3A_308] : memref<10000x64xf32, #tpu.memory_space<hbm>> -> memref<10000x64xf32, #tpu.memory_space<hbm>>
      tpu.wait_indirect_dma semaphore(%arg24 : memref<!tpu.dma_semaphore, #tpu.memory_space<semaphore_mem>>) src(%dma_wait3A_309 : memref<10000x64xf32, #tpu.memory_space<hbm>>) dst(%arg12 : memref<80x64xf32, #tpu.memory_space<vmem>>)
      %dma_start3A_310 = arith.constant 0 : i32
      %dma_start3A_311 = tpu.memref_slice %arg8[%add3A_303, %dma_start3A_310] : memref<125x80xi32, #tpu.memory_space<vmem>> -> memref<1x80xi32, #tpu.memory_space<vmem>>
      %dma_start3A_312 = tpu.memref_squeeze %dma_start3A_311 : memref<1x80xi32, #tpu.memory_space<vmem>> -> memref<80xi32, #tpu.memory_space<vmem>>
      %dma_start3A_313 = arith.constant 0 : i32
      %dma_start3A_314 = arith.constant 0 : i32
      %dma_start3A_315 = tpu.memref_slice %arg45[%dma_start3A_313, %dma_start3A_314] : memref<10000x64xf32, #tpu.memory_space<vmem_shared>> -> memref<10000x64xf32, #tpu.memory_space<vmem_shared>>
      tpu.enqueue_indirect_dma source(%arg12 : memref<80x64xf32, #tpu.memory_space<vmem>>) target(%dma_start3A_315 : memref<10000x64xf32, #tpu.memory_space<vmem_shared>>) offsets(%dma_start3A_312 : memref<80xi32, #tpu.memory_space<vmem>>) semaphore(%arg36 : memref<!tpu.dma_semaphore, #tpu.memory_space<semaphore_mem>>) {add = true}
      %mul3A_316 = arith.constant 12 : i32
      %mul3A_317 = arith.muli %scan3A_251, %mul3A_316 : i32
      %add3A_318 = arith.constant 4 : i32
      %add3A_319 = arith.addi %mul3A_317, %add3A_318 : i32
      %dma_wait3A_320 = arith.constant 0 : i32
      %dma_wait3A_321 = tpu.memref_slice %arg7[%add3A_319, %dma_wait3A_320] : memref<125x80xi32, #tpu.memory_space<vmem>> -> memref<1x80xi32, #tpu.memory_space<vmem>>
      %dma_wait3A_322 = tpu.memref_squeeze %dma_wait3A_321 : memref<1x80xi32, #tpu.memory_space<vmem>> -> memref<80xi32, #tpu.memory_space<vmem>>
      %dma_wait3A_323 = arith.constant 0 : i32
      %dma_wait3A_324 = arith.constant 0 : i32
      %dma_wait3A_325 = tpu.memref_slice %arg2[%dma_wait3A_323, %dma_wait3A_324] : memref<10000x64xf32, #tpu.memory_space<hbm>> -> memref<10000x64xf32, #tpu.memory_space<hbm>>
      tpu.wait_indirect_dma semaphore(%arg25 : memref<!tpu.dma_semaphore, #tpu.memory_space<semaphore_mem>>) src(%dma_wait3A_325 : memref<10000x64xf32, #tpu.memory_space<hbm>>) dst(%arg13 : memref<80x64xf32, #tpu.memory_space<vmem>>)
      %dma_start3A_326 = arith.constant 0 : i32
      %dma_start3A_327 = tpu.memref_slice %arg8[%add3A_319, %dma_start3A_326] : memref<125x80xi32, #tpu.memory_space<vmem>> -> memref<1x80xi32, #tpu.memory_space<vmem>>
      %dma_start3A_328 = tpu.memref_squeeze %dma_start3A_327 : memref<1x80xi32, #tpu.memory_space<vmem>> -> memref<80xi32, #tpu.memory_space<vmem>>
      %dma_start3A_329 = arith.constant 0 : i32
      %dma_start3A_330 = arith.constant 0 : i32
      %dma_start3A_331 = tpu.memref_slice %arg45[%dma_start3A_329, %dma_start3A_330] : memref<10000x64xf32, #tpu.memory_space<vmem_shared>> -> memref<10000x64xf32, #tpu.memory_space<vmem_shared>>
      tpu.enqueue_indirect_dma source(%arg13 : memref<80x64xf32, #tpu.memory_space<vmem>>) target(%dma_start3A_331 : memref<10000x64xf32, #tpu.memory_space<vmem_shared>>) offsets(%dma_start3A_328 : memref<80xi32, #tpu.memory_space<vmem>>) semaphore(%arg37 : memref<!tpu.dma_semaphore, #tpu.memory_space<semaphore_mem>>) {add = true}
      %mul3A_332 = arith.constant 12 : i32
      %mul3A_333 = arith.muli %scan3A_251, %mul3A_332 : i32
      %add3A_334 = arith.constant 5 : i32
      %add3A_335 = arith.addi %mul3A_333, %add3A_334 : i32
      %dma_wait3A_336 = arith.constant 0 : i32
      %dma_wait3A_337 = tpu.memref_slice %arg7[%add3A_335, %dma_wait3A_336] : memref<125x80xi32, #tpu.memory_space<vmem>> -> memref<1x80xi32, #tpu.memory_space<vmem>>
      %dma_wait3A_338 = tpu.memref_squeeze %dma_wait3A_337 : memref<1x80xi32, #tpu.memory_space<vmem>> -> memref<80xi32, #tpu.memory_space<vmem>>
      %dma_wait3A_339 = arith.constant 0 : i32
      %dma_wait3A_340 = arith.constant 0 : i32
      %dma_wait3A_341 = tpu.memref_slice %arg2[%dma_wait3A_339, %dma_wait3A_340] : memref<10000x64xf32, #tpu.memory_space<hbm>> -> memref<10000x64xf32, #tpu.memory_space<hbm>>
      tpu.wait_indirect_dma semaphore(%arg26 : memref<!tpu.dma_semaphore, #tpu.memory_space<semaphore_mem>>) src(%dma_wait3A_341 : memref<10000x64xf32, #tpu.memory_space<hbm>>) dst(%arg14 : memref<80x64xf32, #tpu.memory_space<vmem>>)
      %dma_start3A_342 = arith.constant 0 : i32
      %dma_start3A_343 = tpu.memref_slice %arg8[%add3A_335, %dma_start3A_342] : memref<125x80xi32, #tpu.memory_space<vmem>> -> memref<1x80xi32, #tpu.memory_space<vmem>>
      %dma_start3A_344 = tpu.memref_squeeze %dma_start3A_343 : memref<1x80xi32, #tpu.memory_space<vmem>> -> memref<80xi32, #tpu.memory_space<vmem>>
      %dma_start3A_345 = arith.constant 0 : i32
      %dma_start3A_346 = arith.constant 0 : i32
      %dma_start3A_347 = tpu.memref_slice %arg45[%dma_start3A_345, %dma_start3A_346] : memref<10000x64xf32, #tpu.memory_space<vmem_shared>> -> memref<10000x64xf32, #tpu.memory_space<vmem_shared>>
      tpu.enqueue_indirect_dma source(%arg14 : memref<80x64xf32, #tpu.memory_space<vmem>>) target(%dma_start3A_347 : memref<10000x64xf32, #tpu.memory_space<vmem_shared>>) offsets(%dma_start3A_344 : memref<80xi32, #tpu.memory_space<vmem>>) semaphore(%arg38 : memref<!tpu.dma_semaphore, #tpu.memory_space<semaphore_mem>>) {add = true}
      %mul3A_348 = arith.constant 12 : i32
      %mul3A_349 = arith.muli %scan3A_251, %mul3A_348 : i32
      %add3A_350 = arith.constant 6 : i32
      %add3A_351 = arith.addi %mul3A_349, %add3A_350 : i32
      %dma_wait3A_352 = arith.constant 0 : i32
      %dma_wait3A_353 = tpu.memref_slice %arg7[%add3A_351, %dma_wait3A_352] : memref<125x80xi32, #tpu.memory_space<vmem>> -> memref<1x80xi32, #tpu.memory_space<vmem>>
      %dma_wait3A_354 = tpu.memref_squeeze %dma_wait3A_353 : memref<1x80xi32, #tpu.memory_space<vmem>> -> memref<80xi32, #tpu.memory_space<vmem>>
      %dma_wait3A_355 = arith.constant 0 : i32
      %dma_wait3A_356 = arith.constant 0 : i32
      %dma_wait3A_357 = tpu.memref_slice %arg2[%dma_wait3A_355, %dma_wait3A_356] : memref<10000x64xf32, #tpu.memory_space<hbm>> -> memref<10000x64xf32, #tpu.memory_space<hbm>>
      tpu.wait_indirect_dma semaphore(%arg27 : memref<!tpu.dma_semaphore, #tpu.memory_space<semaphore_mem>>) src(%dma_wait3A_357 : memref<10000x64xf32, #tpu.memory_space<hbm>>) dst(%arg15 : memref<80x64xf32, #tpu.memory_space<vmem>>)
      %dma_start3A_358 = arith.constant 0 : i32
      %dma_start3A_359 = tpu.memref_slice %arg8[%add3A_351, %dma_start3A_358] : memref<125x80xi32, #tpu.memory_space<vmem>> -> memref<1x80xi32, #tpu.memory_space<vmem>>
      %dma_start3A_360 = tpu.memref_squeeze %dma_start3A_359 : memref<1x80xi32, #tpu.memory_space<vmem>> -> memref<80xi32, #tpu.memory_space<vmem>>
      %dma_start3A_361 = arith.constant 0 : i32
      %dma_start3A_362 = arith.constant 0 : i32
      %dma_start3A_363 = tpu.memref_slice %arg45[%dma_start3A_361, %dma_start3A_362] : memref<10000x64xf32, #tpu.memory_space<vmem_shared>> -> memref<10000x64xf32, #tpu.memory_space<vmem_shared>>
      tpu.enqueue_indirect_dma source(%arg15 : memref<80x64xf32, #tpu.memory_space<vmem>>) target(%dma_start3A_363 : memref<10000x64xf32, #tpu.memory_space<vmem_shared>>) offsets(%dma_start3A_360 : memref<80xi32, #tpu.memory_space<vmem>>) semaphore(%arg39 : memref<!tpu.dma_semaphore, #tpu.memory_space<semaphore_mem>>) {add = true}
      %mul3A_364 = arith.constant 12 : i32
      %mul3A_365 = arith.muli %scan3A_251, %mul3A_364 : i32
      %add3A_366 = arith.constant 7 : i32
      %add3A_367 = arith.addi %mul3A_365, %add3A_366 : i32
      %dma_wait3A_368 = arith.constant 0 : i32
      %dma_wait3A_369 = tpu.memref_slice %arg7[%add3A_367, %dma_wait3A_368] : memref<125x80xi32, #tpu.memory_space<vmem>> -> memref<1x80xi32, #tpu.memory_space<vmem>>
      %dma_wait3A_370 = tpu.memref_squeeze %dma_wait3A_369 : memref<1x80xi32, #tpu.memory_space<vmem>> -> memref<80xi32, #tpu.memory_space<vmem>>
      %dma_wait3A_371 = arith.constant 0 : i32
      %dma_wait3A_372 = arith.constant 0 : i32
      %dma_wait3A_373 = tpu.memref_slice %arg2[%dma_wait3A_371, %dma_wait3A_372] : memref<10000x64xf32, #tpu.memory_space<hbm>> -> memref<10000x64xf32, #tpu.memory_space<hbm>>
      tpu.wait_indirect_dma semaphore(%arg28 : memref<!tpu.dma_semaphore, #tpu.memory_space<semaphore_mem>>) src(%dma_wait3A_373 : memref<10000x64xf32, #tpu.memory_space<hbm>>) dst(%arg16 : memref<80x64xf32, #tpu.memory_space<vmem>>)
      %dma_start3A_374 = arith.constant 0 : i32
      %dma_start3A_375 = tpu.memref_slice %arg8[%add3A_367, %dma_start3A_374] : memref<125x80xi32, #tpu.memory_space<vmem>> -> memref<1x80xi32, #tpu.memory_space<vmem>>
      %dma_start3A_376 = tpu.memref_squeeze %dma_start3A_375 : memref<1x80xi32, #tpu.memory_space<vmem>> -> memref<80xi32, #tpu.memory_space<vmem>>
      %dma_start3A_377 = arith.constant 0 : i32
      %dma_start3A_378 = arith.constant 0 : i32
      %dma_start3A_379 = tpu.memref_slice %arg45[%dma_start3A_377, %dma_start3A_378] : memref<10000x64xf32, #tpu.memory_space<vmem_shared>> -> memref<10000x64xf32, #tpu.memory_space<vmem_shared>>
      tpu.enqueue_indirect_dma source(%arg16 : memref<80x64xf32, #tpu.memory_space<vmem>>) target(%dma_start3A_379 : memref<10000x64xf32, #tpu.memory_space<vmem_shared>>) offsets(%dma_start3A_376 : memref<80xi32, #tpu.memory_space<vmem>>) semaphore(%arg40 : memref<!tpu.dma_semaphore, #tpu.memory_space<semaphore_mem>>) {add = true}
      %mul3A_380 = arith.constant 12 : i32
      %mul3A_381 = arith.muli %scan3A_251, %mul3A_380 : i32
      %add3A_382 = arith.constant 8 : i32
      %add3A_383 = arith.addi %mul3A_381, %add3A_382 : i32
      %dma_wait3A_384 = arith.constant 0 : i32
      %dma_wait3A_385 = tpu.memref_slice %arg7[%add3A_383, %dma_wait3A_384] : memref<125x80xi32, #tpu.memory_space<vmem>> -> memref<1x80xi32, #tpu.memory_space<vmem>>
      %dma_wait3A_386 = tpu.memref_squeeze %dma_wait3A_385 : memref<1x80xi32, #tpu.memory_space<vmem>> -> memref<80xi32, #tpu.memory_space<vmem>>
      %dma_wait3A_387 = arith.constant 0 : i32
      %dma_wait3A_388 = arith.constant 0 : i32
      %dma_wait3A_389 = tpu.memref_slice %arg2[%dma_wait3A_387, %dma_wait3A_388] : memref<10000x64xf32, #tpu.memory_space<hbm>> -> memref<10000x64xf32, #tpu.memory_space<hbm>>
      tpu.wait_indirect_dma semaphore(%arg29 : memref<!tpu.dma_semaphore, #tpu.memory_space<semaphore_mem>>) src(%dma_wait3A_389 : memref<10000x64xf32, #tpu.memory_space<hbm>>) dst(%arg17 : memref<80x64xf32, #tpu.memory_space<vmem>>)
      %dma_start3A_390 = arith.constant 0 : i32
      %dma_start3A_391 = tpu.memref_slice %arg8[%add3A_383, %dma_start3A_390] : memref<125x80xi32, #tpu.memory_space<vmem>> -> memref<1x80xi32, #tpu.memory_space<vmem>>
      %dma_start3A_392 = tpu.memref_squeeze %dma_start3A_391 : memref<1x80xi32, #tpu.memory_space<vmem>> -> memref<80xi32, #tpu.memory_space<vmem>>
      %dma_start3A_393 = arith.constant 0 : i32
      %dma_start3A_394 = arith.constant 0 : i32
      %dma_start3A_395 = tpu.memref_slice %arg45[%dma_start3A_393, %dma_start3A_394] : memref<10000x64xf32, #tpu.memory_space<vmem_shared>> -> memref<10000x64xf32, #tpu.memory_space<vmem_shared>>
      tpu.enqueue_indirect_dma source(%arg17 : memref<80x64xf32, #tpu.memory_space<vmem>>) target(%dma_start3A_395 : memref<10000x64xf32, #tpu.memory_space<vmem_shared>>) offsets(%dma_start3A_392 : memref<80xi32, #tpu.memory_space<vmem>>) semaphore(%arg41 : memref<!tpu.dma_semaphore, #tpu.memory_space<semaphore_mem>>) {add = true}
      %mul3A_396 = arith.constant 12 : i32
      %mul3A_397 = arith.muli %scan3A_251, %mul3A_396 : i32
      %add3A_398 = arith.constant 9 : i32
      %add3A_399 = arith.addi %mul3A_397, %add3A_398 : i32
      %dma_wait3A_400 = arith.constant 0 : i32
      %dma_wait3A_401 = tpu.memref_slice %arg7[%add3A_399, %dma_wait3A_400] : memref<125x80xi32, #tpu.memory_space<vmem>> -> memref<1x80xi32, #tpu.memory_space<vmem>>
      %dma_wait3A_402 = tpu.memref_squeeze %dma_wait3A_401 : memref<1x80xi32, #tpu.memory_space<vmem>> -> memref<80xi32, #tpu.memory_space<vmem>>
      %dma_wait3A_403 = arith.constant 0 : i32
      %dma_wait3A_404 = arith.constant 0 : i32
      %dma_wait3A_405 = tpu.memref_slice %arg2[%dma_wait3A_403, %dma_wait3A_404] : memref<10000x64xf32, #tpu.memory_space<hbm>> -> memref<10000x64xf32, #tpu.memory_space<hbm>>
      tpu.wait_indirect_dma semaphore(%arg30 : memref<!tpu.dma_semaphore, #tpu.memory_space<semaphore_mem>>) src(%dma_wait3A_405 : memref<10000x64xf32, #tpu.memory_space<hbm>>) dst(%arg18 : memref<80x64xf32, #tpu.memory_space<vmem>>)
      %dma_start3A_406 = arith.constant 0 : i32
      %dma_start3A_407 = tpu.memref_slice %arg8[%add3A_399, %dma_start3A_406] : memref<125x80xi32, #tpu.memory_space<vmem>> -> memref<1x80xi32, #tpu.memory_space<vmem>>
      %dma_start3A_408 = tpu.memref_squeeze %dma_start3A_407 : memref<1x80xi32, #tpu.memory_space<vmem>> -> memref<80xi32, #tpu.memory_space<vmem>>
      %dma_start3A_409 = arith.constant 0 : i32
      %dma_start3A_410 = arith.constant 0 : i32
      %dma_start3A_411 = tpu.memref_slice %arg45[%dma_start3A_409, %dma_start3A_410] : memref<10000x64xf32, #tpu.memory_space<vmem_shared>> -> memref<10000x64xf32, #tpu.memory_space<vmem_shared>>
      tpu.enqueue_indirect_dma source(%arg18 : memref<80x64xf32, #tpu.memory_space<vmem>>) target(%dma_start3A_411 : memref<10000x64xf32, #tpu.memory_space<vmem_shared>>) offsets(%dma_start3A_408 : memref<80xi32, #tpu.memory_space<vmem>>) semaphore(%arg42 : memref<!tpu.dma_semaphore, #tpu.memory_space<semaphore_mem>>) {add = true}
      %mul3A_412 = arith.constant 12 : i32
      %mul3A_413 = arith.muli %scan3A_251, %mul3A_412 : i32
      %add3A_414 = arith.constant 10 : i32
      %add3A_415 = arith.addi %mul3A_413, %add3A_414 : i32
      %dma_wait3A_416 = arith.constant 0 : i32
      %dma_wait3A_417 = tpu.memref_slice %arg7[%add3A_415, %dma_wait3A_416] : memref<125x80xi32, #tpu.memory_space<vmem>> -> memref<1x80xi32, #tpu.memory_space<vmem>>
      %dma_wait3A_418 = tpu.memref_squeeze %dma_wait3A_417 : memref<1x80xi32, #tpu.memory_space<vmem>> -> memref<80xi32, #tpu.memory_space<vmem>>
      %dma_wait3A_419 = arith.constant 0 : i32
      %dma_wait3A_420 = arith.constant 0 : i32
      %dma_wait3A_421 = tpu.memref_slice %arg2[%dma_wait3A_419, %dma_wait3A_420] : memref<10000x64xf32, #tpu.memory_space<hbm>> -> memref<10000x64xf32, #tpu.memory_space<hbm>>
      tpu.wait_indirect_dma semaphore(%arg31 : memref<!tpu.dma_semaphore, #tpu.memory_space<semaphore_mem>>) src(%dma_wait3A_421 : memref<10000x64xf32, #tpu.memory_space<hbm>>) dst(%arg19 : memref<80x64xf32, #tpu.memory_space<vmem>>)
      %dma_start3A_422 = arith.constant 0 : i32
      %dma_start3A_423 = tpu.memref_slice %arg8[%add3A_415, %dma_start3A_422] : memref<125x80xi32, #tpu.memory_space<vmem>> -> memref<1x80xi32, #tpu.memory_space<vmem>>
      %dma_start3A_424 = tpu.memref_squeeze %dma_start3A_423 : memref<1x80xi32, #tpu.memory_space<vmem>> -> memref<80xi32, #tpu.memory_space<vmem>>
      %dma_start3A_425 = arith.constant 0 : i32
      %dma_start3A_426 = arith.constant 0 : i32
      %dma_start3A_427 = tpu.memref_slice %arg45[%dma_start3A_425, %dma_start3A_426] : memref<10000x64xf32, #tpu.memory_space<vmem_shared>> -> memref<10000x64xf32, #tpu.memory_space<vmem_shared>>
      tpu.enqueue_indirect_dma source(%arg19 : memref<80x64xf32, #tpu.memory_space<vmem>>) target(%dma_start3A_427 : memref<10000x64xf32, #tpu.memory_space<vmem_shared>>) offsets(%dma_start3A_424 : memref<80xi32, #tpu.memory_space<vmem>>) semaphore(%arg43 : memref<!tpu.dma_semaphore, #tpu.memory_space<semaphore_mem>>) {add = true}
      %mul3A_428 = arith.constant 12 : i32
      %mul3A_429 = arith.muli %scan3A_251, %mul3A_428 : i32
      %add3A_430 = arith.constant 11 : i32
      %add3A_431 = arith.addi %mul3A_429, %add3A_430 : i32
      %dma_wait3A_432 = arith.constant 0 : i32
      %dma_wait3A_433 = tpu.memref_slice %arg7[%add3A_431, %dma_wait3A_432] : memref<125x80xi32, #tpu.memory_space<vmem>> -> memref<1x80xi32, #tpu.memory_space<vmem>>
      %dma_wait3A_434 = tpu.memref_squeeze %dma_wait3A_433 : memref<1x80xi32, #tpu.memory_space<vmem>> -> memref<80xi32, #tpu.memory_space<vmem>>
      %dma_wait3A_435 = arith.constant 0 : i32
      %dma_wait3A_436 = arith.constant 0 : i32
      %dma_wait3A_437 = tpu.memref_slice %arg2[%dma_wait3A_435, %dma_wait3A_436] : memref<10000x64xf32, #tpu.memory_space<hbm>> -> memref<10000x64xf32, #tpu.memory_space<hbm>>
      tpu.wait_indirect_dma semaphore(%arg32 : memref<!tpu.dma_semaphore, #tpu.memory_space<semaphore_mem>>) src(%dma_wait3A_437 : memref<10000x64xf32, #tpu.memory_space<hbm>>) dst(%arg20 : memref<80x64xf32, #tpu.memory_space<vmem>>)
      %dma_start3A_438 = arith.constant 0 : i32
      %dma_start3A_439 = tpu.memref_slice %arg8[%add3A_431, %dma_start3A_438] : memref<125x80xi32, #tpu.memory_space<vmem>> -> memref<1x80xi32, #tpu.memory_space<vmem>>
      %dma_start3A_440 = tpu.memref_squeeze %dma_start3A_439 : memref<1x80xi32, #tpu.memory_space<vmem>> -> memref<80xi32, #tpu.memory_space<vmem>>
      %dma_start3A_441 = arith.constant 0 : i32
      %dma_start3A_442 = arith.constant 0 : i32
      %dma_start3A_443 = tpu.memref_slice %arg45[%dma_start3A_441, %dma_start3A_442] : memref<10000x64xf32, #tpu.memory_space<vmem_shared>> -> memref<10000x64xf32, #tpu.memory_space<vmem_shared>>
      tpu.enqueue_indirect_dma source(%arg20 : memref<80x64xf32, #tpu.memory_space<vmem>>) target(%dma_start3A_443 : memref<10000x64xf32, #tpu.memory_space<vmem_shared>>) offsets(%dma_start3A_440 : memref<80xi32, #tpu.memory_space<vmem>>) semaphore(%arg44 : memref<!tpu.dma_semaphore, #tpu.memory_space<semaphore_mem>>) {add = true}
      %mul3A_444 = arith.constant 12 : i32
      %mul3A_445 = arith.muli %scan3A_251, %mul3A_444 : i32
      %add3A_446 = arith.constant 12 : i32
      %add3A_447 = arith.addi %mul3A_445, %add3A_446 : i32
      %add3A_448 = arith.constant 0 : i32
      %add3A_449 = arith.addi %add3A_447, %add3A_448 : i32
      %lt3A = arith.constant 125 : i32
      %lt3A_450 = arith.cmpi slt, %add3A_449, %lt3A : i32
      %convert_element_type3A = arith.extui %lt3A_450 : i1 to i32
      %cond3A = arith.constant 0 : i32
      %cond3A_451 = arith.cmpi ne, %convert_element_type3A, %cond3A : i32
      scf.if %cond3A_451 {
        %dma_wait3A_573 = arith.constant 0 : i32
        %dma_wait3A_574 = arith.constant 0 : i32
        %dma_wait3A_575 = tpu.memref_slice %arg8[%dma_wait3A_573, %dma_wait3A_574] : memref<125x80xi32, #tpu.memory_space<vmem>> -> memref<1x80xi32, #tpu.memory_space<vmem>>
        %dma_wait3A_576 = tpu.memref_squeeze %dma_wait3A_575 : memref<1x80xi32, #tpu.memory_space<vmem>> -> memref<80xi32, #tpu.memory_space<vmem>>
        %dma_wait3A_577 = arith.constant 0 : i32
        %dma_wait3A_578 = arith.constant 0 : i32
        %dma_wait3A_579 = tpu.memref_slice %arg45[%dma_wait3A_577, %dma_wait3A_578] : memref<10000x64xf32, #tpu.memory_space<vmem_shared>> -> memref<10000x64xf32, #tpu.memory_space<vmem_shared>>
        tpu.wait_indirect_dma semaphore(%arg33 : memref<!tpu.dma_semaphore, #tpu.memory_space<semaphore_mem>>) src(%arg9 : memref<80x64xf32, #tpu.memory_space<vmem>>) dst(%dma_wait3A_579 : memref<10000x64xf32, #tpu.memory_space<vmem_shared>>)
        %dma_start3A_580 = arith.constant 0 : i32
        %dma_start3A_581 = tpu.memref_slice %arg7[%add3A_449, %dma_start3A_580] : memref<125x80xi32, #tpu.memory_space<vmem>> -> memref<1x80xi32, #tpu.memory_space<vmem>>
        %dma_start3A_582 = tpu.memref_squeeze %dma_start3A_581 : memref<1x80xi32, #tpu.memory_space<vmem>> -> memref<80xi32, #tpu.memory_space<vmem>>
        %dma_start3A_583 = arith.constant 0 : i32
        %dma_start3A_584 = arith.constant 0 : i32
        %dma_start3A_585 = tpu.memref_slice %arg2[%dma_start3A_583, %dma_start3A_584] : memref<10000x64xf32, #tpu.memory_space<hbm>> -> memref<10000x64xf32, #tpu.memory_space<hbm>>
        tpu.enqueue_indirect_dma source(%dma_start3A_585 : memref<10000x64xf32, #tpu.memory_space<hbm>>) target(%arg9 : memref<80x64xf32, #tpu.memory_space<vmem>>) offsets(%dma_start3A_582 : memref<80xi32, #tpu.memory_space<vmem>>) semaphore(%arg21 : memref<!tpu.dma_semaphore, #tpu.memory_space<semaphore_mem>>)
      } else {
      }
      %mul3A_452 = arith.constant 12 : i32
      %mul3A_453 = arith.muli %scan3A_251, %mul3A_452 : i32
      %add3A_454 = arith.constant 12 : i32
      %add3A_455 = arith.addi %mul3A_453, %add3A_454 : i32
      %add3A_456 = arith.constant 1 : i32
      %add3A_457 = arith.addi %add3A_455, %add3A_456 : i32
      %lt3A_458 = arith.constant 125 : i32
      %lt3A_459 = arith.cmpi slt, %add3A_457, %lt3A_458 : i32
      %convert_element_type3A_460 = arith.extui %lt3A_459 : i1 to i32
      %cond3A_461 = arith.constant 0 : i32
      %cond3A_462 = arith.cmpi ne, %convert_element_type3A_460, %cond3A_461 : i32
      scf.if %cond3A_462 {
        %dma_wait3A_573 = arith.constant 0 : i32
        %dma_wait3A_574 = arith.constant 0 : i32
        %dma_wait3A_575 = tpu.memref_slice %arg8[%dma_wait3A_573, %dma_wait3A_574] : memref<125x80xi32, #tpu.memory_space<vmem>> -> memref<1x80xi32, #tpu.memory_space<vmem>>
        %dma_wait3A_576 = tpu.memref_squeeze %dma_wait3A_575 : memref<1x80xi32, #tpu.memory_space<vmem>> -> memref<80xi32, #tpu.memory_space<vmem>>
        %dma_wait3A_577 = arith.constant 0 : i32
        %dma_wait3A_578 = arith.constant 0 : i32
        %dma_wait3A_579 = tpu.memref_slice %arg45[%dma_wait3A_577, %dma_wait3A_578] : memref<10000x64xf32, #tpu.memory_space<vmem_shared>> -> memref<10000x64xf32, #tpu.memory_space<vmem_shared>>
        tpu.wait_indirect_dma semaphore(%arg34 : memref<!tpu.dma_semaphore, #tpu.memory_space<semaphore_mem>>) src(%arg10 : memref<80x64xf32, #tpu.memory_space<vmem>>) dst(%dma_wait3A_579 : memref<10000x64xf32, #tpu.memory_space<vmem_shared>>)
        %dma_start3A_580 = arith.constant 0 : i32
        %dma_start3A_581 = tpu.memref_slice %arg7[%add3A_457, %dma_start3A_580] : memref<125x80xi32, #tpu.memory_space<vmem>> -> memref<1x80xi32, #tpu.memory_space<vmem>>
        %dma_start3A_582 = tpu.memref_squeeze %dma_start3A_581 : memref<1x80xi32, #tpu.memory_space<vmem>> -> memref<80xi32, #tpu.memory_space<vmem>>
        %dma_start3A_583 = arith.constant 0 : i32
        %dma_start3A_584 = arith.constant 0 : i32
        %dma_start3A_585 = tpu.memref_slice %arg2[%dma_start3A_583, %dma_start3A_584] : memref<10000x64xf32, #tpu.memory_space<hbm>> -> memref<10000x64xf32, #tpu.memory_space<hbm>>
        tpu.enqueue_indirect_dma source(%dma_start3A_585 : memref<10000x64xf32, #tpu.memory_space<hbm>>) target(%arg10 : memref<80x64xf32, #tpu.memory_space<vmem>>) offsets(%dma_start3A_582 : memref<80xi32, #tpu.memory_space<vmem>>) semaphore(%arg22 : memref<!tpu.dma_semaphore, #tpu.memory_space<semaphore_mem>>)
      } else {
      }
      %mul3A_463 = arith.constant 12 : i32
      %mul3A_464 = arith.muli %scan3A_251, %mul3A_463 : i32
      %add3A_465 = arith.constant 12 : i32
      %add3A_466 = arith.addi %mul3A_464, %add3A_465 : i32
      %add3A_467 = arith.constant 2 : i32
      %add3A_468 = arith.addi %add3A_466, %add3A_467 : i32
      %lt3A_469 = arith.constant 125 : i32
      %lt3A_470 = arith.cmpi slt, %add3A_468, %lt3A_469 : i32
      %convert_element_type3A_471 = arith.extui %lt3A_470 : i1 to i32
      %cond3A_472 = arith.constant 0 : i32
      %cond3A_473 = arith.cmpi ne, %convert_element_type3A_471, %cond3A_472 : i32
      scf.if %cond3A_473 {
        %dma_wait3A_573 = arith.constant 0 : i32
        %dma_wait3A_574 = arith.constant 0 : i32
        %dma_wait3A_575 = tpu.memref_slice %arg8[%dma_wait3A_573, %dma_wait3A_574] : memref<125x80xi32, #tpu.memory_space<vmem>> -> memref<1x80xi32, #tpu.memory_space<vmem>>
        %dma_wait3A_576 = tpu.memref_squeeze %dma_wait3A_575 : memref<1x80xi32, #tpu.memory_space<vmem>> -> memref<80xi32, #tpu.memory_space<vmem>>
        %dma_wait3A_577 = arith.constant 0 : i32
        %dma_wait3A_578 = arith.constant 0 : i32
        %dma_wait3A_579 = tpu.memref_slice %arg45[%dma_wait3A_577, %dma_wait3A_578] : memref<10000x64xf32, #tpu.memory_space<vmem_shared>> -> memref<10000x64xf32, #tpu.memory_space<vmem_shared>>
        tpu.wait_indirect_dma semaphore(%arg35 : memref<!tpu.dma_semaphore, #tpu.memory_space<semaphore_mem>>) src(%arg11 : memref<80x64xf32, #tpu.memory_space<vmem>>) dst(%dma_wait3A_579 : memref<10000x64xf32, #tpu.memory_space<vmem_shared>>)
        %dma_start3A_580 = arith.constant 0 : i32
        %dma_start3A_581 = tpu.memref_slice %arg7[%add3A_468, %dma_start3A_580] : memref<125x80xi32, #tpu.memory_space<vmem>> -> memref<1x80xi32, #tpu.memory_space<vmem>>
        %dma_start3A_582 = tpu.memref_squeeze %dma_start3A_581 : memref<1x80xi32, #tpu.memory_space<vmem>> -> memref<80xi32, #tpu.memory_space<vmem>>
        %dma_start3A_583 = arith.constant 0 : i32
        %dma_start3A_584 = arith.constant 0 : i32
        %dma_start3A_585 = tpu.memref_slice %arg2[%dma_start3A_583, %dma_start3A_584] : memref<10000x64xf32, #tpu.memory_space<hbm>> -> memref<10000x64xf32, #tpu.memory_space<hbm>>
        tpu.enqueue_indirect_dma source(%dma_start3A_585 : memref<10000x64xf32, #tpu.memory_space<hbm>>) target(%arg11 : memref<80x64xf32, #tpu.memory_space<vmem>>) offsets(%dma_start3A_582 : memref<80xi32, #tpu.memory_space<vmem>>) semaphore(%arg23 : memref<!tpu.dma_semaphore, #tpu.memory_space<semaphore_mem>>)
      } else {
      }
      %mul3A_474 = arith.constant 12 : i32
      %mul3A_475 = arith.muli %scan3A_251, %mul3A_474 : i32
      %add3A_476 = arith.constant 12 : i32
      %add3A_477 = arith.addi %mul3A_475, %add3A_476 : i32
      %add3A_478 = arith.constant 3 : i32
      %add3A_479 = arith.addi %add3A_477, %add3A_478 : i32
      %lt3A_480 = arith.constant 125 : i32
      %lt3A_481 = arith.cmpi slt, %add3A_479, %lt3A_480 : i32
      %convert_element_type3A_482 = arith.extui %lt3A_481 : i1 to i32
      %cond3A_483 = arith.constant 0 : i32
      %cond3A_484 = arith.cmpi ne, %convert_element_type3A_482, %cond3A_483 : i32
      scf.if %cond3A_484 {
        %dma_wait3A_573 = arith.constant 0 : i32
        %dma_wait3A_574 = arith.constant 0 : i32
        %dma_wait3A_575 = tpu.memref_slice %arg8[%dma_wait3A_573, %dma_wait3A_574] : memref<125x80xi32, #tpu.memory_space<vmem>> -> memref<1x80xi32, #tpu.memory_space<vmem>>
        %dma_wait3A_576 = tpu.memref_squeeze %dma_wait3A_575 : memref<1x80xi32, #tpu.memory_space<vmem>> -> memref<80xi32, #tpu.memory_space<vmem>>
        %dma_wait3A_577 = arith.constant 0 : i32
        %dma_wait3A_578 = arith.constant 0 : i32
        %dma_wait3A_579 = tpu.memref_slice %arg45[%dma_wait3A_577, %dma_wait3A_578] : memref<10000x64xf32, #tpu.memory_space<vmem_shared>> -> memref<10000x64xf32, #tpu.memory_space<vmem_shared>>
        tpu.wait_indirect_dma semaphore(%arg36 : memref<!tpu.dma_semaphore, #tpu.memory_space<semaphore_mem>>) src(%arg12 : memref<80x64xf32, #tpu.memory_space<vmem>>) dst(%dma_wait3A_579 : memref<10000x64xf32, #tpu.memory_space<vmem_shared>>)
        %dma_start3A_580 = arith.constant 0 : i32
        %dma_start3A_581 = tpu.memref_slice %arg7[%add3A_479, %dma_start3A_580] : memref<125x80xi32, #tpu.memory_space<vmem>> -> memref<1x80xi32, #tpu.memory_space<vmem>>
        %dma_start3A_582 = tpu.memref_squeeze %dma_start3A_581 : memref<1x80xi32, #tpu.memory_space<vmem>> -> memref<80xi32, #tpu.memory_space<vmem>>
        %dma_start3A_583 = arith.constant 0 : i32
        %dma_start3A_584 = arith.constant 0 : i32
        %dma_start3A_585 = tpu.memref_slice %arg2[%dma_start3A_583, %dma_start3A_584] : memref<10000x64xf32, #tpu.memory_space<hbm>> -> memref<10000x64xf32, #tpu.memory_space<hbm>>
        tpu.enqueue_indirect_dma source(%dma_start3A_585 : memref<10000x64xf32, #tpu.memory_space<hbm>>) target(%arg12 : memref<80x64xf32, #tpu.memory_space<vmem>>) offsets(%dma_start3A_582 : memref<80xi32, #tpu.memory_space<vmem>>) semaphore(%arg24 : memref<!tpu.dma_semaphore, #tpu.memory_space<semaphore_mem>>)
      } else {
      }
      %mul3A_485 = arith.constant 12 : i32
      %mul3A_486 = arith.muli %scan3A_251, %mul3A_485 : i32
      %add3A_487 = arith.constant 12 : i32
      %add3A_488 = arith.addi %mul3A_486, %add3A_487 : i32
      %add3A_489 = arith.constant 4 : i32
      %add3A_490 = arith.addi %add3A_488, %add3A_489 : i32
      %lt3A_491 = arith.constant 125 : i32
      %lt3A_492 = arith.cmpi slt, %add3A_490, %lt3A_491 : i32
      %convert_element_type3A_493 = arith.extui %lt3A_492 : i1 to i32
      %cond3A_494 = arith.constant 0 : i32
      %cond3A_495 = arith.cmpi ne, %convert_element_type3A_493, %cond3A_494 : i32
      scf.if %cond3A_495 {
        %dma_wait3A_573 = arith.constant 0 : i32
        %dma_wait3A_574 = arith.constant 0 : i32
        %dma_wait3A_575 = tpu.memref_slice %arg8[%dma_wait3A_573, %dma_wait3A_574] : memref<125x80xi32, #tpu.memory_space<vmem>> -> memref<1x80xi32, #tpu.memory_space<vmem>>
        %dma_wait3A_576 = tpu.memref_squeeze %dma_wait3A_575 : memref<1x80xi32, #tpu.memory_space<vmem>> -> memref<80xi32, #tpu.memory_space<vmem>>
        %dma_wait3A_577 = arith.constant 0 : i32
        %dma_wait3A_578 = arith.constant 0 : i32
        %dma_wait3A_579 = tpu.memref_slice %arg45[%dma_wait3A_577, %dma_wait3A_578] : memref<10000x64xf32, #tpu.memory_space<vmem_shared>> -> memref<10000x64xf32, #tpu.memory_space<vmem_shared>>
        tpu.wait_indirect_dma semaphore(%arg37 : memref<!tpu.dma_semaphore, #tpu.memory_space<semaphore_mem>>) src(%arg13 : memref<80x64xf32, #tpu.memory_space<vmem>>) dst(%dma_wait3A_579 : memref<10000x64xf32, #tpu.memory_space<vmem_shared>>)
        %dma_start3A_580 = arith.constant 0 : i32
        %dma_start3A_581 = tpu.memref_slice %arg7[%add3A_490, %dma_start3A_580] : memref<125x80xi32, #tpu.memory_space<vmem>> -> memref<1x80xi32, #tpu.memory_space<vmem>>
        %dma_start3A_582 = tpu.memref_squeeze %dma_start3A_581 : memref<1x80xi32, #tpu.memory_space<vmem>> -> memref<80xi32, #tpu.memory_space<vmem>>
        %dma_start3A_583 = arith.constant 0 : i32
        %dma_start3A_584 = arith.constant 0 : i32
        %dma_start3A_585 = tpu.memref_slice %arg2[%dma_start3A_583, %dma_start3A_584] : memref<10000x64xf32, #tpu.memory_space<hbm>> -> memref<10000x64xf32, #tpu.memory_space<hbm>>
        tpu.enqueue_indirect_dma source(%dma_start3A_585 : memref<10000x64xf32, #tpu.memory_space<hbm>>) target(%arg13 : memref<80x64xf32, #tpu.memory_space<vmem>>) offsets(%dma_start3A_582 : memref<80xi32, #tpu.memory_space<vmem>>) semaphore(%arg25 : memref<!tpu.dma_semaphore, #tpu.memory_space<semaphore_mem>>)
      } else {
      }
      %mul3A_496 = arith.constant 12 : i32
      %mul3A_497 = arith.muli %scan3A_251, %mul3A_496 : i32
      %add3A_498 = arith.constant 12 : i32
      %add3A_499 = arith.addi %mul3A_497, %add3A_498 : i32
      %add3A_500 = arith.constant 5 : i32
      %add3A_501 = arith.addi %add3A_499, %add3A_500 : i32
      %lt3A_502 = arith.constant 125 : i32
      %lt3A_503 = arith.cmpi slt, %add3A_501, %lt3A_502 : i32
      %convert_element_type3A_504 = arith.extui %lt3A_503 : i1 to i32
      %cond3A_505 = arith.constant 0 : i32
      %cond3A_506 = arith.cmpi ne, %convert_element_type3A_504, %cond3A_505 : i32
      scf.if %cond3A_506 {
        %dma_wait3A_573 = arith.constant 0 : i32
        %dma_wait3A_574 = arith.constant 0 : i32
        %dma_wait3A_575 = tpu.memref_slice %arg8[%dma_wait3A_573, %dma_wait3A_574] : memref<125x80xi32, #tpu.memory_space<vmem>> -> memref<1x80xi32, #tpu.memory_space<vmem>>
        %dma_wait3A_576 = tpu.memref_squeeze %dma_wait3A_575 : memref<1x80xi32, #tpu.memory_space<vmem>> -> memref<80xi32, #tpu.memory_space<vmem>>
        %dma_wait3A_577 = arith.constant 0 : i32
        %dma_wait3A_578 = arith.constant 0 : i32
        %dma_wait3A_579 = tpu.memref_slice %arg45[%dma_wait3A_577, %dma_wait3A_578] : memref<10000x64xf32, #tpu.memory_space<vmem_shared>> -> memref<10000x64xf32, #tpu.memory_space<vmem_shared>>
        tpu.wait_indirect_dma semaphore(%arg38 : memref<!tpu.dma_semaphore, #tpu.memory_space<semaphore_mem>>) src(%arg14 : memref<80x64xf32, #tpu.memory_space<vmem>>) dst(%dma_wait3A_579 : memref<10000x64xf32, #tpu.memory_space<vmem_shared>>)
        %dma_start3A_580 = arith.constant 0 : i32
        %dma_start3A_581 = tpu.memref_slice %arg7[%add3A_501, %dma_start3A_580] : memref<125x80xi32, #tpu.memory_space<vmem>> -> memref<1x80xi32, #tpu.memory_space<vmem>>
        %dma_start3A_582 = tpu.memref_squeeze %dma_start3A_581 : memref<1x80xi32, #tpu.memory_space<vmem>> -> memref<80xi32, #tpu.memory_space<vmem>>
        %dma_start3A_583 = arith.constant 0 : i32
        %dma_start3A_584 = arith.constant 0 : i32
        %dma_start3A_585 = tpu.memref_slice %arg2[%dma_start3A_583, %dma_start3A_584] : memref<10000x64xf32, #tpu.memory_space<hbm>> -> memref<10000x64xf32, #tpu.memory_space<hbm>>
        tpu.enqueue_indirect_dma source(%dma_start3A_585 : memref<10000x64xf32, #tpu.memory_space<hbm>>) target(%arg14 : memref<80x64xf32, #tpu.memory_space<vmem>>) offsets(%dma_start3A_582 : memref<80xi32, #tpu.memory_space<vmem>>) semaphore(%arg26 : memref<!tpu.dma_semaphore, #tpu.memory_space<semaphore_mem>>)
      } else {
      }
      %mul3A_507 = arith.constant 12 : i32
      %mul3A_508 = arith.muli %scan3A_251, %mul3A_507 : i32
      %add3A_509 = arith.constant 12 : i32
      %add3A_510 = arith.addi %mul3A_508, %add3A_509 : i32
      %add3A_511 = arith.constant 6 : i32
      %add3A_512 = arith.addi %add3A_510, %add3A_511 : i32
      %lt3A_513 = arith.constant 125 : i32
      %lt3A_514 = arith.cmpi slt, %add3A_512, %lt3A_513 : i32
      %convert_element_type3A_515 = arith.extui %lt3A_514 : i1 to i32
      %cond3A_516 = arith.constant 0 : i32
      %cond3A_517 = arith.cmpi ne, %convert_element_type3A_515, %cond3A_516 : i32
      scf.if %cond3A_517 {
        %dma_wait3A_573 = arith.constant 0 : i32
        %dma_wait3A_574 = arith.constant 0 : i32
        %dma_wait3A_575 = tpu.memref_slice %arg8[%dma_wait3A_573, %dma_wait3A_574] : memref<125x80xi32, #tpu.memory_space<vmem>> -> memref<1x80xi32, #tpu.memory_space<vmem>>
        %dma_wait3A_576 = tpu.memref_squeeze %dma_wait3A_575 : memref<1x80xi32, #tpu.memory_space<vmem>> -> memref<80xi32, #tpu.memory_space<vmem>>
        %dma_wait3A_577 = arith.constant 0 : i32
        %dma_wait3A_578 = arith.constant 0 : i32
        %dma_wait3A_579 = tpu.memref_slice %arg45[%dma_wait3A_577, %dma_wait3A_578] : memref<10000x64xf32, #tpu.memory_space<vmem_shared>> -> memref<10000x64xf32, #tpu.memory_space<vmem_shared>>
        tpu.wait_indirect_dma semaphore(%arg39 : memref<!tpu.dma_semaphore, #tpu.memory_space<semaphore_mem>>) src(%arg15 : memref<80x64xf32, #tpu.memory_space<vmem>>) dst(%dma_wait3A_579 : memref<10000x64xf32, #tpu.memory_space<vmem_shared>>)
        %dma_start3A_580 = arith.constant 0 : i32
        %dma_start3A_581 = tpu.memref_slice %arg7[%add3A_512, %dma_start3A_580] : memref<125x80xi32, #tpu.memory_space<vmem>> -> memref<1x80xi32, #tpu.memory_space<vmem>>
        %dma_start3A_582 = tpu.memref_squeeze %dma_start3A_581 : memref<1x80xi32, #tpu.memory_space<vmem>> -> memref<80xi32, #tpu.memory_space<vmem>>
        %dma_start3A_583 = arith.constant 0 : i32
        %dma_start3A_584 = arith.constant 0 : i32
        %dma_start3A_585 = tpu.memref_slice %arg2[%dma_start3A_583, %dma_start3A_584] : memref<10000x64xf32, #tpu.memory_space<hbm>> -> memref<10000x64xf32, #tpu.memory_space<hbm>>
        tpu.enqueue_indirect_dma source(%dma_start3A_585 : memref<10000x64xf32, #tpu.memory_space<hbm>>) target(%arg15 : memref<80x64xf32, #tpu.memory_space<vmem>>) offsets(%dma_start3A_582 : memref<80xi32, #tpu.memory_space<vmem>>) semaphore(%arg27 : memref<!tpu.dma_semaphore, #tpu.memory_space<semaphore_mem>>)
      } else {
      }
      %mul3A_518 = arith.constant 12 : i32
      %mul3A_519 = arith.muli %scan3A_251, %mul3A_518 : i32
      %add3A_520 = arith.constant 12 : i32
      %add3A_521 = arith.addi %mul3A_519, %add3A_520 : i32
      %add3A_522 = arith.constant 7 : i32
      %add3A_523 = arith.addi %add3A_521, %add3A_522 : i32
      %lt3A_524 = arith.constant 125 : i32
      %lt3A_525 = arith.cmpi slt, %add3A_523, %lt3A_524 : i32
      %convert_element_type3A_526 = arith.extui %lt3A_525 : i1 to i32
      %cond3A_527 = arith.constant 0 : i32
      %cond3A_528 = arith.cmpi ne, %convert_element_type3A_526, %cond3A_527 : i32
      scf.if %cond3A_528 {
        %dma_wait3A_573 = arith.constant 0 : i32
        %dma_wait3A_574 = arith.constant 0 : i32
        %dma_wait3A_575 = tpu.memref_slice %arg8[%dma_wait3A_573, %dma_wait3A_574] : memref<125x80xi32, #tpu.memory_space<vmem>> -> memref<1x80xi32, #tpu.memory_space<vmem>>
        %dma_wait3A_576 = tpu.memref_squeeze %dma_wait3A_575 : memref<1x80xi32, #tpu.memory_space<vmem>> -> memref<80xi32, #tpu.memory_space<vmem>>
        %dma_wait3A_577 = arith.constant 0 : i32
        %dma_wait3A_578 = arith.constant 0 : i32
        %dma_wait3A_579 = tpu.memref_slice %arg45[%dma_wait3A_577, %dma_wait3A_578] : memref<10000x64xf32, #tpu.memory_space<vmem_shared>> -> memref<10000x64xf32, #tpu.memory_space<vmem_shared>>
        tpu.wait_indirect_dma semaphore(%arg40 : memref<!tpu.dma_semaphore, #tpu.memory_space<semaphore_mem>>) src(%arg16 : memref<80x64xf32, #tpu.memory_space<vmem>>) dst(%dma_wait3A_579 : memref<10000x64xf32, #tpu.memory_space<vmem_shared>>)
        %dma_start3A_580 = arith.constant 0 : i32
        %dma_start3A_581 = tpu.memref_slice %arg7[%add3A_523, %dma_start3A_580] : memref<125x80xi32, #tpu.memory_space<vmem>> -> memref<1x80xi32, #tpu.memory_space<vmem>>
        %dma_start3A_582 = tpu.memref_squeeze %dma_start3A_581 : memref<1x80xi32, #tpu.memory_space<vmem>> -> memref<80xi32, #tpu.memory_space<vmem>>
        %dma_start3A_583 = arith.constant 0 : i32
        %dma_start3A_584 = arith.constant 0 : i32
        %dma_start3A_585 = tpu.memref_slice %arg2[%dma_start3A_583, %dma_start3A_584] : memref<10000x64xf32, #tpu.memory_space<hbm>> -> memref<10000x64xf32, #tpu.memory_space<hbm>>
        tpu.enqueue_indirect_dma source(%dma_start3A_585 : memref<10000x64xf32, #tpu.memory_space<hbm>>) target(%arg16 : memref<80x64xf32, #tpu.memory_space<vmem>>) offsets(%dma_start3A_582 : memref<80xi32, #tpu.memory_space<vmem>>) semaphore(%arg28 : memref<!tpu.dma_semaphore, #tpu.memory_space<semaphore_mem>>)
      } else {
      }
      %mul3A_529 = arith.constant 12 : i32
      %mul3A_530 = arith.muli %scan3A_251, %mul3A_529 : i32
      %add3A_531 = arith.constant 12 : i32
      %add3A_532 = arith.addi %mul3A_530, %add3A_531 : i32
      %add3A_533 = arith.constant 8 : i32
      %add3A_534 = arith.addi %add3A_532, %add3A_533 : i32
      %lt3A_535 = arith.constant 125 : i32
      %lt3A_536 = arith.cmpi slt, %add3A_534, %lt3A_535 : i32
      %convert_element_type3A_537 = arith.extui %lt3A_536 : i1 to i32
      %cond3A_538 = arith.constant 0 : i32
      %cond3A_539 = arith.cmpi ne, %convert_element_type3A_537, %cond3A_538 : i32
      scf.if %cond3A_539 {
        %dma_wait3A_573 = arith.constant 0 : i32
        %dma_wait3A_574 = arith.constant 0 : i32
        %dma_wait3A_575 = tpu.memref_slice %arg8[%dma_wait3A_573, %dma_wait3A_574] : memref<125x80xi32, #tpu.memory_space<vmem>> -> memref<1x80xi32, #tpu.memory_space<vmem>>
        %dma_wait3A_576 = tpu.memref_squeeze %dma_wait3A_575 : memref<1x80xi32, #tpu.memory_space<vmem>> -> memref<80xi32, #tpu.memory_space<vmem>>
        %dma_wait3A_577 = arith.constant 0 : i32
        %dma_wait3A_578 = arith.constant 0 : i32
        %dma_wait3A_579 = tpu.memref_slice %arg45[%dma_wait3A_577, %dma_wait3A_578] : memref<10000x64xf32, #tpu.memory_space<vmem_shared>> -> memref<10000x64xf32, #tpu.memory_space<vmem_shared>>
        tpu.wait_indirect_dma semaphore(%arg41 : memref<!tpu.dma_semaphore, #tpu.memory_space<semaphore_mem>>) src(%arg17 : memref<80x64xf32, #tpu.memory_space<vmem>>) dst(%dma_wait3A_579 : memref<10000x64xf32, #tpu.memory_space<vmem_shared>>)
        %dma_start3A_580 = arith.constant 0 : i32
        %dma_start3A_581 = tpu.memref_slice %arg7[%add3A_534, %dma_start3A_580] : memref<125x80xi32, #tpu.memory_space<vmem>> -> memref<1x80xi32, #tpu.memory_space<vmem>>
        %dma_start3A_582 = tpu.memref_squeeze %dma_start3A_581 : memref<1x80xi32, #tpu.memory_space<vmem>> -> memref<80xi32, #tpu.memory_space<vmem>>
        %dma_start3A_583 = arith.constant 0 : i32
        %dma_start3A_584 = arith.constant 0 : i32
        %dma_start3A_585 = tpu.memref_slice %arg2[%dma_start3A_583, %dma_start3A_584] : memref<10000x64xf32, #tpu.memory_space<hbm>> -> memref<10000x64xf32, #tpu.memory_space<hbm>>
        tpu.enqueue_indirect_dma source(%dma_start3A_585 : memref<10000x64xf32, #tpu.memory_space<hbm>>) target(%arg17 : memref<80x64xf32, #tpu.memory_space<vmem>>) offsets(%dma_start3A_582 : memref<80xi32, #tpu.memory_space<vmem>>) semaphore(%arg29 : memref<!tpu.dma_semaphore, #tpu.memory_space<semaphore_mem>>)
      } else {
      }
      %mul3A_540 = arith.constant 12 : i32
      %mul3A_541 = arith.muli %scan3A_251, %mul3A_540 : i32
      %add3A_542 = arith.constant 12 : i32
      %add3A_543 = arith.addi %mul3A_541, %add3A_542 : i32
      %add3A_544 = arith.constant 9 : i32
      %add3A_545 = arith.addi %add3A_543, %add3A_544 : i32
      %lt3A_546 = arith.constant 125 : i32
      %lt3A_547 = arith.cmpi slt, %add3A_545, %lt3A_546 : i32
      %convert_element_type3A_548 = arith.extui %lt3A_547 : i1 to i32
      %cond3A_549 = arith.constant 0 : i32
      %cond3A_550 = arith.cmpi ne, %convert_element_type3A_548, %cond3A_549 : i32
      scf.if %cond3A_550 {
        %dma_wait3A_573 = arith.constant 0 : i32
        %dma_wait3A_574 = arith.constant 0 : i32
        %dma_wait3A_575 = tpu.memref_slice %arg8[%dma_wait3A_573, %dma_wait3A_574] : memref<125x80xi32, #tpu.memory_space<vmem>> -> memref<1x80xi32, #tpu.memory_space<vmem>>
        %dma_wait3A_576 = tpu.memref_squeeze %dma_wait3A_575 : memref<1x80xi32, #tpu.memory_space<vmem>> -> memref<80xi32, #tpu.memory_space<vmem>>
        %dma_wait3A_577 = arith.constant 0 : i32
        %dma_wait3A_578 = arith.constant 0 : i32
        %dma_wait3A_579 = tpu.memref_slice %arg45[%dma_wait3A_577, %dma_wait3A_578] : memref<10000x64xf32, #tpu.memory_space<vmem_shared>> -> memref<10000x64xf32, #tpu.memory_space<vmem_shared>>
        tpu.wait_indirect_dma semaphore(%arg42 : memref<!tpu.dma_semaphore, #tpu.memory_space<semaphore_mem>>) src(%arg18 : memref<80x64xf32, #tpu.memory_space<vmem>>) dst(%dma_wait3A_579 : memref<10000x64xf32, #tpu.memory_space<vmem_shared>>)
        %dma_start3A_580 = arith.constant 0 : i32
        %dma_start3A_581 = tpu.memref_slice %arg7[%add3A_545, %dma_start3A_580] : memref<125x80xi32, #tpu.memory_space<vmem>> -> memref<1x80xi32, #tpu.memory_space<vmem>>
        %dma_start3A_582 = tpu.memref_squeeze %dma_start3A_581 : memref<1x80xi32, #tpu.memory_space<vmem>> -> memref<80xi32, #tpu.memory_space<vmem>>
        %dma_start3A_583 = arith.constant 0 : i32
        %dma_start3A_584 = arith.constant 0 : i32
        %dma_start3A_585 = tpu.memref_slice %arg2[%dma_start3A_583, %dma_start3A_584] : memref<10000x64xf32, #tpu.memory_space<hbm>> -> memref<10000x64xf32, #tpu.memory_space<hbm>>
        tpu.enqueue_indirect_dma source(%dma_start3A_585 : memref<10000x64xf32, #tpu.memory_space<hbm>>) target(%arg18 : memref<80x64xf32, #tpu.memory_space<vmem>>) offsets(%dma_start3A_582 : memref<80xi32, #tpu.memory_space<vmem>>) semaphore(%arg30 : memref<!tpu.dma_semaphore, #tpu.memory_space<semaphore_mem>>)
      } else {
      }
      %mul3A_551 = arith.constant 12 : i32
      %mul3A_552 = arith.muli %scan3A_251, %mul3A_551 : i32
      %add3A_553 = arith.constant 12 : i32
      %add3A_554 = arith.addi %mul3A_552, %add3A_553 : i32
      %add3A_555 = arith.constant 10 : i32
      %add3A_556 = arith.addi %add3A_554, %add3A_555 : i32
      %lt3A_557 = arith.constant 125 : i32
      %lt3A_558 = arith.cmpi slt, %add3A_556, %lt3A_557 : i32
      %convert_element_type3A_559 = arith.extui %lt3A_558 : i1 to i32
      %cond3A_560 = arith.constant 0 : i32
      %cond3A_561 = arith.cmpi ne, %convert_element_type3A_559, %cond3A_560 : i32
      scf.if %cond3A_561 {
        %dma_wait3A_573 = arith.constant 0 : i32
        %dma_wait3A_574 = arith.constant 0 : i32
        %dma_wait3A_575 = tpu.memref_slice %arg8[%dma_wait3A_573, %dma_wait3A_574] : memref<125x80xi32, #tpu.memory_space<vmem>> -> memref<1x80xi32, #tpu.memory_space<vmem>>
        %dma_wait3A_576 = tpu.memref_squeeze %dma_wait3A_575 : memref<1x80xi32, #tpu.memory_space<vmem>> -> memref<80xi32, #tpu.memory_space<vmem>>
        %dma_wait3A_577 = arith.constant 0 : i32
        %dma_wait3A_578 = arith.constant 0 : i32
        %dma_wait3A_579 = tpu.memref_slice %arg45[%dma_wait3A_577, %dma_wait3A_578] : memref<10000x64xf32, #tpu.memory_space<vmem_shared>> -> memref<10000x64xf32, #tpu.memory_space<vmem_shared>>
        tpu.wait_indirect_dma semaphore(%arg43 : memref<!tpu.dma_semaphore, #tpu.memory_space<semaphore_mem>>) src(%arg19 : memref<80x64xf32, #tpu.memory_space<vmem>>) dst(%dma_wait3A_579 : memref<10000x64xf32, #tpu.memory_space<vmem_shared>>)
        %dma_start3A_580 = arith.constant 0 : i32
        %dma_start3A_581 = tpu.memref_slice %arg7[%add3A_556, %dma_start3A_580] : memref<125x80xi32, #tpu.memory_space<vmem>> -> memref<1x80xi32, #tpu.memory_space<vmem>>
        %dma_start3A_582 = tpu.memref_squeeze %dma_start3A_581 : memref<1x80xi32, #tpu.memory_space<vmem>> -> memref<80xi32, #tpu.memory_space<vmem>>
        %dma_start3A_583 = arith.constant 0 : i32
        %dma_start3A_584 = arith.constant 0 : i32
        %dma_start3A_585 = tpu.memref_slice %arg2[%dma_start3A_583, %dma_start3A_584] : memref<10000x64xf32, #tpu.memory_space<hbm>> -> memref<10000x64xf32, #tpu.memory_space<hbm>>
        tpu.enqueue_indirect_dma source(%dma_start3A_585 : memref<10000x64xf32, #tpu.memory_space<hbm>>) target(%arg19 : memref<80x64xf32, #tpu.memory_space<vmem>>) offsets(%dma_start3A_582 : memref<80xi32, #tpu.memory_space<vmem>>) semaphore(%arg31 : memref<!tpu.dma_semaphore, #tpu.memory_space<semaphore_mem>>)
      } else {
      }
      %mul3A_562 = arith.constant 12 : i32
      %mul3A_563 = arith.muli %scan3A_251, %mul3A_562 : i32
      %add3A_564 = arith.constant 12 : i32
      %add3A_565 = arith.addi %mul3A_563, %add3A_564 : i32
      %add3A_566 = arith.constant 11 : i32
      %add3A_567 = arith.addi %add3A_565, %add3A_566 : i32
      %lt3A_568 = arith.constant 125 : i32
      %lt3A_569 = arith.cmpi slt, %add3A_567, %lt3A_568 : i32
      %convert_element_type3A_570 = arith.extui %lt3A_569 : i1 to i32
      %cond3A_571 = arith.constant 0 : i32
      %cond3A_572 = arith.cmpi ne, %convert_element_type3A_570, %cond3A_571 : i32
      scf.if %cond3A_572 {
        %dma_wait3A_573 = arith.constant 0 : i32
        %dma_wait3A_574 = arith.constant 0 : i32
        %dma_wait3A_575 = tpu.memref_slice %arg8[%dma_wait3A_573, %dma_wait3A_574] : memref<125x80xi32, #tpu.memory_space<vmem>> -> memref<1x80xi32, #tpu.memory_space<vmem>>
        %dma_wait3A_576 = tpu.memref_squeeze %dma_wait3A_575 : memref<1x80xi32, #tpu.memory_space<vmem>> -> memref<80xi32, #tpu.memory_space<vmem>>
        %dma_wait3A_577 = arith.constant 0 : i32
        %dma_wait3A_578 = arith.constant 0 : i32
        %dma_wait3A_579 = tpu.memref_slice %arg45[%dma_wait3A_577, %dma_wait3A_578] : memref<10000x64xf32, #tpu.memory_space<vmem_shared>> -> memref<10000x64xf32, #tpu.memory_space<vmem_shared>>
        tpu.wait_indirect_dma semaphore(%arg44 : memref<!tpu.dma_semaphore, #tpu.memory_space<semaphore_mem>>) src(%arg20 : memref<80x64xf32, #tpu.memory_space<vmem>>) dst(%dma_wait3A_579 : memref<10000x64xf32, #tpu.memory_space<vmem_shared>>)
        %dma_start3A_580 = arith.constant 0 : i32
        %dma_start3A_581 = tpu.memref_slice %arg7[%add3A_567, %dma_start3A_580] : memref<125x80xi32, #tpu.memory_space<vmem>> -> memref<1x80xi32, #tpu.memory_space<vmem>>
        %dma_start3A_582 = tpu.memref_squeeze %dma_start3A_581 : memref<1x80xi32, #tpu.memory_space<vmem>> -> memref<80xi32, #tpu.memory_space<vmem>>
        %dma_start3A_583 = arith.constant 0 : i32
        %dma_start3A_584 = arith.constant 0 : i32
        %dma_start3A_585 = tpu.memref_slice %arg2[%dma_start3A_583, %dma_start3A_584] : memref<10000x64xf32, #tpu.memory_space<hbm>> -> memref<10000x64xf32, #tpu.memory_space<hbm>>
        tpu.enqueue_indirect_dma source(%dma_start3A_585 : memref<10000x64xf32, #tpu.memory_space<hbm>>) target(%arg20 : memref<80x64xf32, #tpu.memory_space<vmem>>) offsets(%dma_start3A_582 : memref<80xi32, #tpu.memory_space<vmem>>) semaphore(%arg32 : memref<!tpu.dma_semaphore, #tpu.memory_space<semaphore_mem>>)
      } else {
      }
    }
    %scan3A_92 = arith.constant 10 : i32
    %dma_wait3A = arith.constant 120 : i32
    %dma_wait3A_93 = arith.constant 0 : i32
    %dma_wait3A_94 = tpu.memref_slice %arg7[%dma_wait3A, %dma_wait3A_93] : memref<125x80xi32, #tpu.memory_space<vmem>> -> memref<1x80xi32, #tpu.memory_space<vmem>>
    %dma_wait3A_95 = tpu.memref_squeeze %dma_wait3A_94 : memref<1x80xi32, #tpu.memory_space<vmem>> -> memref<80xi32, #tpu.memory_space<vmem>>
    %dma_wait3A_96 = arith.constant 0 : i32
    %dma_wait3A_97 = arith.constant 0 : i32
    %dma_wait3A_98 = tpu.memref_slice %arg2[%dma_wait3A_96, %dma_wait3A_97] : memref<10000x64xf32, #tpu.memory_space<hbm>> -> memref<10000x64xf32, #tpu.memory_space<hbm>>
    tpu.wait_indirect_dma semaphore(%arg21 : memref<!tpu.dma_semaphore, #tpu.memory_space<semaphore_mem>>) src(%dma_wait3A_98 : memref<10000x64xf32, #tpu.memory_space<hbm>>) dst(%arg9 : memref<80x64xf32, #tpu.memory_space<vmem>>)
    %dma_start3A_99 = arith.constant 120 : i32
    %dma_start3A_100 = arith.constant 0 : i32
    %dma_start3A_101 = tpu.memref_slice %arg8[%dma_start3A_99, %dma_start3A_100] : memref<125x80xi32, #tpu.memory_space<vmem>> -> memref<1x80xi32, #tpu.memory_space<vmem>>
    %dma_start3A_102 = tpu.memref_squeeze %dma_start3A_101 : memref<1x80xi32, #tpu.memory_space<vmem>> -> memref<80xi32, #tpu.memory_space<vmem>>
    %dma_start3A_103 = arith.constant 0 : i32
    %dma_start3A_104 = arith.constant 0 : i32
    %dma_start3A_105 = tpu.memref_slice %arg45[%dma_start3A_103, %dma_start3A_104] : memref<10000x64xf32, #tpu.memory_space<vmem_shared>> -> memref<10000x64xf32, #tpu.memory_space<vmem_shared>>
    tpu.enqueue_indirect_dma source(%arg9 : memref<80x64xf32, #tpu.memory_space<vmem>>) target(%dma_start3A_105 : memref<10000x64xf32, #tpu.memory_space<vmem_shared>>) offsets(%dma_start3A_102 : memref<80xi32, #tpu.memory_space<vmem>>) semaphore(%arg33 : memref<!tpu.dma_semaphore, #tpu.memory_space<semaphore_mem>>) {add = true}
    %dma_wait3A_106 = arith.constant 121 : i32
    %dma_wait3A_107 = arith.constant 0 : i32
    %dma_wait3A_108 = tpu.memref_slice %arg7[%dma_wait3A_106, %dma_wait3A_107] : memref<125x80xi32, #tpu.memory_space<vmem>> -> memref<1x80xi32, #tpu.memory_space<vmem>>
    %dma_wait3A_109 = tpu.memref_squeeze %dma_wait3A_108 : memref<1x80xi32, #tpu.memory_space<vmem>> -> memref<80xi32, #tpu.memory_space<vmem>>
    %dma_wait3A_110 = arith.constant 0 : i32
    %dma_wait3A_111 = arith.constant 0 : i32
    %dma_wait3A_112 = tpu.memref_slice %arg2[%dma_wait3A_110, %dma_wait3A_111] : memref<10000x64xf32, #tpu.memory_space<hbm>> -> memref<10000x64xf32, #tpu.memory_space<hbm>>
    tpu.wait_indirect_dma semaphore(%arg22 : memref<!tpu.dma_semaphore, #tpu.memory_space<semaphore_mem>>) src(%dma_wait3A_112 : memref<10000x64xf32, #tpu.memory_space<hbm>>) dst(%arg10 : memref<80x64xf32, #tpu.memory_space<vmem>>)
    %dma_start3A_113 = arith.constant 121 : i32
    %dma_start3A_114 = arith.constant 0 : i32
    %dma_start3A_115 = tpu.memref_slice %arg8[%dma_start3A_113, %dma_start3A_114] : memref<125x80xi32, #tpu.memory_space<vmem>> -> memref<1x80xi32, #tpu.memory_space<vmem>>
    %dma_start3A_116 = tpu.memref_squeeze %dma_start3A_115 : memref<1x80xi32, #tpu.memory_space<vmem>> -> memref<80xi32, #tpu.memory_space<vmem>>
    %dma_start3A_117 = arith.constant 0 : i32
    %dma_start3A_118 = arith.constant 0 : i32
    %dma_start3A_119 = tpu.memref_slice %arg45[%dma_start3A_117, %dma_start3A_118] : memref<10000x64xf32, #tpu.memory_space<vmem_shared>> -> memref<10000x64xf32, #tpu.memory_space<vmem_shared>>
    tpu.enqueue_indirect_dma source(%arg10 : memref<80x64xf32, #tpu.memory_space<vmem>>) target(%dma_start3A_119 : memref<10000x64xf32, #tpu.memory_space<vmem_shared>>) offsets(%dma_start3A_116 : memref<80xi32, #tpu.memory_space<vmem>>) semaphore(%arg34 : memref<!tpu.dma_semaphore, #tpu.memory_space<semaphore_mem>>) {add = true}
    %dma_wait3A_120 = arith.constant 122 : i32
    %dma_wait3A_121 = arith.constant 0 : i32
    %dma_wait3A_122 = tpu.memref_slice %arg7[%dma_wait3A_120, %dma_wait3A_121] : memref<125x80xi32, #tpu.memory_space<vmem>> -> memref<1x80xi32, #tpu.memory_space<vmem>>
    %dma_wait3A_123 = tpu.memref_squeeze %dma_wait3A_122 : memref<1x80xi32, #tpu.memory_space<vmem>> -> memref<80xi32, #tpu.memory_space<vmem>>
    %dma_wait3A_124 = arith.constant 0 : i32
    %dma_wait3A_125 = arith.constant 0 : i32
    %dma_wait3A_126 = tpu.memref_slice %arg2[%dma_wait3A_124, %dma_wait3A_125] : memref<10000x64xf32, #tpu.memory_space<hbm>> -> memref<10000x64xf32, #tpu.memory_space<hbm>>
    tpu.wait_indirect_dma semaphore(%arg23 : memref<!tpu.dma_semaphore, #tpu.memory_space<semaphore_mem>>) src(%dma_wait3A_126 : memref<10000x64xf32, #tpu.memory_space<hbm>>) dst(%arg11 : memref<80x64xf32, #tpu.memory_space<vmem>>)
    %dma_start3A_127 = arith.constant 122 : i32
    %dma_start3A_128 = arith.constant 0 : i32
    %dma_start3A_129 = tpu.memref_slice %arg8[%dma_start3A_127, %dma_start3A_128] : memref<125x80xi32, #tpu.memory_space<vmem>> -> memref<1x80xi32, #tpu.memory_space<vmem>>
    %dma_start3A_130 = tpu.memref_squeeze %dma_start3A_129 : memref<1x80xi32, #tpu.memory_space<vmem>> -> memref<80xi32, #tpu.memory_space<vmem>>
    %dma_start3A_131 = arith.constant 0 : i32
    %dma_start3A_132 = arith.constant 0 : i32
    %dma_start3A_133 = tpu.memref_slice %arg45[%dma_start3A_131, %dma_start3A_132] : memref<10000x64xf32, #tpu.memory_space<vmem_shared>> -> memref<10000x64xf32, #tpu.memory_space<vmem_shared>>
    tpu.enqueue_indirect_dma source(%arg11 : memref<80x64xf32, #tpu.memory_space<vmem>>) target(%dma_start3A_133 : memref<10000x64xf32, #tpu.memory_space<vmem_shared>>) offsets(%dma_start3A_130 : memref<80xi32, #tpu.memory_space<vmem>>) semaphore(%arg35 : memref<!tpu.dma_semaphore, #tpu.memory_space<semaphore_mem>>) {add = true}
    %dma_wait3A_134 = arith.constant 123 : i32
    %dma_wait3A_135 = arith.constant 0 : i32
    %dma_wait3A_136 = tpu.memref_slice %arg7[%dma_wait3A_134, %dma_wait3A_135] : memref<125x80xi32, #tpu.memory_space<vmem>> -> memref<1x80xi32, #tpu.memory_space<vmem>>
    %dma_wait3A_137 = tpu.memref_squeeze %dma_wait3A_136 : memref<1x80xi32, #tpu.memory_space<vmem>> -> memref<80xi32, #tpu.memory_space<vmem>>
    %dma_wait3A_138 = arith.constant 0 : i32
    %dma_wait3A_139 = arith.constant 0 : i32
    %dma_wait3A_140 = tpu.memref_slice %arg2[%dma_wait3A_138, %dma_wait3A_139] : memref<10000x64xf32, #tpu.memory_space<hbm>> -> memref<10000x64xf32, #tpu.memory_space<hbm>>
    tpu.wait_indirect_dma semaphore(%arg24 : memref<!tpu.dma_semaphore, #tpu.memory_space<semaphore_mem>>) src(%dma_wait3A_140 : memref<10000x64xf32, #tpu.memory_space<hbm>>) dst(%arg12 : memref<80x64xf32, #tpu.memory_space<vmem>>)
    %dma_start3A_141 = arith.constant 123 : i32
    %dma_start3A_142 = arith.constant 0 : i32
    %dma_start3A_143 = tpu.memref_slice %arg8[%dma_start3A_141, %dma_start3A_142] : memref<125x80xi32, #tpu.memory_space<vmem>> -> memref<1x80xi32, #tpu.memory_space<vmem>>
    %dma_start3A_144 = tpu.memref_squeeze %dma_start3A_143 : memref<1x80xi32, #tpu.memory_space<vmem>> -> memref<80xi32, #tpu.memory_space<vmem>>
    %dma_start3A_145 = arith.constant 0 : i32
    %dma_start3A_146 = arith.constant 0 : i32
    %dma_start3A_147 = tpu.memref_slice %arg45[%dma_start3A_145, %dma_start3A_146] : memref<10000x64xf32, #tpu.memory_space<vmem_shared>> -> memref<10000x64xf32, #tpu.memory_space<vmem_shared>>
    tpu.enqueue_indirect_dma source(%arg12 : memref<80x64xf32, #tpu.memory_space<vmem>>) target(%dma_start3A_147 : memref<10000x64xf32, #tpu.memory_space<vmem_shared>>) offsets(%dma_start3A_144 : memref<80xi32, #tpu.memory_space<vmem>>) semaphore(%arg36 : memref<!tpu.dma_semaphore, #tpu.memory_space<semaphore_mem>>) {add = true}
    %dma_wait3A_148 = arith.constant 124 : i32
    %dma_wait3A_149 = arith.constant 0 : i32
    %dma_wait3A_150 = tpu.memref_slice %arg7[%dma_wait3A_148, %dma_wait3A_149] : memref<125x80xi32, #tpu.memory_space<vmem>> -> memref<1x80xi32, #tpu.memory_space<vmem>>
    %dma_wait3A_151 = tpu.memref_squeeze %dma_wait3A_150 : memref<1x80xi32, #tpu.memory_space<vmem>> -> memref<80xi32, #tpu.memory_space<vmem>>
    %dma_wait3A_152 = arith.constant 0 : i32
    %dma_wait3A_153 = arith.constant 0 : i32
    %dma_wait3A_154 = tpu.memref_slice %arg2[%dma_wait3A_152, %dma_wait3A_153] : memref<10000x64xf32, #tpu.memory_space<hbm>> -> memref<10000x64xf32, #tpu.memory_space<hbm>>
    tpu.wait_indirect_dma semaphore(%arg25 : memref<!tpu.dma_semaphore, #tpu.memory_space<semaphore_mem>>) src(%dma_wait3A_154 : memref<10000x64xf32, #tpu.memory_space<hbm>>) dst(%arg13 : memref<80x64xf32, #tpu.memory_space<vmem>>)
    %dma_start3A_155 = arith.constant 124 : i32
    %dma_start3A_156 = arith.constant 0 : i32
    %dma_start3A_157 = tpu.memref_slice %arg8[%dma_start3A_155, %dma_start3A_156] : memref<125x80xi32, #tpu.memory_space<vmem>> -> memref<1x80xi32, #tpu.memory_space<vmem>>
    %dma_start3A_158 = tpu.memref_squeeze %dma_start3A_157 : memref<1x80xi32, #tpu.memory_space<vmem>> -> memref<80xi32, #tpu.memory_space<vmem>>
    %dma_start3A_159 = arith.constant 0 : i32
    %dma_start3A_160 = arith.constant 0 : i32
    %dma_start3A_161 = tpu.memref_slice %arg45[%dma_start3A_159, %dma_start3A_160] : memref<10000x64xf32, #tpu.memory_space<vmem_shared>> -> memref<10000x64xf32, #tpu.memory_space<vmem_shared>>
    tpu.enqueue_indirect_dma source(%arg13 : memref<80x64xf32, #tpu.memory_space<vmem>>) target(%dma_start3A_161 : memref<10000x64xf32, #tpu.memory_space<vmem_shared>>) offsets(%dma_start3A_158 : memref<80xi32, #tpu.memory_space<vmem>>) semaphore(%arg37 : memref<!tpu.dma_semaphore, #tpu.memory_space<semaphore_mem>>) {add = true}
    %dma_wait3A_162 = arith.constant 0 : i32
    %dma_wait3A_163 = arith.constant 0 : i32
    %dma_wait3A_164 = tpu.memref_slice %arg8[%dma_wait3A_162, %dma_wait3A_163] : memref<125x80xi32, #tpu.memory_space<vmem>> -> memref<1x80xi32, #tpu.memory_space<vmem>>
    %dma_wait3A_165 = tpu.memref_squeeze %dma_wait3A_164 : memref<1x80xi32, #tpu.memory_space<vmem>> -> memref<80xi32, #tpu.memory_space<vmem>>
    %dma_wait3A_166 = arith.constant 0 : i32
    %dma_wait3A_167 = arith.constant 0 : i32
    %dma_wait3A_168 = tpu.memref_slice %arg45[%dma_wait3A_166, %dma_wait3A_167] : memref<10000x64xf32, #tpu.memory_space<vmem_shared>> -> memref<10000x64xf32, #tpu.memory_space<vmem_shared>>
    tpu.wait_indirect_dma semaphore(%arg33 : memref<!tpu.dma_semaphore, #tpu.memory_space<semaphore_mem>>) src(%arg9 : memref<80x64xf32, #tpu.memory_space<vmem>>) dst(%dma_wait3A_168 : memref<10000x64xf32, #tpu.memory_space<vmem_shared>>)
    %dma_wait3A_169 = arith.constant 0 : i32
    %dma_wait3A_170 = arith.constant 0 : i32
    %dma_wait3A_171 = tpu.memref_slice %arg8[%dma_wait3A_169, %dma_wait3A_170] : memref<125x80xi32, #tpu.memory_space<vmem>> -> memref<1x80xi32, #tpu.memory_space<vmem>>
    %dma_wait3A_172 = tpu.memref_squeeze %dma_wait3A_171 : memref<1x80xi32, #tpu.memory_space<vmem>> -> memref<80xi32, #tpu.memory_space<vmem>>
    %dma_wait3A_173 = arith.constant 0 : i32
    %dma_wait3A_174 = arith.constant 0 : i32
    %dma_wait3A_175 = tpu.memref_slice %arg45[%dma_wait3A_173, %dma_wait3A_174] : memref<10000x64xf32, #tpu.memory_space<vmem_shared>> -> memref<10000x64xf32, #tpu.memory_space<vmem_shared>>
    tpu.wait_indirect_dma semaphore(%arg34 : memref<!tpu.dma_semaphore, #tpu.memory_space<semaphore_mem>>) src(%arg10 : memref<80x64xf32, #tpu.memory_space<vmem>>) dst(%dma_wait3A_175 : memref<10000x64xf32, #tpu.memory_space<vmem_shared>>)
    %dma_wait3A_176 = arith.constant 0 : i32
    %dma_wait3A_177 = arith.constant 0 : i32
    %dma_wait3A_178 = tpu.memref_slice %arg8[%dma_wait3A_176, %dma_wait3A_177] : memref<125x80xi32, #tpu.memory_space<vmem>> -> memref<1x80xi32, #tpu.memory_space<vmem>>
    %dma_wait3A_179 = tpu.memref_squeeze %dma_wait3A_178 : memref<1x80xi32, #tpu.memory_space<vmem>> -> memref<80xi32, #tpu.memory_space<vmem>>
    %dma_wait3A_180 = arith.constant 0 : i32
    %dma_wait3A_181 = arith.constant 0 : i32
    %dma_wait3A_182 = tpu.memref_slice %arg45[%dma_wait3A_180, %dma_wait3A_181] : memref<10000x64xf32, #tpu.memory_space<vmem_shared>> -> memref<10000x64xf32, #tpu.memory_space<vmem_shared>>
    tpu.wait_indirect_dma semaphore(%arg35 : memref<!tpu.dma_semaphore, #tpu.memory_space<semaphore_mem>>) src(%arg11 : memref<80x64xf32, #tpu.memory_space<vmem>>) dst(%dma_wait3A_182 : memref<10000x64xf32, #tpu.memory_space<vmem_shared>>)
    %dma_wait3A_183 = arith.constant 0 : i32
    %dma_wait3A_184 = arith.constant 0 : i32
    %dma_wait3A_185 = tpu.memref_slice %arg8[%dma_wait3A_183, %dma_wait3A_184] : memref<125x80xi32, #tpu.memory_space<vmem>> -> memref<1x80xi32, #tpu.memory_space<vmem>>
    %dma_wait3A_186 = tpu.memref_squeeze %dma_wait3A_185 : memref<1x80xi32, #tpu.memory_space<vmem>> -> memref<80xi32, #tpu.memory_space<vmem>>
    %dma_wait3A_187 = arith.constant 0 : i32
    %dma_wait3A_188 = arith.constant 0 : i32
    %dma_wait3A_189 = tpu.memref_slice %arg45[%dma_wait3A_187, %dma_wait3A_188] : memref<10000x64xf32, #tpu.memory_space<vmem_shared>> -> memref<10000x64xf32, #tpu.memory_space<vmem_shared>>
    tpu.wait_indirect_dma semaphore(%arg36 : memref<!tpu.dma_semaphore, #tpu.memory_space<semaphore_mem>>) src(%arg12 : memref<80x64xf32, #tpu.memory_space<vmem>>) dst(%dma_wait3A_189 : memref<10000x64xf32, #tpu.memory_space<vmem_shared>>)
    %dma_wait3A_190 = arith.constant 0 : i32
    %dma_wait3A_191 = arith.constant 0 : i32
    %dma_wait3A_192 = tpu.memref_slice %arg8[%dma_wait3A_190, %dma_wait3A_191] : memref<125x80xi32, #tpu.memory_space<vmem>> -> memref<1x80xi32, #tpu.memory_space<vmem>>
    %dma_wait3A_193 = tpu.memref_squeeze %dma_wait3A_192 : memref<1x80xi32, #tpu.memory_space<vmem>> -> memref<80xi32, #tpu.memory_space<vmem>>
    %dma_wait3A_194 = arith.constant 0 : i32
    %dma_wait3A_195 = arith.constant 0 : i32
    %dma_wait3A_196 = tpu.memref_slice %arg45[%dma_wait3A_194, %dma_wait3A_195] : memref<10000x64xf32, #tpu.memory_space<vmem_shared>> -> memref<10000x64xf32, #tpu.memory_space<vmem_shared>>
    tpu.wait_indirect_dma semaphore(%arg37 : memref<!tpu.dma_semaphore, #tpu.memory_space<semaphore_mem>>) src(%arg13 : memref<80x64xf32, #tpu.memory_space<vmem>>) dst(%dma_wait3A_196 : memref<10000x64xf32, #tpu.memory_space<vmem_shared>>)
    %dma_wait3A_197 = arith.constant 0 : i32
    %dma_wait3A_198 = arith.constant 0 : i32
    %dma_wait3A_199 = tpu.memref_slice %arg8[%dma_wait3A_197, %dma_wait3A_198] : memref<125x80xi32, #tpu.memory_space<vmem>> -> memref<1x80xi32, #tpu.memory_space<vmem>>
    %dma_wait3A_200 = tpu.memref_squeeze %dma_wait3A_199 : memref<1x80xi32, #tpu.memory_space<vmem>> -> memref<80xi32, #tpu.memory_space<vmem>>
    %dma_wait3A_201 = arith.constant 0 : i32
    %dma_wait3A_202 = arith.constant 0 : i32
    %dma_wait3A_203 = tpu.memref_slice %arg45[%dma_wait3A_201, %dma_wait3A_202] : memref<10000x64xf32, #tpu.memory_space<vmem_shared>> -> memref<10000x64xf32, #tpu.memory_space<vmem_shared>>
    tpu.wait_indirect_dma semaphore(%arg38 : memref<!tpu.dma_semaphore, #tpu.memory_space<semaphore_mem>>) src(%arg14 : memref<80x64xf32, #tpu.memory_space<vmem>>) dst(%dma_wait3A_203 : memref<10000x64xf32, #tpu.memory_space<vmem_shared>>)
    %dma_wait3A_204 = arith.constant 0 : i32
    %dma_wait3A_205 = arith.constant 0 : i32
    %dma_wait3A_206 = tpu.memref_slice %arg8[%dma_wait3A_204, %dma_wait3A_205] : memref<125x80xi32, #tpu.memory_space<vmem>> -> memref<1x80xi32, #tpu.memory_space<vmem>>
    %dma_wait3A_207 = tpu.memref_squeeze %dma_wait3A_206 : memref<1x80xi32, #tpu.memory_space<vmem>> -> memref<80xi32, #tpu.memory_space<vmem>>
    %dma_wait3A_208 = arith.constant 0 : i32
    %dma_wait3A_209 = arith.constant 0 : i32
    %dma_wait3A_210 = tpu.memref_slice %arg45[%dma_wait3A_208, %dma_wait3A_209] : memref<10000x64xf32, #tpu.memory_space<vmem_shared>> -> memref<10000x64xf32, #tpu.memory_space<vmem_shared>>
    tpu.wait_indirect_dma semaphore(%arg39 : memref<!tpu.dma_semaphore, #tpu.memory_space<semaphore_mem>>) src(%arg15 : memref<80x64xf32, #tpu.memory_space<vmem>>) dst(%dma_wait3A_210 : memref<10000x64xf32, #tpu.memory_space<vmem_shared>>)
    %dma_wait3A_211 = arith.constant 0 : i32
    %dma_wait3A_212 = arith.constant 0 : i32
    %dma_wait3A_213 = tpu.memref_slice %arg8[%dma_wait3A_211, %dma_wait3A_212] : memref<125x80xi32, #tpu.memory_space<vmem>> -> memref<1x80xi32, #tpu.memory_space<vmem>>
    %dma_wait3A_214 = tpu.memref_squeeze %dma_wait3A_213 : memref<1x80xi32, #tpu.memory_space<vmem>> -> memref<80xi32, #tpu.memory_space<vmem>>
    %dma_wait3A_215 = arith.constant 0 : i32
    %dma_wait3A_216 = arith.constant 0 : i32
    %dma_wait3A_217 = tpu.memref_slice %arg45[%dma_wait3A_215, %dma_wait3A_216] : memref<10000x64xf32, #tpu.memory_space<vmem_shared>> -> memref<10000x64xf32, #tpu.memory_space<vmem_shared>>
    tpu.wait_indirect_dma semaphore(%arg40 : memref<!tpu.dma_semaphore, #tpu.memory_space<semaphore_mem>>) src(%arg16 : memref<80x64xf32, #tpu.memory_space<vmem>>) dst(%dma_wait3A_217 : memref<10000x64xf32, #tpu.memory_space<vmem_shared>>)
    %dma_wait3A_218 = arith.constant 0 : i32
    %dma_wait3A_219 = arith.constant 0 : i32
    %dma_wait3A_220 = tpu.memref_slice %arg8[%dma_wait3A_218, %dma_wait3A_219] : memref<125x80xi32, #tpu.memory_space<vmem>> -> memref<1x80xi32, #tpu.memory_space<vmem>>
    %dma_wait3A_221 = tpu.memref_squeeze %dma_wait3A_220 : memref<1x80xi32, #tpu.memory_space<vmem>> -> memref<80xi32, #tpu.memory_space<vmem>>
    %dma_wait3A_222 = arith.constant 0 : i32
    %dma_wait3A_223 = arith.constant 0 : i32
    %dma_wait3A_224 = tpu.memref_slice %arg45[%dma_wait3A_222, %dma_wait3A_223] : memref<10000x64xf32, #tpu.memory_space<vmem_shared>> -> memref<10000x64xf32, #tpu.memory_space<vmem_shared>>
    tpu.wait_indirect_dma semaphore(%arg41 : memref<!tpu.dma_semaphore, #tpu.memory_space<semaphore_mem>>) src(%arg17 : memref<80x64xf32, #tpu.memory_space<vmem>>) dst(%dma_wait3A_224 : memref<10000x64xf32, #tpu.memory_space<vmem_shared>>)
    %dma_wait3A_225 = arith.constant 0 : i32
    %dma_wait3A_226 = arith.constant 0 : i32
    %dma_wait3A_227 = tpu.memref_slice %arg8[%dma_wait3A_225, %dma_wait3A_226] : memref<125x80xi32, #tpu.memory_space<vmem>> -> memref<1x80xi32, #tpu.memory_space<vmem>>
    %dma_wait3A_228 = tpu.memref_squeeze %dma_wait3A_227 : memref<1x80xi32, #tpu.memory_space<vmem>> -> memref<80xi32, #tpu.memory_space<vmem>>
    %dma_wait3A_229 = arith.constant 0 : i32
    %dma_wait3A_230 = arith.constant 0 : i32
    %dma_wait3A_231 = tpu.memref_slice %arg45[%dma_wait3A_229, %dma_wait3A_230] : memref<10000x64xf32, #tpu.memory_space<vmem_shared>> -> memref<10000x64xf32, #tpu.memory_space<vmem_shared>>
    tpu.wait_indirect_dma semaphore(%arg42 : memref<!tpu.dma_semaphore, #tpu.memory_space<semaphore_mem>>) src(%arg18 : memref<80x64xf32, #tpu.memory_space<vmem>>) dst(%dma_wait3A_231 : memref<10000x64xf32, #tpu.memory_space<vmem_shared>>)
    %dma_wait3A_232 = arith.constant 0 : i32
    %dma_wait3A_233 = arith.constant 0 : i32
    %dma_wait3A_234 = tpu.memref_slice %arg8[%dma_wait3A_232, %dma_wait3A_233] : memref<125x80xi32, #tpu.memory_space<vmem>> -> memref<1x80xi32, #tpu.memory_space<vmem>>
    %dma_wait3A_235 = tpu.memref_squeeze %dma_wait3A_234 : memref<1x80xi32, #tpu.memory_space<vmem>> -> memref<80xi32, #tpu.memory_space<vmem>>
    %dma_wait3A_236 = arith.constant 0 : i32
    %dma_wait3A_237 = arith.constant 0 : i32
    %dma_wait3A_238 = tpu.memref_slice %arg45[%dma_wait3A_236, %dma_wait3A_237] : memref<10000x64xf32, #tpu.memory_space<vmem_shared>> -> memref<10000x64xf32, #tpu.memory_space<vmem_shared>>
    tpu.wait_indirect_dma semaphore(%arg43 : memref<!tpu.dma_semaphore, #tpu.memory_space<semaphore_mem>>) src(%arg19 : memref<80x64xf32, #tpu.memory_space<vmem>>) dst(%dma_wait3A_238 : memref<10000x64xf32, #tpu.memory_space<vmem_shared>>)
    %dma_wait3A_239 = arith.constant 0 : i32
    %dma_wait3A_240 = arith.constant 0 : i32
    %dma_wait3A_241 = tpu.memref_slice %arg8[%dma_wait3A_239, %dma_wait3A_240] : memref<125x80xi32, #tpu.memory_space<vmem>> -> memref<1x80xi32, #tpu.memory_space<vmem>>
    %dma_wait3A_242 = tpu.memref_squeeze %dma_wait3A_241 : memref<1x80xi32, #tpu.memory_space<vmem>> -> memref<80xi32, #tpu.memory_space<vmem>>
    %dma_wait3A_243 = arith.constant 0 : i32
    %dma_wait3A_244 = arith.constant 0 : i32
    %dma_wait3A_245 = tpu.memref_slice %arg45[%dma_wait3A_243, %dma_wait3A_244] : memref<10000x64xf32, #tpu.memory_space<vmem_shared>> -> memref<10000x64xf32, #tpu.memory_space<vmem_shared>>
    tpu.wait_indirect_dma semaphore(%arg44 : memref<!tpu.dma_semaphore, #tpu.memory_space<semaphore_mem>>) src(%arg20 : memref<80x64xf32, #tpu.memory_space<vmem>>) dst(%dma_wait3A_245 : memref<10000x64xf32, #tpu.memory_space<vmem_shared>>)
    %barrier3A_246 = arith.constant 0 : index
    tpu.barrier barrier_id(%barrier3A_246)
    %mul3A_247 = arith.constant 625 : i32
    %mul3A_248 = arith.muli %arg1, %mul3A_247 : i32
    %mul3A_249 = arith.constant 625 : i32
    %mul3A_250 = arith.muli %arg1, %mul3A_249 : i32
    "tpu.region"() ({
      %run_scoped3A = tpu.sem_alloc : memref<!tpu.dma_semaphore, #tpu.memory_space<semaphore_mem>>
      %dma_start3A_251 = arith.constant 0 : i32
      %dma_start3A_252 = tpu.memref_slice %arg6[%arg0, %mul3A_250, %dma_start3A_251] : memref<2x10000x64xf32, #tpu.memory_space<hbm>> -> memref<1x625x64xf32, #tpu.memory_space<hbm>>
      %dma_start3A_253 = tpu.memref_squeeze %dma_start3A_252 : memref<1x625x64xf32, #tpu.memory_space<hbm>> -> memref<625x64xf32, #tpu.memory_space<hbm>>
      %dma_start3A_254 = arith.constant 0 : i32
      %dma_start3A_255 = tpu.memref_slice %arg45[%mul3A_248, %dma_start3A_254] : memref<10000x64xf32, #tpu.memory_space<vmem_shared>> -> memref<625x64xf32, #tpu.memory_space<vmem_shared>>
      tpu.enqueue_dma source(%dma_start3A_255 : memref<625x64xf32, #tpu.memory_space<vmem_shared>>) target(%dma_start3A_253 : memref<625x64xf32, #tpu.memory_space<hbm>>) target_semaphore(%run_scoped3A : memref<!tpu.dma_semaphore, #tpu.memory_space<semaphore_mem>>)
      %dma_wait3A_256 = arith.constant 0 : i32
      %dma_wait3A_257 = tpu.memref_slice %arg6[%arg0, %mul3A_250, %dma_wait3A_256] : memref<2x10000x64xf32, #tpu.memory_space<hbm>> -> memref<1x625x64xf32, #tpu.memory_space<hbm>>
      %dma_wait3A_258 = tpu.memref_squeeze %dma_wait3A_257 : memref<1x625x64xf32, #tpu.memory_space<hbm>> -> memref<625x64xf32, #tpu.memory_space<hbm>>
      %dma_wait3A_259 = arith.constant 0 : i32
      %dma_wait3A_260 = tpu.memref_slice %arg45[%mul3A_248, %dma_wait3A_259] : memref<10000x64xf32, #tpu.memory_space<vmem_shared>> -> memref<625x64xf32, #tpu.memory_space<vmem_shared>>
      tpu.wait_dma2 semaphore(%run_scoped3A : memref<!tpu.dma_semaphore, #tpu.memory_space<semaphore_mem>>) src(%dma_wait3A_260 : memref<625x64xf32, #tpu.memory_space<vmem_shared>>) dst(%dma_wait3A_258 : memref<625x64xf32, #tpu.memory_space<hbm>>)
      tpu.yield
    }) : () -> ()
    return
  }
}

#map = affine_map<(d0, d1) -> (0, 0, 0)>
#map1 = affine_map<(d0, d1) -> (0, 0)>
module attributes {stable_mosaic.version = 14 : i64} {
  func.func @deg_kernel(%arg0: i32, %arg1: i32, %arg2: memref<32x125x80xi32, #tpu.memory_space<hbm>>, %arg3: memref<80x16xf32, #tpu.memory_space<hbm>>, %arg4: memref<10000x16xf32, #tpu.memory_space<hbm>>, %arg5: memref<2x10000x16xf32, #tpu.memory_space<hbm>>, %arg6: memref<125x80xi32, #tpu.memory_space<vmem>>, %arg7: memref<80x16xf32, #tpu.memory_space<vmem>>, %arg8: memref<10000x16xf32, #tpu.memory_space<vmem_shared>>, %arg9: memref<!tpu.dma_semaphore, #tpu.memory_space<semaphore_mem>>) attributes {dimension_semantics = [#tpu.dimension_semantics<core_parallel>, #tpu.dimension_semantics<subcore_parallel>], iteration_bounds = array<i64: 2, 16>, scalar_prefetch = 0 : i64, scratch_operands = 4 : i64, tpu.core_type = #tpu.core_type<sc_vector_subcore>, window_params = [{transform_indices = #map}, {transform_indices = #map1}, {transform_indices = #map1}, {transform_indices = #map}]} {
    %mul3A = arith.constant 2 : i32
    %mul3A_0 = arith.muli %arg1, %mul3A : i32
    %add3A = arith.addi %mul3A_0, %arg0 : i32
    "tpu.region"() ({
      %run_scoped3A = tpu.sem_alloc : memref<!tpu.dma_semaphore, #tpu.memory_space<semaphore_mem>>
      %dma_start3A = arith.constant 0 : i32
      %dma_start3A_15 = arith.constant 0 : i32
      %dma_start3A_16 = tpu.memref_slice %arg2[%add3A, %dma_start3A, %dma_start3A_15] : memref<32x125x80xi32, #tpu.memory_space<hbm>> -> memref<1x125x80xi32, #tpu.memory_space<hbm>>
      %dma_start3A_17 = tpu.memref_squeeze %dma_start3A_16 : memref<1x125x80xi32, #tpu.memory_space<hbm>> -> memref<125x80xi32, #tpu.memory_space<hbm>>
      %dma_start3A_18 = arith.constant 0 : i32
      %dma_start3A_19 = arith.constant 0 : i32
      %dma_start3A_20 = tpu.memref_slice %arg2[%add3A, %dma_start3A_18, %dma_start3A_19] : memref<32x125x80xi32, #tpu.memory_space<hbm>> -> memref<1x125x80xi32, #tpu.memory_space<hbm>>
      %dma_start3A_21 = tpu.memref_squeeze %dma_start3A_20 : memref<1x125x80xi32, #tpu.memory_space<hbm>> -> memref<125x80xi32, #tpu.memory_space<hbm>>
      tpu.enqueue_dma source(%dma_start3A_21 : memref<125x80xi32, #tpu.memory_space<hbm>>) target(%arg6 : memref<125x80xi32, #tpu.memory_space<vmem>>) target_semaphore(%run_scoped3A : memref<!tpu.dma_semaphore, #tpu.memory_space<semaphore_mem>>)
      %dma_wait3A = arith.constant 0 : i32
      %dma_wait3A_22 = arith.constant 0 : i32
      %dma_wait3A_23 = tpu.memref_slice %arg2[%add3A, %dma_wait3A, %dma_wait3A_22] : memref<32x125x80xi32, #tpu.memory_space<hbm>> -> memref<1x125x80xi32, #tpu.memory_space<hbm>>
      %dma_wait3A_24 = tpu.memref_squeeze %dma_wait3A_23 : memref<1x125x80xi32, #tpu.memory_space<hbm>> -> memref<125x80xi32, #tpu.memory_space<hbm>>
      %dma_wait3A_25 = arith.constant 0 : i32
      %dma_wait3A_26 = arith.constant 0 : i32
      %dma_wait3A_27 = tpu.memref_slice %arg2[%add3A, %dma_wait3A_25, %dma_wait3A_26] : memref<32x125x80xi32, #tpu.memory_space<hbm>> -> memref<1x125x80xi32, #tpu.memory_space<hbm>>
      %dma_wait3A_28 = tpu.memref_squeeze %dma_wait3A_27 : memref<1x125x80xi32, #tpu.memory_space<hbm>> -> memref<125x80xi32, #tpu.memory_space<hbm>>
      tpu.wait_dma2 semaphore(%run_scoped3A : memref<!tpu.dma_semaphore, #tpu.memory_space<semaphore_mem>>) src(%dma_wait3A_28 : memref<125x80xi32, #tpu.memory_space<hbm>>) dst(%arg6 : memref<125x80xi32, #tpu.memory_space<vmem>>)
      tpu.yield
    }) : () -> ()
    "tpu.region"() ({
      %run_scoped3A = tpu.sem_alloc : memref<!tpu.dma_semaphore, #tpu.memory_space<semaphore_mem>>
      tpu.enqueue_dma source(%arg3 : memref<80x16xf32, #tpu.memory_space<hbm>>) target(%arg7 : memref<80x16xf32, #tpu.memory_space<vmem>>) target_semaphore(%run_scoped3A : memref<!tpu.dma_semaphore, #tpu.memory_space<semaphore_mem>>)
      tpu.wait_dma2 semaphore(%run_scoped3A : memref<!tpu.dma_semaphore, #tpu.memory_space<semaphore_mem>>) src(%arg3 : memref<80x16xf32, #tpu.memory_space<hbm>>) dst(%arg7 : memref<80x16xf32, #tpu.memory_space<vmem>>)
      tpu.yield
    }) : () -> ()
    %mul3A_1 = arith.constant 625 : i32
    %mul3A_2 = arith.muli %arg1, %mul3A_1 : i32
    %mul3A_3 = arith.constant 625 : i32
    %mul3A_4 = arith.muli %arg1, %mul3A_3 : i32
    "tpu.region"() ({
      %run_scoped3A = tpu.sem_alloc : memref<!tpu.dma_semaphore, #tpu.memory_space<semaphore_mem>>
      %dma_start3A = arith.constant 0 : i32
      %dma_start3A_15 = tpu.memref_slice %arg8[%mul3A_4, %dma_start3A] : memref<10000x16xf32, #tpu.memory_space<vmem_shared>> -> memref<625x16xf32, #tpu.memory_space<vmem_shared>>
      %dma_start3A_16 = arith.constant 0 : i32
      %dma_start3A_17 = tpu.memref_slice %arg4[%mul3A_2, %dma_start3A_16] : memref<10000x16xf32, #tpu.memory_space<hbm>> -> memref<625x16xf32, #tpu.memory_space<hbm>>
      tpu.enqueue_dma source(%dma_start3A_17 : memref<625x16xf32, #tpu.memory_space<hbm>>) target(%dma_start3A_15 : memref<625x16xf32, #tpu.memory_space<vmem_shared>>) target_semaphore(%run_scoped3A : memref<!tpu.dma_semaphore, #tpu.memory_space<semaphore_mem>>)
      %dma_wait3A = arith.constant 0 : i32
      %dma_wait3A_18 = tpu.memref_slice %arg8[%mul3A_4, %dma_wait3A] : memref<10000x16xf32, #tpu.memory_space<vmem_shared>> -> memref<625x16xf32, #tpu.memory_space<vmem_shared>>
      %dma_wait3A_19 = arith.constant 0 : i32
      %dma_wait3A_20 = tpu.memref_slice %arg4[%mul3A_2, %dma_wait3A_19] : memref<10000x16xf32, #tpu.memory_space<hbm>> -> memref<625x16xf32, #tpu.memory_space<hbm>>
      tpu.wait_dma2 semaphore(%run_scoped3A : memref<!tpu.dma_semaphore, #tpu.memory_space<semaphore_mem>>) src(%dma_wait3A_20 : memref<625x16xf32, #tpu.memory_space<hbm>>) dst(%dma_wait3A_18 : memref<625x16xf32, #tpu.memory_space<vmem_shared>>)
      tpu.yield
    }) : () -> ()
    %barrier3A = arith.constant 0 : index
    tpu.barrier barrier_id(%barrier3A)
    %scan3A = arith.constant 0 : i32
    %scan3A_5 = arith.constant 0 : i32
    %scan3A_6 = arith.constant 5 : i32
    %scan3A_7 = arith.addi %scan3A_5, %scan3A_6 : i32
    %scan3A_8 = arith.constant 1 : i32
    scf.for %scan3A_15 = %scan3A_5 to %scan3A_7 step %scan3A_8  : i32 {
      %mul3A_16 = arith.constant 25 : i32
      %mul3A_17 = arith.muli %scan3A_15, %mul3A_16 : i32
      %add3A_18 = arith.constant 0 : i32
      %add3A_19 = arith.addi %mul3A_17, %add3A_18 : i32
      %dma_start3A = arith.constant 0 : i32
      %dma_start3A_20 = tpu.memref_slice %arg6[%add3A_19, %dma_start3A] : memref<125x80xi32, #tpu.memory_space<vmem>> -> memref<1x80xi32, #tpu.memory_space<vmem>>
      %dma_start3A_21 = tpu.memref_squeeze %dma_start3A_20 : memref<1x80xi32, #tpu.memory_space<vmem>> -> memref<80xi32, #tpu.memory_space<vmem>>
      %dma_start3A_22 = arith.constant 0 : i32
      %dma_start3A_23 = arith.constant 0 : i32
      %dma_start3A_24 = tpu.memref_slice %arg8[%dma_start3A_22, %dma_start3A_23] : memref<10000x16xf32, #tpu.memory_space<vmem_shared>> -> memref<10000x16xf32, #tpu.memory_space<vmem_shared>>
      tpu.enqueue_indirect_dma source(%arg7 : memref<80x16xf32, #tpu.memory_space<vmem>>) target(%dma_start3A_24 : memref<10000x16xf32, #tpu.memory_space<vmem_shared>>) offsets(%dma_start3A_21 : memref<80xi32, #tpu.memory_space<vmem>>) semaphore(%arg9 : memref<!tpu.dma_semaphore, #tpu.memory_space<semaphore_mem>>) {add = true}
      %add3A_25 = arith.constant 1 : i32
      %add3A_26 = arith.addi %mul3A_17, %add3A_25 : i32
      %dma_start3A_27 = arith.constant 0 : i32
      %dma_start3A_28 = tpu.memref_slice %arg6[%add3A_26, %dma_start3A_27] : memref<125x80xi32, #tpu.memory_space<vmem>> -> memref<1x80xi32, #tpu.memory_space<vmem>>
      %dma_start3A_29 = tpu.memref_squeeze %dma_start3A_28 : memref<1x80xi32, #tpu.memory_space<vmem>> -> memref<80xi32, #tpu.memory_space<vmem>>
      %dma_start3A_30 = arith.constant 0 : i32
      %dma_start3A_31 = arith.constant 0 : i32
      %dma_start3A_32 = tpu.memref_slice %arg8[%dma_start3A_30, %dma_start3A_31] : memref<10000x16xf32, #tpu.memory_space<vmem_shared>> -> memref<10000x16xf32, #tpu.memory_space<vmem_shared>>
      tpu.enqueue_indirect_dma source(%arg7 : memref<80x16xf32, #tpu.memory_space<vmem>>) target(%dma_start3A_32 : memref<10000x16xf32, #tpu.memory_space<vmem_shared>>) offsets(%dma_start3A_29 : memref<80xi32, #tpu.memory_space<vmem>>) semaphore(%arg9 : memref<!tpu.dma_semaphore, #tpu.memory_space<semaphore_mem>>) {add = true}
      %add3A_33 = arith.constant 2 : i32
      %add3A_34 = arith.addi %mul3A_17, %add3A_33 : i32
      %dma_start3A_35 = arith.constant 0 : i32
      %dma_start3A_36 = tpu.memref_slice %arg6[%add3A_34, %dma_start3A_35] : memref<125x80xi32, #tpu.memory_space<vmem>> -> memref<1x80xi32, #tpu.memory_space<vmem>>
      %dma_start3A_37 = tpu.memref_squeeze %dma_start3A_36 : memref<1x80xi32, #tpu.memory_space<vmem>> -> memref<80xi32, #tpu.memory_space<vmem>>
      %dma_start3A_38 = arith.constant 0 : i32
      %dma_start3A_39 = arith.constant 0 : i32
      %dma_start3A_40 = tpu.memref_slice %arg8[%dma_start3A_38, %dma_start3A_39] : memref<10000x16xf32, #tpu.memory_space<vmem_shared>> -> memref<10000x16xf32, #tpu.memory_space<vmem_shared>>
      tpu.enqueue_indirect_dma source(%arg7 : memref<80x16xf32, #tpu.memory_space<vmem>>) target(%dma_start3A_40 : memref<10000x16xf32, #tpu.memory_space<vmem_shared>>) offsets(%dma_start3A_37 : memref<80xi32, #tpu.memory_space<vmem>>) semaphore(%arg9 : memref<!tpu.dma_semaphore, #tpu.memory_space<semaphore_mem>>) {add = true}
      %add3A_41 = arith.constant 3 : i32
      %add3A_42 = arith.addi %mul3A_17, %add3A_41 : i32
      %dma_start3A_43 = arith.constant 0 : i32
      %dma_start3A_44 = tpu.memref_slice %arg6[%add3A_42, %dma_start3A_43] : memref<125x80xi32, #tpu.memory_space<vmem>> -> memref<1x80xi32, #tpu.memory_space<vmem>>
      %dma_start3A_45 = tpu.memref_squeeze %dma_start3A_44 : memref<1x80xi32, #tpu.memory_space<vmem>> -> memref<80xi32, #tpu.memory_space<vmem>>
      %dma_start3A_46 = arith.constant 0 : i32
      %dma_start3A_47 = arith.constant 0 : i32
      %dma_start3A_48 = tpu.memref_slice %arg8[%dma_start3A_46, %dma_start3A_47] : memref<10000x16xf32, #tpu.memory_space<vmem_shared>> -> memref<10000x16xf32, #tpu.memory_space<vmem_shared>>
      tpu.enqueue_indirect_dma source(%arg7 : memref<80x16xf32, #tpu.memory_space<vmem>>) target(%dma_start3A_48 : memref<10000x16xf32, #tpu.memory_space<vmem_shared>>) offsets(%dma_start3A_45 : memref<80xi32, #tpu.memory_space<vmem>>) semaphore(%arg9 : memref<!tpu.dma_semaphore, #tpu.memory_space<semaphore_mem>>) {add = true}
      %add3A_49 = arith.constant 4 : i32
      %add3A_50 = arith.addi %mul3A_17, %add3A_49 : i32
      %dma_start3A_51 = arith.constant 0 : i32
      %dma_start3A_52 = tpu.memref_slice %arg6[%add3A_50, %dma_start3A_51] : memref<125x80xi32, #tpu.memory_space<vmem>> -> memref<1x80xi32, #tpu.memory_space<vmem>>
      %dma_start3A_53 = tpu.memref_squeeze %dma_start3A_52 : memref<1x80xi32, #tpu.memory_space<vmem>> -> memref<80xi32, #tpu.memory_space<vmem>>
      %dma_start3A_54 = arith.constant 0 : i32
      %dma_start3A_55 = arith.constant 0 : i32
      %dma_start3A_56 = tpu.memref_slice %arg8[%dma_start3A_54, %dma_start3A_55] : memref<10000x16xf32, #tpu.memory_space<vmem_shared>> -> memref<10000x16xf32, #tpu.memory_space<vmem_shared>>
      tpu.enqueue_indirect_dma source(%arg7 : memref<80x16xf32, #tpu.memory_space<vmem>>) target(%dma_start3A_56 : memref<10000x16xf32, #tpu.memory_space<vmem_shared>>) offsets(%dma_start3A_53 : memref<80xi32, #tpu.memory_space<vmem>>) semaphore(%arg9 : memref<!tpu.dma_semaphore, #tpu.memory_space<semaphore_mem>>) {add = true}
      %add3A_57 = arith.constant 5 : i32
      %add3A_58 = arith.addi %mul3A_17, %add3A_57 : i32
      %dma_start3A_59 = arith.constant 0 : i32
      %dma_start3A_60 = tpu.memref_slice %arg6[%add3A_58, %dma_start3A_59] : memref<125x80xi32, #tpu.memory_space<vmem>> -> memref<1x80xi32, #tpu.memory_space<vmem>>
      %dma_start3A_61 = tpu.memref_squeeze %dma_start3A_60 : memref<1x80xi32, #tpu.memory_space<vmem>> -> memref<80xi32, #tpu.memory_space<vmem>>
      %dma_start3A_62 = arith.constant 0 : i32
      %dma_start3A_63 = arith.constant 0 : i32
      %dma_start3A_64 = tpu.memref_slice %arg8[%dma_start3A_62, %dma_start3A_63] : memref<10000x16xf32, #tpu.memory_space<vmem_shared>> -> memref<10000x16xf32, #tpu.memory_space<vmem_shared>>
      tpu.enqueue_indirect_dma source(%arg7 : memref<80x16xf32, #tpu.memory_space<vmem>>) target(%dma_start3A_64 : memref<10000x16xf32, #tpu.memory_space<vmem_shared>>) offsets(%dma_start3A_61 : memref<80xi32, #tpu.memory_space<vmem>>) semaphore(%arg9 : memref<!tpu.dma_semaphore, #tpu.memory_space<semaphore_mem>>) {add = true}
      %add3A_65 = arith.constant 6 : i32
      %add3A_66 = arith.addi %mul3A_17, %add3A_65 : i32
      %dma_start3A_67 = arith.constant 0 : i32
      %dma_start3A_68 = tpu.memref_slice %arg6[%add3A_66, %dma_start3A_67] : memref<125x80xi32, #tpu.memory_space<vmem>> -> memref<1x80xi32, #tpu.memory_space<vmem>>
      %dma_start3A_69 = tpu.memref_squeeze %dma_start3A_68 : memref<1x80xi32, #tpu.memory_space<vmem>> -> memref<80xi32, #tpu.memory_space<vmem>>
      %dma_start3A_70 = arith.constant 0 : i32
      %dma_start3A_71 = arith.constant 0 : i32
      %dma_start3A_72 = tpu.memref_slice %arg8[%dma_start3A_70, %dma_start3A_71] : memref<10000x16xf32, #tpu.memory_space<vmem_shared>> -> memref<10000x16xf32, #tpu.memory_space<vmem_shared>>
      tpu.enqueue_indirect_dma source(%arg7 : memref<80x16xf32, #tpu.memory_space<vmem>>) target(%dma_start3A_72 : memref<10000x16xf32, #tpu.memory_space<vmem_shared>>) offsets(%dma_start3A_69 : memref<80xi32, #tpu.memory_space<vmem>>) semaphore(%arg9 : memref<!tpu.dma_semaphore, #tpu.memory_space<semaphore_mem>>) {add = true}
      %add3A_73 = arith.constant 7 : i32
      %add3A_74 = arith.addi %mul3A_17, %add3A_73 : i32
      %dma_start3A_75 = arith.constant 0 : i32
      %dma_start3A_76 = tpu.memref_slice %arg6[%add3A_74, %dma_start3A_75] : memref<125x80xi32, #tpu.memory_space<vmem>> -> memref<1x80xi32, #tpu.memory_space<vmem>>
      %dma_start3A_77 = tpu.memref_squeeze %dma_start3A_76 : memref<1x80xi32, #tpu.memory_space<vmem>> -> memref<80xi32, #tpu.memory_space<vmem>>
      %dma_start3A_78 = arith.constant 0 : i32
      %dma_start3A_79 = arith.constant 0 : i32
      %dma_start3A_80 = tpu.memref_slice %arg8[%dma_start3A_78, %dma_start3A_79] : memref<10000x16xf32, #tpu.memory_space<vmem_shared>> -> memref<10000x16xf32, #tpu.memory_space<vmem_shared>>
      tpu.enqueue_indirect_dma source(%arg7 : memref<80x16xf32, #tpu.memory_space<vmem>>) target(%dma_start3A_80 : memref<10000x16xf32, #tpu.memory_space<vmem_shared>>) offsets(%dma_start3A_77 : memref<80xi32, #tpu.memory_space<vmem>>) semaphore(%arg9 : memref<!tpu.dma_semaphore, #tpu.memory_space<semaphore_mem>>) {add = true}
      %add3A_81 = arith.constant 8 : i32
      %add3A_82 = arith.addi %mul3A_17, %add3A_81 : i32
      %dma_start3A_83 = arith.constant 0 : i32
      %dma_start3A_84 = tpu.memref_slice %arg6[%add3A_82, %dma_start3A_83] : memref<125x80xi32, #tpu.memory_space<vmem>> -> memref<1x80xi32, #tpu.memory_space<vmem>>
      %dma_start3A_85 = tpu.memref_squeeze %dma_start3A_84 : memref<1x80xi32, #tpu.memory_space<vmem>> -> memref<80xi32, #tpu.memory_space<vmem>>
      %dma_start3A_86 = arith.constant 0 : i32
      %dma_start3A_87 = arith.constant 0 : i32
      %dma_start3A_88 = tpu.memref_slice %arg8[%dma_start3A_86, %dma_start3A_87] : memref<10000x16xf32, #tpu.memory_space<vmem_shared>> -> memref<10000x16xf32, #tpu.memory_space<vmem_shared>>
      tpu.enqueue_indirect_dma source(%arg7 : memref<80x16xf32, #tpu.memory_space<vmem>>) target(%dma_start3A_88 : memref<10000x16xf32, #tpu.memory_space<vmem_shared>>) offsets(%dma_start3A_85 : memref<80xi32, #tpu.memory_space<vmem>>) semaphore(%arg9 : memref<!tpu.dma_semaphore, #tpu.memory_space<semaphore_mem>>) {add = true}
      %add3A_89 = arith.constant 9 : i32
      %add3A_90 = arith.addi %mul3A_17, %add3A_89 : i32
      %dma_start3A_91 = arith.constant 0 : i32
      %dma_start3A_92 = tpu.memref_slice %arg6[%add3A_90, %dma_start3A_91] : memref<125x80xi32, #tpu.memory_space<vmem>> -> memref<1x80xi32, #tpu.memory_space<vmem>>
      %dma_start3A_93 = tpu.memref_squeeze %dma_start3A_92 : memref<1x80xi32, #tpu.memory_space<vmem>> -> memref<80xi32, #tpu.memory_space<vmem>>
      %dma_start3A_94 = arith.constant 0 : i32
      %dma_start3A_95 = arith.constant 0 : i32
      %dma_start3A_96 = tpu.memref_slice %arg8[%dma_start3A_94, %dma_start3A_95] : memref<10000x16xf32, #tpu.memory_space<vmem_shared>> -> memref<10000x16xf32, #tpu.memory_space<vmem_shared>>
      tpu.enqueue_indirect_dma source(%arg7 : memref<80x16xf32, #tpu.memory_space<vmem>>) target(%dma_start3A_96 : memref<10000x16xf32, #tpu.memory_space<vmem_shared>>) offsets(%dma_start3A_93 : memref<80xi32, #tpu.memory_space<vmem>>) semaphore(%arg9 : memref<!tpu.dma_semaphore, #tpu.memory_space<semaphore_mem>>) {add = true}
      %add3A_97 = arith.constant 10 : i32
      %add3A_98 = arith.addi %mul3A_17, %add3A_97 : i32
      %dma_start3A_99 = arith.constant 0 : i32
      %dma_start3A_100 = tpu.memref_slice %arg6[%add3A_98, %dma_start3A_99] : memref<125x80xi32, #tpu.memory_space<vmem>> -> memref<1x80xi32, #tpu.memory_space<vmem>>
      %dma_start3A_101 = tpu.memref_squeeze %dma_start3A_100 : memref<1x80xi32, #tpu.memory_space<vmem>> -> memref<80xi32, #tpu.memory_space<vmem>>
      %dma_start3A_102 = arith.constant 0 : i32
      %dma_start3A_103 = arith.constant 0 : i32
      %dma_start3A_104 = tpu.memref_slice %arg8[%dma_start3A_102, %dma_start3A_103] : memref<10000x16xf32, #tpu.memory_space<vmem_shared>> -> memref<10000x16xf32, #tpu.memory_space<vmem_shared>>
      tpu.enqueue_indirect_dma source(%arg7 : memref<80x16xf32, #tpu.memory_space<vmem>>) target(%dma_start3A_104 : memref<10000x16xf32, #tpu.memory_space<vmem_shared>>) offsets(%dma_start3A_101 : memref<80xi32, #tpu.memory_space<vmem>>) semaphore(%arg9 : memref<!tpu.dma_semaphore, #tpu.memory_space<semaphore_mem>>) {add = true}
      %add3A_105 = arith.constant 11 : i32
      %add3A_106 = arith.addi %mul3A_17, %add3A_105 : i32
      %dma_start3A_107 = arith.constant 0 : i32
      %dma_start3A_108 = tpu.memref_slice %arg6[%add3A_106, %dma_start3A_107] : memref<125x80xi32, #tpu.memory_space<vmem>> -> memref<1x80xi32, #tpu.memory_space<vmem>>
      %dma_start3A_109 = tpu.memref_squeeze %dma_start3A_108 : memref<1x80xi32, #tpu.memory_space<vmem>> -> memref<80xi32, #tpu.memory_space<vmem>>
      %dma_start3A_110 = arith.constant 0 : i32
      %dma_start3A_111 = arith.constant 0 : i32
      %dma_start3A_112 = tpu.memref_slice %arg8[%dma_start3A_110, %dma_start3A_111] : memref<10000x16xf32, #tpu.memory_space<vmem_shared>> -> memref<10000x16xf32, #tpu.memory_space<vmem_shared>>
      tpu.enqueue_indirect_dma source(%arg7 : memref<80x16xf32, #tpu.memory_space<vmem>>) target(%dma_start3A_112 : memref<10000x16xf32, #tpu.memory_space<vmem_shared>>) offsets(%dma_start3A_109 : memref<80xi32, #tpu.memory_space<vmem>>) semaphore(%arg9 : memref<!tpu.dma_semaphore, #tpu.memory_space<semaphore_mem>>) {add = true}
      %add3A_113 = arith.constant 12 : i32
      %add3A_114 = arith.addi %mul3A_17, %add3A_113 : i32
      %dma_start3A_115 = arith.constant 0 : i32
      %dma_start3A_116 = tpu.memref_slice %arg6[%add3A_114, %dma_start3A_115] : memref<125x80xi32, #tpu.memory_space<vmem>> -> memref<1x80xi32, #tpu.memory_space<vmem>>
      %dma_start3A_117 = tpu.memref_squeeze %dma_start3A_116 : memref<1x80xi32, #tpu.memory_space<vmem>> -> memref<80xi32, #tpu.memory_space<vmem>>
      %dma_start3A_118 = arith.constant 0 : i32
      %dma_start3A_119 = arith.constant 0 : i32
      %dma_start3A_120 = tpu.memref_slice %arg8[%dma_start3A_118, %dma_start3A_119] : memref<10000x16xf32, #tpu.memory_space<vmem_shared>> -> memref<10000x16xf32, #tpu.memory_space<vmem_shared>>
      tpu.enqueue_indirect_dma source(%arg7 : memref<80x16xf32, #tpu.memory_space<vmem>>) target(%dma_start3A_120 : memref<10000x16xf32, #tpu.memory_space<vmem_shared>>) offsets(%dma_start3A_117 : memref<80xi32, #tpu.memory_space<vmem>>) semaphore(%arg9 : memref<!tpu.dma_semaphore, #tpu.memory_space<semaphore_mem>>) {add = true}
      %add3A_121 = arith.constant 13 : i32
      %add3A_122 = arith.addi %mul3A_17, %add3A_121 : i32
      %dma_start3A_123 = arith.constant 0 : i32
      %dma_start3A_124 = tpu.memref_slice %arg6[%add3A_122, %dma_start3A_123] : memref<125x80xi32, #tpu.memory_space<vmem>> -> memref<1x80xi32, #tpu.memory_space<vmem>>
      %dma_start3A_125 = tpu.memref_squeeze %dma_start3A_124 : memref<1x80xi32, #tpu.memory_space<vmem>> -> memref<80xi32, #tpu.memory_space<vmem>>
      %dma_start3A_126 = arith.constant 0 : i32
      %dma_start3A_127 = arith.constant 0 : i32
      %dma_start3A_128 = tpu.memref_slice %arg8[%dma_start3A_126, %dma_start3A_127] : memref<10000x16xf32, #tpu.memory_space<vmem_shared>> -> memref<10000x16xf32, #tpu.memory_space<vmem_shared>>
      tpu.enqueue_indirect_dma source(%arg7 : memref<80x16xf32, #tpu.memory_space<vmem>>) target(%dma_start3A_128 : memref<10000x16xf32, #tpu.memory_space<vmem_shared>>) offsets(%dma_start3A_125 : memref<80xi32, #tpu.memory_space<vmem>>) semaphore(%arg9 : memref<!tpu.dma_semaphore, #tpu.memory_space<semaphore_mem>>) {add = true}
      %add3A_129 = arith.constant 14 : i32
      %add3A_130 = arith.addi %mul3A_17, %add3A_129 : i32
      %dma_start3A_131 = arith.constant 0 : i32
      %dma_start3A_132 = tpu.memref_slice %arg6[%add3A_130, %dma_start3A_131] : memref<125x80xi32, #tpu.memory_space<vmem>> -> memref<1x80xi32, #tpu.memory_space<vmem>>
      %dma_start3A_133 = tpu.memref_squeeze %dma_start3A_132 : memref<1x80xi32, #tpu.memory_space<vmem>> -> memref<80xi32, #tpu.memory_space<vmem>>
      %dma_start3A_134 = arith.constant 0 : i32
      %dma_start3A_135 = arith.constant 0 : i32
      %dma_start3A_136 = tpu.memref_slice %arg8[%dma_start3A_134, %dma_start3A_135] : memref<10000x16xf32, #tpu.memory_space<vmem_shared>> -> memref<10000x16xf32, #tpu.memory_space<vmem_shared>>
      tpu.enqueue_indirect_dma source(%arg7 : memref<80x16xf32, #tpu.memory_space<vmem>>) target(%dma_start3A_136 : memref<10000x16xf32, #tpu.memory_space<vmem_shared>>) offsets(%dma_start3A_133 : memref<80xi32, #tpu.memory_space<vmem>>) semaphore(%arg9 : memref<!tpu.dma_semaphore, #tpu.memory_space<semaphore_mem>>) {add = true}
      %add3A_137 = arith.constant 15 : i32
      %add3A_138 = arith.addi %mul3A_17, %add3A_137 : i32
      %dma_start3A_139 = arith.constant 0 : i32
      %dma_start3A_140 = tpu.memref_slice %arg6[%add3A_138, %dma_start3A_139] : memref<125x80xi32, #tpu.memory_space<vmem>> -> memref<1x80xi32, #tpu.memory_space<vmem>>
      %dma_start3A_141 = tpu.memref_squeeze %dma_start3A_140 : memref<1x80xi32, #tpu.memory_space<vmem>> -> memref<80xi32, #tpu.memory_space<vmem>>
      %dma_start3A_142 = arith.constant 0 : i32
      %dma_start3A_143 = arith.constant 0 : i32
      %dma_start3A_144 = tpu.memref_slice %arg8[%dma_start3A_142, %dma_start3A_143] : memref<10000x16xf32, #tpu.memory_space<vmem_shared>> -> memref<10000x16xf32, #tpu.memory_space<vmem_shared>>
      tpu.enqueue_indirect_dma source(%arg7 : memref<80x16xf32, #tpu.memory_space<vmem>>) target(%dma_start3A_144 : memref<10000x16xf32, #tpu.memory_space<vmem_shared>>) offsets(%dma_start3A_141 : memref<80xi32, #tpu.memory_space<vmem>>) semaphore(%arg9 : memref<!tpu.dma_semaphore, #tpu.memory_space<semaphore_mem>>) {add = true}
      %add3A_145 = arith.constant 16 : i32
      %add3A_146 = arith.addi %mul3A_17, %add3A_145 : i32
      %dma_start3A_147 = arith.constant 0 : i32
      %dma_start3A_148 = tpu.memref_slice %arg6[%add3A_146, %dma_start3A_147] : memref<125x80xi32, #tpu.memory_space<vmem>> -> memref<1x80xi32, #tpu.memory_space<vmem>>
      %dma_start3A_149 = tpu.memref_squeeze %dma_start3A_148 : memref<1x80xi32, #tpu.memory_space<vmem>> -> memref<80xi32, #tpu.memory_space<vmem>>
      %dma_start3A_150 = arith.constant 0 : i32
      %dma_start3A_151 = arith.constant 0 : i32
      %dma_start3A_152 = tpu.memref_slice %arg8[%dma_start3A_150, %dma_start3A_151] : memref<10000x16xf32, #tpu.memory_space<vmem_shared>> -> memref<10000x16xf32, #tpu.memory_space<vmem_shared>>
      tpu.enqueue_indirect_dma source(%arg7 : memref<80x16xf32, #tpu.memory_space<vmem>>) target(%dma_start3A_152 : memref<10000x16xf32, #tpu.memory_space<vmem_shared>>) offsets(%dma_start3A_149 : memref<80xi32, #tpu.memory_space<vmem>>) semaphore(%arg9 : memref<!tpu.dma_semaphore, #tpu.memory_space<semaphore_mem>>) {add = true}
      %add3A_153 = arith.constant 17 : i32
      %add3A_154 = arith.addi %mul3A_17, %add3A_153 : i32
      %dma_start3A_155 = arith.constant 0 : i32
      %dma_start3A_156 = tpu.memref_slice %arg6[%add3A_154, %dma_start3A_155] : memref<125x80xi32, #tpu.memory_space<vmem>> -> memref<1x80xi32, #tpu.memory_space<vmem>>
      %dma_start3A_157 = tpu.memref_squeeze %dma_start3A_156 : memref<1x80xi32, #tpu.memory_space<vmem>> -> memref<80xi32, #tpu.memory_space<vmem>>
      %dma_start3A_158 = arith.constant 0 : i32
      %dma_start3A_159 = arith.constant 0 : i32
      %dma_start3A_160 = tpu.memref_slice %arg8[%dma_start3A_158, %dma_start3A_159] : memref<10000x16xf32, #tpu.memory_space<vmem_shared>> -> memref<10000x16xf32, #tpu.memory_space<vmem_shared>>
      tpu.enqueue_indirect_dma source(%arg7 : memref<80x16xf32, #tpu.memory_space<vmem>>) target(%dma_start3A_160 : memref<10000x16xf32, #tpu.memory_space<vmem_shared>>) offsets(%dma_start3A_157 : memref<80xi32, #tpu.memory_space<vmem>>) semaphore(%arg9 : memref<!tpu.dma_semaphore, #tpu.memory_space<semaphore_mem>>) {add = true}
      %add3A_161 = arith.constant 18 : i32
      %add3A_162 = arith.addi %mul3A_17, %add3A_161 : i32
      %dma_start3A_163 = arith.constant 0 : i32
      %dma_start3A_164 = tpu.memref_slice %arg6[%add3A_162, %dma_start3A_163] : memref<125x80xi32, #tpu.memory_space<vmem>> -> memref<1x80xi32, #tpu.memory_space<vmem>>
      %dma_start3A_165 = tpu.memref_squeeze %dma_start3A_164 : memref<1x80xi32, #tpu.memory_space<vmem>> -> memref<80xi32, #tpu.memory_space<vmem>>
      %dma_start3A_166 = arith.constant 0 : i32
      %dma_start3A_167 = arith.constant 0 : i32
      %dma_start3A_168 = tpu.memref_slice %arg8[%dma_start3A_166, %dma_start3A_167] : memref<10000x16xf32, #tpu.memory_space<vmem_shared>> -> memref<10000x16xf32, #tpu.memory_space<vmem_shared>>
      tpu.enqueue_indirect_dma source(%arg7 : memref<80x16xf32, #tpu.memory_space<vmem>>) target(%dma_start3A_168 : memref<10000x16xf32, #tpu.memory_space<vmem_shared>>) offsets(%dma_start3A_165 : memref<80xi32, #tpu.memory_space<vmem>>) semaphore(%arg9 : memref<!tpu.dma_semaphore, #tpu.memory_space<semaphore_mem>>) {add = true}
      %add3A_169 = arith.constant 19 : i32
      %add3A_170 = arith.addi %mul3A_17, %add3A_169 : i32
      %dma_start3A_171 = arith.constant 0 : i32
      %dma_start3A_172 = tpu.memref_slice %arg6[%add3A_170, %dma_start3A_171] : memref<125x80xi32, #tpu.memory_space<vmem>> -> memref<1x80xi32, #tpu.memory_space<vmem>>
      %dma_start3A_173 = tpu.memref_squeeze %dma_start3A_172 : memref<1x80xi32, #tpu.memory_space<vmem>> -> memref<80xi32, #tpu.memory_space<vmem>>
      %dma_start3A_174 = arith.constant 0 : i32
      %dma_start3A_175 = arith.constant 0 : i32
      %dma_start3A_176 = tpu.memref_slice %arg8[%dma_start3A_174, %dma_start3A_175] : memref<10000x16xf32, #tpu.memory_space<vmem_shared>> -> memref<10000x16xf32, #tpu.memory_space<vmem_shared>>
      tpu.enqueue_indirect_dma source(%arg7 : memref<80x16xf32, #tpu.memory_space<vmem>>) target(%dma_start3A_176 : memref<10000x16xf32, #tpu.memory_space<vmem_shared>>) offsets(%dma_start3A_173 : memref<80xi32, #tpu.memory_space<vmem>>) semaphore(%arg9 : memref<!tpu.dma_semaphore, #tpu.memory_space<semaphore_mem>>) {add = true}
      %add3A_177 = arith.constant 20 : i32
      %add3A_178 = arith.addi %mul3A_17, %add3A_177 : i32
      %dma_start3A_179 = arith.constant 0 : i32
      %dma_start3A_180 = tpu.memref_slice %arg6[%add3A_178, %dma_start3A_179] : memref<125x80xi32, #tpu.memory_space<vmem>> -> memref<1x80xi32, #tpu.memory_space<vmem>>
      %dma_start3A_181 = tpu.memref_squeeze %dma_start3A_180 : memref<1x80xi32, #tpu.memory_space<vmem>> -> memref<80xi32, #tpu.memory_space<vmem>>
      %dma_start3A_182 = arith.constant 0 : i32
      %dma_start3A_183 = arith.constant 0 : i32
      %dma_start3A_184 = tpu.memref_slice %arg8[%dma_start3A_182, %dma_start3A_183] : memref<10000x16xf32, #tpu.memory_space<vmem_shared>> -> memref<10000x16xf32, #tpu.memory_space<vmem_shared>>
      tpu.enqueue_indirect_dma source(%arg7 : memref<80x16xf32, #tpu.memory_space<vmem>>) target(%dma_start3A_184 : memref<10000x16xf32, #tpu.memory_space<vmem_shared>>) offsets(%dma_start3A_181 : memref<80xi32, #tpu.memory_space<vmem>>) semaphore(%arg9 : memref<!tpu.dma_semaphore, #tpu.memory_space<semaphore_mem>>) {add = true}
      %add3A_185 = arith.constant 21 : i32
      %add3A_186 = arith.addi %mul3A_17, %add3A_185 : i32
      %dma_start3A_187 = arith.constant 0 : i32
      %dma_start3A_188 = tpu.memref_slice %arg6[%add3A_186, %dma_start3A_187] : memref<125x80xi32, #tpu.memory_space<vmem>> -> memref<1x80xi32, #tpu.memory_space<vmem>>
      %dma_start3A_189 = tpu.memref_squeeze %dma_start3A_188 : memref<1x80xi32, #tpu.memory_space<vmem>> -> memref<80xi32, #tpu.memory_space<vmem>>
      %dma_start3A_190 = arith.constant 0 : i32
      %dma_start3A_191 = arith.constant 0 : i32
      %dma_start3A_192 = tpu.memref_slice %arg8[%dma_start3A_190, %dma_start3A_191] : memref<10000x16xf32, #tpu.memory_space<vmem_shared>> -> memref<10000x16xf32, #tpu.memory_space<vmem_shared>>
      tpu.enqueue_indirect_dma source(%arg7 : memref<80x16xf32, #tpu.memory_space<vmem>>) target(%dma_start3A_192 : memref<10000x16xf32, #tpu.memory_space<vmem_shared>>) offsets(%dma_start3A_189 : memref<80xi32, #tpu.memory_space<vmem>>) semaphore(%arg9 : memref<!tpu.dma_semaphore, #tpu.memory_space<semaphore_mem>>) {add = true}
      %add3A_193 = arith.constant 22 : i32
      %add3A_194 = arith.addi %mul3A_17, %add3A_193 : i32
      %dma_start3A_195 = arith.constant 0 : i32
      %dma_start3A_196 = tpu.memref_slice %arg6[%add3A_194, %dma_start3A_195] : memref<125x80xi32, #tpu.memory_space<vmem>> -> memref<1x80xi32, #tpu.memory_space<vmem>>
      %dma_start3A_197 = tpu.memref_squeeze %dma_start3A_196 : memref<1x80xi32, #tpu.memory_space<vmem>> -> memref<80xi32, #tpu.memory_space<vmem>>
      %dma_start3A_198 = arith.constant 0 : i32
      %dma_start3A_199 = arith.constant 0 : i32
      %dma_start3A_200 = tpu.memref_slice %arg8[%dma_start3A_198, %dma_start3A_199] : memref<10000x16xf32, #tpu.memory_space<vmem_shared>> -> memref<10000x16xf32, #tpu.memory_space<vmem_shared>>
      tpu.enqueue_indirect_dma source(%arg7 : memref<80x16xf32, #tpu.memory_space<vmem>>) target(%dma_start3A_200 : memref<10000x16xf32, #tpu.memory_space<vmem_shared>>) offsets(%dma_start3A_197 : memref<80xi32, #tpu.memory_space<vmem>>) semaphore(%arg9 : memref<!tpu.dma_semaphore, #tpu.memory_space<semaphore_mem>>) {add = true}
      %add3A_201 = arith.constant 23 : i32
      %add3A_202 = arith.addi %mul3A_17, %add3A_201 : i32
      %dma_start3A_203 = arith.constant 0 : i32
      %dma_start3A_204 = tpu.memref_slice %arg6[%add3A_202, %dma_start3A_203] : memref<125x80xi32, #tpu.memory_space<vmem>> -> memref<1x80xi32, #tpu.memory_space<vmem>>
      %dma_start3A_205 = tpu.memref_squeeze %dma_start3A_204 : memref<1x80xi32, #tpu.memory_space<vmem>> -> memref<80xi32, #tpu.memory_space<vmem>>
      %dma_start3A_206 = arith.constant 0 : i32
      %dma_start3A_207 = arith.constant 0 : i32
      %dma_start3A_208 = tpu.memref_slice %arg8[%dma_start3A_206, %dma_start3A_207] : memref<10000x16xf32, #tpu.memory_space<vmem_shared>> -> memref<10000x16xf32, #tpu.memory_space<vmem_shared>>
      tpu.enqueue_indirect_dma source(%arg7 : memref<80x16xf32, #tpu.memory_space<vmem>>) target(%dma_start3A_208 : memref<10000x16xf32, #tpu.memory_space<vmem_shared>>) offsets(%dma_start3A_205 : memref<80xi32, #tpu.memory_space<vmem>>) semaphore(%arg9 : memref<!tpu.dma_semaphore, #tpu.memory_space<semaphore_mem>>) {add = true}
      %add3A_209 = arith.constant 24 : i32
      %add3A_210 = arith.addi %mul3A_17, %add3A_209 : i32
      %dma_start3A_211 = arith.constant 0 : i32
      %dma_start3A_212 = tpu.memref_slice %arg6[%add3A_210, %dma_start3A_211] : memref<125x80xi32, #tpu.memory_space<vmem>> -> memref<1x80xi32, #tpu.memory_space<vmem>>
      %dma_start3A_213 = tpu.memref_squeeze %dma_start3A_212 : memref<1x80xi32, #tpu.memory_space<vmem>> -> memref<80xi32, #tpu.memory_space<vmem>>
      %dma_start3A_214 = arith.constant 0 : i32
      %dma_start3A_215 = arith.constant 0 : i32
      %dma_start3A_216 = tpu.memref_slice %arg8[%dma_start3A_214, %dma_start3A_215] : memref<10000x16xf32, #tpu.memory_space<vmem_shared>> -> memref<10000x16xf32, #tpu.memory_space<vmem_shared>>
      tpu.enqueue_indirect_dma source(%arg7 : memref<80x16xf32, #tpu.memory_space<vmem>>) target(%dma_start3A_216 : memref<10000x16xf32, #tpu.memory_space<vmem_shared>>) offsets(%dma_start3A_213 : memref<80xi32, #tpu.memory_space<vmem>>) semaphore(%arg9 : memref<!tpu.dma_semaphore, #tpu.memory_space<semaphore_mem>>) {add = true}
      %dma_wait3A = arith.constant 0 : i32
      %dma_wait3A_217 = tpu.memref_slice %arg6[%mul3A_17, %dma_wait3A] : memref<125x80xi32, #tpu.memory_space<vmem>> -> memref<1x80xi32, #tpu.memory_space<vmem>>
      %dma_wait3A_218 = tpu.memref_squeeze %dma_wait3A_217 : memref<1x80xi32, #tpu.memory_space<vmem>> -> memref<80xi32, #tpu.memory_space<vmem>>
      %dma_wait3A_219 = arith.constant 0 : i32
      %dma_wait3A_220 = arith.constant 0 : i32
      %dma_wait3A_221 = tpu.memref_slice %arg8[%dma_wait3A_219, %dma_wait3A_220] : memref<10000x16xf32, #tpu.memory_space<vmem_shared>> -> memref<10000x16xf32, #tpu.memory_space<vmem_shared>>
      tpu.wait_indirect_dma semaphore(%arg9 : memref<!tpu.dma_semaphore, #tpu.memory_space<semaphore_mem>>) src(%arg7 : memref<80x16xf32, #tpu.memory_space<vmem>>) dst(%dma_wait3A_221 : memref<10000x16xf32, #tpu.memory_space<vmem_shared>>)
      %dma_wait3A_222 = arith.constant 0 : i32
      %dma_wait3A_223 = tpu.memref_slice %arg6[%mul3A_17, %dma_wait3A_222] : memref<125x80xi32, #tpu.memory_space<vmem>> -> memref<1x80xi32, #tpu.memory_space<vmem>>
      %dma_wait3A_224 = tpu.memref_squeeze %dma_wait3A_223 : memref<1x80xi32, #tpu.memory_space<vmem>> -> memref<80xi32, #tpu.memory_space<vmem>>
      %dma_wait3A_225 = arith.constant 0 : i32
      %dma_wait3A_226 = arith.constant 0 : i32
      %dma_wait3A_227 = tpu.memref_slice %arg8[%dma_wait3A_225, %dma_wait3A_226] : memref<10000x16xf32, #tpu.memory_space<vmem_shared>> -> memref<10000x16xf32, #tpu.memory_space<vmem_shared>>
      tpu.wait_indirect_dma semaphore(%arg9 : memref<!tpu.dma_semaphore, #tpu.memory_space<semaphore_mem>>) src(%arg7 : memref<80x16xf32, #tpu.memory_space<vmem>>) dst(%dma_wait3A_227 : memref<10000x16xf32, #tpu.memory_space<vmem_shared>>)
      %dma_wait3A_228 = arith.constant 0 : i32
      %dma_wait3A_229 = tpu.memref_slice %arg6[%mul3A_17, %dma_wait3A_228] : memref<125x80xi32, #tpu.memory_space<vmem>> -> memref<1x80xi32, #tpu.memory_space<vmem>>
      %dma_wait3A_230 = tpu.memref_squeeze %dma_wait3A_229 : memref<1x80xi32, #tpu.memory_space<vmem>> -> memref<80xi32, #tpu.memory_space<vmem>>
      %dma_wait3A_231 = arith.constant 0 : i32
      %dma_wait3A_232 = arith.constant 0 : i32
      %dma_wait3A_233 = tpu.memref_slice %arg8[%dma_wait3A_231, %dma_wait3A_232] : memref<10000x16xf32, #tpu.memory_space<vmem_shared>> -> memref<10000x16xf32, #tpu.memory_space<vmem_shared>>
      tpu.wait_indirect_dma semaphore(%arg9 : memref<!tpu.dma_semaphore, #tpu.memory_space<semaphore_mem>>) src(%arg7 : memref<80x16xf32, #tpu.memory_space<vmem>>) dst(%dma_wait3A_233 : memref<10000x16xf32, #tpu.memory_space<vmem_shared>>)
      %dma_wait3A_234 = arith.constant 0 : i32
      %dma_wait3A_235 = tpu.memref_slice %arg6[%mul3A_17, %dma_wait3A_234] : memref<125x80xi32, #tpu.memory_space<vmem>> -> memref<1x80xi32, #tpu.memory_space<vmem>>
      %dma_wait3A_236 = tpu.memref_squeeze %dma_wait3A_235 : memref<1x80xi32, #tpu.memory_space<vmem>> -> memref<80xi32, #tpu.memory_space<vmem>>
      %dma_wait3A_237 = arith.constant 0 : i32
      %dma_wait3A_238 = arith.constant 0 : i32
      %dma_wait3A_239 = tpu.memref_slice %arg8[%dma_wait3A_237, %dma_wait3A_238] : memref<10000x16xf32, #tpu.memory_space<vmem_shared>> -> memref<10000x16xf32, #tpu.memory_space<vmem_shared>>
      tpu.wait_indirect_dma semaphore(%arg9 : memref<!tpu.dma_semaphore, #tpu.memory_space<semaphore_mem>>) src(%arg7 : memref<80x16xf32, #tpu.memory_space<vmem>>) dst(%dma_wait3A_239 : memref<10000x16xf32, #tpu.memory_space<vmem_shared>>)
      %dma_wait3A_240 = arith.constant 0 : i32
      %dma_wait3A_241 = tpu.memref_slice %arg6[%mul3A_17, %dma_wait3A_240] : memref<125x80xi32, #tpu.memory_space<vmem>> -> memref<1x80xi32, #tpu.memory_space<vmem>>
      %dma_wait3A_242 = tpu.memref_squeeze %dma_wait3A_241 : memref<1x80xi32, #tpu.memory_space<vmem>> -> memref<80xi32, #tpu.memory_space<vmem>>
      %dma_wait3A_243 = arith.constant 0 : i32
      %dma_wait3A_244 = arith.constant 0 : i32
      %dma_wait3A_245 = tpu.memref_slice %arg8[%dma_wait3A_243, %dma_wait3A_244] : memref<10000x16xf32, #tpu.memory_space<vmem_shared>> -> memref<10000x16xf32, #tpu.memory_space<vmem_shared>>
      tpu.wait_indirect_dma semaphore(%arg9 : memref<!tpu.dma_semaphore, #tpu.memory_space<semaphore_mem>>) src(%arg7 : memref<80x16xf32, #tpu.memory_space<vmem>>) dst(%dma_wait3A_245 : memref<10000x16xf32, #tpu.memory_space<vmem_shared>>)
      %dma_wait3A_246 = arith.constant 0 : i32
      %dma_wait3A_247 = tpu.memref_slice %arg6[%mul3A_17, %dma_wait3A_246] : memref<125x80xi32, #tpu.memory_space<vmem>> -> memref<1x80xi32, #tpu.memory_space<vmem>>
      %dma_wait3A_248 = tpu.memref_squeeze %dma_wait3A_247 : memref<1x80xi32, #tpu.memory_space<vmem>> -> memref<80xi32, #tpu.memory_space<vmem>>
      %dma_wait3A_249 = arith.constant 0 : i32
      %dma_wait3A_250 = arith.constant 0 : i32
      %dma_wait3A_251 = tpu.memref_slice %arg8[%dma_wait3A_249, %dma_wait3A_250] : memref<10000x16xf32, #tpu.memory_space<vmem_shared>> -> memref<10000x16xf32, #tpu.memory_space<vmem_shared>>
      tpu.wait_indirect_dma semaphore(%arg9 : memref<!tpu.dma_semaphore, #tpu.memory_space<semaphore_mem>>) src(%arg7 : memref<80x16xf32, #tpu.memory_space<vmem>>) dst(%dma_wait3A_251 : memref<10000x16xf32, #tpu.memory_space<vmem_shared>>)
      %dma_wait3A_252 = arith.constant 0 : i32
      %dma_wait3A_253 = tpu.memref_slice %arg6[%mul3A_17, %dma_wait3A_252] : memref<125x80xi32, #tpu.memory_space<vmem>> -> memref<1x80xi32, #tpu.memory_space<vmem>>
      %dma_wait3A_254 = tpu.memref_squeeze %dma_wait3A_253 : memref<1x80xi32, #tpu.memory_space<vmem>> -> memref<80xi32, #tpu.memory_space<vmem>>
      %dma_wait3A_255 = arith.constant 0 : i32
      %dma_wait3A_256 = arith.constant 0 : i32
      %dma_wait3A_257 = tpu.memref_slice %arg8[%dma_wait3A_255, %dma_wait3A_256] : memref<10000x16xf32, #tpu.memory_space<vmem_shared>> -> memref<10000x16xf32, #tpu.memory_space<vmem_shared>>
      tpu.wait_indirect_dma semaphore(%arg9 : memref<!tpu.dma_semaphore, #tpu.memory_space<semaphore_mem>>) src(%arg7 : memref<80x16xf32, #tpu.memory_space<vmem>>) dst(%dma_wait3A_257 : memref<10000x16xf32, #tpu.memory_space<vmem_shared>>)
      %dma_wait3A_258 = arith.constant 0 : i32
      %dma_wait3A_259 = tpu.memref_slice %arg6[%mul3A_17, %dma_wait3A_258] : memref<125x80xi32, #tpu.memory_space<vmem>> -> memref<1x80xi32, #tpu.memory_space<vmem>>
      %dma_wait3A_260 = tpu.memref_squeeze %dma_wait3A_259 : memref<1x80xi32, #tpu.memory_space<vmem>> -> memref<80xi32, #tpu.memory_space<vmem>>
      %dma_wait3A_261 = arith.constant 0 : i32
      %dma_wait3A_262 = arith.constant 0 : i32
      %dma_wait3A_263 = tpu.memref_slice %arg8[%dma_wait3A_261, %dma_wait3A_262] : memref<10000x16xf32, #tpu.memory_space<vmem_shared>> -> memref<10000x16xf32, #tpu.memory_space<vmem_shared>>
      tpu.wait_indirect_dma semaphore(%arg9 : memref<!tpu.dma_semaphore, #tpu.memory_space<semaphore_mem>>) src(%arg7 : memref<80x16xf32, #tpu.memory_space<vmem>>) dst(%dma_wait3A_263 : memref<10000x16xf32, #tpu.memory_space<vmem_shared>>)
      %dma_wait3A_264 = arith.constant 0 : i32
      %dma_wait3A_265 = tpu.memref_slice %arg6[%mul3A_17, %dma_wait3A_264] : memref<125x80xi32, #tpu.memory_space<vmem>> -> memref<1x80xi32, #tpu.memory_space<vmem>>
      %dma_wait3A_266 = tpu.memref_squeeze %dma_wait3A_265 : memref<1x80xi32, #tpu.memory_space<vmem>> -> memref<80xi32, #tpu.memory_space<vmem>>
      %dma_wait3A_267 = arith.constant 0 : i32
      %dma_wait3A_268 = arith.constant 0 : i32
      %dma_wait3A_269 = tpu.memref_slice %arg8[%dma_wait3A_267, %dma_wait3A_268] : memref<10000x16xf32, #tpu.memory_space<vmem_shared>> -> memref<10000x16xf32, #tpu.memory_space<vmem_shared>>
      tpu.wait_indirect_dma semaphore(%arg9 : memref<!tpu.dma_semaphore, #tpu.memory_space<semaphore_mem>>) src(%arg7 : memref<80x16xf32, #tpu.memory_space<vmem>>) dst(%dma_wait3A_269 : memref<10000x16xf32, #tpu.memory_space<vmem_shared>>)
      %dma_wait3A_270 = arith.constant 0 : i32
      %dma_wait3A_271 = tpu.memref_slice %arg6[%mul3A_17, %dma_wait3A_270] : memref<125x80xi32, #tpu.memory_space<vmem>> -> memref<1x80xi32, #tpu.memory_space<vmem>>
      %dma_wait3A_272 = tpu.memref_squeeze %dma_wait3A_271 : memref<1x80xi32, #tpu.memory_space<vmem>> -> memref<80xi32, #tpu.memory_space<vmem>>
      %dma_wait3A_273 = arith.constant 0 : i32
      %dma_wait3A_274 = arith.constant 0 : i32
      %dma_wait3A_275 = tpu.memref_slice %arg8[%dma_wait3A_273, %dma_wait3A_274] : memref<10000x16xf32, #tpu.memory_space<vmem_shared>> -> memref<10000x16xf32, #tpu.memory_space<vmem_shared>>
      tpu.wait_indirect_dma semaphore(%arg9 : memref<!tpu.dma_semaphore, #tpu.memory_space<semaphore_mem>>) src(%arg7 : memref<80x16xf32, #tpu.memory_space<vmem>>) dst(%dma_wait3A_275 : memref<10000x16xf32, #tpu.memory_space<vmem_shared>>)
      %dma_wait3A_276 = arith.constant 0 : i32
      %dma_wait3A_277 = tpu.memref_slice %arg6[%mul3A_17, %dma_wait3A_276] : memref<125x80xi32, #tpu.memory_space<vmem>> -> memref<1x80xi32, #tpu.memory_space<vmem>>
      %dma_wait3A_278 = tpu.memref_squeeze %dma_wait3A_277 : memref<1x80xi32, #tpu.memory_space<vmem>> -> memref<80xi32, #tpu.memory_space<vmem>>
      %dma_wait3A_279 = arith.constant 0 : i32
      %dma_wait3A_280 = arith.constant 0 : i32
      %dma_wait3A_281 = tpu.memref_slice %arg8[%dma_wait3A_279, %dma_wait3A_280] : memref<10000x16xf32, #tpu.memory_space<vmem_shared>> -> memref<10000x16xf32, #tpu.memory_space<vmem_shared>>
      tpu.wait_indirect_dma semaphore(%arg9 : memref<!tpu.dma_semaphore, #tpu.memory_space<semaphore_mem>>) src(%arg7 : memref<80x16xf32, #tpu.memory_space<vmem>>) dst(%dma_wait3A_281 : memref<10000x16xf32, #tpu.memory_space<vmem_shared>>)
      %dma_wait3A_282 = arith.constant 0 : i32
      %dma_wait3A_283 = tpu.memref_slice %arg6[%mul3A_17, %dma_wait3A_282] : memref<125x80xi32, #tpu.memory_space<vmem>> -> memref<1x80xi32, #tpu.memory_space<vmem>>
      %dma_wait3A_284 = tpu.memref_squeeze %dma_wait3A_283 : memref<1x80xi32, #tpu.memory_space<vmem>> -> memref<80xi32, #tpu.memory_space<vmem>>
      %dma_wait3A_285 = arith.constant 0 : i32
      %dma_wait3A_286 = arith.constant 0 : i32
      %dma_wait3A_287 = tpu.memref_slice %arg8[%dma_wait3A_285, %dma_wait3A_286] : memref<10000x16xf32, #tpu.memory_space<vmem_shared>> -> memref<10000x16xf32, #tpu.memory_space<vmem_shared>>
      tpu.wait_indirect_dma semaphore(%arg9 : memref<!tpu.dma_semaphore, #tpu.memory_space<semaphore_mem>>) src(%arg7 : memref<80x16xf32, #tpu.memory_space<vmem>>) dst(%dma_wait3A_287 : memref<10000x16xf32, #tpu.memory_space<vmem_shared>>)
      %dma_wait3A_288 = arith.constant 0 : i32
      %dma_wait3A_289 = tpu.memref_slice %arg6[%mul3A_17, %dma_wait3A_288] : memref<125x80xi32, #tpu.memory_space<vmem>> -> memref<1x80xi32, #tpu.memory_space<vmem>>
      %dma_wait3A_290 = tpu.memref_squeeze %dma_wait3A_289 : memref<1x80xi32, #tpu.memory_space<vmem>> -> memref<80xi32, #tpu.memory_space<vmem>>
      %dma_wait3A_291 = arith.constant 0 : i32
      %dma_wait3A_292 = arith.constant 0 : i32
      %dma_wait3A_293 = tpu.memref_slice %arg8[%dma_wait3A_291, %dma_wait3A_292] : memref<10000x16xf32, #tpu.memory_space<vmem_shared>> -> memref<10000x16xf32, #tpu.memory_space<vmem_shared>>
      tpu.wait_indirect_dma semaphore(%arg9 : memref<!tpu.dma_semaphore, #tpu.memory_space<semaphore_mem>>) src(%arg7 : memref<80x16xf32, #tpu.memory_space<vmem>>) dst(%dma_wait3A_293 : memref<10000x16xf32, #tpu.memory_space<vmem_shared>>)
      %dma_wait3A_294 = arith.constant 0 : i32
      %dma_wait3A_295 = tpu.memref_slice %arg6[%mul3A_17, %dma_wait3A_294] : memref<125x80xi32, #tpu.memory_space<vmem>> -> memref<1x80xi32, #tpu.memory_space<vmem>>
      %dma_wait3A_296 = tpu.memref_squeeze %dma_wait3A_295 : memref<1x80xi32, #tpu.memory_space<vmem>> -> memref<80xi32, #tpu.memory_space<vmem>>
      %dma_wait3A_297 = arith.constant 0 : i32
      %dma_wait3A_298 = arith.constant 0 : i32
      %dma_wait3A_299 = tpu.memref_slice %arg8[%dma_wait3A_297, %dma_wait3A_298] : memref<10000x16xf32, #tpu.memory_space<vmem_shared>> -> memref<10000x16xf32, #tpu.memory_space<vmem_shared>>
      tpu.wait_indirect_dma semaphore(%arg9 : memref<!tpu.dma_semaphore, #tpu.memory_space<semaphore_mem>>) src(%arg7 : memref<80x16xf32, #tpu.memory_space<vmem>>) dst(%dma_wait3A_299 : memref<10000x16xf32, #tpu.memory_space<vmem_shared>>)
      %dma_wait3A_300 = arith.constant 0 : i32
      %dma_wait3A_301 = tpu.memref_slice %arg6[%mul3A_17, %dma_wait3A_300] : memref<125x80xi32, #tpu.memory_space<vmem>> -> memref<1x80xi32, #tpu.memory_space<vmem>>
      %dma_wait3A_302 = tpu.memref_squeeze %dma_wait3A_301 : memref<1x80xi32, #tpu.memory_space<vmem>> -> memref<80xi32, #tpu.memory_space<vmem>>
      %dma_wait3A_303 = arith.constant 0 : i32
      %dma_wait3A_304 = arith.constant 0 : i32
      %dma_wait3A_305 = tpu.memref_slice %arg8[%dma_wait3A_303, %dma_wait3A_304] : memref<10000x16xf32, #tpu.memory_space<vmem_shared>> -> memref<10000x16xf32, #tpu.memory_space<vmem_shared>>
      tpu.wait_indirect_dma semaphore(%arg9 : memref<!tpu.dma_semaphore, #tpu.memory_space<semaphore_mem>>) src(%arg7 : memref<80x16xf32, #tpu.memory_space<vmem>>) dst(%dma_wait3A_305 : memref<10000x16xf32, #tpu.memory_space<vmem_shared>>)
      %dma_wait3A_306 = arith.constant 0 : i32
      %dma_wait3A_307 = tpu.memref_slice %arg6[%mul3A_17, %dma_wait3A_306] : memref<125x80xi32, #tpu.memory_space<vmem>> -> memref<1x80xi32, #tpu.memory_space<vmem>>
      %dma_wait3A_308 = tpu.memref_squeeze %dma_wait3A_307 : memref<1x80xi32, #tpu.memory_space<vmem>> -> memref<80xi32, #tpu.memory_space<vmem>>
      %dma_wait3A_309 = arith.constant 0 : i32
      %dma_wait3A_310 = arith.constant 0 : i32
      %dma_wait3A_311 = tpu.memref_slice %arg8[%dma_wait3A_309, %dma_wait3A_310] : memref<10000x16xf32, #tpu.memory_space<vmem_shared>> -> memref<10000x16xf32, #tpu.memory_space<vmem_shared>>
      tpu.wait_indirect_dma semaphore(%arg9 : memref<!tpu.dma_semaphore, #tpu.memory_space<semaphore_mem>>) src(%arg7 : memref<80x16xf32, #tpu.memory_space<vmem>>) dst(%dma_wait3A_311 : memref<10000x16xf32, #tpu.memory_space<vmem_shared>>)
      %dma_wait3A_312 = arith.constant 0 : i32
      %dma_wait3A_313 = tpu.memref_slice %arg6[%mul3A_17, %dma_wait3A_312] : memref<125x80xi32, #tpu.memory_space<vmem>> -> memref<1x80xi32, #tpu.memory_space<vmem>>
      %dma_wait3A_314 = tpu.memref_squeeze %dma_wait3A_313 : memref<1x80xi32, #tpu.memory_space<vmem>> -> memref<80xi32, #tpu.memory_space<vmem>>
      %dma_wait3A_315 = arith.constant 0 : i32
      %dma_wait3A_316 = arith.constant 0 : i32
      %dma_wait3A_317 = tpu.memref_slice %arg8[%dma_wait3A_315, %dma_wait3A_316] : memref<10000x16xf32, #tpu.memory_space<vmem_shared>> -> memref<10000x16xf32, #tpu.memory_space<vmem_shared>>
      tpu.wait_indirect_dma semaphore(%arg9 : memref<!tpu.dma_semaphore, #tpu.memory_space<semaphore_mem>>) src(%arg7 : memref<80x16xf32, #tpu.memory_space<vmem>>) dst(%dma_wait3A_317 : memref<10000x16xf32, #tpu.memory_space<vmem_shared>>)
      %dma_wait3A_318 = arith.constant 0 : i32
      %dma_wait3A_319 = tpu.memref_slice %arg6[%mul3A_17, %dma_wait3A_318] : memref<125x80xi32, #tpu.memory_space<vmem>> -> memref<1x80xi32, #tpu.memory_space<vmem>>
      %dma_wait3A_320 = tpu.memref_squeeze %dma_wait3A_319 : memref<1x80xi32, #tpu.memory_space<vmem>> -> memref<80xi32, #tpu.memory_space<vmem>>
      %dma_wait3A_321 = arith.constant 0 : i32
      %dma_wait3A_322 = arith.constant 0 : i32
      %dma_wait3A_323 = tpu.memref_slice %arg8[%dma_wait3A_321, %dma_wait3A_322] : memref<10000x16xf32, #tpu.memory_space<vmem_shared>> -> memref<10000x16xf32, #tpu.memory_space<vmem_shared>>
      tpu.wait_indirect_dma semaphore(%arg9 : memref<!tpu.dma_semaphore, #tpu.memory_space<semaphore_mem>>) src(%arg7 : memref<80x16xf32, #tpu.memory_space<vmem>>) dst(%dma_wait3A_323 : memref<10000x16xf32, #tpu.memory_space<vmem_shared>>)
      %dma_wait3A_324 = arith.constant 0 : i32
      %dma_wait3A_325 = tpu.memref_slice %arg6[%mul3A_17, %dma_wait3A_324] : memref<125x80xi32, #tpu.memory_space<vmem>> -> memref<1x80xi32, #tpu.memory_space<vmem>>
      %dma_wait3A_326 = tpu.memref_squeeze %dma_wait3A_325 : memref<1x80xi32, #tpu.memory_space<vmem>> -> memref<80xi32, #tpu.memory_space<vmem>>
      %dma_wait3A_327 = arith.constant 0 : i32
      %dma_wait3A_328 = arith.constant 0 : i32
      %dma_wait3A_329 = tpu.memref_slice %arg8[%dma_wait3A_327, %dma_wait3A_328] : memref<10000x16xf32, #tpu.memory_space<vmem_shared>> -> memref<10000x16xf32, #tpu.memory_space<vmem_shared>>
      tpu.wait_indirect_dma semaphore(%arg9 : memref<!tpu.dma_semaphore, #tpu.memory_space<semaphore_mem>>) src(%arg7 : memref<80x16xf32, #tpu.memory_space<vmem>>) dst(%dma_wait3A_329 : memref<10000x16xf32, #tpu.memory_space<vmem_shared>>)
      %dma_wait3A_330 = arith.constant 0 : i32
      %dma_wait3A_331 = tpu.memref_slice %arg6[%mul3A_17, %dma_wait3A_330] : memref<125x80xi32, #tpu.memory_space<vmem>> -> memref<1x80xi32, #tpu.memory_space<vmem>>
      %dma_wait3A_332 = tpu.memref_squeeze %dma_wait3A_331 : memref<1x80xi32, #tpu.memory_space<vmem>> -> memref<80xi32, #tpu.memory_space<vmem>>
      %dma_wait3A_333 = arith.constant 0 : i32
      %dma_wait3A_334 = arith.constant 0 : i32
      %dma_wait3A_335 = tpu.memref_slice %arg8[%dma_wait3A_333, %dma_wait3A_334] : memref<10000x16xf32, #tpu.memory_space<vmem_shared>> -> memref<10000x16xf32, #tpu.memory_space<vmem_shared>>
      tpu.wait_indirect_dma semaphore(%arg9 : memref<!tpu.dma_semaphore, #tpu.memory_space<semaphore_mem>>) src(%arg7 : memref<80x16xf32, #tpu.memory_space<vmem>>) dst(%dma_wait3A_335 : memref<10000x16xf32, #tpu.memory_space<vmem_shared>>)
      %dma_wait3A_336 = arith.constant 0 : i32
      %dma_wait3A_337 = tpu.memref_slice %arg6[%mul3A_17, %dma_wait3A_336] : memref<125x80xi32, #tpu.memory_space<vmem>> -> memref<1x80xi32, #tpu.memory_space<vmem>>
      %dma_wait3A_338 = tpu.memref_squeeze %dma_wait3A_337 : memref<1x80xi32, #tpu.memory_space<vmem>> -> memref<80xi32, #tpu.memory_space<vmem>>
      %dma_wait3A_339 = arith.constant 0 : i32
      %dma_wait3A_340 = arith.constant 0 : i32
      %dma_wait3A_341 = tpu.memref_slice %arg8[%dma_wait3A_339, %dma_wait3A_340] : memref<10000x16xf32, #tpu.memory_space<vmem_shared>> -> memref<10000x16xf32, #tpu.memory_space<vmem_shared>>
      tpu.wait_indirect_dma semaphore(%arg9 : memref<!tpu.dma_semaphore, #tpu.memory_space<semaphore_mem>>) src(%arg7 : memref<80x16xf32, #tpu.memory_space<vmem>>) dst(%dma_wait3A_341 : memref<10000x16xf32, #tpu.memory_space<vmem_shared>>)
      %dma_wait3A_342 = arith.constant 0 : i32
      %dma_wait3A_343 = tpu.memref_slice %arg6[%mul3A_17, %dma_wait3A_342] : memref<125x80xi32, #tpu.memory_space<vmem>> -> memref<1x80xi32, #tpu.memory_space<vmem>>
      %dma_wait3A_344 = tpu.memref_squeeze %dma_wait3A_343 : memref<1x80xi32, #tpu.memory_space<vmem>> -> memref<80xi32, #tpu.memory_space<vmem>>
      %dma_wait3A_345 = arith.constant 0 : i32
      %dma_wait3A_346 = arith.constant 0 : i32
      %dma_wait3A_347 = tpu.memref_slice %arg8[%dma_wait3A_345, %dma_wait3A_346] : memref<10000x16xf32, #tpu.memory_space<vmem_shared>> -> memref<10000x16xf32, #tpu.memory_space<vmem_shared>>
      tpu.wait_indirect_dma semaphore(%arg9 : memref<!tpu.dma_semaphore, #tpu.memory_space<semaphore_mem>>) src(%arg7 : memref<80x16xf32, #tpu.memory_space<vmem>>) dst(%dma_wait3A_347 : memref<10000x16xf32, #tpu.memory_space<vmem_shared>>)
      %dma_wait3A_348 = arith.constant 0 : i32
      %dma_wait3A_349 = tpu.memref_slice %arg6[%mul3A_17, %dma_wait3A_348] : memref<125x80xi32, #tpu.memory_space<vmem>> -> memref<1x80xi32, #tpu.memory_space<vmem>>
      %dma_wait3A_350 = tpu.memref_squeeze %dma_wait3A_349 : memref<1x80xi32, #tpu.memory_space<vmem>> -> memref<80xi32, #tpu.memory_space<vmem>>
      %dma_wait3A_351 = arith.constant 0 : i32
      %dma_wait3A_352 = arith.constant 0 : i32
      %dma_wait3A_353 = tpu.memref_slice %arg8[%dma_wait3A_351, %dma_wait3A_352] : memref<10000x16xf32, #tpu.memory_space<vmem_shared>> -> memref<10000x16xf32, #tpu.memory_space<vmem_shared>>
      tpu.wait_indirect_dma semaphore(%arg9 : memref<!tpu.dma_semaphore, #tpu.memory_space<semaphore_mem>>) src(%arg7 : memref<80x16xf32, #tpu.memory_space<vmem>>) dst(%dma_wait3A_353 : memref<10000x16xf32, #tpu.memory_space<vmem_shared>>)
      %dma_wait3A_354 = arith.constant 0 : i32
      %dma_wait3A_355 = tpu.memref_slice %arg6[%mul3A_17, %dma_wait3A_354] : memref<125x80xi32, #tpu.memory_space<vmem>> -> memref<1x80xi32, #tpu.memory_space<vmem>>
      %dma_wait3A_356 = tpu.memref_squeeze %dma_wait3A_355 : memref<1x80xi32, #tpu.memory_space<vmem>> -> memref<80xi32, #tpu.memory_space<vmem>>
      %dma_wait3A_357 = arith.constant 0 : i32
      %dma_wait3A_358 = arith.constant 0 : i32
      %dma_wait3A_359 = tpu.memref_slice %arg8[%dma_wait3A_357, %dma_wait3A_358] : memref<10000x16xf32, #tpu.memory_space<vmem_shared>> -> memref<10000x16xf32, #tpu.memory_space<vmem_shared>>
      tpu.wait_indirect_dma semaphore(%arg9 : memref<!tpu.dma_semaphore, #tpu.memory_space<semaphore_mem>>) src(%arg7 : memref<80x16xf32, #tpu.memory_space<vmem>>) dst(%dma_wait3A_359 : memref<10000x16xf32, #tpu.memory_space<vmem_shared>>)
      %dma_wait3A_360 = arith.constant 0 : i32
      %dma_wait3A_361 = tpu.memref_slice %arg6[%mul3A_17, %dma_wait3A_360] : memref<125x80xi32, #tpu.memory_space<vmem>> -> memref<1x80xi32, #tpu.memory_space<vmem>>
      %dma_wait3A_362 = tpu.memref_squeeze %dma_wait3A_361 : memref<1x80xi32, #tpu.memory_space<vmem>> -> memref<80xi32, #tpu.memory_space<vmem>>
      %dma_wait3A_363 = arith.constant 0 : i32
      %dma_wait3A_364 = arith.constant 0 : i32
      %dma_wait3A_365 = tpu.memref_slice %arg8[%dma_wait3A_363, %dma_wait3A_364] : memref<10000x16xf32, #tpu.memory_space<vmem_shared>> -> memref<10000x16xf32, #tpu.memory_space<vmem_shared>>
      tpu.wait_indirect_dma semaphore(%arg9 : memref<!tpu.dma_semaphore, #tpu.memory_space<semaphore_mem>>) src(%arg7 : memref<80x16xf32, #tpu.memory_space<vmem>>) dst(%dma_wait3A_365 : memref<10000x16xf32, #tpu.memory_space<vmem_shared>>)
    }
    %scan3A_9 = arith.constant 5 : i32
    %barrier3A_10 = arith.constant 0 : index
    tpu.barrier barrier_id(%barrier3A_10)
    %mul3A_11 = arith.constant 625 : i32
    %mul3A_12 = arith.muli %arg1, %mul3A_11 : i32
    %mul3A_13 = arith.constant 625 : i32
    %mul3A_14 = arith.muli %arg1, %mul3A_13 : i32
    "tpu.region"() ({
      %run_scoped3A = tpu.sem_alloc : memref<!tpu.dma_semaphore, #tpu.memory_space<semaphore_mem>>
      %dma_start3A = arith.constant 0 : i32
      %dma_start3A_15 = tpu.memref_slice %arg5[%arg0, %mul3A_14, %dma_start3A] : memref<2x10000x16xf32, #tpu.memory_space<hbm>> -> memref<1x625x16xf32, #tpu.memory_space<hbm>>
      %dma_start3A_16 = tpu.memref_squeeze %dma_start3A_15 : memref<1x625x16xf32, #tpu.memory_space<hbm>> -> memref<625x16xf32, #tpu.memory_space<hbm>>
      %dma_start3A_17 = arith.constant 0 : i32
      %dma_start3A_18 = tpu.memref_slice %arg8[%mul3A_12, %dma_start3A_17] : memref<10000x16xf32, #tpu.memory_space<vmem_shared>> -> memref<625x16xf32, #tpu.memory_space<vmem_shared>>
      tpu.enqueue_dma source(%dma_start3A_18 : memref<625x16xf32, #tpu.memory_space<vmem_shared>>) target(%dma_start3A_16 : memref<625x16xf32, #tpu.memory_space<hbm>>) target_semaphore(%run_scoped3A : memref<!tpu.dma_semaphore, #tpu.memory_space<semaphore_mem>>)
      %dma_wait3A = arith.constant 0 : i32
      %dma_wait3A_19 = tpu.memref_slice %arg5[%arg0, %mul3A_14, %dma_wait3A] : memref<2x10000x16xf32, #tpu.memory_space<hbm>> -> memref<1x625x16xf32, #tpu.memory_space<hbm>>
      %dma_wait3A_20 = tpu.memref_squeeze %dma_wait3A_19 : memref<1x625x16xf32, #tpu.memory_space<hbm>> -> memref<625x16xf32, #tpu.memory_space<hbm>>
      %dma_wait3A_21 = arith.constant 0 : i32
      %dma_wait3A_22 = tpu.memref_slice %arg8[%mul3A_12, %dma_wait3A_21] : memref<10000x16xf32, #tpu.memory_space<vmem_shared>> -> memref<625x16xf32, #tpu.memory_space<vmem_shared>>
      tpu.wait_dma2 semaphore(%run_scoped3A : memref<!tpu.dma_semaphore, #tpu.memory_space<semaphore_mem>>) src(%dma_wait3A_22 : memref<625x16xf32, #tpu.memory_space<vmem_shared>>) dst(%dma_wait3A_20 : memref<625x16xf32, #tpu.memory_space<hbm>>)
      tpu.yield
    }) : () -> ()
    return
  }
}

#map = affine_map<(d0, d1) -> (0, 0)>
#map1 = affine_map<(d0, d1) -> (0, 0, 0)>
module attributes {stable_mosaic.version = 14 : i64} {
  func.func @agg_kernel(%arg0: i32, %arg1: i32, %arg2: memref<10000x128xf32, #tpu.memory_space<hbm>>, %arg3: memref<32x125x80xi32, #tpu.memory_space<hbm>>, %arg4: memref<32x125x80xi32, #tpu.memory_space<hbm>>, %arg5: memref<10000x128xf32, #tpu.memory_space<hbm>>, %arg6: memref<2x10000x128xf32, #tpu.memory_space<hbm>>, %arg7: memref<125x80xi32, #tpu.memory_space<vmem>>, %arg8: memref<125x80xi32, #tpu.memory_space<vmem>>, %arg9: memref<80x128xf32, #tpu.memory_space<vmem>>, %arg10: memref<80x128xf32, #tpu.memory_space<vmem>>, %arg11: memref<80x128xf32, #tpu.memory_space<vmem>>, %arg12: memref<!tpu.dma_semaphore, #tpu.memory_space<semaphore_mem>>, %arg13: memref<!tpu.dma_semaphore, #tpu.memory_space<semaphore_mem>>, %arg14: memref<!tpu.dma_semaphore, #tpu.memory_space<semaphore_mem>>, %arg15: memref<!tpu.dma_semaphore, #tpu.memory_space<semaphore_mem>>, %arg16: memref<!tpu.dma_semaphore, #tpu.memory_space<semaphore_mem>>, %arg17: memref<!tpu.dma_semaphore, #tpu.memory_space<semaphore_mem>>, %arg18: memref<10000x128xf32, #tpu.memory_space<vmem_shared>>) attributes {dimension_semantics = [#tpu.dimension_semantics<core_parallel>, #tpu.dimension_semantics<subcore_parallel>], iteration_bounds = array<i64: 2, 16>, scalar_prefetch = 0 : i64, scratch_operands = 12 : i64, tpu.core_type = #tpu.core_type<sc_vector_subcore>, window_params = [{transform_indices = #map}, {transform_indices = #map1}, {transform_indices = #map1}, {transform_indices = #map}, {transform_indices = #map1}]} {
    %mul3A = arith.constant 2 : i32
    %mul3A_0 = arith.muli %arg1, %mul3A : i32
    %add3A = arith.addi %mul3A_0, %arg0 : i32
    "tpu.region"() ({
      %run_scoped3A = tpu.sem_alloc : memref<!tpu.dma_semaphore, #tpu.memory_space<semaphore_mem>>
      %dma_start3A_83 = arith.constant 0 : i32
      %dma_start3A_84 = arith.constant 0 : i32
      %dma_start3A_85 = tpu.memref_slice %arg3[%add3A, %dma_start3A_83, %dma_start3A_84] : memref<32x125x80xi32, #tpu.memory_space<hbm>> -> memref<1x125x80xi32, #tpu.memory_space<hbm>>
      %dma_start3A_86 = tpu.memref_squeeze %dma_start3A_85 : memref<1x125x80xi32, #tpu.memory_space<hbm>> -> memref<125x80xi32, #tpu.memory_space<hbm>>
      %dma_start3A_87 = arith.constant 0 : i32
      %dma_start3A_88 = arith.constant 0 : i32
      %dma_start3A_89 = tpu.memref_slice %arg3[%add3A, %dma_start3A_87, %dma_start3A_88] : memref<32x125x80xi32, #tpu.memory_space<hbm>> -> memref<1x125x80xi32, #tpu.memory_space<hbm>>
      %dma_start3A_90 = tpu.memref_squeeze %dma_start3A_89 : memref<1x125x80xi32, #tpu.memory_space<hbm>> -> memref<125x80xi32, #tpu.memory_space<hbm>>
      tpu.enqueue_dma source(%dma_start3A_90 : memref<125x80xi32, #tpu.memory_space<hbm>>) target(%arg7 : memref<125x80xi32, #tpu.memory_space<vmem>>) target_semaphore(%run_scoped3A : memref<!tpu.dma_semaphore, #tpu.memory_space<semaphore_mem>>)
      %dma_wait3A_91 = arith.constant 0 : i32
      %dma_wait3A_92 = arith.constant 0 : i32
      %dma_wait3A_93 = tpu.memref_slice %arg3[%add3A, %dma_wait3A_91, %dma_wait3A_92] : memref<32x125x80xi32, #tpu.memory_space<hbm>> -> memref<1x125x80xi32, #tpu.memory_space<hbm>>
      %dma_wait3A_94 = tpu.memref_squeeze %dma_wait3A_93 : memref<1x125x80xi32, #tpu.memory_space<hbm>> -> memref<125x80xi32, #tpu.memory_space<hbm>>
      %dma_wait3A_95 = arith.constant 0 : i32
      %dma_wait3A_96 = arith.constant 0 : i32
      %dma_wait3A_97 = tpu.memref_slice %arg3[%add3A, %dma_wait3A_95, %dma_wait3A_96] : memref<32x125x80xi32, #tpu.memory_space<hbm>> -> memref<1x125x80xi32, #tpu.memory_space<hbm>>
      %dma_wait3A_98 = tpu.memref_squeeze %dma_wait3A_97 : memref<1x125x80xi32, #tpu.memory_space<hbm>> -> memref<125x80xi32, #tpu.memory_space<hbm>>
      tpu.wait_dma2 semaphore(%run_scoped3A : memref<!tpu.dma_semaphore, #tpu.memory_space<semaphore_mem>>) src(%dma_wait3A_98 : memref<125x80xi32, #tpu.memory_space<hbm>>) dst(%arg7 : memref<125x80xi32, #tpu.memory_space<vmem>>)
      tpu.yield
    }) : () -> ()
    "tpu.region"() ({
      %run_scoped3A = tpu.sem_alloc : memref<!tpu.dma_semaphore, #tpu.memory_space<semaphore_mem>>
      %dma_start3A_83 = arith.constant 0 : i32
      %dma_start3A_84 = arith.constant 0 : i32
      %dma_start3A_85 = tpu.memref_slice %arg4[%add3A, %dma_start3A_83, %dma_start3A_84] : memref<32x125x80xi32, #tpu.memory_space<hbm>> -> memref<1x125x80xi32, #tpu.memory_space<hbm>>
      %dma_start3A_86 = tpu.memref_squeeze %dma_start3A_85 : memref<1x125x80xi32, #tpu.memory_space<hbm>> -> memref<125x80xi32, #tpu.memory_space<hbm>>
      %dma_start3A_87 = arith.constant 0 : i32
      %dma_start3A_88 = arith.constant 0 : i32
      %dma_start3A_89 = tpu.memref_slice %arg4[%add3A, %dma_start3A_87, %dma_start3A_88] : memref<32x125x80xi32, #tpu.memory_space<hbm>> -> memref<1x125x80xi32, #tpu.memory_space<hbm>>
      %dma_start3A_90 = tpu.memref_squeeze %dma_start3A_89 : memref<1x125x80xi32, #tpu.memory_space<hbm>> -> memref<125x80xi32, #tpu.memory_space<hbm>>
      tpu.enqueue_dma source(%dma_start3A_90 : memref<125x80xi32, #tpu.memory_space<hbm>>) target(%arg8 : memref<125x80xi32, #tpu.memory_space<vmem>>) target_semaphore(%run_scoped3A : memref<!tpu.dma_semaphore, #tpu.memory_space<semaphore_mem>>)
      %dma_wait3A_91 = arith.constant 0 : i32
      %dma_wait3A_92 = arith.constant 0 : i32
      %dma_wait3A_93 = tpu.memref_slice %arg4[%add3A, %dma_wait3A_91, %dma_wait3A_92] : memref<32x125x80xi32, #tpu.memory_space<hbm>> -> memref<1x125x80xi32, #tpu.memory_space<hbm>>
      %dma_wait3A_94 = tpu.memref_squeeze %dma_wait3A_93 : memref<1x125x80xi32, #tpu.memory_space<hbm>> -> memref<125x80xi32, #tpu.memory_space<hbm>>
      %dma_wait3A_95 = arith.constant 0 : i32
      %dma_wait3A_96 = arith.constant 0 : i32
      %dma_wait3A_97 = tpu.memref_slice %arg4[%add3A, %dma_wait3A_95, %dma_wait3A_96] : memref<32x125x80xi32, #tpu.memory_space<hbm>> -> memref<1x125x80xi32, #tpu.memory_space<hbm>>
      %dma_wait3A_98 = tpu.memref_squeeze %dma_wait3A_97 : memref<1x125x80xi32, #tpu.memory_space<hbm>> -> memref<125x80xi32, #tpu.memory_space<hbm>>
      tpu.wait_dma2 semaphore(%run_scoped3A : memref<!tpu.dma_semaphore, #tpu.memory_space<semaphore_mem>>) src(%dma_wait3A_98 : memref<125x80xi32, #tpu.memory_space<hbm>>) dst(%arg8 : memref<125x80xi32, #tpu.memory_space<vmem>>)
      tpu.yield
    }) : () -> ()
    %mul3A_1 = arith.constant 625 : i32
    %mul3A_2 = arith.muli %arg1, %mul3A_1 : i32
    %mul3A_3 = arith.constant 625 : i32
    %mul3A_4 = arith.muli %arg1, %mul3A_3 : i32
    "tpu.region"() ({
      %run_scoped3A = tpu.sem_alloc : memref<!tpu.dma_semaphore, #tpu.memory_space<semaphore_mem>>
      %dma_start3A_83 = arith.constant 0 : i32
      %dma_start3A_84 = tpu.memref_slice %arg18[%mul3A_4, %dma_start3A_83] : memref<10000x128xf32, #tpu.memory_space<vmem_shared>> -> memref<625x128xf32, #tpu.memory_space<vmem_shared>>
      %dma_start3A_85 = arith.constant 0 : i32
      %dma_start3A_86 = tpu.memref_slice %arg5[%mul3A_2, %dma_start3A_85] : memref<10000x128xf32, #tpu.memory_space<hbm>> -> memref<625x128xf32, #tpu.memory_space<hbm>>
      tpu.enqueue_dma source(%dma_start3A_86 : memref<625x128xf32, #tpu.memory_space<hbm>>) target(%dma_start3A_84 : memref<625x128xf32, #tpu.memory_space<vmem_shared>>) target_semaphore(%run_scoped3A : memref<!tpu.dma_semaphore, #tpu.memory_space<semaphore_mem>>)
      %dma_wait3A_87 = arith.constant 0 : i32
      %dma_wait3A_88 = tpu.memref_slice %arg18[%mul3A_4, %dma_wait3A_87] : memref<10000x128xf32, #tpu.memory_space<vmem_shared>> -> memref<625x128xf32, #tpu.memory_space<vmem_shared>>
      %dma_wait3A_89 = arith.constant 0 : i32
      %dma_wait3A_90 = tpu.memref_slice %arg5[%mul3A_2, %dma_wait3A_89] : memref<10000x128xf32, #tpu.memory_space<hbm>> -> memref<625x128xf32, #tpu.memory_space<hbm>>
      tpu.wait_dma2 semaphore(%run_scoped3A : memref<!tpu.dma_semaphore, #tpu.memory_space<semaphore_mem>>) src(%dma_wait3A_90 : memref<625x128xf32, #tpu.memory_space<hbm>>) dst(%dma_wait3A_88 : memref<625x128xf32, #tpu.memory_space<vmem_shared>>)
      tpu.yield
    }) : () -> ()
    %barrier3A = arith.constant 0 : index
    tpu.barrier barrier_id(%barrier3A)
    %dma_start3A = arith.constant 0 : i32
    %dma_start3A_5 = arith.constant 0 : i32
    %dma_start3A_6 = tpu.memref_slice %arg7[%dma_start3A, %dma_start3A_5] : memref<125x80xi32, #tpu.memory_space<vmem>> -> memref<1x80xi32, #tpu.memory_space<vmem>>
    %dma_start3A_7 = tpu.memref_squeeze %dma_start3A_6 : memref<1x80xi32, #tpu.memory_space<vmem>> -> memref<80xi32, #tpu.memory_space<vmem>>
    %dma_start3A_8 = arith.constant 0 : i32
    %dma_start3A_9 = arith.constant 0 : i32
    %dma_start3A_10 = tpu.memref_slice %arg2[%dma_start3A_8, %dma_start3A_9] : memref<10000x128xf32, #tpu.memory_space<hbm>> -> memref<10000x128xf32, #tpu.memory_space<hbm>>
    tpu.enqueue_indirect_dma source(%dma_start3A_10 : memref<10000x128xf32, #tpu.memory_space<hbm>>) target(%arg9 : memref<80x128xf32, #tpu.memory_space<vmem>>) offsets(%dma_start3A_7 : memref<80xi32, #tpu.memory_space<vmem>>) semaphore(%arg12 : memref<!tpu.dma_semaphore, #tpu.memory_space<semaphore_mem>>)
    %dma_start3A_11 = arith.constant 1 : i32
    %dma_start3A_12 = arith.constant 0 : i32
    %dma_start3A_13 = tpu.memref_slice %arg7[%dma_start3A_11, %dma_start3A_12] : memref<125x80xi32, #tpu.memory_space<vmem>> -> memref<1x80xi32, #tpu.memory_space<vmem>>
    %dma_start3A_14 = tpu.memref_squeeze %dma_start3A_13 : memref<1x80xi32, #tpu.memory_space<vmem>> -> memref<80xi32, #tpu.memory_space<vmem>>
    %dma_start3A_15 = arith.constant 0 : i32
    %dma_start3A_16 = arith.constant 0 : i32
    %dma_start3A_17 = tpu.memref_slice %arg2[%dma_start3A_15, %dma_start3A_16] : memref<10000x128xf32, #tpu.memory_space<hbm>> -> memref<10000x128xf32, #tpu.memory_space<hbm>>
    tpu.enqueue_indirect_dma source(%dma_start3A_17 : memref<10000x128xf32, #tpu.memory_space<hbm>>) target(%arg10 : memref<80x128xf32, #tpu.memory_space<vmem>>) offsets(%dma_start3A_14 : memref<80xi32, #tpu.memory_space<vmem>>) semaphore(%arg13 : memref<!tpu.dma_semaphore, #tpu.memory_space<semaphore_mem>>)
    %dma_start3A_18 = arith.constant 2 : i32
    %dma_start3A_19 = arith.constant 0 : i32
    %dma_start3A_20 = tpu.memref_slice %arg7[%dma_start3A_18, %dma_start3A_19] : memref<125x80xi32, #tpu.memory_space<vmem>> -> memref<1x80xi32, #tpu.memory_space<vmem>>
    %dma_start3A_21 = tpu.memref_squeeze %dma_start3A_20 : memref<1x80xi32, #tpu.memory_space<vmem>> -> memref<80xi32, #tpu.memory_space<vmem>>
    %dma_start3A_22 = arith.constant 0 : i32
    %dma_start3A_23 = arith.constant 0 : i32
    %dma_start3A_24 = tpu.memref_slice %arg2[%dma_start3A_22, %dma_start3A_23] : memref<10000x128xf32, #tpu.memory_space<hbm>> -> memref<10000x128xf32, #tpu.memory_space<hbm>>
    tpu.enqueue_indirect_dma source(%dma_start3A_24 : memref<10000x128xf32, #tpu.memory_space<hbm>>) target(%arg11 : memref<80x128xf32, #tpu.memory_space<vmem>>) offsets(%dma_start3A_21 : memref<80xi32, #tpu.memory_space<vmem>>) semaphore(%arg14 : memref<!tpu.dma_semaphore, #tpu.memory_space<semaphore_mem>>)
    %scan3A = arith.constant 0 : i32
    %scan3A_25 = arith.constant 0 : i32
    %scan3A_26 = arith.constant 41 : i32
    %scan3A_27 = arith.addi %scan3A_25, %scan3A_26 : i32
    %scan3A_28 = arith.constant 1 : i32
    scf.for %scan3A_83 = %scan3A_25 to %scan3A_27 step %scan3A_28  : i32 {
      %mul3A_84 = arith.constant 3 : i32
      %mul3A_85 = arith.muli %scan3A_83, %mul3A_84 : i32
      %add3A_86 = arith.constant 0 : i32
      %add3A_87 = arith.addi %mul3A_85, %add3A_86 : i32
      %dma_wait3A_88 = arith.constant 0 : i32
      %dma_wait3A_89 = tpu.memref_slice %arg7[%add3A_87, %dma_wait3A_88] : memref<125x80xi32, #tpu.memory_space<vmem>> -> memref<1x80xi32, #tpu.memory_space<vmem>>
      %dma_wait3A_90 = tpu.memref_squeeze %dma_wait3A_89 : memref<1x80xi32, #tpu.memory_space<vmem>> -> memref<80xi32, #tpu.memory_space<vmem>>
      %dma_wait3A_91 = arith.constant 0 : i32
      %dma_wait3A_92 = arith.constant 0 : i32
      %dma_wait3A_93 = tpu.memref_slice %arg2[%dma_wait3A_91, %dma_wait3A_92] : memref<10000x128xf32, #tpu.memory_space<hbm>> -> memref<10000x128xf32, #tpu.memory_space<hbm>>
      tpu.wait_indirect_dma semaphore(%arg12 : memref<!tpu.dma_semaphore, #tpu.memory_space<semaphore_mem>>) src(%dma_wait3A_93 : memref<10000x128xf32, #tpu.memory_space<hbm>>) dst(%arg9 : memref<80x128xf32, #tpu.memory_space<vmem>>)
      %dma_start3A_94 = arith.constant 0 : i32
      %dma_start3A_95 = tpu.memref_slice %arg8[%add3A_87, %dma_start3A_94] : memref<125x80xi32, #tpu.memory_space<vmem>> -> memref<1x80xi32, #tpu.memory_space<vmem>>
      %dma_start3A_96 = tpu.memref_squeeze %dma_start3A_95 : memref<1x80xi32, #tpu.memory_space<vmem>> -> memref<80xi32, #tpu.memory_space<vmem>>
      %dma_start3A_97 = arith.constant 0 : i32
      %dma_start3A_98 = arith.constant 0 : i32
      %dma_start3A_99 = tpu.memref_slice %arg18[%dma_start3A_97, %dma_start3A_98] : memref<10000x128xf32, #tpu.memory_space<vmem_shared>> -> memref<10000x128xf32, #tpu.memory_space<vmem_shared>>
      tpu.enqueue_indirect_dma source(%arg9 : memref<80x128xf32, #tpu.memory_space<vmem>>) target(%dma_start3A_99 : memref<10000x128xf32, #tpu.memory_space<vmem_shared>>) offsets(%dma_start3A_96 : memref<80xi32, #tpu.memory_space<vmem>>) semaphore(%arg15 : memref<!tpu.dma_semaphore, #tpu.memory_space<semaphore_mem>>) {add = true}
      %mul3A_100 = arith.constant 3 : i32
      %mul3A_101 = arith.muli %scan3A_83, %mul3A_100 : i32
      %add3A_102 = arith.constant 1 : i32
      %add3A_103 = arith.addi %mul3A_101, %add3A_102 : i32
      %dma_wait3A_104 = arith.constant 0 : i32
      %dma_wait3A_105 = tpu.memref_slice %arg7[%add3A_103, %dma_wait3A_104] : memref<125x80xi32, #tpu.memory_space<vmem>> -> memref<1x80xi32, #tpu.memory_space<vmem>>
      %dma_wait3A_106 = tpu.memref_squeeze %dma_wait3A_105 : memref<1x80xi32, #tpu.memory_space<vmem>> -> memref<80xi32, #tpu.memory_space<vmem>>
      %dma_wait3A_107 = arith.constant 0 : i32
      %dma_wait3A_108 = arith.constant 0 : i32
      %dma_wait3A_109 = tpu.memref_slice %arg2[%dma_wait3A_107, %dma_wait3A_108] : memref<10000x128xf32, #tpu.memory_space<hbm>> -> memref<10000x128xf32, #tpu.memory_space<hbm>>
      tpu.wait_indirect_dma semaphore(%arg13 : memref<!tpu.dma_semaphore, #tpu.memory_space<semaphore_mem>>) src(%dma_wait3A_109 : memref<10000x128xf32, #tpu.memory_space<hbm>>) dst(%arg10 : memref<80x128xf32, #tpu.memory_space<vmem>>)
      %dma_start3A_110 = arith.constant 0 : i32
      %dma_start3A_111 = tpu.memref_slice %arg8[%add3A_103, %dma_start3A_110] : memref<125x80xi32, #tpu.memory_space<vmem>> -> memref<1x80xi32, #tpu.memory_space<vmem>>
      %dma_start3A_112 = tpu.memref_squeeze %dma_start3A_111 : memref<1x80xi32, #tpu.memory_space<vmem>> -> memref<80xi32, #tpu.memory_space<vmem>>
      %dma_start3A_113 = arith.constant 0 : i32
      %dma_start3A_114 = arith.constant 0 : i32
      %dma_start3A_115 = tpu.memref_slice %arg18[%dma_start3A_113, %dma_start3A_114] : memref<10000x128xf32, #tpu.memory_space<vmem_shared>> -> memref<10000x128xf32, #tpu.memory_space<vmem_shared>>
      tpu.enqueue_indirect_dma source(%arg10 : memref<80x128xf32, #tpu.memory_space<vmem>>) target(%dma_start3A_115 : memref<10000x128xf32, #tpu.memory_space<vmem_shared>>) offsets(%dma_start3A_112 : memref<80xi32, #tpu.memory_space<vmem>>) semaphore(%arg16 : memref<!tpu.dma_semaphore, #tpu.memory_space<semaphore_mem>>) {add = true}
      %mul3A_116 = arith.constant 3 : i32
      %mul3A_117 = arith.muli %scan3A_83, %mul3A_116 : i32
      %add3A_118 = arith.constant 2 : i32
      %add3A_119 = arith.addi %mul3A_117, %add3A_118 : i32
      %dma_wait3A_120 = arith.constant 0 : i32
      %dma_wait3A_121 = tpu.memref_slice %arg7[%add3A_119, %dma_wait3A_120] : memref<125x80xi32, #tpu.memory_space<vmem>> -> memref<1x80xi32, #tpu.memory_space<vmem>>
      %dma_wait3A_122 = tpu.memref_squeeze %dma_wait3A_121 : memref<1x80xi32, #tpu.memory_space<vmem>> -> memref<80xi32, #tpu.memory_space<vmem>>
      %dma_wait3A_123 = arith.constant 0 : i32
      %dma_wait3A_124 = arith.constant 0 : i32
      %dma_wait3A_125 = tpu.memref_slice %arg2[%dma_wait3A_123, %dma_wait3A_124] : memref<10000x128xf32, #tpu.memory_space<hbm>> -> memref<10000x128xf32, #tpu.memory_space<hbm>>
      tpu.wait_indirect_dma semaphore(%arg14 : memref<!tpu.dma_semaphore, #tpu.memory_space<semaphore_mem>>) src(%dma_wait3A_125 : memref<10000x128xf32, #tpu.memory_space<hbm>>) dst(%arg11 : memref<80x128xf32, #tpu.memory_space<vmem>>)
      %dma_start3A_126 = arith.constant 0 : i32
      %dma_start3A_127 = tpu.memref_slice %arg8[%add3A_119, %dma_start3A_126] : memref<125x80xi32, #tpu.memory_space<vmem>> -> memref<1x80xi32, #tpu.memory_space<vmem>>
      %dma_start3A_128 = tpu.memref_squeeze %dma_start3A_127 : memref<1x80xi32, #tpu.memory_space<vmem>> -> memref<80xi32, #tpu.memory_space<vmem>>
      %dma_start3A_129 = arith.constant 0 : i32
      %dma_start3A_130 = arith.constant 0 : i32
      %dma_start3A_131 = tpu.memref_slice %arg18[%dma_start3A_129, %dma_start3A_130] : memref<10000x128xf32, #tpu.memory_space<vmem_shared>> -> memref<10000x128xf32, #tpu.memory_space<vmem_shared>>
      tpu.enqueue_indirect_dma source(%arg11 : memref<80x128xf32, #tpu.memory_space<vmem>>) target(%dma_start3A_131 : memref<10000x128xf32, #tpu.memory_space<vmem_shared>>) offsets(%dma_start3A_128 : memref<80xi32, #tpu.memory_space<vmem>>) semaphore(%arg17 : memref<!tpu.dma_semaphore, #tpu.memory_space<semaphore_mem>>) {add = true}
      %mul3A_132 = arith.constant 3 : i32
      %mul3A_133 = arith.muli %scan3A_83, %mul3A_132 : i32
      %add3A_134 = arith.constant 3 : i32
      %add3A_135 = arith.addi %mul3A_133, %add3A_134 : i32
      %add3A_136 = arith.constant 0 : i32
      %add3A_137 = arith.addi %add3A_135, %add3A_136 : i32
      %lt3A = arith.constant 125 : i32
      %lt3A_138 = arith.cmpi slt, %add3A_137, %lt3A : i32
      %convert_element_type3A = arith.extui %lt3A_138 : i1 to i32
      %cond3A = arith.constant 0 : i32
      %cond3A_139 = arith.cmpi ne, %convert_element_type3A, %cond3A : i32
      scf.if %cond3A_139 {
        %dma_wait3A_162 = arith.constant 0 : i32
        %dma_wait3A_163 = arith.constant 0 : i32
        %dma_wait3A_164 = tpu.memref_slice %arg8[%dma_wait3A_162, %dma_wait3A_163] : memref<125x80xi32, #tpu.memory_space<vmem>> -> memref<1x80xi32, #tpu.memory_space<vmem>>
        %dma_wait3A_165 = tpu.memref_squeeze %dma_wait3A_164 : memref<1x80xi32, #tpu.memory_space<vmem>> -> memref<80xi32, #tpu.memory_space<vmem>>
        %dma_wait3A_166 = arith.constant 0 : i32
        %dma_wait3A_167 = arith.constant 0 : i32
        %dma_wait3A_168 = tpu.memref_slice %arg18[%dma_wait3A_166, %dma_wait3A_167] : memref<10000x128xf32, #tpu.memory_space<vmem_shared>> -> memref<10000x128xf32, #tpu.memory_space<vmem_shared>>
        tpu.wait_indirect_dma semaphore(%arg15 : memref<!tpu.dma_semaphore, #tpu.memory_space<semaphore_mem>>) src(%arg9 : memref<80x128xf32, #tpu.memory_space<vmem>>) dst(%dma_wait3A_168 : memref<10000x128xf32, #tpu.memory_space<vmem_shared>>)
        %dma_start3A_169 = arith.constant 0 : i32
        %dma_start3A_170 = tpu.memref_slice %arg7[%add3A_137, %dma_start3A_169] : memref<125x80xi32, #tpu.memory_space<vmem>> -> memref<1x80xi32, #tpu.memory_space<vmem>>
        %dma_start3A_171 = tpu.memref_squeeze %dma_start3A_170 : memref<1x80xi32, #tpu.memory_space<vmem>> -> memref<80xi32, #tpu.memory_space<vmem>>
        %dma_start3A_172 = arith.constant 0 : i32
        %dma_start3A_173 = arith.constant 0 : i32
        %dma_start3A_174 = tpu.memref_slice %arg2[%dma_start3A_172, %dma_start3A_173] : memref<10000x128xf32, #tpu.memory_space<hbm>> -> memref<10000x128xf32, #tpu.memory_space<hbm>>
        tpu.enqueue_indirect_dma source(%dma_start3A_174 : memref<10000x128xf32, #tpu.memory_space<hbm>>) target(%arg9 : memref<80x128xf32, #tpu.memory_space<vmem>>) offsets(%dma_start3A_171 : memref<80xi32, #tpu.memory_space<vmem>>) semaphore(%arg12 : memref<!tpu.dma_semaphore, #tpu.memory_space<semaphore_mem>>)
      } else {
      }
      %mul3A_140 = arith.constant 3 : i32
      %mul3A_141 = arith.muli %scan3A_83, %mul3A_140 : i32
      %add3A_142 = arith.constant 3 : i32
      %add3A_143 = arith.addi %mul3A_141, %add3A_142 : i32
      %add3A_144 = arith.constant 1 : i32
      %add3A_145 = arith.addi %add3A_143, %add3A_144 : i32
      %lt3A_146 = arith.constant 125 : i32
      %lt3A_147 = arith.cmpi slt, %add3A_145, %lt3A_146 : i32
      %convert_element_type3A_148 = arith.extui %lt3A_147 : i1 to i32
      %cond3A_149 = arith.constant 0 : i32
      %cond3A_150 = arith.cmpi ne, %convert_element_type3A_148, %cond3A_149 : i32
      scf.if %cond3A_150 {
        %dma_wait3A_162 = arith.constant 0 : i32
        %dma_wait3A_163 = arith.constant 0 : i32
        %dma_wait3A_164 = tpu.memref_slice %arg8[%dma_wait3A_162, %dma_wait3A_163] : memref<125x80xi32, #tpu.memory_space<vmem>> -> memref<1x80xi32, #tpu.memory_space<vmem>>
        %dma_wait3A_165 = tpu.memref_squeeze %dma_wait3A_164 : memref<1x80xi32, #tpu.memory_space<vmem>> -> memref<80xi32, #tpu.memory_space<vmem>>
        %dma_wait3A_166 = arith.constant 0 : i32
        %dma_wait3A_167 = arith.constant 0 : i32
        %dma_wait3A_168 = tpu.memref_slice %arg18[%dma_wait3A_166, %dma_wait3A_167] : memref<10000x128xf32, #tpu.memory_space<vmem_shared>> -> memref<10000x128xf32, #tpu.memory_space<vmem_shared>>
        tpu.wait_indirect_dma semaphore(%arg16 : memref<!tpu.dma_semaphore, #tpu.memory_space<semaphore_mem>>) src(%arg10 : memref<80x128xf32, #tpu.memory_space<vmem>>) dst(%dma_wait3A_168 : memref<10000x128xf32, #tpu.memory_space<vmem_shared>>)
        %dma_start3A_169 = arith.constant 0 : i32
        %dma_start3A_170 = tpu.memref_slice %arg7[%add3A_145, %dma_start3A_169] : memref<125x80xi32, #tpu.memory_space<vmem>> -> memref<1x80xi32, #tpu.memory_space<vmem>>
        %dma_start3A_171 = tpu.memref_squeeze %dma_start3A_170 : memref<1x80xi32, #tpu.memory_space<vmem>> -> memref<80xi32, #tpu.memory_space<vmem>>
        %dma_start3A_172 = arith.constant 0 : i32
        %dma_start3A_173 = arith.constant 0 : i32
        %dma_start3A_174 = tpu.memref_slice %arg2[%dma_start3A_172, %dma_start3A_173] : memref<10000x128xf32, #tpu.memory_space<hbm>> -> memref<10000x128xf32, #tpu.memory_space<hbm>>
        tpu.enqueue_indirect_dma source(%dma_start3A_174 : memref<10000x128xf32, #tpu.memory_space<hbm>>) target(%arg10 : memref<80x128xf32, #tpu.memory_space<vmem>>) offsets(%dma_start3A_171 : memref<80xi32, #tpu.memory_space<vmem>>) semaphore(%arg13 : memref<!tpu.dma_semaphore, #tpu.memory_space<semaphore_mem>>)
      } else {
      }
      %mul3A_151 = arith.constant 3 : i32
      %mul3A_152 = arith.muli %scan3A_83, %mul3A_151 : i32
      %add3A_153 = arith.constant 3 : i32
      %add3A_154 = arith.addi %mul3A_152, %add3A_153 : i32
      %add3A_155 = arith.constant 2 : i32
      %add3A_156 = arith.addi %add3A_154, %add3A_155 : i32
      %lt3A_157 = arith.constant 125 : i32
      %lt3A_158 = arith.cmpi slt, %add3A_156, %lt3A_157 : i32
      %convert_element_type3A_159 = arith.extui %lt3A_158 : i1 to i32
      %cond3A_160 = arith.constant 0 : i32
      %cond3A_161 = arith.cmpi ne, %convert_element_type3A_159, %cond3A_160 : i32
      scf.if %cond3A_161 {
        %dma_wait3A_162 = arith.constant 0 : i32
        %dma_wait3A_163 = arith.constant 0 : i32
        %dma_wait3A_164 = tpu.memref_slice %arg8[%dma_wait3A_162, %dma_wait3A_163] : memref<125x80xi32, #tpu.memory_space<vmem>> -> memref<1x80xi32, #tpu.memory_space<vmem>>
        %dma_wait3A_165 = tpu.memref_squeeze %dma_wait3A_164 : memref<1x80xi32, #tpu.memory_space<vmem>> -> memref<80xi32, #tpu.memory_space<vmem>>
        %dma_wait3A_166 = arith.constant 0 : i32
        %dma_wait3A_167 = arith.constant 0 : i32
        %dma_wait3A_168 = tpu.memref_slice %arg18[%dma_wait3A_166, %dma_wait3A_167] : memref<10000x128xf32, #tpu.memory_space<vmem_shared>> -> memref<10000x128xf32, #tpu.memory_space<vmem_shared>>
        tpu.wait_indirect_dma semaphore(%arg17 : memref<!tpu.dma_semaphore, #tpu.memory_space<semaphore_mem>>) src(%arg11 : memref<80x128xf32, #tpu.memory_space<vmem>>) dst(%dma_wait3A_168 : memref<10000x128xf32, #tpu.memory_space<vmem_shared>>)
        %dma_start3A_169 = arith.constant 0 : i32
        %dma_start3A_170 = tpu.memref_slice %arg7[%add3A_156, %dma_start3A_169] : memref<125x80xi32, #tpu.memory_space<vmem>> -> memref<1x80xi32, #tpu.memory_space<vmem>>
        %dma_start3A_171 = tpu.memref_squeeze %dma_start3A_170 : memref<1x80xi32, #tpu.memory_space<vmem>> -> memref<80xi32, #tpu.memory_space<vmem>>
        %dma_start3A_172 = arith.constant 0 : i32
        %dma_start3A_173 = arith.constant 0 : i32
        %dma_start3A_174 = tpu.memref_slice %arg2[%dma_start3A_172, %dma_start3A_173] : memref<10000x128xf32, #tpu.memory_space<hbm>> -> memref<10000x128xf32, #tpu.memory_space<hbm>>
        tpu.enqueue_indirect_dma source(%dma_start3A_174 : memref<10000x128xf32, #tpu.memory_space<hbm>>) target(%arg11 : memref<80x128xf32, #tpu.memory_space<vmem>>) offsets(%dma_start3A_171 : memref<80xi32, #tpu.memory_space<vmem>>) semaphore(%arg14 : memref<!tpu.dma_semaphore, #tpu.memory_space<semaphore_mem>>)
      } else {
      }
    }
    %scan3A_29 = arith.constant 41 : i32
    %dma_wait3A = arith.constant 123 : i32
    %dma_wait3A_30 = arith.constant 0 : i32
    %dma_wait3A_31 = tpu.memref_slice %arg7[%dma_wait3A, %dma_wait3A_30] : memref<125x80xi32, #tpu.memory_space<vmem>> -> memref<1x80xi32, #tpu.memory_space<vmem>>
    %dma_wait3A_32 = tpu.memref_squeeze %dma_wait3A_31 : memref<1x80xi32, #tpu.memory_space<vmem>> -> memref<80xi32, #tpu.memory_space<vmem>>
    %dma_wait3A_33 = arith.constant 0 : i32
    %dma_wait3A_34 = arith.constant 0 : i32
    %dma_wait3A_35 = tpu.memref_slice %arg2[%dma_wait3A_33, %dma_wait3A_34] : memref<10000x128xf32, #tpu.memory_space<hbm>> -> memref<10000x128xf32, #tpu.memory_space<hbm>>
    tpu.wait_indirect_dma semaphore(%arg12 : memref<!tpu.dma_semaphore, #tpu.memory_space<semaphore_mem>>) src(%dma_wait3A_35 : memref<10000x128xf32, #tpu.memory_space<hbm>>) dst(%arg9 : memref<80x128xf32, #tpu.memory_space<vmem>>)
    %dma_start3A_36 = arith.constant 123 : i32
    %dma_start3A_37 = arith.constant 0 : i32
    %dma_start3A_38 = tpu.memref_slice %arg8[%dma_start3A_36, %dma_start3A_37] : memref<125x80xi32, #tpu.memory_space<vmem>> -> memref<1x80xi32, #tpu.memory_space<vmem>>
    %dma_start3A_39 = tpu.memref_squeeze %dma_start3A_38 : memref<1x80xi32, #tpu.memory_space<vmem>> -> memref<80xi32, #tpu.memory_space<vmem>>
    %dma_start3A_40 = arith.constant 0 : i32
    %dma_start3A_41 = arith.constant 0 : i32
    %dma_start3A_42 = tpu.memref_slice %arg18[%dma_start3A_40, %dma_start3A_41] : memref<10000x128xf32, #tpu.memory_space<vmem_shared>> -> memref<10000x128xf32, #tpu.memory_space<vmem_shared>>
    tpu.enqueue_indirect_dma source(%arg9 : memref<80x128xf32, #tpu.memory_space<vmem>>) target(%dma_start3A_42 : memref<10000x128xf32, #tpu.memory_space<vmem_shared>>) offsets(%dma_start3A_39 : memref<80xi32, #tpu.memory_space<vmem>>) semaphore(%arg15 : memref<!tpu.dma_semaphore, #tpu.memory_space<semaphore_mem>>) {add = true}
    %dma_wait3A_43 = arith.constant 124 : i32
    %dma_wait3A_44 = arith.constant 0 : i32
    %dma_wait3A_45 = tpu.memref_slice %arg7[%dma_wait3A_43, %dma_wait3A_44] : memref<125x80xi32, #tpu.memory_space<vmem>> -> memref<1x80xi32, #tpu.memory_space<vmem>>
    %dma_wait3A_46 = tpu.memref_squeeze %dma_wait3A_45 : memref<1x80xi32, #tpu.memory_space<vmem>> -> memref<80xi32, #tpu.memory_space<vmem>>
    %dma_wait3A_47 = arith.constant 0 : i32
    %dma_wait3A_48 = arith.constant 0 : i32
    %dma_wait3A_49 = tpu.memref_slice %arg2[%dma_wait3A_47, %dma_wait3A_48] : memref<10000x128xf32, #tpu.memory_space<hbm>> -> memref<10000x128xf32, #tpu.memory_space<hbm>>
    tpu.wait_indirect_dma semaphore(%arg13 : memref<!tpu.dma_semaphore, #tpu.memory_space<semaphore_mem>>) src(%dma_wait3A_49 : memref<10000x128xf32, #tpu.memory_space<hbm>>) dst(%arg10 : memref<80x128xf32, #tpu.memory_space<vmem>>)
    %dma_start3A_50 = arith.constant 124 : i32
    %dma_start3A_51 = arith.constant 0 : i32
    %dma_start3A_52 = tpu.memref_slice %arg8[%dma_start3A_50, %dma_start3A_51] : memref<125x80xi32, #tpu.memory_space<vmem>> -> memref<1x80xi32, #tpu.memory_space<vmem>>
    %dma_start3A_53 = tpu.memref_squeeze %dma_start3A_52 : memref<1x80xi32, #tpu.memory_space<vmem>> -> memref<80xi32, #tpu.memory_space<vmem>>
    %dma_start3A_54 = arith.constant 0 : i32
    %dma_start3A_55 = arith.constant 0 : i32
    %dma_start3A_56 = tpu.memref_slice %arg18[%dma_start3A_54, %dma_start3A_55] : memref<10000x128xf32, #tpu.memory_space<vmem_shared>> -> memref<10000x128xf32, #tpu.memory_space<vmem_shared>>
    tpu.enqueue_indirect_dma source(%arg10 : memref<80x128xf32, #tpu.memory_space<vmem>>) target(%dma_start3A_56 : memref<10000x128xf32, #tpu.memory_space<vmem_shared>>) offsets(%dma_start3A_53 : memref<80xi32, #tpu.memory_space<vmem>>) semaphore(%arg16 : memref<!tpu.dma_semaphore, #tpu.memory_space<semaphore_mem>>) {add = true}
    %dma_wait3A_57 = arith.constant 0 : i32
    %dma_wait3A_58 = arith.constant 0 : i32
    %dma_wait3A_59 = tpu.memref_slice %arg8[%dma_wait3A_57, %dma_wait3A_58] : memref<125x80xi32, #tpu.memory_space<vmem>> -> memref<1x80xi32, #tpu.memory_space<vmem>>
    %dma_wait3A_60 = tpu.memref_squeeze %dma_wait3A_59 : memref<1x80xi32, #tpu.memory_space<vmem>> -> memref<80xi32, #tpu.memory_space<vmem>>
    %dma_wait3A_61 = arith.constant 0 : i32
    %dma_wait3A_62 = arith.constant 0 : i32
    %dma_wait3A_63 = tpu.memref_slice %arg18[%dma_wait3A_61, %dma_wait3A_62] : memref<10000x128xf32, #tpu.memory_space<vmem_shared>> -> memref<10000x128xf32, #tpu.memory_space<vmem_shared>>
    tpu.wait_indirect_dma semaphore(%arg15 : memref<!tpu.dma_semaphore, #tpu.memory_space<semaphore_mem>>) src(%arg9 : memref<80x128xf32, #tpu.memory_space<vmem>>) dst(%dma_wait3A_63 : memref<10000x128xf32, #tpu.memory_space<vmem_shared>>)
    %dma_wait3A_64 = arith.constant 0 : i32
    %dma_wait3A_65 = arith.constant 0 : i32
    %dma_wait3A_66 = tpu.memref_slice %arg8[%dma_wait3A_64, %dma_wait3A_65] : memref<125x80xi32, #tpu.memory_space<vmem>> -> memref<1x80xi32, #tpu.memory_space<vmem>>
    %dma_wait3A_67 = tpu.memref_squeeze %dma_wait3A_66 : memref<1x80xi32, #tpu.memory_space<vmem>> -> memref<80xi32, #tpu.memory_space<vmem>>
    %dma_wait3A_68 = arith.constant 0 : i32
    %dma_wait3A_69 = arith.constant 0 : i32
    %dma_wait3A_70 = tpu.memref_slice %arg18[%dma_wait3A_68, %dma_wait3A_69] : memref<10000x128xf32, #tpu.memory_space<vmem_shared>> -> memref<10000x128xf32, #tpu.memory_space<vmem_shared>>
    tpu.wait_indirect_dma semaphore(%arg16 : memref<!tpu.dma_semaphore, #tpu.memory_space<semaphore_mem>>) src(%arg10 : memref<80x128xf32, #tpu.memory_space<vmem>>) dst(%dma_wait3A_70 : memref<10000x128xf32, #tpu.memory_space<vmem_shared>>)
    %dma_wait3A_71 = arith.constant 0 : i32
    %dma_wait3A_72 = arith.constant 0 : i32
    %dma_wait3A_73 = tpu.memref_slice %arg8[%dma_wait3A_71, %dma_wait3A_72] : memref<125x80xi32, #tpu.memory_space<vmem>> -> memref<1x80xi32, #tpu.memory_space<vmem>>
    %dma_wait3A_74 = tpu.memref_squeeze %dma_wait3A_73 : memref<1x80xi32, #tpu.memory_space<vmem>> -> memref<80xi32, #tpu.memory_space<vmem>>
    %dma_wait3A_75 = arith.constant 0 : i32
    %dma_wait3A_76 = arith.constant 0 : i32
    %dma_wait3A_77 = tpu.memref_slice %arg18[%dma_wait3A_75, %dma_wait3A_76] : memref<10000x128xf32, #tpu.memory_space<vmem_shared>> -> memref<10000x128xf32, #tpu.memory_space<vmem_shared>>
    tpu.wait_indirect_dma semaphore(%arg17 : memref<!tpu.dma_semaphore, #tpu.memory_space<semaphore_mem>>) src(%arg11 : memref<80x128xf32, #tpu.memory_space<vmem>>) dst(%dma_wait3A_77 : memref<10000x128xf32, #tpu.memory_space<vmem_shared>>)
    %barrier3A_78 = arith.constant 0 : index
    tpu.barrier barrier_id(%barrier3A_78)
    %mul3A_79 = arith.constant 625 : i32
    %mul3A_80 = arith.muli %arg1, %mul3A_79 : i32
    %mul3A_81 = arith.constant 625 : i32
    %mul3A_82 = arith.muli %arg1, %mul3A_81 : i32
    "tpu.region"() ({
      %run_scoped3A = tpu.sem_alloc : memref<!tpu.dma_semaphore, #tpu.memory_space<semaphore_mem>>
      %dma_start3A_83 = arith.constant 0 : i32
      %dma_start3A_84 = tpu.memref_slice %arg6[%arg0, %mul3A_82, %dma_start3A_83] : memref<2x10000x128xf32, #tpu.memory_space<hbm>> -> memref<1x625x128xf32, #tpu.memory_space<hbm>>
      %dma_start3A_85 = tpu.memref_squeeze %dma_start3A_84 : memref<1x625x128xf32, #tpu.memory_space<hbm>> -> memref<625x128xf32, #tpu.memory_space<hbm>>
      %dma_start3A_86 = arith.constant 0 : i32
      %dma_start3A_87 = tpu.memref_slice %arg18[%mul3A_80, %dma_start3A_86] : memref<10000x128xf32, #tpu.memory_space<vmem_shared>> -> memref<625x128xf32, #tpu.memory_space<vmem_shared>>
      tpu.enqueue_dma source(%dma_start3A_87 : memref<625x128xf32, #tpu.memory_space<vmem_shared>>) target(%dma_start3A_85 : memref<625x128xf32, #tpu.memory_space<hbm>>) target_semaphore(%run_scoped3A : memref<!tpu.dma_semaphore, #tpu.memory_space<semaphore_mem>>)
      %dma_wait3A_88 = arith.constant 0 : i32
      %dma_wait3A_89 = tpu.memref_slice %arg6[%arg0, %mul3A_82, %dma_wait3A_88] : memref<2x10000x128xf32, #tpu.memory_space<hbm>> -> memref<1x625x128xf32, #tpu.memory_space<hbm>>
      %dma_wait3A_90 = tpu.memref_squeeze %dma_wait3A_89 : memref<1x625x128xf32, #tpu.memory_space<hbm>> -> memref<625x128xf32, #tpu.memory_space<hbm>>
      %dma_wait3A_91 = arith.constant 0 : i32
      %dma_wait3A_92 = tpu.memref_slice %arg18[%mul3A_80, %dma_wait3A_91] : memref<10000x128xf32, #tpu.memory_space<vmem_shared>> -> memref<625x128xf32, #tpu.memory_space<vmem_shared>>
      tpu.wait_dma2 semaphore(%run_scoped3A : memref<!tpu.dma_semaphore, #tpu.memory_space<semaphore_mem>>) src(%dma_wait3A_92 : memref<625x128xf32, #tpu.memory_space<vmem_shared>>) dst(%dma_wait3A_90 : memref<625x128xf32, #tpu.memory_space<hbm>>)
      tpu.yield
    }) : () -> ()
    return
  }
}

module attributes {stable_mosaic.version = 14 : i64} {
  func.func @_tc1_body(%arg0: i32, %arg1: memref<1000x128xf32, #tpu.memory_space<vmem>>, %arg2: memref<128x128xf32, #tpu.memory_space<vmem>>, %arg3: memref<2x1000x16xf32, #tpu.memory_space<vmem>>, %arg4: memref<1000x128xf32, #tpu.memory_space<vmem>>, %arg5: memref<1000x1xf32, #tpu.memory_space<vmem>>) attributes {dimension_semantics = [#tpu.dimension_semantics<arbitrary>], iteration_bounds = array<i64: 10>, scalar_prefetch = 0 : i64, scratch_operands = 0 : i64, tpu.core_type = #tpu.core_type<tc>, window_params = [{transform_indices = @transform_0, window_bounds = array<i64: 1000, 128>}, {pipeline_mode = #tpu.pipeline_mode<synchronous>, transform_indices = @transform_1, window_bounds = array<i64: 128, 128>}, {transform_indices = @transform_2, window_bounds = array<i64: 2, 1000, 16>}, {transform_indices = @transform_3, window_bounds = array<i64: 1000, 128>}, {transform_indices = @transform_4, window_bounds = array<i64: 1000, 1>}]} {
    %get3A = arith.constant 0 : index
    %get3A_0 = arith.constant 0 : index
    %get3A_1 = arith.constant 0 : index
    %get3A_2 = vector.load %arg3[%get3A, %get3A_0, %get3A_1] : memref<2x1000x16xf32, #tpu.memory_space<vmem>>, vector<2x1000x16xf32>
    %slice3A = vector.extract_strided_slice %get3A_2 {offsets = [0, 0, 0], sizes = [1, 1000, 1], strides = [1, 1, 1]} : vector<2x1000x16xf32> to vector<1x1000x1xf32>
    %squeeze3A = vector.shape_cast %slice3A : vector<1x1000x1xf32> to vector<1000x1xf32>
    %slice3A_3 = vector.extract_strided_slice %get3A_2 {offsets = [1, 0, 0], sizes = [1, 1000, 1], strides = [1, 1, 1]} : vector<2x1000x16xf32> to vector<1x1000x1xf32>
    %squeeze3A_4 = vector.shape_cast %slice3A_3 : vector<1x1000x1xf32> to vector<1000x1xf32>
    %add3A = arith.addf %squeeze3A, %squeeze3A_4 : vector<1000x1xf32>
    %add3A_5 = arith.constant 1.000000e+00 : f32
    %add3A_6 = vector.broadcast %add3A_5 : f32 to vector<1000x1xf32>
    %add3A_7 = arith.addf %add3A, %add3A_6 : vector<1000x1xf32>
    %rsqrt3A = math.rsqrt %add3A_7 : vector<1000x1xf32>
    %get3A_8 = arith.constant 0 : index
    %get3A_9 = arith.constant 0 : index
    %get3A_10 = vector.load %arg1[%get3A_8, %get3A_9] : memref<1000x128xf32, #tpu.memory_space<vmem>>, vector<1000x128xf32>
    %get3A_11 = arith.constant 0 : index
    %get3A_12 = arith.constant 0 : index
    %get3A_13 = vector.load %arg2[%get3A_11, %get3A_12] : memref<128x128xf32, #tpu.memory_space<vmem>>, vector<128x128xf32>
    %dot_general3A = arith.constant dense<0.000000e+00> : vector<1000x128xf32>
    %dot_general3A_14 = tpu.matmul %get3A_10, %get3A_13, %dot_general3A {dimension_numbers = #tpu.dot_dimension_numbers<[1], [0], [0], [1], [0, 0, 1, 1], [], []>, transpose_lhs_hint = false} : vector<1000x128xf32>, vector<128x128xf32>, vector<1000x128xf32> -> vector<1000x128xf32>
    %mul3A = vector.broadcast %rsqrt3A : vector<1000x1xf32> to vector<1000x128xf32>
    %mul3A_15 = arith.mulf %dot_general3A_14, %mul3A : vector<1000x128xf32>
    %swap3A = arith.constant 0 : index
    %swap3A_16 = arith.constant 0 : index
    %swap3A_17 = vector.load %arg4[%swap3A, %swap3A_16] : memref<1000x128xf32, #tpu.memory_space<vmem>>, vector<1000x128xf32>
    tpu.vector_store %arg4[%swap3A, %swap3A_16], %mul3A_15 {strides = array<i32>} : memref<1000x128xf32, #tpu.memory_space<vmem>>, vector<1000x128xf32>,
    %swap3A_18 = arith.constant 0 : index
    %swap3A_19 = arith.constant 0 : index
    %swap3A_20 = vector.load %arg5[%swap3A_18, %swap3A_19] : memref<1000x1xf32, #tpu.memory_space<vmem>>, vector<1000x1xf32>
    tpu.vector_store %arg5[%swap3A_18, %swap3A_19], %rsqrt3A {strides = array<i32>} : memref<1000x1xf32, #tpu.memory_space<vmem>>, vector<1000x1xf32>,
    return
  }
  func.func @transform_0(%arg0: i32) -> (i32, i32) {
    %c0_i32 = arith.constant 0 : i32
    %c0_i32_0 = arith.constant 0 : i32
    return %arg0, %c0_i32 : i32, i32
  }
  func.func @transform_1(%arg0: i32) -> (i32, i32) {
    %c0_i32 = arith.constant 0 : i32
    %c0_i32_0 = arith.constant 0 : i32
    %c0_i32_1 = arith.constant 0 : i32
    return %c0_i32, %c0_i32_0 : i32, i32
  }
  func.func @transform_2(%arg0: i32) -> (i32, i32, i32) {
    %c0_i32 = arith.constant 0 : i32
    %c0_i32_0 = arith.constant 0 : i32
    %c0_i32_1 = arith.constant 0 : i32
    return %c0_i32, %arg0, %c0_i32_0 : i32, i32, i32
  }
  func.func @transform_3(%arg0: i32) -> (i32, i32) {
    %c0_i32 = arith.constant 0 : i32
    %c0_i32_0 = arith.constant 0 : i32
    return %arg0, %c0_i32 : i32, i32
  }
  func.func @transform_4(%arg0: i32) -> (i32, i32) {
    %c0_i32 = arith.constant 0 : i32
    %c0_i32_0 = arith.constant 0 : i32
    return %arg0, %c0_i32 : i32, i32
  }
}

module attributes {stable_mosaic.version = 14 : i64} {
  func.func @_tc2_body(%arg0: i32, %arg1: memref<2x1000x128xf32, #tpu.memory_space<vmem>>, %arg2: memref<1000x128xf32, #tpu.memory_space<vmem>>, %arg3: memref<1000x1xf32, #tpu.memory_space<vmem>>, %arg4: memref<1x128xf32, #tpu.memory_space<vmem>>, %arg5: memref<128x64xf32, #tpu.memory_space<vmem>>, %arg6: memref<1000x64xf32, #tpu.memory_space<vmem>>) attributes {dimension_semantics = [#tpu.dimension_semantics<arbitrary>], iteration_bounds = array<i64: 10>, scalar_prefetch = 0 : i64, scratch_operands = 0 : i64, tpu.core_type = #tpu.core_type<tc>, window_params = [{transform_indices = @transform_0, window_bounds = array<i64: 2, 1000, 128>}, {transform_indices = @transform_1, window_bounds = array<i64: 1000, 128>}, {transform_indices = @transform_2, window_bounds = array<i64: 1000, 1>}, {pipeline_mode = #tpu.pipeline_mode<synchronous>, transform_indices = @transform_3, window_bounds = array<i64: 1, 128>}, {pipeline_mode = #tpu.pipeline_mode<synchronous>, transform_indices = @transform_4, window_bounds = array<i64: 128, 64>}, {transform_indices = @transform_5, window_bounds = array<i64: 1000, 64>}]} {
    %get3A = arith.constant 0 : index
    %get3A_0 = arith.constant 0 : index
    %get3A_1 = arith.constant 0 : index
    %get3A_2 = vector.load %arg1[%get3A, %get3A_0, %get3A_1] : memref<2x1000x128xf32, #tpu.memory_space<vmem>>, vector<2x1000x128xf32>
    %slice3A = vector.extract_strided_slice %get3A_2 {offsets = [0, 0, 0], sizes = [1, 1000, 128], strides = [1, 1, 1]} : vector<2x1000x128xf32> to vector<1x1000x128xf32>
    %squeeze3A = vector.shape_cast %slice3A : vector<1x1000x128xf32> to vector<1000x128xf32>
    %slice3A_3 = vector.extract_strided_slice %get3A_2 {offsets = [1, 0, 0], sizes = [1, 1000, 128], strides = [1, 1, 1]} : vector<2x1000x128xf32> to vector<1x1000x128xf32>
    %squeeze3A_4 = vector.shape_cast %slice3A_3 : vector<1x1000x128xf32> to vector<1000x128xf32>
    %add3A = arith.addf %squeeze3A, %squeeze3A_4 : vector<1000x128xf32>
    %get3A_5 = arith.constant 0 : index
    %get3A_6 = arith.constant 0 : index
    %get3A_7 = vector.load %arg2[%get3A_5, %get3A_6] : memref<1000x128xf32, #tpu.memory_space<vmem>>, vector<1000x128xf32>
    %add3A_8 = arith.addf %add3A, %get3A_7 : vector<1000x128xf32>
    %get3A_9 = arith.constant 0 : index
    %get3A_10 = arith.constant 0 : index
    %get3A_11 = vector.load %arg3[%get3A_9, %get3A_10] : memref<1000x1xf32, #tpu.memory_space<vmem>>, vector<1000x1xf32>
    %mul3A = vector.broadcast %get3A_11 : vector<1000x1xf32> to vector<1000x128xf32>
    %mul3A_12 = arith.mulf %add3A_8, %mul3A : vector<1000x128xf32>
    %get3A_13 = arith.constant 0 : index
    %get3A_14 = arith.constant 0 : index
    %get3A_15 = vector.load %arg4[%get3A_13, %get3A_14] : memref<1x128xf32, #tpu.memory_space<vmem>>, vector<1x128xf32>
    %add3A_16 = vector.broadcast %get3A_15 : vector<1x128xf32> to vector<1000x128xf32>
    %add3A_17 = arith.addf %mul3A_12, %add3A_16 : vector<1000x128xf32>
    %max3A = arith.constant 0.000000e+00 : f32
    %max3A_18 = vector.broadcast %max3A : f32 to vector<1000x128xf32>
    %max3A_19 = arith.maximumf %add3A_17, %max3A_18 : vector<1000x128xf32>
    %get3A_20 = arith.constant 0 : index
    %get3A_21 = arith.constant 0 : index
    %get3A_22 = vector.load %arg5[%get3A_20, %get3A_21] : memref<128x64xf32, #tpu.memory_space<vmem>>, vector<128x64xf32>
    %dot_general3A = arith.constant dense<0.000000e+00> : vector<1000x64xf32>
    %dot_general3A_23 = tpu.matmul %max3A_19, %get3A_22, %dot_general3A {dimension_numbers = #tpu.dot_dimension_numbers<[1], [0], [0], [1], [0, 0, 1, 1], [], []>, transpose_lhs_hint = false} : vector<1000x128xf32>, vector<128x64xf32>, vector<1000x64xf32> -> vector<1000x64xf32>
    %get3A_24 = arith.constant 0 : index
    %get3A_25 = arith.constant 0 : index
    %get3A_26 = vector.load %arg3[%get3A_24, %get3A_25] : memref<1000x1xf32, #tpu.memory_space<vmem>>, vector<1000x1xf32>
    %mul3A_27 = vector.broadcast %get3A_26 : vector<1000x1xf32> to vector<1000x64xf32>
    %mul3A_28 = arith.mulf %dot_general3A_23, %mul3A_27 : vector<1000x64xf32>
    %swap3A = arith.constant 0 : index
    %swap3A_29 = arith.constant 0 : index
    %swap3A_30 = vector.load %arg6[%swap3A, %swap3A_29] : memref<1000x64xf32, #tpu.memory_space<vmem>>, vector<1000x64xf32>
    tpu.vector_store %arg6[%swap3A, %swap3A_29], %mul3A_28 {strides = array<i32>} : memref<1000x64xf32, #tpu.memory_space<vmem>>, vector<1000x64xf32>,
    return
  }
  func.func @transform_0(%arg0: i32) -> (i32, i32, i32) {
    %c0_i32 = arith.constant 0 : i32
    %c0_i32_0 = arith.constant 0 : i32
    %c0_i32_1 = arith.constant 0 : i32
    return %c0_i32, %arg0, %c0_i32_0 : i32, i32, i32
  }
  func.func @transform_1(%arg0: i32) -> (i32, i32) {
    %c0_i32 = arith.constant 0 : i32
    %c0_i32_0 = arith.constant 0 : i32
    return %arg0, %c0_i32 : i32, i32
  }
  func.func @transform_2(%arg0: i32) -> (i32, i32) {
    %c0_i32 = arith.constant 0 : i32
    %c0_i32_0 = arith.constant 0 : i32
    return %arg0, %c0_i32 : i32, i32
  }
  func.func @transform_3(%arg0: i32) -> (i32, i32) {
    %c0_i32 = arith.constant 0 : i32
    %c0_i32_0 = arith.constant 0 : i32
    %c0_i32_1 = arith.constant 0 : i32
    return %c0_i32, %c0_i32_0 : i32, i32
  }
  func.func @transform_4(%arg0: i32) -> (i32, i32) {
    %c0_i32 = arith.constant 0 : i32
    %c0_i32_0 = arith.constant 0 : i32
    %c0_i32_1 = arith.constant 0 : i32
    return %c0_i32, %c0_i32_0 : i32, i32
  }
  func.func @transform_5(%arg0: i32) -> (i32, i32) {
    %c0_i32 = arith.constant 0 : i32
    %c0_i32_0 = arith.constant 0 : i32
    return %arg0, %c0_i32 : i32, i32
  }
}

module attributes {stable_mosaic.version = 14 : i64} {
  func.func @_tc3_body(%arg0: i32, %arg1: memref<2x1000x64xf32, #tpu.memory_space<vmem>>, %arg2: memref<1000x64xf32, #tpu.memory_space<vmem>>, %arg3: memref<1000x1xf32, #tpu.memory_space<vmem>>, %arg4: memref<1x64xf32, #tpu.memory_space<vmem>>, %arg5: memref<1000x64xbf16, #tpu.memory_space<vmem>>) attributes {dimension_semantics = [#tpu.dimension_semantics<arbitrary>], iteration_bounds = array<i64: 10>, scalar_prefetch = 0 : i64, scratch_operands = 0 : i64, tpu.core_type = #tpu.core_type<tc>, window_params = [{transform_indices = @transform_0, window_bounds = array<i64: 2, 1000, 64>}, {transform_indices = @transform_1, window_bounds = array<i64: 1000, 64>}, {transform_indices = @transform_2, window_bounds = array<i64: 1000, 1>}, {pipeline_mode = #tpu.pipeline_mode<synchronous>, transform_indices = @transform_3, window_bounds = array<i64: 1, 64>}, {transform_indices = @transform_4, window_bounds = array<i64: 1000, 64>}]} {
    %get3A = arith.constant 0 : index
    %get3A_0 = arith.constant 0 : index
    %get3A_1 = arith.constant 0 : index
    %get3A_2 = vector.load %arg1[%get3A, %get3A_0, %get3A_1] : memref<2x1000x64xf32, #tpu.memory_space<vmem>>, vector<2x1000x64xf32>
    %slice3A = vector.extract_strided_slice %get3A_2 {offsets = [0, 0, 0], sizes = [1, 1000, 64], strides = [1, 1, 1]} : vector<2x1000x64xf32> to vector<1x1000x64xf32>
    %squeeze3A = vector.shape_cast %slice3A : vector<1x1000x64xf32> to vector<1000x64xf32>
    %slice3A_3 = vector.extract_strided_slice %get3A_2 {offsets = [1, 0, 0], sizes = [1, 1000, 64], strides = [1, 1, 1]} : vector<2x1000x64xf32> to vector<1x1000x64xf32>
    %squeeze3A_4 = vector.shape_cast %slice3A_3 : vector<1x1000x64xf32> to vector<1000x64xf32>
    %add3A = arith.addf %squeeze3A, %squeeze3A_4 : vector<1000x64xf32>
    %get3A_5 = arith.constant 0 : index
    %get3A_6 = arith.constant 0 : index
    %get3A_7 = vector.load %arg2[%get3A_5, %get3A_6] : memref<1000x64xf32, #tpu.memory_space<vmem>>, vector<1000x64xf32>
    %add3A_8 = arith.addf %add3A, %get3A_7 : vector<1000x64xf32>
    %get3A_9 = arith.constant 0 : index
    %get3A_10 = arith.constant 0 : index
    %get3A_11 = vector.load %arg3[%get3A_9, %get3A_10] : memref<1000x1xf32, #tpu.memory_space<vmem>>, vector<1000x1xf32>
    %mul3A = vector.broadcast %get3A_11 : vector<1000x1xf32> to vector<1000x64xf32>
    %mul3A_12 = arith.mulf %add3A_8, %mul3A : vector<1000x64xf32>
    %get3A_13 = arith.constant 0 : index
    %get3A_14 = arith.constant 0 : index
    %get3A_15 = vector.load %arg4[%get3A_13, %get3A_14] : memref<1x64xf32, #tpu.memory_space<vmem>>, vector<1x64xf32>
    %add3A_16 = vector.broadcast %get3A_15 : vector<1x64xf32> to vector<1000x64xf32>
    %add3A_17 = arith.addf %mul3A_12, %add3A_16 : vector<1000x64xf32>
    %convert_element_type3A = arith.truncf %add3A_17 : vector<1000x64xf32> to vector<1000x64xbf16>
    %swap3A = arith.constant 0 : index
    %swap3A_18 = arith.constant 0 : index
    %swap3A_19 = vector.load %arg5[%swap3A, %swap3A_18] : memref<1000x64xbf16, #tpu.memory_space<vmem>>, vector<1000x64xbf16>
    tpu.vector_store %arg5[%swap3A, %swap3A_18], %convert_element_type3A {strides = array<i32>} : memref<1000x64xbf16, #tpu.memory_space<vmem>>, vector<1000x64xbf16>,
    return
  }
  func.func @transform_0(%arg0: i32) -> (i32, i32, i32) {
    %c0_i32 = arith.constant 0 : i32
    %c0_i32_0 = arith.constant 0 : i32
    %c0_i32_1 = arith.constant 0 : i32
    return %c0_i32, %arg0, %c0_i32_0 : i32, i32, i32
  }
  func.func @transform_1(%arg0: i32) -> (i32, i32) {
    %c0_i32 = arith.constant 0 : i32
    %c0_i32_0 = arith.constant 0 : i32
    return %arg0, %c0_i32 : i32, i32
  }
  func.func @transform_2(%arg0: i32) -> (i32, i32) {
    %c0_i32 = arith.constant 0 : i32
    %c0_i32_0 = arith.constant 0 : i32
    return %arg0, %c0_i32 : i32, i32
  }
  func.func @transform_3(%arg0: i32) -> (i32, i32) {
    %c0_i32 = arith.constant 0 : i32
    %c0_i32_0 = arith.constant 0 : i32
    %c0_i32_1 = arith.constant 0 : i32
    return %c0_i32, %c0_i32_0 : i32, i32
  }
  func.func @transform_4(%arg0: i32) -> (i32, i32) {
    %c0_i32 = arith.constant 0 : i32
    %c0_i32_0 = arith.constant 0 : i32
    return %arg0, %c0_i32 : i32, i32
  }
}

</mosaic_0001>

<sc_bundles>
// kernel: kernel.12.cloned.1.call-start
scs
__scs_entry_jumppad:
0x0: {  	(pc) =	sbr.rel $0x88, $3  }
0x1: {  	(tag) =	ssettag $0x0;
	lr =	simm.s32 $0x1  }
0x2: {  	[smem:$0x3F9B] =	sst lr;
	_ =	strace $0xD0000000  }
0x3: {  	_ = 	snop  }
0x4: {  	_ = 	snop  }
0x5: {  	_ = 	snop  }
0x6: {  	_ = 	snop  }
0x7: {  	_ = 	snop  }
__scs_overlays_trampoline_lowered:
0x8: {  	[smem:$0x3FAA] =	sst s0  }
0x9: {  	[smem:$0x3FAB] =	sst s1  }
0xa: {  	[smem:$0x3FAC] =	sst s2  }
0xb: {  	[smem:$0x3FAD] =	sst s3  }
0xc: {  	[smem:$0x3FAE] =	sst s4  }
0xd: {  	[smem:$0x3FAF] =	sst s5  }
0xe: {  	[smem:$0x3FB0] =	sst s6  }
0xf: {  	[smem:$0x3FB1] =	sst s7  }
0x10: {  	[smem:$0x3FB2] =	sst s8  }
0x11: {  	[smem:$0x3FB3] =	sst s9;
	s0 =	simm.s32 @!p0 $0x0  }
0x12: {  	s1 =	sld [smem:$0x3F99];
	s0 =	simm.s32 @p0 $0x1  }
0x13: {  	[smem:$0x3FB4] =	sst s0;
	s0 =	simm.s32 @!p1 $0x0  }
0x14: {  	s2 =	sld [smem:$0x3F98];
	s0 =	simm.s32 @p1 $0x1  }
0x15: {  	[smem:$0x3FB5] =	sst s0;
	s0 =	simm.s32 @!p2 $0x0  }
0x16: {  	s3 =	sld [smem:$0x3FDB];
	s0 =	simm.s32 @p2 $0x1  }
0x17: {  	s4 =	simm.s32 $0x1BF5;
	[smem:$0x3FB7] =	sst s0  }
0x18: {  	s0 =	sld [smem:$0x3F9A];
	_ =	swait.ge [sflag:s4], $0x0  }
0x19: {  	s7 =	sld [smem:$0x3F9B]  }
0x1a: {  	s8 =	sadd.s32 $0xFFFFE003, lr  }
0x1b: {  	s9 =	sadd.s32 $0xFFFFFEF7, lr;
	s5 =	simm.s32 $0xFFFFFFFF;
	p2 =	slt.u32 s8, $0xFFFFF086  }
0x1c: {  	p1 =	slt.u32 s9, $0xF7A;
	s5 =	simm.s32 @!p2 $0x0  }
0x1d: {  	s5 =	simm.s32 @p1 $0x1;
	p0 =	seq.s32 s7, s2  }
0x1e: {  	s7 =	smul.u32 @!p0 $0xF7A, s2;
	p2 =	seq.s32 @!p0 s5, $0x0  }
0x1f: {  	s9 =	smul.u32 $0xF7A, s1;
	s8 =	simm.s32 @!p0 $0x1BF5;
	p2 =	por !p2, p0  }
0x20: {  	[sflag:s8] =	ssyncset.s32 @!p0 $0xFFFFF086;
	s6 =	sadd.s32 @!p0 s3, s7;
	s7 =	simm.s32 @!p0 $0x108  }
0x21: {  	s3 =	sadd.s32 s3, s9;
	s6 =	sadd.s32 @!p0 $0x88, s6;
	s7 =	simm.s32 @p2 $0x1082  }
0x22: {  	[simem:s7], [sflag:s8] =	dma.local @!p0 [hbm:s6], $0xF7A  }
0x23: {  	s9 =	sor.u32 $0xD0000000, s2;
	s6 =	simm.s32 $0x108;
	_ =	swait.ge @!p0 [sflag:s8], $0x0  }
0x24: {  	s3 =	sadd.s32 $0x88, s3;
	s6 =	simm.s32 @!p1 $0x1082;
	[sflag:s4] =	ssyncset.s32 $0xFFFFF086  }
0x25: {  	[simem:s6], [sflag:s4] =	dma.local [hbm:s3], $0xF7A  }
0x26: {  	[smem:$0x3F9B] =	sst s1;
	(tag) =	ssettag s2;
	_ =	strace s9  }
0x27: {  	s1 =	sld [smem:$0x3FAB]  }
0x28: {  	s2 =	sld [smem:$0x3FAC]  }
0x29: {  	s4 =	sld [smem:$0x3FAE]  }
0x2a: {  	p0 =	seq.s32 s5, $0x0;
	s5 =	sld [smem:$0x3FAF]  }
0x2b: {  	s6 =	sld [smem:$0x3FB0]  }
0x2c: {  	s7 =	sld [smem:$0x3FB1]  }
0x2d: {  	s3 =	simm.s32 $0x108;
	s8 =	sld [smem:$0x3FB2]  }
0x2e: {  	s3 =	simm.s32 @!p0 $0x1082;
	s9 =	sld [smem:$0x3FB3]  }
0x2f: {  	lr =	sadd.s32 s0, s3;
	s0 =	sld [smem:$0x3FAA]  }
0x30: {  	s3 =	sld [smem:$0x3FAD]  }
0x31: {  	[smem:$0x3FB6] =	sst s10  }
0x32: {  	s10 =	sld [smem:$0x3FB4];
	_ =	sdelay $0x3  }
0x33: {  	p0 =	seq.s32 s10, $0x1;
	s10 =	sld [smem:$0x3FB6];
	_ =	sdelay $0x3  }
0x34: {  	[smem:$0x3FB6] =	sst s10  }
0x35: {  	s10 =	sld [smem:$0x3FB5];
	_ =	sdelay $0x3  }
0x36: {  	p1 =	seq.s32 s10, $0x1;
	s10 =	sld [smem:$0x3FB6];
	_ =	sdelay $0x3  }
0x37: {  	[smem:$0x3FB6] =	sst s10  }
0x38: {  	s10 =	sld [smem:$0x3FB7]  }
0x39: {  	_ = 	snop;
	(pc) =	sbr.ind lr, $3  }
0x3a: {  	_ = 	snop  }
0x3b: {  	_ = 	snop  }
0x3c: {  	p2 =	seq.s32 s10, $0x1;
	s10 =	sld [smem:$0x3FB6]  }
0x3d: {  	_ =	shalt  }
0x3e: {  	_ =	shalt  }
0x3f: {  	_ =	shalt  }
0x40: {  	_ =	shalt  }
0x41: {  	_ =	shalt  }
0x42: {  	_ =	shalt  }
0x43: {  	_ =	shalt  }
0x44: {  	_ =	shalt  }
0x45: {  	_ =	shalt  }
0x46: {  	_ =	shalt  }
0x47: {  	_ =	shalt  }
0x48: {  	_ =	shalt  }
0x49: {  	_ =	shalt  }
0x4a: {  	_ =	shalt  }
0x4b: {  	_ =	shalt  }
0x4c: {  	_ =	shalt  }
0x4d: {  	_ =	shalt  }
0x4e: {  	_ =	shalt  }
0x4f: {  	_ =	shalt  }
0x50: {  	_ =	shalt  }
0x51: {  	_ =	shalt  }
0x52: {  	_ =	shalt  }
0x53: {  	_ =	shalt  }
0x54: {  	_ =	shalt  }
0x55: {  	_ =	shalt  }
0x56: {  	_ =	shalt  }
0x57: {  	_ =	shalt  }
0x58: {  	_ =	shalt  }
0x59: {  	_ =	shalt  }
0x5a: {  	_ =	shalt  }
0x5b: {  	_ =	shalt  }
0x5c: {  	_ =	shalt  }
0x5d: {  	_ =	shalt  }
0x5e: {  	_ =	shalt  }
0x5f: {  	_ =	shalt  }
0x60: {  	_ =	shalt  }
0x61: {  	_ =	shalt  }
0x62: {  	_ =	shalt  }
0x63: {  	_ =	shalt  }
0x64: {  	_ =	shalt  }
0x65: {  	_ =	shalt  }
0x66: {  	_ =	shalt  }
0x67: {  	_ =	shalt  }
0x68: {  	_ =	shalt  }
0x69: {  	_ =	shalt  }
0x6a: {  	_ =	shalt  }
0x6b: {  	_ =	shalt  }
0x6c: {  	_ =	shalt  }
0x6d: {  	_ =	shalt  }
0x6e: {  	_ =	shalt  }
0x6f: {  	_ =	shalt  }
0x70: {  	_ =	shalt  }
0x71: {  	_ =	shalt  }
0x72: {  	_ =	shalt  }
0x73: {  	_ =	shalt  }
0x74: {  	_ =	shalt  }
0x75: {  	_ =	shalt  }
0x76: {  	_ =	shalt  }
0x77: {  	_ =	shalt  }
0x78: {  	_ =	shalt  }
0x79: {  	_ =	shalt  }
0x7a: {  	_ =	shalt  }
0x7b: {  	_ =	shalt  }
0x7c: {  	_ =	shalt  }
0x7d: {  	_ =	shalt  }
0x7e: {  	_ =	shalt  }
0x7f: {  	_ =	shalt  }
0x80: {  	_ =	shalt  }
0x81: {  	_ =	shalt  }
0x82: {  	_ =	shalt  }
0x83: {  	_ =	shalt  }
0x84: {  	_ =	shalt  }
0x85: {  	_ =	shalt  }
0x86: {  	_ =	shalt  }
0x87: {  	_ =	shalt  }
.Lfunc_end0:
.L_simem_size_0:
called_computation.1_lowered:
.L_overlay_start_0:
0x88: {  	s2 =	sld [smem:$0x3FD9]  }
0x89: {  	s3 =	sld [smem:$0x3FFE];
	_ =	sdelay $0x1  }
0x8a: {  	s1 =	srdreg.scid  }
0x8b: {  	s0 =	sand.u32 $0x1, s1  }
0x8c: {  	s16 =	sshll.u32 s0, $0xA;
	s2 =	sadd.s32 s3, s2  }
0x8d: {  	s2 =	sadd.s32 s2, s16  }
0x8e: {  	[smem:$0x3FC2] =	sst s2  }
0x8f: {  	_ = 	snop  }
0x90: {  	(tm) =	ssettm $0x1  }
0x91: {  	s17 =	sld [smem:$0x3FFB];
	_ =	sdelay $0x3  }
0x92: {  	_ =	strace s17  }
0x93: {  	s2 =	sld [smem:$0x3FFC];
	_ =	sdelay $0x3  }
0x94: {  	_ =	strace s2  }
0x95: {  	s2 =	sld [smem:$0x3FFD];
	_ =	sdelay $0x3  }
0x96: {  	_ =	strace s2  }
0x97: {  	_ =	strace $0x8FFFFFFF  }
0x98: {  	s18 =	sld [smem:$0x3FDB];
	_ =	sdelay $0x1  }
0x99: {  	s19 =	simm.s32 $_scs_section_size  }
0x9a: {  	s4 =	simm.s32 $_size__tile_overlayer_lowered;
	s5 =	simm.s32 $_tile_overlayer_lowered  }
0x9b: {  	s22 =	simm.s32 $0x1BFF;
	s21 =	sshll.u32 s5, $0x1;
	s2 =	sadd.s32 s19, s18  }
0x9c: {  	s6 =	simm.s32 $0x0;
	s20 =	sshll.u32 s4, $0x1;
	s4 =	sadd.s32 s21, s2  }
0x9d: {  	[timem:s6], [sflag:s22] =	dma.local [hbm:s4], s20  }
0x9e: {  	_ =	swait.ge [sflag:s22], s20  }
0x9f: {  	s3 =	ssub.s32 $0x0, s20;
	[sflag:s22] =	ssyncset.done $0x0  }
0xa0: {  	[sflag:s22] =	ssyncadd.s32 s3;
	_ =	sdelay $0x1  }
0xa1: {  	s23 =	simm.s32 $0x1B8B  }
0xa2: {  	_ =	swait.ge [sflag:s23], $0x1  }
0xa3: {  	[sflag:s23] =	ssyncset.done $0x0  }
0xa4: {  	s25 =	simm.s32 $0x1B8E;
	s24 =	sld [smem:$0x3FFE];
	[sflag:s23] =	ssyncadd.s32 $0xFFFFFFFF  }
0xa5: {  	s26 =	simm.s32 $execute0_lowered;
	[smem:$0x3FD2] =	sst s25  }
0xa6: {  	s4 =	sshll.u32 s26, $0x1;
	_ =	strace $0x80000049;
	[dreg:$0x1] =	wrdreg $0xFFFFFFFF  }
0xa7: {  	s28 =	simm.s32 $_size_execute0_lowered;
	s2 =	sadd.s32 s2, s4;
	[dreg:$0x0] =	wrdreg $0x0  }
0xa8: {  	s4 =	sshll.u32 s28, $0x1;
	[dreg:$0x2] =	wrdreg s2  }
0xa9: {  	[dreg:$0x3] =	wrdreg s4  }
0xaa: {  	[dreg:$0x4] =	wrdreg $0xC0  }
0xab: {  	_ =	task [dreg:s6], $0x5FFFF  }
0xac: {  	[dreg:$0x1] =	wrdreg $0xFFFFFFFF  }
0xad: {  	[dreg:$0x0] =	wrdreg $0x60  }
0xae: {  	[dreg:$0x2] =	wrdreg s24  }
0xaf: {  	[dreg:$0x3] =	wrdreg $0xC6200  }
0xb0: {  	[dreg:$0x4] =	wrdreg $0x9  }
0xb1: {  	_ =	task.clear_ibuf [dreg:s6], $0x5FFFF;
	_ =	strace $0x90000049  }
0xb2: {  	s29 =	simm.s32 $0x9;
	_ =	strace $0x8000004B  }
0xb3: {  	_ =	swait.ge [sflag:s29], $0x1  }
0xb4: {  	[sflag:s29] =	ssyncadd.s32 $0xFFFFFFFF  }
0xb5: {  	_ =	strace $0x9000004B  }
0xb6: {  	_ =	sfence  }
0xb7: {  	s30 =	sld [smem:$0x0];
	_ =	sdelay $0x2  }
0xb8: {  	s31 =	sshll.u32 s1, $0xD;
	s1 =	sshrl.u32 s1, $0x2  }
0xb9: {  	s3 =	sand.u32 $0x4000, s31;
	s1 =	sadd.s32 s1, s30  }
0xba: {  	s0 =	sor.u32 s3, s0;
	s1 =	sshll.u32 s1, $0x11  }
0xbb: {  	s0 =	sor.u32 s1, s0  }
0xbc: {  	s0 =	sadd.s32 $0x8F2B, s0  }
0xbd: {  	[sflag:s0] =	ssyncadd.remote.s32 $0x1  }
0xbe: {  	_ =	sfence.sel $0xFFFF  }
0xbf: {  	[dreg:$0x0] =	wrdreg $0xFFFFFFFF;
	(pc) =	sbr.abs _section_cstart, $3  }
0xc0: {  	[dreg:$0x1] =	wrdreg $0xFFFFFFFF  }
0xc1: {  	_ =	task.clear_ibuf [dreg:s6], $0x2FFFF;
	_ =	strace $0x9FFFFFFF  }
0xc2: {  	(tm) =	ssettm $0x7FFFFFFF  }
0xc3: {  	_ =	shalt  }
tec
execute0_lowered:
.L_overlay_start_1:
0x0: {  	(tag) =	ssettag $0x1  }
0x1: {  	s0 =	srdreg.scid;
	s5 =	rddreg [dreg:$0x0]  }
0x2: {  	s11 =	stileid.u32;
	s2 =	rddreg [dreg:$0x1];
	s3 =	simm.s32 $0x0  }
0x3: {  	s14 =	simm.s32 $0x50;
	s15 =	simm.s32 $0x4E20;
	s16 =	simm.s32 $0x7620  }
0x4: {  	s18 =	simm.s32 $0x9E20;
	s19 =	simm.s32 $0x1;
	s20 =	simm.s32 $0x2  }
0x5: {  	s21 =	simm.s32 $0x3;
	s22 =	simm.s32 $0x4;
	s23 =	simm.s32 $0x5  }
0x6: {  	s24 =	simm.s32 $0x6;
	s28 =	simm.s32 $0x4D30;
	s29 =	simm.s32 $0x2670  }
0x7: {  	s30 =	simm.s32 $0x26C0;
	s31 =	simm.s32 $0x4D80;
	s0 =	sand.u32 $0x1, s0  }
0x8: {  	s1 =	sshll.u32 s11, $0x1;
	s7 =	smul.u32 $0x13880, s11;
	[smem:$0x7FF] =	sst s3  }
0x9: {  	s4 =	sadd.s32 $0x16000, s5;
	s26 =	sshll.u32 s11, $0x6;
	s1 =	sor.u32 s0, s1  }
0xa: {  	s6 =	smul.u32 $0x138800, s0;
	_ =	strace $0x8000004A;
	s0 =	ssub.s32 $0x2, s0  }
0xb: {  	s12 =	sor.u32 $0x1C07, s26;
	s26 =	simm.s32 $0x4CE0;
	s1 =	smul.u32 $0x4E2, s1  }
0xc: {  	s8 =	sshrl.u32 s7, $0x3;
	s9 =	sshrl.u32 s0, $0x1;
	s25 =	sadd.s32 s7, s2  }
0xd: {  	s6 =	sadd.s32 s7, s6;
	s8 =	sadd.s32 s8, s5;
	s0 =	ssub.s32 s0, s9  }
0xe: {  	s13 =	sshrl.u32 s25, $0x3;
	s1 =	sadd.s32 s1, s5;
	s6 =	sshrl.u32 s6, $0x3  }
0xf: {  	s7 =	sadd.s32 $0x3D200, s8;
	s9 =	smax.u32 s0, $0x1;
	s0 =	simm.s32 $0x0  }
0x10: {  	s10 =	sadd.s32 s6, s5;
	s5 =	sadd.s32 $0x2400, s1;
	s6 =	sadd.s32 $0xC200, s1  }
0x11: {  	s1 =	simm.s32 $0x4DD0;
	s8 =	sadd.s32 $0x64400, s10;
	s10 =	simm.s32 $0x7  }
.LBB2_1:
0x12: {  	[tilespmem:s3], [sflag:$0x7] =	stream.linear.gather [hbm4b:s5+s3], $0x2710, $0x38;
	[tilespmem:$0x1FEA0] =	vst v63  }
0x13: {  	_ =	swait.ge [sflag:s10], $0x2710  }
0x14: {  	[sflag:s10] =	ssyncset.done $0x0  }
0x15: {  	s11 =	simm.s32 $0x2710;
	[sflag:s10] =	ssyncadd.s32 $0xFFFFD8F0  }
0x16: {  	[tilespmem:s11], [sflag:$0x7] =	stream.linear.gather [hbm4b:s6+s3], $0x2710, $0x38;
	[tilespmem:$0x1FEA0] =	vst v63  }
0x17: {  	_ =	swait.ge [sflag:s10], $0x2710  }
0x18: {  	[sflag:s10] =	ssyncset.done $0x0  }
0x19: {  	[sflag:s10] =	ssyncadd.s32 $0xFFFFD8F0  }
0x1a: {  	[spmem:s13], [sflag:s12] =	dma.local [hbm:s7], $0x2710  }
0x1b: {  	_ =	swait.ge [sflag:s10], $0x2710  }
0x1c: {  	[sflag:s10] =	ssyncset.done $0x0  }
0x1d: {  	[sflag:s10] =	ssyncadd.s32 $0xFFFFD8F0  }
0x1e: {  	[bflag:$0x0] =	sbarrier.arrive $0xFFFF  }
0x1f: {  	[tilespmem:s15], [sflag:$0x1] =	stream.indirect.gather [hbm4b:s4+s14], $0x80, s3, s14, $0xb8;
	[tilespmem:$0x1FEA0] =	vst v63  }
0x20: {  	_ = 	snop  }
0x21: {  	[tilespmem:s16], [sflag:$0x2] =	stream.indirect.gather [hbm4b:s4+s14], $0x80, s14, s14, $0xb8;
	[tilespmem:$0x1FEA0] =	vst v63  }
0x22: {  	s17 =	simm.s32 $0xA0  }
0x23: {  	[tilespmem:s18], [sflag:$0x3] =	stream.indirect.gather [hbm4b:s4+s14], $0x80, s17, s14, $0xb8;
	[tilespmem:$0x1FEA0] =	vst v63  }
0x24: {  	_ =	swait.ge [sflag:s19], $0x2800  }
0x25: {  	[sflag:s19] =	ssyncset.done $0x0  }
0x26: {  	s25 =	simm.s32 $0x2710;
	[sflag:s19] =	ssyncadd.s32 $0xFFFFD800  }
0x27: {  	[spmem:s2] =	stream.indirect.scatter.add.f32 [tilespmem:s15], [sflag:$0x4], $0x80, s25, s14, $0xb8;
	[tilespmem:$0x1FEA0] =	vst v63  }
0x28: {  	_ =	swait.ge [sflag:s20], $0x2800  }
0x29: {  	[sflag:s20] =	ssyncset.done $0x0  }
0x2a: {  	s17 =	simm.s32 $0x2760;
	[sflag:s20] =	ssyncadd.s32 $0xFFFFD800  }
0x2b: {  	[spmem:s2] =	stream.indirect.scatter.add.f32 [tilespmem:s16], [sflag:$0x5], $0x80, s17, s14, $0xb8;
	[tilespmem:$0x1FEA0] =	vst v63  }
0x2c: {  	_ =	swait.ge [sflag:s21], $0x2800  }
0x2d: {  	[sflag:s21] =	ssyncset.done $0x0  }
0x2e: {  	s25 =	simm.s32 $0x27B0;
	[sflag:s21] =	ssyncadd.s32 $0xFFFFD800  }
0x2f: {  	[spmem:s2] =	stream.indirect.scatter.add.f32 [tilespmem:s18], [sflag:$0x6], $0x80, s25, s14, $0xb8;
	[tilespmem:$0x1FEA0] =	vst v63  }
0x30: {  	_ =	swait.ge [sflag:s22], $0x2800  }
0x31: {  	[sflag:s22] =	ssyncset.done $0x0  }
0x32: {  	s17 =	simm.s32 $0xF0;
	[sflag:s22] =	ssyncadd.s32 $0xFFFFD800  }
0x33: {  	[tilespmem:s15], [sflag:$0x1] =	stream.indirect.gather [hbm4b:s4+s14], $0x80, s17, s14, $0xb8;
	[tilespmem:$0x1FEA0] =	vst v63  }
0x34: {  	_ =	swait.ge [sflag:s23], $0x2800  }
0x35: {  	[sflag:s23] =	ssyncset.done $0x0  }
0x36: {  	s25 =	simm.s32 $0x140;
	[sflag:s23] =	ssyncadd.s32 $0xFFFFD800  }
0x37: {  	[tilespmem:s16], [sflag:$0x2] =	stream.indirect.gather [hbm4b:s4+s14], $0x80, s25, s14, $0xb8;
	[tilespmem:$0x1FEA0] =	vst v63  }
0x38: {  	_ =	swait.ge [sflag:s24], $0x2800  }
0x39: {  	[sflag:s24] =	ssyncset.done $0x0  }
0x3a: {  	s11 =	simm.s32 $0x3C0;
	s17 =	simm.s32 $0x190;
	[sflag:s24] =	ssyncadd.s32 $0xFFFFD800  }
.LBB2_2:
0x3b: {  	[tilespmem:s18], [sflag:$0x3] =	stream.indirect.gather [hbm4b:s4+s14], $0x80, s17, s14, $0xb8;
	[tilespmem:$0x1FEA0] =	vst v63  }
0x3c: {  	s17 =	smov.u32 s11  }
0x3d: {  	p0 =	sne.s32 s11, $0x9240;
	s11 =	sadd.s32 $0x3C0, s11;
	_ =	swait.ge [sflag:s19], $0x2800  }
0x3e: {  	s17 =	sshra.s32 s17, $0x2;
	[sflag:s19] =	ssyncset.done $0x0  }
0x3f: {  	s25 =	sadd.s32 $0x2710, s17;
	[sflag:s19] =	ssyncadd.s32 $0xFFFFD800  }
0x40: {  	[spmem:s2] =	stream.indirect.scatter.add.f32 [tilespmem:s15], [sflag:$0x4], $0x80, s25, s14, $0xb8;
	[tilespmem:$0x1FEA0] =	vst v63  }
0x41: {  	_ =	swait.ge [sflag:s20], $0x2800  }
0x42: {  	[sflag:s20] =	ssyncset.done $0x0  }
0x43: {  	s25 =	sadd.s32 $0x2760, s17;
	[sflag:s20] =	ssyncadd.s32 $0xFFFFD800  }
0x44: {  	[spmem:s2] =	stream.indirect.scatter.add.f32 [tilespmem:s16], [sflag:$0x5], $0x80, s25, s14, $0xb8;
	[tilespmem:$0x1FEA0] =	vst v63  }
0x45: {  	_ =	swait.ge [sflag:s21], $0x2800  }
0x46: {  	[sflag:s21] =	ssyncset.done $0x0  }
0x47: {  	s25 =	sadd.s32 $0x27B0, s17;
	[sflag:s21] =	ssyncadd.s32 $0xFFFFD800  }
0x48: {  	[spmem:s2] =	stream.indirect.scatter.add.f32 [tilespmem:s18], [sflag:$0x6], $0x80, s25, s14, $0xb8;
	[tilespmem:$0x1FEA0] =	vst v63  }
0x49: {  	_ =	swait.ge [sflag:s22], $0x2800  }
0x4a: {  	[sflag:s22] =	ssyncset.done $0x0  }
0x4b: {  	s25 =	sadd.s32 $0xF0, s17;
	[sflag:s22] =	ssyncadd.s32 $0xFFFFD800  }
0x4c: {  	[tilespmem:s15], [sflag:$0x1] =	stream.indirect.gather [hbm4b:s4+s14], $0x80, s25, s14, $0xb8;
	[tilespmem:$0x1FEA0] =	vst v63  }
0x4d: {  	_ =	swait.ge [sflag:s23], $0x2800  }
0x4e: {  	[sflag:s23] =	ssyncset.done $0x0  }
.Ltmp0:
0x4f: {  	s25 =	sadd.s32 $0x140, s17;
	[sflag:s23] =	ssyncadd.s32 $0xFFFFD800;
	(pc) =	sbr.rel @p0 .LBB2_2-.Ltmp0, $4  }
0x50: {  	[tilespmem:s16], [sflag:$0x2] =	stream.indirect.gather [hbm4b:s4+s14], $0x80, s25, s14, $0xb8;
	[tilespmem:$0x1FEA0] =	vst v63  }
0x51: {  	_ =	swait.ge [sflag:s24], $0x2800  }
0x52: {  	[sflag:s24] =	ssyncset.done $0x0  }
0x53: {  	s17 =	sadd.s32 $0x190, s17;
	[sflag:s24] =	ssyncadd.s32 $0xFFFFD800  }
0x54: {  	[tilespmem:s18], [sflag:$0x3] =	stream.indirect.gather [hbm4b:s4+s14], $0x80, s17, s14, $0xb8;
	[tilespmem:$0x1FEA0] =	vst v63  }
0x55: {  	_ =	swait.ge [sflag:s19], $0x2800  }
0x56: {  	[sflag:s19] =	ssyncset.done $0x0  }
0x57: {  	s11 =	simm.s32 $0x4C90;
	[sflag:s19] =	ssyncadd.s32 $0xFFFFD800  }
0x58: {  	[spmem:s2] =	stream.indirect.scatter.add.f32 [tilespmem:s15], [sflag:$0x4], $0x80, s11, s14, $0xb8;
	[tilespmem:$0x1FEA0] =	vst v63  }
0x59: {  	_ =	swait.ge [sflag:s20], $0x2800  }
0x5a: {  	[sflag:s20] =	ssyncset.done $0x0  }
0x5b: {  	[sflag:s20] =	ssyncadd.s32 $0xFFFFD800  }
0x5c: {  	[spmem:s2] =	stream.indirect.scatter.add.f32 [tilespmem:s16], [sflag:$0x5], $0x80, s26, s14, $0xb8;
	[tilespmem:$0x1FEA0] =	vst v63  }
0x5d: {  	_ =	swait.ge [sflag:s21], $0x2800  }
0x5e: {  	[sflag:s21] =	ssyncset.done $0x0  }
0x5f: {  	[sflag:s21] =	ssyncadd.s32 $0xFFFFD800  }
0x60: {  	[spmem:s2] =	stream.indirect.scatter.add.f32 [tilespmem:s18], [sflag:$0x6], $0x80, s28, s14, $0xb8;
	[tilespmem:$0x1FEA0] =	vst v63  }
0x61: {  	_ =	swait.ge [sflag:s22], $0x2800  }
0x62: {  	[sflag:s22] =	ssyncset.done $0x0  }
0x63: {  	[sflag:s22] =	ssyncadd.s32 $0xFFFFD800  }
0x64: {  	[tilespmem:s15], [sflag:$0x1] =	stream.indirect.gather [hbm4b:s4+s14], $0x80, s29, s14, $0xb8;
	[tilespmem:$0x1FEA0] =	vst v63  }
0x65: {  	_ =	swait.ge [sflag:s23], $0x2800  }
0x66: {  	[sflag:s23] =	ssyncset.done $0x0  }
0x67: {  	[sflag:s23] =	ssyncadd.s32 $0xFFFFD800  }
0x68: {  	[tilespmem:s16], [sflag:$0x2] =	stream.indirect.gather [hbm4b:s4+s14], $0x80, s30, s14, $0xb8;
	[tilespmem:$0x1FEA0] =	vst v63  }
0x69: {  	_ =	swait.ge [sflag:s19], $0x2800  }
0x6a: {  	[sflag:s19] =	ssyncset.done $0x0  }
0x6b: {  	[sflag:s19] =	ssyncadd.s32 $0xFFFFD800  }
0x6c: {  	[spmem:s2] =	stream.indirect.scatter.add.f32 [tilespmem:s15], [sflag:$0x4], $0x80, s31, s14, $0xb8;
	[tilespmem:$0x1FEA0] =	vst v63  }
0x6d: {  	_ =	swait.ge [sflag:s20], $0x2800  }
0x6e: {  	[sflag:s20] =	ssyncset.done $0x0  }
0x6f: {  	[sflag:s20] =	ssyncadd.s32 $0xFFFFD800  }
0x70: {  	[spmem:s2] =	stream.indirect.scatter.add.f32 [tilespmem:s16], [sflag:$0x5], $0x80, s1, s14, $0xb8;
	[tilespmem:$0x1FEA0] =	vst v63  }
0x71: {  	_ =	swait.ge [sflag:s22], $0x2800  }
0x72: {  	[sflag:s22] =	ssyncset.done $0x0  }
0x73: {  	[sflag:s22] =	ssyncadd.s32 $0xFFFFD800  }
0x74: {  	_ =	swait.ge [sflag:s23], $0x2800  }
0x75: {  	[sflag:s23] =	ssyncset.done $0x0  }
0x76: {  	[sflag:s23] =	ssyncadd.s32 $0xFFFFD800  }
0x77: {  	_ =	swait.ge [sflag:s24], $0x2800  }
0x78: {  	s0 =	sadd.s32 $0x1, s0;
	[sflag:s24] =	ssyncset.done $0x0  }
0x79: {  	p0 =	sne.s32 s0, s9;
	[sflag:s24] =	ssyncadd.s32 $0xFFFFD800  }
.Ltmp1:
0x7a: {  	[bflag:$0x0] =	sbarrier.arrive $0xFFFF;
	(pc) =	sbr.rel @p0 .LBB2_1-.Ltmp1, $4  }
0x7b: {  	[hbm:s8], [sflag:s12] =	dma.local [spmem:s13], $0x2710  }
0x7c: {  	_ =	swait.ge [sflag:s10], $0x2710  }
0x7d: {  	[sflag:s10] =	ssyncset.done $0x0  }
0x7e: {  	[sflag:s10] =	ssyncadd.s32 $0xFFFFD8F0  }
0x7f: {  	_ =	sfence.sel $0x180000  }
0x80: {  	[bflag:$0x0] =	sbarrier.arrive $0xFFFF  }
0x81: {  	_ =	strace $0x9000004A  }
0x82: {  	s0 =	stileid.u32;
	[bflag:$0x2] =	sbarrier.arrive $0xFFFF  }
0x83: {  	p0 =	sne.s32 s0, $0x0;
	s0 =	rddreg [dreg:$0x2]  }
0x84: {  	s0 =	sadd.s32 @!p0 $0x100000, s0  }
0x85: {  	[sflag:s0] =	ssyncadd.tile.s32 @!p0 $0x1;
	_ =	shalt  }
.Lfunc_end2:
_tile_overlayer_lowered:
.L_overlay_start_2:
0x86: {  	(tag) =	ssettag $0x2  }
0x87: {  	s0 =	rddreg [dreg:$0x0];
	s2 =	stileid.u32  }
0x88: {  	s1 =	rddreg [dreg:$0x1];
	p0 =	sne.s32 s2, $0x0  }
0x89: {  	s3 =	rddreg [dreg:$0x2];
	[bflag:$0x3] =	sbarrier.arrive $0xFFFF;
	s2 =	simm.s32 @!p0 $0x1C07  }
0x8a: {  	[timem:s3], [sflag:s2] =	dma.local @!p0 [hbm:s0], s1  }
0x8b: {  	s0 =	simm.s32 @!p0 $0x7  }
0x8c: {  	_ =	swait.ge @!p0 [sflag:s0], s1  }
0x8d: {  	s1 =	ssub.s32 @!p0 $0x0, s1;
	[sflag:s0] =	ssyncset.done @!p0 $0x0  }
0x8e: {  	[sflag:s0] =	ssyncadd.s32 @!p0 s1  }
0x8f: {  	[bflag:$0x3] =	sbarrier.arrive $0xFFFF  }
0x90: {  	_ =	shalt  }

// kernel: kernel.15.cloned.1.call-start
scs
__scs_entry_jumppad:
0x0: {  	(pc) =	sbr.rel $0x88, $3  }
0x1: {  	(tag) =	ssettag $0x0;
	lr =	simm.s32 $0x1  }
0x2: {  	[smem:$0x3F9B] =	sst lr;
	_ =	strace $0xD0000000  }
0x3: {  	_ = 	snop  }
0x4: {  	_ = 	snop  }
0x5: {  	_ = 	snop  }
0x6: {  	_ = 	snop  }
0x7: {  	_ = 	snop  }
__scs_overlays_trampoline_lowered:
0x8: {  	[smem:$0x3FAA] =	sst s0  }
0x9: {  	[smem:$0x3FAB] =	sst s1  }
0xa: {  	[smem:$0x3FAC] =	sst s2  }
0xb: {  	[smem:$0x3FAD] =	sst s3  }
0xc: {  	[smem:$0x3FAE] =	sst s4  }
0xd: {  	[smem:$0x3FAF] =	sst s5  }
0xe: {  	[smem:$0x3FB0] =	sst s6  }
0xf: {  	[smem:$0x3FB1] =	sst s7  }
0x10: {  	[smem:$0x3FB2] =	sst s8  }
0x11: {  	[smem:$0x3FB3] =	sst s9;
	s0 =	simm.s32 @!p0 $0x0  }
0x12: {  	s1 =	sld [smem:$0x3F99];
	s0 =	simm.s32 @p0 $0x1  }
0x13: {  	[smem:$0x3FB4] =	sst s0;
	s0 =	simm.s32 @!p1 $0x0  }
0x14: {  	s2 =	sld [smem:$0x3F98];
	s0 =	simm.s32 @p1 $0x1  }
0x15: {  	[smem:$0x3FB5] =	sst s0;
	s0 =	simm.s32 @!p2 $0x0  }
0x16: {  	s3 =	sld [smem:$0x3FDB];
	s0 =	simm.s32 @p2 $0x1  }
0x17: {  	s4 =	simm.s32 $0x1BF5;
	[smem:$0x3FB7] =	sst s0  }
0x18: {  	s0 =	sld [smem:$0x3F9A];
	_ =	swait.ge [sflag:s4], $0x0  }
0x19: {  	s7 =	sld [smem:$0x3F9B]  }
0x1a: {  	s8 =	sadd.s32 $0xFFFFE003, lr  }
0x1b: {  	s9 =	sadd.s32 $0xFFFFFEF7, lr;
	s5 =	simm.s32 $0xFFFFFFFF;
	p2 =	slt.u32 s8, $0xFFFFF086  }
0x1c: {  	p1 =	slt.u32 s9, $0xF7A;
	s5 =	simm.s32 @!p2 $0x0  }
0x1d: {  	s5 =	simm.s32 @p1 $0x1;
	p0 =	seq.s32 s7, s2  }
0x1e: {  	s7 =	smul.u32 @!p0 $0xF7A, s2;
	p2 =	seq.s32 @!p0 s5, $0x0  }
0x1f: {  	s9 =	smul.u32 $0xF7A, s1;
	s8 =	simm.s32 @!p0 $0x1BF5;
	p2 =	por !p2, p0  }
0x20: {  	[sflag:s8] =	ssyncset.s32 @!p0 $0xFFFFF086;
	s6 =	sadd.s32 @!p0 s3, s7;
	s7 =	simm.s32 @!p0 $0x108  }
0x21: {  	s3 =	sadd.s32 s3, s9;
	s6 =	sadd.s32 @!p0 $0x88, s6;
	s7 =	simm.s32 @p2 $0x1082  }
0x22: {  	[simem:s7], [sflag:s8] =	dma.local @!p0 [hbm:s6], $0xF7A  }
0x23: {  	s9 =	sor.u32 $0xD0000000, s2;
	s6 =	simm.s32 $0x108;
	_ =	swait.ge @!p0 [sflag:s8], $0x0  }
0x24: {  	s3 =	sadd.s32 $0x88, s3;
	s6 =	simm.s32 @!p1 $0x1082;
	[sflag:s4] =	ssyncset.s32 $0xFFFFF086  }
0x25: {  	[simem:s6], [sflag:s4] =	dma.local [hbm:s3], $0xF7A  }
0x26: {  	[smem:$0x3F9B] =	sst s1;
	(tag) =	ssettag s2;
	_ =	strace s9  }
0x27: {  	s1 =	sld [smem:$0x3FAB]  }
0x28: {  	s2 =	sld [smem:$0x3FAC]  }
0x29: {  	s4 =	sld [smem:$0x3FAE]  }
0x2a: {  	p0 =	seq.s32 s5, $0x0;
	s5 =	sld [smem:$0x3FAF]  }
0x2b: {  	s6 =	sld [smem:$0x3FB0]  }
0x2c: {  	s7 =	sld [smem:$0x3FB1]  }
0x2d: {  	s3 =	simm.s32 $0x108;
	s8 =	sld [smem:$0x3FB2]  }
0x2e: {  	s3 =	simm.s32 @!p0 $0x1082;
	s9 =	sld [smem:$0x3FB3]  }
0x2f: {  	lr =	sadd.s32 s0, s3;
	s0 =	sld [smem:$0x3FAA]  }
0x30: {  	s3 =	sld [smem:$0x3FAD]  }
0x31: {  	[smem:$0x3FB6] =	sst s10  }
0x32: {  	s10 =	sld [smem:$0x3FB4];
	_ =	sdelay $0x3  }
0x33: {  	p0 =	seq.s32 s10, $0x1;
	s10 =	sld [smem:$0x3FB6];
	_ =	sdelay $0x3  }
0x34: {  	[smem:$0x3FB6] =	sst s10  }
0x35: {  	s10 =	sld [smem:$0x3FB5];
	_ =	sdelay $0x3  }
0x36: {  	p1 =	seq.s32 s10, $0x1;
	s10 =	sld [smem:$0x3FB6];
	_ =	sdelay $0x3  }
0x37: {  	[smem:$0x3FB6] =	sst s10  }
0x38: {  	s10 =	sld [smem:$0x3FB7]  }
0x39: {  	_ = 	snop;
	(pc) =	sbr.ind lr, $3  }
0x3a: {  	_ = 	snop  }
0x3b: {  	_ = 	snop  }
0x3c: {  	p2 =	seq.s32 s10, $0x1;
	s10 =	sld [smem:$0x3FB6]  }
0x3d: {  	_ =	shalt  }
0x3e: {  	_ =	shalt  }
0x3f: {  	_ =	shalt  }
0x40: {  	_ =	shalt  }
0x41: {  	_ =	shalt  }
0x42: {  	_ =	shalt  }
0x43: {  	_ =	shalt  }
0x44: {  	_ =	shalt  }
0x45: {  	_ =	shalt  }
0x46: {  	_ =	shalt  }
0x47: {  	_ =	shalt  }
0x48: {  	_ =	shalt  }
0x49: {  	_ =	shalt  }
0x4a: {  	_ =	shalt  }
0x4b: {  	_ =	shalt  }
0x4c: {  	_ =	shalt  }
0x4d: {  	_ =	shalt  }
0x4e: {  	_ =	shalt  }
0x4f: {  	_ =	shalt  }
0x50: {  	_ =	shalt  }
0x51: {  	_ =	shalt  }
0x52: {  	_ =	shalt  }
0x53: {  	_ =	shalt  }
0x54: {  	_ =	shalt  }
0x55: {  	_ =	shalt  }
0x56: {  	_ =	shalt  }
0x57: {  	_ =	shalt  }
0x58: {  	_ =	shalt  }
0x59: {  	_ =	shalt  }
0x5a: {  	_ =	shalt  }
0x5b: {  	_ =	shalt  }
0x5c: {  	_ =	shalt  }
0x5d: {  	_ =	shalt  }
0x5e: {  	_ =	shalt  }
0x5f: {  	_ =	shalt  }
0x60: {  	_ =	shalt  }
0x61: {  	_ =	shalt  }
0x62: {  	_ =	shalt  }
0x63: {  	_ =	shalt  }
0x64: {  	_ =	shalt  }
0x65: {  	_ =	shalt  }
0x66: {  	_ =	shalt  }
0x67: {  	_ =	shalt  }
0x68: {  	_ =	shalt  }
0x69: {  	_ =	shalt  }
0x6a: {  	_ =	shalt  }
0x6b: {  	_ =	shalt  }
0x6c: {  	_ =	shalt  }
0x6d: {  	_ =	shalt  }
0x6e: {  	_ =	shalt  }
0x6f: {  	_ =	shalt  }
0x70: {  	_ =	shalt  }
0x71: {  	_ =	shalt  }
0x72: {  	_ =	shalt  }
0x73: {  	_ =	shalt  }
0x74: {  	_ =	shalt  }
0x75: {  	_ =	shalt  }
0x76: {  	_ =	shalt  }
0x77: {  	_ =	shalt  }
0x78: {  	_ =	shalt  }
0x79: {  	_ =	shalt  }
0x7a: {  	_ =	shalt  }
0x7b: {  	_ =	shalt  }
0x7c: {  	_ =	shalt  }
0x7d: {  	_ =	shalt  }
0x7e: {  	_ =	shalt  }
0x7f: {  	_ =	shalt  }
0x80: {  	_ =	shalt  }
0x81: {  	_ =	shalt  }
0x82: {  	_ =	shalt  }
0x83: {  	_ =	shalt  }
0x84: {  	_ =	shalt  }
0x85: {  	_ =	shalt  }
0x86: {  	_ =	shalt  }
0x87: {  	_ =	shalt  }
.Lfunc_end0:
.L_simem_size_0:
called_computation.2_lowered:
.L_overlay_start_0:
0x88: {  	s2 =	sld [smem:$0x3FD9]  }
0x89: {  	s3 =	sld [smem:$0x3FFE];
	_ =	sdelay $0x1  }
0x8a: {  	s1 =	srdreg.scid  }
0x8b: {  	s0 =	sand.u32 $0x1, s1  }
0x8c: {  	s16 =	sshll.u32 s0, $0xA;
	s2 =	sadd.s32 s3, s2  }
0x8d: {  	s2 =	sadd.s32 s2, s16  }
0x8e: {  	[smem:$0x3FC2] =	sst s2  }
0x8f: {  	_ = 	snop  }
0x90: {  	(tm) =	ssettm $0x1  }
0x91: {  	s17 =	sld [smem:$0x3FFB];
	_ =	sdelay $0x3  }
0x92: {  	_ =	strace s17  }
0x93: {  	s2 =	sld [smem:$0x3FFC];
	_ =	sdelay $0x3  }
0x94: {  	_ =	strace s2  }
0x95: {  	s2 =	sld [smem:$0x3FFD];
	_ =	sdelay $0x3  }
0x96: {  	_ =	strace s2  }
0x97: {  	_ =	strace $0x8FFFFFFF  }
0x98: {  	s18 =	sld [smem:$0x3FDB];
	_ =	sdelay $0x1  }
0x99: {  	s19 =	simm.s32 $_scs_section_size  }
0x9a: {  	s4 =	simm.s32 $_size__tile_overlayer_lowered;
	s5 =	simm.s32 $_tile_overlayer_lowered  }
0x9b: {  	s22 =	simm.s32 $0x1BFF;
	s21 =	sshll.u32 s5, $0x1;
	s2 =	sadd.s32 s19, s18  }
0x9c: {  	s6 =	simm.s32 $0x0;
	s20 =	sshll.u32 s4, $0x1;
	s4 =	sadd.s32 s21, s2  }
0x9d: {  	[timem:s6], [sflag:s22] =	dma.local [hbm:s4], s20  }
0x9e: {  	_ =	swait.ge [sflag:s22], s20  }
0x9f: {  	s3 =	ssub.s32 $0x0, s20;
	[sflag:s22] =	ssyncset.done $0x0  }
0xa0: {  	[sflag:s22] =	ssyncadd.s32 s3;
	_ =	sdelay $0x1  }
0xa1: {  	s23 =	simm.s32 $0x1B8B  }
0xa2: {  	_ =	swait.ge [sflag:s23], $0x1  }
0xa3: {  	[sflag:s23] =	ssyncset.done $0x0  }
0xa4: {  	s25 =	simm.s32 $0x1B8E;
	s24 =	sld [smem:$0x3FFE];
	[sflag:s23] =	ssyncadd.s32 $0xFFFFFFFF  }
0xa5: {  	s26 =	simm.s32 $execute0_lowered;
	[smem:$0x3FD2] =	sst s25  }
0xa6: {  	s4 =	sshll.u32 s26, $0x1;
	_ =	strace $0x8000004C;
	[dreg:$0x1] =	wrdreg $0xFFFFFFFF  }
0xa7: {  	s28 =	simm.s32 $_size_execute0_lowered;
	s2 =	sadd.s32 s2, s4;
	[dreg:$0x0] =	wrdreg $0x0  }
0xa8: {  	s4 =	sshll.u32 s28, $0x1;
	[dreg:$0x2] =	wrdreg s2  }
0xa9: {  	[dreg:$0x3] =	wrdreg s4  }
0xaa: {  	[dreg:$0x4] =	wrdreg $0xC0  }
0xab: {  	_ =	task [dreg:s6], $0x5FFFF  }
0xac: {  	[dreg:$0x1] =	wrdreg $0xFFFFFFFF  }
0xad: {  	[dreg:$0x0] =	wrdreg $0x60  }
0xae: {  	[dreg:$0x2] =	wrdreg s24  }
0xaf: {  	[dreg:$0x3] =	wrdreg $0x13E200  }
0xb0: {  	[dreg:$0x4] =	wrdreg $0x9  }
0xb1: {  	_ =	task.clear_ibuf [dreg:s6], $0x5FFFF;
	_ =	strace $0x9000004C  }
0xb2: {  	s29 =	simm.s32 $0x9;
	_ =	strace $0x8000004E  }
0xb3: {  	_ =	swait.ge [sflag:s29], $0x1  }
0xb4: {  	[sflag:s29] =	ssyncadd.s32 $0xFFFFFFFF  }
0xb5: {  	_ =	strace $0x9000004E  }
0xb6: {  	_ =	sfence  }
0xb7: {  	s30 =	sld [smem:$0x0];
	_ =	sdelay $0x2  }
0xb8: {  	s31 =	sshll.u32 s1, $0xD;
	s1 =	sshrl.u32 s1, $0x2  }
0xb9: {  	s3 =	sand.u32 $0x4000, s31;
	s1 =	sadd.s32 s1, s30  }
0xba: {  	s0 =	sor.u32 s3, s0;
	s1 =	sshll.u32 s1, $0x11  }
0xbb: {  	s0 =	sor.u32 s1, s0  }
0xbc: {  	s0 =	sadd.s32 $0x8F2B, s0  }
0xbd: {  	[sflag:s0] =	ssyncadd.remote.s32 $0x1  }
0xbe: {  	_ =	sfence.sel $0xFFFF  }
0xbf: {  	[dreg:$0x0] =	wrdreg $0xFFFFFFFF;
	(pc) =	sbr.abs _section_cstart, $3  }
0xc0: {  	[dreg:$0x1] =	wrdreg $0xFFFFFFFF  }
0xc1: {  	_ =	task.clear_ibuf [dreg:s6], $0x2FFFF;
	_ =	strace $0x9FFFFFFF  }
0xc2: {  	(tm) =	ssettm $0x7FFFFFFF  }
0xc3: {  	_ =	shalt  }
tec
execute0_lowered:
.L_overlay_start_1:
0x0: {  	(tag) =	ssettag $0x1  }
0x1: {  	s0 =	srdreg.scid;
	s3 =	rddreg [dreg:$0x0]  }
0x2: {  	s9 =	stileid.u32;
	s2 =	rddreg [dreg:$0x1]  }
0x3: {  	s4 =	simm.s32 $0x0;
	s14 =	simm.s32 $0x50;
	s21 =	simm.s32 $0x6220  }
0x4: {  	s11 =	simm.s32 $0x7620;
	s19 =	simm.s32 $0x9E20;
	s28 =	simm.s32 $0x12A20  }
0x5: {  	s30 =	simm.s32 $0x4;
	s12 =	simm.s32 $0xE;
	s13 =	simm.s32 $0xF  }
0x6: {  	s10 =	simm.s32 $0x10;
	s15 =	simm.s32 $0x12;
	s16 =	simm.s32 $0x13  }
0x7: {  	s18 =	simm.s32 $0x15;
	s29 =	simm.s32 $0x16;
	s20 =	simm.s32 $0x17  }
0x8: {  	s31 =	simm.s32 $0x18;
	s0 =	sand.u32 $0x1, s0;
	s1 =	sshll.u32 s9, $0x1  }
0x9: {  	s5 =	smul.u32 $0x9C40, s9;
	[smem:$0x7FF] =	sst s4;
	s4 =	sadd.s32 $0x16000, s3  }
0xa: {  	s25 =	sshll.u32 s9, $0x6;
	s9 =	simm.s32 $0x0;
	s1 =	sor.u32 s0, s1  }
0xb: {  	s6 =	smul.u32 $0x9C400, s0;
	_ =	strace $0x8000004D;
	s0 =	ssub.s32 $0x2, s0  }
0xc: {  	s17 =	sor.u32 $0x1C19, s25;
	s25 =	simm.s32 $0x10220;
	s1 =	smul.u32 $0x4E2, s1  }
0xd: {  	s7 =	sshrl.u32 s5, $0x3;
	s8 =	sshrl.u32 s0, $0x1;
	s23 =	sadd.s32 s5, s2  }
0xe: {  	[dreg:$0x8] =	wrdreg s17;
	s6 =	sadd.s32 s5, s6;
	s7 =	sadd.s32 s7, s3  }
0xf: {  	s0 =	ssub.s32 s0, s8;
	s26 =	sshrl.u32 s23, $0x3;
	s5 =	simm.s32 $0xB220  }
0x10: {  	s23 =	simm.s32 $0xDA20;
	s8 =	simm.s32 $0x11620;
	s1 =	sadd.s32 s1, s3  }
0x11: {  	s6 =	sshrl.u32 s6, $0x3;
	s24 =	sadd.s32 $0x29A00, s7;
	s0 =	smax.u32 s0, $0x1  }
0x12: {  	[dreg:$0x9] =	wrdreg s26;
	s7 =	simm.s32 $0xEE20;
	s26 =	simm.s32 $0x14  }
.Ltmp0:
0x13: {  	s3 =	sadd.s32 s6, s3;
	[dreg:$0x5] =	wrdreg s24;
	(pc) =	sbr.rel .LBB2_1-.Ltmp0, $4  }
0x14: {  	s22 =	sadd.s32 $0x2400, s1;
	s1 =	sadd.s32 $0xC200, s1;
	[dreg:$0x7] =	wrdreg s0  }
0x15: {  	s6 =	simm.s32 $0xC620;
	s24 =	simm.s32 $0x11;
	[dreg:$0x3] =	wrdreg s22  }
0x16: {  	[dreg:$0x4] =	wrdreg s1;
	s3 =	sadd.s32 $0x3D400, s3;
	s22 =	simm.s32 $0x19  }
0x17: {  	s1 =	simm.s32 $0x5;
	[dreg:$0x6] =	wrdreg s3;
	s3 =	simm.s32 $0xD  }
.LBB2_4:
0x18: {  	s0 =	simm.s32 $0x1  }
0x19: {  	_ =	swait.ge [sflag:s0], $0x1400  }
0x1a: {  	s9 =	simm.s32 $0x4E20;
	[sflag:s0] =	ssyncset.done $0x0  }
0x1b: {  	s17 =	simm.s32 $0x4C90;
	s22 =	simm.s32 $0x2;
	[sflag:s0] =	ssyncadd.s32 $0xFFFFEC00  }
0x1c: {  	[spmem:s2] =	stream.indirect.scatter.add.f32 [tilespmem:s9], [sflag:$0xD], $0x40, s17, s14, $0xb8;
	[tilespmem:$0x1DA60] =	vst v63  }
0x1d: {  	_ =	swait.ge [sflag:s22], $0x1400  }
0x1e: {  	[sflag:s22] =	ssyncset.done $0x0  }
0x1f: {  	s9 =	simm.s32 $0x4CE0;
	s17 =	simm.s32 $0x3;
	[sflag:s22] =	ssyncadd.s32 $0xFFFFEC00  }
0x20: {  	[spmem:s2] =	stream.indirect.scatter.add.f32 [tilespmem:s21], [sflag:$0xE], $0x40, s9, s14, $0xb8;
	[tilespmem:$0x1DA60] =	vst v63  }
0x21: {  	_ =	swait.ge [sflag:s17], $0x1400  }
0x22: {  	[sflag:s17] =	ssyncset.done $0x0  }
0x23: {  	s22 =	simm.s32 $0x4D30;
	[sflag:s17] =	ssyncadd.s32 $0xFFFFEC00  }
0x24: {  	[spmem:s2] =	stream.indirect.scatter.add.f32 [tilespmem:s11], [sflag:$0xF], $0x40, s22, s14, $0xb8;
	[tilespmem:$0x1DA60] =	vst v63  }
0x25: {  	_ =	swait.ge [sflag:s30], $0x1400  }
0x26: {  	[sflag:s30] =	ssyncset.done $0x0  }
0x27: {  	s0 =	simm.s32 $0x8A20;
	s17 =	simm.s32 $0x4D80;
	[sflag:s30] =	ssyncadd.s32 $0xFFFFEC00  }
0x28: {  	[spmem:s2] =	stream.indirect.scatter.add.f32 [tilespmem:s0], [sflag:$0x10], $0x40, s17, s14, $0xb8;
	[tilespmem:$0x1DA60] =	vst v63  }
0x29: {  	_ =	swait.ge [sflag:s1], $0x1400  }
0x2a: {  	[sflag:s1] =	ssyncset.done $0x0  }
0x2b: {  	s22 =	simm.s32 $0x4DD0;
	[sflag:s1] =	ssyncadd.s32 $0xFFFFEC00  }
0x2c: {  	[spmem:s2] =	stream.indirect.scatter.add.f32 [tilespmem:s19], [sflag:$0x11], $0x40, s22, s14, $0xb8;
	[tilespmem:$0x1DA60] =	vst v63  }
0x2d: {  	_ =	swait.ge [sflag:s3], $0x1400  }
0x2e: {  	[sflag:s3] =	ssyncset.done $0x0  }
0x2f: {  	[sflag:s3] =	ssyncadd.s32 $0xFFFFEC00  }
0x30: {  	_ =	swait.ge [sflag:s12], $0x1400  }
0x31: {  	[sflag:s12] =	ssyncset.done $0x0  }
0x32: {  	[sflag:s12] =	ssyncadd.s32 $0xFFFFEC00  }
0x33: {  	_ =	swait.ge [sflag:s13], $0x1400  }
0x34: {  	[sflag:s13] =	ssyncset.done $0x0  }
0x35: {  	[sflag:s13] =	ssyncadd.s32 $0xFFFFEC00  }
0x36: {  	_ =	swait.ge [sflag:s10], $0x1400  }
0x37: {  	[sflag:s10] =	ssyncset.done $0x0  }
0x38: {  	[sflag:s10] =	ssyncadd.s32 $0xFFFFEC00  }
0x39: {  	_ =	swait.ge [sflag:s24], $0x1400  }
0x3a: {  	[sflag:s24] =	ssyncset.done $0x0  }
0x3b: {  	[sflag:s24] =	ssyncadd.s32 $0xFFFFEC00  }
0x3c: {  	_ =	swait.ge [sflag:s15], $0x1400  }
0x3d: {  	[sflag:s15] =	ssyncset.done $0x0  }
0x3e: {  	[sflag:s15] =	ssyncadd.s32 $0xFFFFEC00  }
0x3f: {  	_ =	swait.ge [sflag:s16], $0x1400  }
0x40: {  	[sflag:s16] =	ssyncset.done $0x0  }
0x41: {  	[sflag:s16] =	ssyncadd.s32 $0xFFFFEC00  }
0x42: {  	_ =	swait.ge [sflag:s26], $0x1400  }
0x43: {  	[sflag:s26] =	ssyncset.done $0x0  }
0x44: {  	[sflag:s26] =	ssyncadd.s32 $0xFFFFEC00  }
0x45: {  	_ =	swait.ge [sflag:s18], $0x1400  }
0x46: {  	[sflag:s18] =	ssyncset.done $0x0  }
0x47: {  	[sflag:s18] =	ssyncadd.s32 $0xFFFFEC00  }
0x48: {  	_ =	swait.ge [sflag:s29], $0x1400  }
0x49: {  	[sflag:s29] =	ssyncset.done $0x0  }
0x4a: {  	[sflag:s29] =	ssyncadd.s32 $0xFFFFEC00  }
0x4b: {  	_ =	swait.ge [sflag:s20], $0x1400  }
0x4c: {  	[sflag:s20] =	ssyncset.done $0x0  }
0x4d: {  	[sflag:s20] =	ssyncadd.s32 $0xFFFFEC00  }
0x4e: {  	_ =	swait.ge [sflag:s31], $0x1400  }
0x4f: {  	[sflag:s31] =	ssyncset.done $0x0  }
0x50: {  	[sflag:s31] =	ssyncadd.s32 $0xFFFFEC00  }
0x51: {  	[bflag:$0x0] =	sbarrier.arrive $0xFFFF  }
0x52: {  	s9 =	rddreg [dreg:$0x6]  }
0x53: {  	s17 =	rddreg [dreg:$0x8]  }
0x54: {  	s22 =	rddreg [dreg:$0x9]  }
0x55: {  	[hbm:s9], [sflag:s17] =	dma.local [spmem:s22], $0x1388  }
0x56: {  	s22 =	simm.s32 $0x19  }
0x57: {  	_ =	swait.ge [sflag:s22], $0x1388  }
0x58: {  	s0 =	rddreg [dreg:$0xa]  }
0x59: {  	s17 =	rddreg [dreg:$0x7];
	s9 =	sadd.s32 $0x1, s0  }
0x5a: {  	p0 =	sne.s32 s9, s17  }
.Ltmp1:
0x5b: {  	_ = 	snop;
	(pc) =	sbr.rel @!p0 .LBB2_5-.Ltmp1, $3  }
0x5c: {  	_ =	sdelay $0x1  }
0x5d: {  	[sflag:s22] =	ssyncset.done $0x0  }
0x5e: {  	[sflag:s22] =	ssyncadd.s32 $0xFFFFEC78  }
.LBB2_1:
0x5f: {  	[dreg:$0xa] =	wrdreg s9  }
0x60: {  	s0 =	simm.s32 $0x0;
	s17 =	rddreg [dreg:$0x3]  }
0x61: {  	[tilespmem:s0], [sflag:$0x19] =	stream.linear.gather [hbm4b:s17+s0], $0x2710, $0x38;
	[tilespmem:$0x1DA60] =	vst v63  }
0x62: {  	_ =	swait.ge [sflag:s22], $0x2710  }
0x63: {  	s9 =	simm.s32 $0x0;
	[sflag:s22] =	ssyncset.done $0x0  }
0x64: {  	s0 =	simm.s32 $0x2710;
	s17 =	rddreg [dreg:$0x4];
	[sflag:s22] =	ssyncadd.s32 $0xFFFFD8F0  }
0x65: {  	[tilespmem:s0], [sflag:$0x19] =	stream.linear.gather [hbm4b:s17+s9], $0x2710, $0x38;
	[tilespmem:$0x1DA60] =	vst v63  }
0x66: {  	_ =	swait.ge [sflag:s22], $0x2710  }
0x67: {  	s17 =	rddreg [dreg:$0x5]  }
0x68: {  	[sflag:s22] =	ssyncset.done $0x0;
	s0 =	rddreg [dreg:$0x9]  }
0x69: {  	s9 =	rddreg [dreg:$0x8];
	[sflag:s22] =	ssyncadd.s32 $0xFFFFD8F0  }
0x6a: {  	[spmem:s0], [sflag:s9] =	dma.local [hbm:s17], $0x1388  }
0x6b: {  	_ =	swait.ge [sflag:s22], $0x1388  }
0x6c: {  	[sflag:s22] =	ssyncset.done $0x0  }
0x6d: {  	[sflag:s22] =	ssyncadd.s32 $0xFFFFEC78  }
0x6e: {  	s17 =	simm.s32 $0x4E20;
	s22 =	simm.s32 $0x0;
	[bflag:$0x0] =	sbarrier.arrive $0xFFFF  }
0x6f: {  	[tilespmem:s17], [sflag:$0x1] =	stream.indirect.gather [hbm4b:s4+s14], $0x40, s22, s14, $0xb8;
	[tilespmem:$0x1DA60] =	vst v63  }
0x70: {  	_ = 	snop  }
0x71: {  	[tilespmem:s21], [sflag:$0x2] =	stream.indirect.gather [hbm4b:s4+s14], $0x40, s14, s14, $0xb8;
	[tilespmem:$0x1DA60] =	vst v63  }
0x72: {  	s17 =	simm.s32 $0xA0  }
0x73: {  	[tilespmem:s11], [sflag:$0x3] =	stream.indirect.gather [hbm4b:s4+s14], $0x40, s17, s14, $0xb8;
	[tilespmem:$0x1DA60] =	vst v63  }
0x74: {  	s22 =	simm.s32 $0x8A20;
	s21 =	simm.s32 $0xF0  }
0x75: {  	[tilespmem:s22], [sflag:$0x4] =	stream.indirect.gather [hbm4b:s4+s14], $0x40, s21, s14, $0xb8;
	[tilespmem:$0x1DA60] =	vst v63  }
0x76: {  	s9 =	simm.s32 $0x140  }
0x77: {  	[tilespmem:s19], [sflag:$0x5] =	stream.indirect.gather [hbm4b:s4+s14], $0x40, s9, s14, $0xb8;
	[tilespmem:$0x1DA60] =	vst v63  }
0x78: {  	s11 =	simm.s32 $0x190  }
0x79: {  	[tilespmem:s5], [sflag:$0x6] =	stream.indirect.gather [hbm4b:s4+s14], $0x40, s11, s14, $0xb8;
	[tilespmem:$0x1DA60] =	vst v63  }
0x7a: {  	s17 =	simm.s32 $0x1E0  }
0x7b: {  	[tilespmem:s6], [sflag:$0x7] =	stream.indirect.gather [hbm4b:s4+s14], $0x40, s17, s14, $0xb8;
	[tilespmem:$0x1DA60] =	vst v63  }
0x7c: {  	s19 =	simm.s32 $0x230  }
0x7d: {  	[tilespmem:s23], [sflag:$0x8] =	stream.indirect.gather [hbm4b:s4+s14], $0x40, s19, s14, $0xb8;
	[tilespmem:$0x1DA60] =	vst v63  }
0x7e: {  	s21 =	simm.s32 $0x280  }
0x7f: {  	[tilespmem:s7], [sflag:$0x9] =	stream.indirect.gather [hbm4b:s4+s14], $0x40, s21, s14, $0xb8;
	[tilespmem:$0x1DA60] =	vst v63  }
0x80: {  	s22 =	simm.s32 $0x2D0;
	s9 =	simm.s32 $0x12A20  }
0x81: {  	[tilespmem:s25], [sflag:$0xA] =	stream.indirect.gather [hbm4b:s4+s14], $0x40, s22, s14, $0xb8;
	[tilespmem:$0x1DA60] =	vst v63  }
0x82: {  	s6 =	simm.s32 $0xB220;
	s23 =	simm.s32 $0x320;
	s7 =	simm.s32 $0xDA20  }
0x83: {  	[tilespmem:s8], [sflag:$0xB] =	stream.indirect.gather [hbm4b:s4+s14], $0x40, s23, s14, $0xb8;
	[tilespmem:$0x1DA60] =	vst v63  }
0x84: {  	s25 =	simm.s32 $0x370;
	s22 =	simm.s32 $0x0;
	s8 =	simm.s32 $0x10220  }
0x85: {  	[tilespmem:s28], [sflag:$0xC] =	stream.indirect.gather [hbm4b:s4+s14], $0x40, s25, s14, $0xb8;
	[tilespmem:$0x1DA60] =	vst v63  }
0x86: {  	s23 =	simm.s32 $0xC620;
	s28 =	simm.s32 $0x11620;
	s25 =	simm.s32 $0xEE20  }
.LBB2_2:
0x87: {  	s5 =	simm.s32 $0x1  }
0x88: {  	_ =	swait.ge [sflag:s5], $0x1400  }
0x89: {  	s0 =	sshra.s32 s22, $0x2;
	s21 =	simm.s32 $0x4E20;
	[sflag:s5] =	ssyncset.done $0x0  }
0x8a: {  	s19 =	simm.s32 $0x2;
	s17 =	sadd.s32 $0x2710, s0;
	[sflag:s5] =	ssyncadd.s32 $0xFFFFEC00  }
0x8b: {  	[spmem:s2] =	stream.indirect.scatter.add.f32 [tilespmem:s21], [sflag:$0xD], $0x40, s17, s14, $0xb8;
	[tilespmem:$0x1DA60] =	vst v63  }
0x8c: {  	_ =	swait.ge [sflag:s19], $0x1400  }
0x8d: {  	s11 =	simm.s32 $0x6220;
	[sflag:s19] =	ssyncset.done $0x0  }
0x8e: {  	s5 =	sadd.s32 $0x2760, s0;
	s17 =	simm.s32 $0x3;
	[sflag:s19] =	ssyncadd.s32 $0xFFFFEC00  }
0x8f: {  	[spmem:s2] =	stream.indirect.scatter.add.f32 [tilespmem:s11], [sflag:$0xE], $0x40, s5, s14, $0xb8;
	[tilespmem:$0x1DA60] =	vst v63  }
0x90: {  	_ =	swait.ge [sflag:s17], $0x1400  }
0x91: {  	[sflag:s17] =	ssyncset.done $0x0  }
0x92: {  	s19 =	sadd.s32 $0x27B0, s0;
	s11 =	simm.s32 $0x7620;
	[sflag:s17] =	ssyncadd.s32 $0xFFFFEC00  }
0x93: {  	[spmem:s2] =	stream.indirect.scatter.add.f32 [tilespmem:s11], [sflag:$0xF], $0x40, s19, s14, $0xb8;
	[tilespmem:$0x1DA60] =	vst v63  }
0x94: {  	_ =	swait.ge [sflag:s30], $0x1400  }
0x95: {  	[sflag:s30] =	ssyncset.done $0x0  }
0x96: {  	s5 =	sadd.s32 $0x2800, s0;
	s19 =	simm.s32 $0x8A20;
	[sflag:s30] =	ssyncadd.s32 $0xFFFFEC00  }
0x97: {  	[spmem:s2] =	stream.indirect.scatter.add.f32 [tilespmem:s19], [sflag:$0x10], $0x40, s5, s14, $0xb8;
	[tilespmem:$0x1DA60] =	vst v63  }
0x98: {  	_ =	swait.ge [sflag:s1], $0x1400  }
0x99: {  	[sflag:s1] =	ssyncset.done $0x0  }
0x9a: {  	s17 =	sadd.s32 $0x2850, s0;
	s5 =	simm.s32 $0x9E20;
	[sflag:s1] =	ssyncadd.s32 $0xFFFFEC00  }
0x9b: {  	[spmem:s2] =	stream.indirect.scatter.add.f32 [tilespmem:s5], [sflag:$0x11], $0x40, s17, s14, $0xb8;
	[tilespmem:$0x1DA60] =	vst v63  }
0x9c: {  	s17 =	simm.s32 $0x6  }
0x9d: {  	_ =	swait.ge [sflag:s17], $0x1400  }
0x9e: {  	[sflag:s17] =	ssyncset.done $0x0  }
0x9f: {  	s5 =	sadd.s32 $0x28A0, s0;
	[sflag:s17] =	ssyncadd.s32 $0xFFFFEC00;
	s17 =	simm.s32 $0x7  }
0xa0: {  	[spmem:s2] =	stream.indirect.scatter.add.f32 [tilespmem:s6], [sflag:$0x12], $0x40, s5, s14, $0xb8;
	[tilespmem:$0x1DA60] =	vst v63  }
0xa1: {  	_ =	swait.ge [sflag:s17], $0x1400  }
0xa2: {  	[sflag:s17] =	ssyncset.done $0x0  }
0xa3: {  	s6 =	sadd.s32 $0x28F0, s0;
	[sflag:s17] =	ssyncadd.s32 $0xFFFFEC00  }
0xa4: {  	[spmem:s2] =	stream.indirect.scatter.add.f32 [tilespmem:s23], [sflag:$0x13], $0x40, s6, s14, $0xb8;
	[tilespmem:$0x1DA60] =	vst v63  }
0xa5: {  	s23 =	simm.s32 $0x8  }
0xa6: {  	_ =	swait.ge [sflag:s23], $0x1400  }
0xa7: {  	[sflag:s23] =	ssyncset.done $0x0  }
0xa8: {  	s6 =	sadd.s32 $0x2940, s0;
	[sflag:s23] =	ssyncadd.s32 $0xFFFFEC00;
	s23 =	simm.s32 $0x9  }
0xa9: {  	[spmem:s2] =	stream.indirect.scatter.add.f32 [tilespmem:s7], [sflag:$0x14], $0x40, s6, s14, $0xb8;
	[tilespmem:$0x1DA60] =	vst v63  }
0xaa: {  	_ =	swait.ge [sflag:s23], $0x1400  }
0xab: {  	[sflag:s23] =	ssyncset.done $0x0  }
0xac: {  	s5 =	sadd.s32 $0x2990, s0;
	s6 =	simm.s32 $0xA;
	[sflag:s23] =	ssyncadd.s32 $0xFFFFEC00  }
0xad: {  	[spmem:s2] =	stream.indirect.scatter.add.f32 [tilespmem:s25], [sflag:$0x15], $0x40, s5, s14, $0xb8;
	[tilespmem:$0x1DA60] =	vst v63  }
0xae: {  	_ =	swait.ge [sflag:s6], $0x1400  }
0xaf: {  	[sflag:s6] =	ssyncset.done $0x0  }
0xb0: {  	s17 =	simm.s32 $0xB;
	s7 =	sadd.s32 $0x29E0, s0;
	[sflag:s6] =	ssyncadd.s32 $0xFFFFEC00  }
0xb1: {  	[spmem:s2] =	stream.indirect.scatter.add.f32 [tilespmem:s8], [sflag:$0x16], $0x40, s7, s14, $0xb8;
	[tilespmem:$0x1DA60] =	vst v63  }
0xb2: {  	_ =	swait.ge [sflag:s17], $0x1400  }
0xb3: {  	[sflag:s17] =	ssyncset.done $0x0  }
0xb4: {  	s23 =	sadd.s32 $0x2A30, s0;
	s25 =	simm.s32 $0xC;
	[sflag:s17] =	ssyncadd.s32 $0xFFFFEC00  }
0xb5: {  	[spmem:s2] =	stream.indirect.scatter.add.f32 [tilespmem:s28], [sflag:$0x17], $0x40, s23, s14, $0xb8;
	[tilespmem:$0x1DA60] =	vst v63  }
0xb6: {  	_ =	swait.ge [sflag:s25], $0x1400  }
0xb7: {  	[sflag:s25] =	ssyncset.done $0x0  }
0xb8: {  	s6 =	sadd.s32 $0x2A80, s0;
	[sflag:s25] =	ssyncadd.s32 $0xFFFFEC00  }
0xb9: {  	[spmem:s2] =	stream.indirect.scatter.add.f32 [tilespmem:s9], [sflag:$0x18], $0x40, s6, s14, $0xb8;
	[tilespmem:$0x1DA60] =	vst v63  }
0xba: {  	_ =	swait.ge [sflag:s3], $0x1400  }
0xbb: {  	[sflag:s3] =	ssyncset.done $0x0  }
0xbc: {  	s7 =	sadd.s32 $0x3C0, s0;
	[sflag:s3] =	ssyncadd.s32 $0xFFFFEC00  }
0xbd: {  	[tilespmem:s21], [sflag:$0x1] =	stream.indirect.gather [hbm4b:s4+s14], $0x40, s7, s14, $0xb8;
	[tilespmem:$0x1DA60] =	vst v63  }
0xbe: {  	_ =	swait.ge [sflag:s12], $0x1400  }
0xbf: {  	[sflag:s12] =	ssyncset.done $0x0  }
0xc0: {  	s8 =	sadd.s32 $0x410, s0;
	s21 =	simm.s32 $0x6220;
	[sflag:s12] =	ssyncadd.s32 $0xFFFFEC00  }
0xc1: {  	[tilespmem:s21], [sflag:$0x2] =	stream.indirect.gather [hbm4b:s4+s14], $0x40, s8, s14, $0xb8;
	[tilespmem:$0x1DA60] =	vst v63  }
0xc2: {  	_ =	swait.ge [sflag:s13], $0x1400  }
0xc3: {  	[sflag:s13] =	ssyncset.done $0x0  }
0xc4: {  	s9 =	sadd.s32 $0x460, s0;
	[sflag:s13] =	ssyncadd.s32 $0xFFFFEC00  }
0xc5: {  	[tilespmem:s11], [sflag:$0x3] =	stream.indirect.gather [hbm4b:s4+s14], $0x40, s9, s14, $0xb8;
	[tilespmem:$0x1DA60] =	vst v63  }
0xc6: {  	_ =	swait.ge [sflag:s10], $0x1400  }
0xc7: {  	p0 =	seq.s32 s22, $0x8700;
	[sflag:s10] =	ssyncset.done $0x0  }
0xc8: {  	s5 =	simm.s32 $0xB220;
	s23 =	sadd.s32 $0x4B0, s0;
	[sflag:s10] =	ssyncadd.s32 $0xFFFFEC00  }
0xc9: {  	[tilespmem:s19], [sflag:$0x4] =	stream.indirect.gather [hbm4b:s4+s14], $0x40, s23, s14, $0xb8;
	[tilespmem:$0x1DA60] =	vst v63  }
.Ltmp2:
0xca: {  	s28 =	simm.s32 $0x12A20;
	_ =	swait.ge [sflag:s24], $0x1400;
	(pc) =	sbr.rel @p0 .LBB2_4-.Ltmp2, $4  }
0xcb: {  	s25 =	sadd.s32 $0x500, s0;
	s6 =	simm.s32 $0xC620;
	[sflag:s24] =	ssyncset.done $0x0  }
0xcc: {  	s7 =	simm.s32 $0xEE20;
	s19 =	simm.s32 $0x9E20;
	[sflag:s24] =	ssyncadd.s32 $0xFFFFEC00  }
0xcd: {  	[tilespmem:s19], [sflag:$0x5] =	stream.indirect.gather [hbm4b:s4+s14], $0x40, s25, s14, $0xb8;
	[tilespmem:$0x1DA60] =	vst v63  }
0xce: {  	s8 =	simm.s32 $0x11620;
	s23 =	simm.s32 $0xDA20;
	s25 =	simm.s32 $0x10220  }
0xcf: {  	_ =	swait.ge [sflag:s15], $0x1400  }
0xd0: {  	[sflag:s15] =	ssyncset.done $0x0  }
0xd1: {  	s17 =	sadd.s32 $0x550, s0;
	[sflag:s15] =	ssyncadd.s32 $0xFFFFEC00  }
0xd2: {  	[tilespmem:s5], [sflag:$0x6] =	stream.indirect.gather [hbm4b:s4+s14], $0x40, s17, s14, $0xb8;
	[tilespmem:$0x1DA60] =	vst v63  }
0xd3: {  	_ =	swait.ge [sflag:s16], $0x1400  }
0xd4: {  	[sflag:s16] =	ssyncset.done $0x0  }
0xd5: {  	s9 =	sadd.s32 $0x5A0, s0;
	[sflag:s16] =	ssyncadd.s32 $0xFFFFEC00  }
0xd6: {  	[tilespmem:s6], [sflag:$0x7] =	stream.indirect.gather [hbm4b:s4+s14], $0x40, s9, s14, $0xb8;
	[tilespmem:$0x1DA60] =	vst v63  }
0xd7: {  	_ =	swait.ge [sflag:s26], $0x1400  }
0xd8: {  	[sflag:s26] =	ssyncset.done $0x0  }
0xd9: {  	s11 =	sadd.s32 $0x5F0, s0;
	[sflag:s26] =	ssyncadd.s32 $0xFFFFEC00  }
0xda: {  	[tilespmem:s23], [sflag:$0x8] =	stream.indirect.gather [hbm4b:s4+s14], $0x40, s11, s14, $0xb8;
	[tilespmem:$0x1DA60] =	vst v63  }
0xdb: {  	_ =	swait.ge [sflag:s18], $0x1400  }
0xdc: {  	[sflag:s18] =	ssyncset.done $0x0  }
0xdd: {  	s19 =	sadd.s32 $0x640, s0;
	[sflag:s18] =	ssyncadd.s32 $0xFFFFEC00  }
0xde: {  	[tilespmem:s7], [sflag:$0x9] =	stream.indirect.gather [hbm4b:s4+s14], $0x40, s19, s14, $0xb8;
	[tilespmem:$0x1DA60] =	vst v63  }
0xdf: {  	_ =	swait.ge [sflag:s29], $0x1400  }
0xe0: {  	[sflag:s29] =	ssyncset.done $0x0  }
0xe1: {  	s21 =	sadd.s32 $0x690, s0;
	[sflag:s29] =	ssyncadd.s32 $0xFFFFEC00  }
0xe2: {  	[tilespmem:s25], [sflag:$0xA] =	stream.indirect.gather [hbm4b:s4+s14], $0x40, s21, s14, $0xb8;
	[tilespmem:$0x1DA60] =	vst v63  }
0xe3: {  	_ =	swait.ge [sflag:s20], $0x1400  }
0xe4: {  	[sflag:s20] =	ssyncset.done $0x0  }
0xe5: {  	s22 =	sadd.s32 $0xF00, s22;
	s23 =	sadd.s32 $0x6E0, s0;
	[sflag:s20] =	ssyncadd.s32 $0xFFFFEC00  }
0xe6: {  	[tilespmem:s8], [sflag:$0xB] =	stream.indirect.gather [hbm4b:s4+s14], $0x40, s23, s14, $0xb8;
	[tilespmem:$0x1DA60] =	vst v63  }
.Ltmp3:
0xe7: {  	s9 =	simm.s32 $0x12A20;
	_ =	swait.ge [sflag:s31], $0x1400;
	(pc) =	sbr.rel .LBB2_2-.Ltmp3, $4  }
0xe8: {  	s6 =	simm.s32 $0xB220;
	s7 =	simm.s32 $0xDA20;
	[sflag:s31] =	ssyncset.done $0x0  }
0xe9: {  	s25 =	sadd.s32 $0x730, s0;
	s8 =	simm.s32 $0x10220;
	[sflag:s31] =	ssyncadd.s32 $0xFFFFEC00  }
0xea: {  	[tilespmem:s28], [sflag:$0xC] =	stream.indirect.gather [hbm4b:s4+s14], $0x40, s25, s14, $0xb8;
	[tilespmem:$0x1DA60] =	vst v63  }
0xeb: {  	s23 =	simm.s32 $0xC620;
	s28 =	simm.s32 $0x11620;
	s25 =	simm.s32 $0xEE20  }
.LBB2_5:
0xec: {  	_ =	sfence.sel $0x180000  }
0xed: {  	[bflag:$0x0] =	sbarrier.arrive $0xFFFF  }
0xee: {  	_ =	strace $0x9000004D  }
0xef: {  	s0 =	stileid.u32;
	[bflag:$0x2] =	sbarrier.arrive $0xFFFF  }
0xf0: {  	p0 =	sne.s32 s0, $0x0;
	s0 =	rddreg [dreg:$0x2]  }
0xf1: {  	s0 =	sadd.s32 @!p0 $0x100000, s0  }
0xf2: {  	[sflag:s0] =	ssyncadd.tile.s32 @!p0 $0x1;
	_ =	shalt  }
.Lfunc_end2:
_tile_overlayer_lowered:
.L_overlay_start_2:
0xf3: {  	(tag) =	ssettag $0x2  }
0xf4: {  	s0 =	rddreg [dreg:$0x0];
	s2 =	stileid.u32  }
0xf5: {  	s1 =	rddreg [dreg:$0x1];
	p0 =	sne.s32 s2, $0x0  }
0xf6: {  	s3 =	rddreg [dreg:$0x2];
	[bflag:$0x3] =	sbarrier.arrive $0xFFFF;
	s2 =	simm.s32 @!p0 $0x1C19  }
0xf7: {  	[timem:s3], [sflag:s2] =	dma.local @!p0 [hbm:s0], s1  }
0xf8: {  	s0 =	simm.s32 @!p0 $0x19  }
0xf9: {  	_ =	swait.ge @!p0 [sflag:s0], s1  }
0xfa: {  	s1 =	ssub.s32 @!p0 $0x0, s1;
	[sflag:s0] =	ssyncset.done @!p0 $0x0  }
0xfb: {  	[sflag:s0] =	ssyncadd.s32 @!p0 s1  }
0xfc: {  	[bflag:$0x3] =	sbarrier.arrive $0xFFFF  }
0xfd: {  	_ =	shalt  }

// kernel: kernel.18.cloned.1.call-start
scs
__scs_entry_jumppad:
0x0: {  	(pc) =	sbr.rel $0x88, $3  }
0x1: {  	(tag) =	ssettag $0x0;
	lr =	simm.s32 $0x1  }
0x2: {  	[smem:$0x3F9B] =	sst lr;
	_ =	strace $0xD0000000  }
0x3: {  	_ = 	snop  }
0x4: {  	_ = 	snop  }
0x5: {  	_ = 	snop  }
0x6: {  	_ = 	snop  }
0x7: {  	_ = 	snop  }
__scs_overlays_trampoline_lowered:
0x8: {  	[smem:$0x3FAA] =	sst s0  }
0x9: {  	[smem:$0x3FAB] =	sst s1  }
0xa: {  	[smem:$0x3FAC] =	sst s2  }
0xb: {  	[smem:$0x3FAD] =	sst s3  }
0xc: {  	[smem:$0x3FAE] =	sst s4  }
0xd: {  	[smem:$0x3FAF] =	sst s5  }
0xe: {  	[smem:$0x3FB0] =	sst s6  }
0xf: {  	[smem:$0x3FB1] =	sst s7  }
0x10: {  	[smem:$0x3FB2] =	sst s8  }
0x11: {  	[smem:$0x3FB3] =	sst s9;
	s0 =	simm.s32 @!p0 $0x0  }
0x12: {  	s1 =	sld [smem:$0x3F99];
	s0 =	simm.s32 @p0 $0x1  }
0x13: {  	[smem:$0x3FB4] =	sst s0;
	s0 =	simm.s32 @!p1 $0x0  }
0x14: {  	s2 =	sld [smem:$0x3F98];
	s0 =	simm.s32 @p1 $0x1  }
0x15: {  	[smem:$0x3FB5] =	sst s0;
	s0 =	simm.s32 @!p2 $0x0  }
0x16: {  	s3 =	sld [smem:$0x3FDB];
	s0 =	simm.s32 @p2 $0x1  }
0x17: {  	s4 =	simm.s32 $0x1BF5;
	[smem:$0x3FB7] =	sst s0  }
0x18: {  	s0 =	sld [smem:$0x3F9A];
	_ =	swait.ge [sflag:s4], $0x0  }
0x19: {  	s7 =	sld [smem:$0x3F9B]  }
0x1a: {  	s8 =	sadd.s32 $0xFFFFE003, lr  }
0x1b: {  	s9 =	sadd.s32 $0xFFFFFEF7, lr;
	s5 =	simm.s32 $0xFFFFFFFF;
	p2 =	slt.u32 s8, $0xFFFFF086  }
0x1c: {  	p1 =	slt.u32 s9, $0xF7A;
	s5 =	simm.s32 @!p2 $0x0  }
0x1d: {  	s5 =	simm.s32 @p1 $0x1;
	p0 =	seq.s32 s7, s2  }
0x1e: {  	s7 =	smul.u32 @!p0 $0xF7A, s2;
	p2 =	seq.s32 @!p0 s5, $0x0  }
0x1f: {  	s9 =	smul.u32 $0xF7A, s1;
	s8 =	simm.s32 @!p0 $0x1BF5;
	p2 =	por !p2, p0  }
0x20: {  	[sflag:s8] =	ssyncset.s32 @!p0 $0xFFFFF086;
	s6 =	sadd.s32 @!p0 s3, s7;
	s7 =	simm.s32 @!p0 $0x108  }
0x21: {  	s3 =	sadd.s32 s3, s9;
	s6 =	sadd.s32 @!p0 $0x88, s6;
	s7 =	simm.s32 @p2 $0x1082  }
0x22: {  	[simem:s7], [sflag:s8] =	dma.local @!p0 [hbm:s6], $0xF7A  }
0x23: {  	s9 =	sor.u32 $0xD0000000, s2;
	s6 =	simm.s32 $0x108;
	_ =	swait.ge @!p0 [sflag:s8], $0x0  }
0x24: {  	s3 =	sadd.s32 $0x88, s3;
	s6 =	simm.s32 @!p1 $0x1082;
	[sflag:s4] =	ssyncset.s32 $0xFFFFF086  }
0x25: {  	[simem:s6], [sflag:s4] =	dma.local [hbm:s3], $0xF7A  }
0x26: {  	[smem:$0x3F9B] =	sst s1;
	(tag) =	ssettag s2;
	_ =	strace s9  }
0x27: {  	s1 =	sld [smem:$0x3FAB]  }
0x28: {  	s2 =	sld [smem:$0x3FAC]  }
0x29: {  	s4 =	sld [smem:$0x3FAE]  }
0x2a: {  	p0 =	seq.s32 s5, $0x0;
	s5 =	sld [smem:$0x3FAF]  }
0x2b: {  	s6 =	sld [smem:$0x3FB0]  }
0x2c: {  	s7 =	sld [smem:$0x3FB1]  }
0x2d: {  	s3 =	simm.s32 $0x108;
	s8 =	sld [smem:$0x3FB2]  }
0x2e: {  	s3 =	simm.s32 @!p0 $0x1082;
	s9 =	sld [smem:$0x3FB3]  }
0x2f: {  	lr =	sadd.s32 s0, s3;
	s0 =	sld [smem:$0x3FAA]  }
0x30: {  	s3 =	sld [smem:$0x3FAD]  }
0x31: {  	[smem:$0x3FB6] =	sst s10  }
0x32: {  	s10 =	sld [smem:$0x3FB4];
	_ =	sdelay $0x3  }
0x33: {  	p0 =	seq.s32 s10, $0x1;
	s10 =	sld [smem:$0x3FB6];
	_ =	sdelay $0x3  }
0x34: {  	[smem:$0x3FB6] =	sst s10  }
0x35: {  	s10 =	sld [smem:$0x3FB5];
	_ =	sdelay $0x3  }
0x36: {  	p1 =	seq.s32 s10, $0x1;
	s10 =	sld [smem:$0x3FB6];
	_ =	sdelay $0x3  }
0x37: {  	[smem:$0x3FB6] =	sst s10  }
0x38: {  	s10 =	sld [smem:$0x3FB7]  }
0x39: {  	_ = 	snop;
	(pc) =	sbr.ind lr, $3  }
0x3a: {  	_ = 	snop  }
0x3b: {  	_ = 	snop  }
0x3c: {  	p2 =	seq.s32 s10, $0x1;
	s10 =	sld [smem:$0x3FB6]  }
0x3d: {  	_ =	shalt  }
0x3e: {  	_ =	shalt  }
0x3f: {  	_ =	shalt  }
0x40: {  	_ =	shalt  }
0x41: {  	_ =	shalt  }
0x42: {  	_ =	shalt  }
0x43: {  	_ =	shalt  }
0x44: {  	_ =	shalt  }
0x45: {  	_ =	shalt  }
0x46: {  	_ =	shalt  }
0x47: {  	_ =	shalt  }
0x48: {  	_ =	shalt  }
0x49: {  	_ =	shalt  }
0x4a: {  	_ =	shalt  }
0x4b: {  	_ =	shalt  }
0x4c: {  	_ =	shalt  }
0x4d: {  	_ =	shalt  }
0x4e: {  	_ =	shalt  }
0x4f: {  	_ =	shalt  }
0x50: {  	_ =	shalt  }
0x51: {  	_ =	shalt  }
0x52: {  	_ =	shalt  }
0x53: {  	_ =	shalt  }
0x54: {  	_ =	shalt  }
0x55: {  	_ =	shalt  }
0x56: {  	_ =	shalt  }
0x57: {  	_ =	shalt  }
0x58: {  	_ =	shalt  }
0x59: {  	_ =	shalt  }
0x5a: {  	_ =	shalt  }
0x5b: {  	_ =	shalt  }
0x5c: {  	_ =	shalt  }
0x5d: {  	_ =	shalt  }
0x5e: {  	_ =	shalt  }
0x5f: {  	_ =	shalt  }
0x60: {  	_ =	shalt  }
0x61: {  	_ =	shalt  }
0x62: {  	_ =	shalt  }
0x63: {  	_ =	shalt  }
0x64: {  	_ =	shalt  }
0x65: {  	_ =	shalt  }
0x66: {  	_ =	shalt  }
0x67: {  	_ =	shalt  }
0x68: {  	_ =	shalt  }
0x69: {  	_ =	shalt  }
0x6a: {  	_ =	shalt  }
0x6b: {  	_ =	shalt  }
0x6c: {  	_ =	shalt  }
0x6d: {  	_ =	shalt  }
0x6e: {  	_ =	shalt  }
0x6f: {  	_ =	shalt  }
0x70: {  	_ =	shalt  }
0x71: {  	_ =	shalt  }
0x72: {  	_ =	shalt  }
0x73: {  	_ =	shalt  }
0x74: {  	_ =	shalt  }
0x75: {  	_ =	shalt  }
0x76: {  	_ =	shalt  }
0x77: {  	_ =	shalt  }
0x78: {  	_ =	shalt  }
0x79: {  	_ =	shalt  }
0x7a: {  	_ =	shalt  }
0x7b: {  	_ =	shalt  }
0x7c: {  	_ =	shalt  }
0x7d: {  	_ =	shalt  }
0x7e: {  	_ =	shalt  }
0x7f: {  	_ =	shalt  }
0x80: {  	_ =	shalt  }
0x81: {  	_ =	shalt  }
0x82: {  	_ =	shalt  }
0x83: {  	_ =	shalt  }
0x84: {  	_ =	shalt  }
0x85: {  	_ =	shalt  }
0x86: {  	_ =	shalt  }
0x87: {  	_ =	shalt  }
.Lfunc_end0:
.L_simem_size_0:
called_computation.3_lowered:
.L_overlay_start_0:
0x88: {  	s2 =	sld [smem:$0x3FD9]  }
0x89: {  	s3 =	sld [smem:$0x3FFE];
	_ =	sdelay $0x1  }
0x8a: {  	s1 =	srdreg.scid  }
0x8b: {  	s0 =	sand.u32 $0x1, s1  }
0x8c: {  	s17 =	sshll.u32 s0, $0xA;
	s2 =	sadd.s32 s3, s2  }
0x8d: {  	s2 =	sadd.s32 s2, s17  }
0x8e: {  	[smem:$0x3FC2] =	sst s2  }
0x8f: {  	_ = 	snop  }
0x90: {  	s2 =	sld [smem:$0x3FD0];
	(tm) =	ssettm $0x1  }
0x91: {  	s18 =	sld [smem:$0x3FFB];
	_ =	sdelay $0x3  }
0x92: {  	_ =	strace s18  }
0x93: {  	s3 =	sld [smem:$0x3FFC];
	_ =	sdelay $0x3  }
0x94: {  	_ =	strace s3  }
0x95: {  	s3 =	sld [smem:$0x3FFD];
	_ =	sdelay $0x3  }
0x96: {  	_ =	strace s3  }
0x97: {  	_ =	strace $0x8FFFFFFF  }
0x98: {  	s19 =	sld [smem:$0x3FDB];
	_ =	sdelay $0x1  }
0x99: {  	s4 =	simm.s32 $_scs_section_size  }
0x9a: {  	s5 =	simm.s32 $_size__tile_overlayer_lowered;
	s6 =	simm.s32 $_tile_overlayer_lowered  }
0x9b: {  	s22 =	simm.s32 $0x1BFF;
	s21 =	sshll.u32 s6, $0x1;
	s3 =	sadd.s32 s4, s19  }
0x9c: {  	s7 =	simm.s32 $0x0;
	s20 =	sshll.u32 s5, $0x1;
	s5 =	sadd.s32 s21, s3  }
0x9d: {  	[timem:s7], [sflag:s22] =	dma.local [hbm:s5], s20  }
0x9e: {  	_ =	swait.ge [sflag:s22], s20  }
0x9f: {  	s4 =	ssub.s32 $0x0, s20;
	[sflag:s22] =	ssyncset.done $0x0  }
0xa0: {  	[sflag:s22] =	ssyncadd.s32 s4;
	_ =	sdelay $0x1  }
0xa1: {  	s23 =	simm.s32 $0x1B8B  }
0xa2: {  	_ =	swait.ge [sflag:s23], $0x1  }
0xa3: {  	[sflag:s23] =	ssyncset.done $0x0  }
0xa4: {  	s25 =	simm.s32 $0x1B8E;
	s24 =	sld [smem:$0x3FFE];
	[sflag:s23] =	ssyncadd.s32 $0xFFFFFFFF  }
0xa5: {  	s26 =	simm.s32 $execute0_lowered;
	[smem:$0x3FD2] =	sst s25  }
0xa6: {  	s5 =	sshll.u32 s26, $0x1;
	_ =	strace $0x8000004F;
	[dreg:$0x1] =	wrdreg $0xFFFFFFFF  }
0xa7: {  	s28 =	simm.s32 $_size_execute0_lowered;
	s3 =	sadd.s32 s3, s5;
	[dreg:$0x0] =	wrdreg $0x0  }
0xa8: {  	s5 =	sshll.u32 s28, $0x1;
	[dreg:$0x2] =	wrdreg s3  }
0xa9: {  	[dreg:$0x3] =	wrdreg s5  }
0xaa: {  	[dreg:$0x4] =	wrdreg $0xC0  }
0xab: {  	_ =	task [dreg:s7], $0x5FFFF  }
0xac: {  	[dreg:$0x1] =	wrdreg $0xFFFFFFFF  }
0xad: {  	[dreg:$0x0] =	wrdreg $0x60  }
0xae: {  	[dreg:$0x2] =	wrdreg s24  }
0xaf: {  	[dreg:$0x3] =	wrdreg s2  }
0xb0: {  	[dreg:$0x4] =	wrdreg $0x9  }
0xb1: {  	_ =	task.clear_ibuf [dreg:s7], $0x5FFFF;
	_ =	strace $0x9000004F  }
0xb2: {  	s29 =	simm.s32 $0x9;
	_ =	strace $0x80000051  }
0xb3: {  	_ =	swait.ge [sflag:s29], $0x1  }
0xb4: {  	[sflag:s29] =	ssyncadd.s32 $0xFFFFFFFF  }
0xb5: {  	_ =	strace $0x90000051  }
0xb6: {  	_ =	sfence  }
0xb7: {  	s30 =	sld [smem:$0x0];
	_ =	sdelay $0x2  }
0xb8: {  	s31 =	sshll.u32 s1, $0xD;
	s1 =	sshrl.u32 s1, $0x2  }
0xb9: {  	s3 =	sand.u32 $0x4000, s31;
	s1 =	sadd.s32 s1, s30  }
0xba: {  	s0 =	sor.u32 s3, s0;
	s1 =	sshll.u32 s1, $0x11  }
0xbb: {  	s0 =	sor.u32 s1, s0  }
0xbc: {  	s0 =	sadd.s32 $0x8F2B, s0  }
0xbd: {  	[sflag:s0] =	ssyncadd.remote.s32 $0x1  }
0xbe: {  	_ =	sfence.sel $0xFFFF  }
0xbf: {  	[dreg:$0x0] =	wrdreg $0xFFFFFFFF;
	(pc) =	sbr.abs _section_cstart, $3  }
0xc0: {  	[dreg:$0x1] =	wrdreg $0xFFFFFFFF  }
0xc1: {  	_ =	task.clear_ibuf [dreg:s7], $0x2FFFF;
	_ =	strace $0x9FFFFFFF  }
0xc2: {  	(tm) =	ssettm $0x7FFFFFFF  }
0xc3: {  	_ =	shalt  }
tec
execute0_lowered:
.L_overlay_start_1:
0x0: {  	(tag) =	ssettag $0x1  }
0x1: {  	s0 =	srdreg.scid  }
0x2: {  	s2 =	stileid.u32;
	s1 =	rddreg [dreg:$0x0]  }
0x3: {  	s12 =	simm.s32 $0x9;
	s14 =	simm.s32 $0x50;
	s15 =	simm.s32 $0x4E20  }
0x4: {  	s16 =	simm.s32 $0x7620;
	s26 =	simm.s32 $0x6C20;
	s29 =	simm.s32 $0x9420  }
0x5: {  	s30 =	simm.s32 $0x1;
	s31 =	simm.s32 $0x5;
	s17 =	simm.s32 $0x6  }
0x6: {  	v0 =	vimm.s32 $0xFEDCBA98;
	s18 =	simm.s32 $0x3;
	s19 =	simm.s32 $0x7;
	s20 =	simm.s32 $0x4  }
0x7: {  	v1 =	vimm.s32 $0x76543210;
	v2 =	vimm.s32 $0xBA98FEDC;
	v3 =	vimm.s32 $0x32107654;
	s21 =	simm.s32 $0x8;
	s0 =	sand.u32 $0x1, s0;
	s3 =	sshll.u32 s2, $0x1  }
0x8: {  	v4 =	vimm.s32 $0xDCFE98BA;
	v5 =	vimm.s32 $0x54761032;
	v6 =	vimm.s32 $0xEFCDAB89;
	s2 =	rddreg [dreg:$0x1];
	s4 =	sor.u32 s0, s3;
	s3 =	simm.s32 $0x0  }
0x9: {  	v7 =	vimm.s32 $0x67452301;
	v0 =	vunpack.c.l.s4.s8 v0;
	v1 =	vunpack.c.l.s4.s8 v1;
	s0 =	ssub.s32 $0x2, s0;
	s4 =	smul.u32 $0x2710, s4;
	[smem:$0x7FF] =	sst s3  }
0xa: {  	s5 =	sadd.s32 $0x16000, s1;
	v2 =	vunpack.c.l.s4.s8 v2;
	v3 =	vunpack.c.l.s4.s8 v3;
	v4 =	vunpack.c.l.s4.s8 v4;
	s7 =	sshrl.u32 s0, $0x1;
	_ =	strace $0x80000050  }
0xb: {  	v5 =	vunpack.c.l.s4.s8 v5;
	v6 =	vunpack.c.l.s4.s8 v6;
	v7 =	vunpack.c.l.s4.s8 v7;
	s0 =	ssub.s32 s0, s7;
	s7 =	simm.s32 $0x0;
	s6 =	sshrl.u32 s4, $0x3  }
0xc: {  	v0 =	vunpack.c.0.s8.s32 v0;
	v1 =	vunpack.c.0.s8.s32 v1;
	v2 =	vunpack.c.0.s8.s32 v2;
	s9 =	sadd.s32 $0xA0, s4;
	s0 =	smax.u32 s0, $0x1;
	s1 =	sadd.s32 s6, s1  }
0xd: {  	v3 =	vunpack.c.0.s8.s32 v3;
	v4 =	vunpack.c.0.s8.s32 v4;
	v5 =	vunpack.c.0.s8.s32 v5;
	s10 =	sadd.s32 $0xF0, s4;
	[dreg:$0x6] =	wrdreg s0;
	s8 =	sadd.s32 $0x2400, s1  }
0xe: {  	v6 =	vunpack.c.0.s8.s32 v6;
	v7 =	vunpack.c.0.s8.s32 v7;
	v0 =	vand.u32 $0xF, v0;
	s28 =	sadd.s32 s2, s6;
	s1 =	sadd.s32 $0xC200, s1;
	[dreg:$0x3] =	wrdreg s8  }
0xf: {  	s0 =	simm.s32 $0x2;
	v0 =	vcombine.low v0, v1;
	v1 =	vcombine.low v3, v2;
	[dreg:$0x4] =	wrdreg s1;
	s1 =	sadd.s32 $0x4D8, s28  }
0x10: {  	v2 =	vcombine.low v5, v4;
	v3 =	vcombine.low v7, v6;
	s8 =	sadd.s32 $0x50, s4;
	[dreg:$0x5] =	wrdreg s1;
	s1 =	simm.s32 $0x9E20  }
.LBB2_1:
0x11: {  	[dreg:$0x7] =	wrdreg s7  }
0x12: {  	s6 =	rddreg [dreg:$0x3]  }
0x13: {  	[tilespmem:s3], [sflag:$0x9] =	stream.linear.gather [hbm4b:s6+s3], $0x2710, $0x38;
	[tilespmem:$0x9E70] =	vst v63  }
0x14: {  	_ =	swait.ge [sflag:s12], $0x2710  }
0x15: {  	[sflag:s12] =	ssyncset.done $0x0  }
0x16: {  	s25 =	simm.s32 $0x2710;
	s24 =	rddreg [dreg:$0x4];
	[sflag:s12] =	ssyncadd.s32 $0xFFFFD8F0  }
0x17: {  	[tilespmem:s25], [sflag:$0x9] =	stream.linear.gather [hbm4b:s24+s3], $0x2710, $0x38;
	[tilespmem:$0x9E70] =	vst v63  }
0x18: {  	_ =	swait.ge [sflag:s12], $0x2710  }
0x19: {  	[sflag:s12] =	ssyncset.done $0x0  }
0x1a: {  	[sflag:s12] =	ssyncadd.s32 $0xFFFFD8F0  }
0x1b: {  	[tilespmem:s15], [sflag:$0x1] =	stream.indirect.gather [hbm4b:s5+s14], $0x20, s3, s14, $0xb8;
	[tilespmem:$0x9E70] =	vst v63  }
0x1c: {  	_ = 	snop  }
0x1d: {  	[tilespmem:s16], [sflag:$0x5] =	stream.indirect.gather [hbm4b:s5+s14], $0x20, s25, s14, $0xb8;
	[tilespmem:$0x9E70] =	vst v63  }
0x1e: {  	s28 =	simm.s32 $0x5820  }
0x1f: {  	[tilespmem:s28], [sflag:$0x2] =	stream.indirect.gather [hbm4b:s5+s14], $0x20, s14, s14, $0xb8;
	[tilespmem:$0x9E70] =	vst v63  }
0x20: {  	s7 =	simm.s32 $0x2760;
	s11 =	simm.s32 $0x8020  }
0x21: {  	[tilespmem:s11], [sflag:$0x6] =	stream.indirect.gather [hbm4b:s5+s14], $0x20, s7, s14, $0xb8;
	[tilespmem:$0x9E70] =	vst v63  }
0x22: {  	s13 =	simm.s32 $0xA0;
	s22 =	simm.s32 $0x6220  }
0x23: {  	[tilespmem:s22], [sflag:$0x3] =	stream.indirect.gather [hbm4b:s5+s14], $0x20, s13, s14, $0xb8;
	[tilespmem:$0x9E70] =	vst v63  }
0x24: {  	s23 =	simm.s32 $0x27B0;
	s24 =	simm.s32 $0x8A20  }
0x25: {  	[tilespmem:s24], [sflag:$0x7] =	stream.indirect.gather [hbm4b:s5+s14], $0x20, s23, s14, $0xb8;
	[tilespmem:$0x9E70] =	vst v63  }
0x26: {  	s25 =	simm.s32 $0xF0  }
0x27: {  	[tilespmem:s26], [sflag:$0x4] =	stream.indirect.gather [hbm4b:s5+s14], $0x20, s25, s14, $0xb8;
	[tilespmem:$0x9E70] =	vst v63  }
0x28: {  	s28 =	simm.s32 $0x2800;
	s24 =	simm.s32 $0x0  }
0x29: {  	[tilespmem:s29], [sflag:$0x8] =	stream.indirect.gather [hbm4b:s5+s14], $0x20, s28, s14, $0xb8;
	[tilespmem:$0x9E70] =	vst v63  }
.LBB2_2:
0x2a: {  	_ =	swait.ge [sflag:s30], $0xA00  }
0x2b: {  	[sflag:s30] =	ssyncset.done $0x0  }
0x2c: {  	[sflag:s30] =	ssyncadd.s32 $0xFFFFF600  }
0x2d: {  	_ =	swait.ge [sflag:s31], $0xA00  }
0x2e: {  	[sflag:s31] =	ssyncset.done $0x0  }
0x2f: {  	s6 =	simm.s32 $0x4E30;
	[sflag:s31] =	ssyncadd.s32 $0xFFFFF600  }
0x30: {  	s7 =	simm.s32 $0x7630;
	v4 =	vld [tilespmem:s6+$0xFFFFFFF0]  }
0x31: {  	v5 =	vld [tilespmem:s7+$0xFFFFFFF0];
	_ =	sdelay $0x2  }
0x32: {  	v6 =	vld [tilespmem:s6+$0x0]  }
0x33: {  	s25 =	simm.s32 $0x7650;
	v7 =	vld [tilespmem:s7+$0x0]  }
0x34: {  	s23 =	simm.s32 $0x4E50;
	v8 =	vld [tilespmem:s25+$0xFFFFFFF0];
	v4 =	vmul.bf16 v5, v4  }
0x35: {  	v5 =	vld [tilespmem:s23+$0xFFFFFFF0]  }
0x36: {  	v9 =	vunpack.i.l.bf16.f32 v4  }
0x37: {  	v9 =	vadd.f32 $0.0e+00, v9  }
0x38: {  	v6 =	vmul.bf16 v7, v6;
	v7 =	vld [tilespmem:s23+$0x0];
	v4 =	vunpack.i.u.bf16.f32 v4  }
0x39: {  	v4 =	vadd.f32 v9, v4;
	v9 =	vld [tilespmem:s25+$0x0]  }
0x3a: {  	s7 =	simm.s32 $0x4E70;
	v10 =	vunpack.i.l.bf16.f32 v6;
	v5 =	vmul.bf16 v8, v5  }
0x3b: {  	s11 =	simm.s32 $0x7670;
	v8 =	vld [tilespmem:s7+$0xFFFFFFF0];
	v4 =	vadd.f32 v10, v4  }
0x3c: {  	v6 =	vunpack.i.u.bf16.f32 v6;
	v10 =	vld [tilespmem:s11+$0xFFFFFFF0];
	v11 =	vunpack.i.l.bf16.f32 v5  }
0x3d: {  	v4 =	vadd.f32 v4, v6;
	v6 =	vadd.f32 $0.0e+00, v11  }
0x3e: {  	v5 =	vunpack.i.u.bf16.f32 v5;
	v11 =	vld [tilespmem:s7+$0x0];
	v7 =	vmul.bf16 v9, v7  }
0x3f: {  	v9 =	vperm.xlane v4, v0;
	v5 =	vadd.f32 v6, v5;
	v6 =	vld [tilespmem:s11+$0x0]  }
0x40: {  	v12 =	vunpack.i.l.bf16.f32 v7  }
0x41: {  	v8 =	vmul.bf16 v10, v8;
	v4 =	vadd.f32 v4, v9;
	v5 =	vadd.f32 v12, v5  }
0x42: {  	s13 =	simm.s32 $0x4E90;
	v7 =	vunpack.i.u.bf16.f32 v7  }
0x43: {  	s22 =	simm.s32 $0x7690;
	v9 =	vld [tilespmem:s13+$0xFFFFFFF0];
	v13 =	vunpack.i.l.bf16.f32 v8;
	v10 =	vperm.xlane v4, v1;
	v5 =	vadd.f32 v5, v7  }
0x44: {  	v12 =	vld [tilespmem:s22+$0xFFFFFFF0];
	v7 =	vadd.f32 $0.0e+00, v13;
	v11 =	vmul.bf16 v6, v11  }
0x45: {  	v6 =	vunpack.i.u.bf16.f32 v8;
	v4 =	vadd.f32 v4, v10;
	v8 =	vperm.xlane v5, v0  }
0x46: {  	v13 =	vadd.f32 v7, v6;
	v7 =	vld [tilespmem:s13+$0x0]  }
0x47: {  	v14 =	vperm.xlane v4, v2;
	v6 =	vadd.f32 v5, v8;
	v8 =	vld [tilespmem:s22+$0x0]  }
0x48: {  	v15 =	vunpack.i.l.bf16.f32 v11  }
0x49: {  	s23 =	simm.s32 $0x0;
	s7 =	simm.s32 $0x4EB0;
	v10 =	vmul.bf16 v12, v9;
	v13 =	vadd.f32 v15, v13;
	v5 =	vadd.f32 v4, v14  }
0x4a: {  	s28 =	simm.s32 $0x4;
	s6 =	simm.s32 $0x3;
	s11 =	simm.s32 $0x76B0;
	v12 =	vld [tilespmem:s7+$0xFFFFFFF0];
	v11 =	vunpack.i.u.bf16.f32 v11;
	v9 =	vperm.xlane v6, v1;
	v4 =	vmov s23  }
0x4b: {  	s25 =	simm.s32 $0x2;
	s13 =	simm.s32 $0x1;
	v15 =	vunpack.i.l.bf16.f32 v10;
	v14 =	vld [tilespmem:s11+$0xFFFFFFF0];
	s23 =	simm.s32 $0x5;
	v13 =	vadd.f32 v13, v11;
	v11 =	vperm.xlane v5, v3  }
.LBB2_3:
0x4c: {  	p0 =	sne.s32 s23, $0x4F;
	v15 =	vadd.f32 $0.0e+00, v15;
	v16 =	vmul.bf16 v8, v7;
	v9 =	vadd.f32 v6, v9  }
0x4d: {  	v6 =	vunpack.i.u.bf16.f32 v10;
	v7 =	vld [tilespmem:s7+$0x0];
	v10 =	vperm.xlane v13, v0;
	v5 =	vadd.f32 v5, v11  }
.Ltmp0:
0x4e: {  	v8 =	vld [tilespmem:s11+$0x0];
	v11 =	vadd.f32 v15, v6;
	v15 =	vperm.xlane v9, v2;
	(pc) =	sbr.rel @p0 .LBB2_3-.Ltmp0, $4  }
0x4f: {  	v17 =	vunpack.i.l.bf16.f32 v16;
	v6 =	vadd.f32 v13, v10;
	[tilespmem:v4+s1+$0x0] =	vst.idx.msk $0x1, v5  }
0x50: {  	s7 =	sadd.s32 $0x20, s7;
	v10 =	vmul.bf16 v14, v12;
	v11 =	vadd.f32 v17, v11;
	v5 =	vadd.f32 v9, v15  }
0x51: {  	s11 =	sadd.s32 $0x20, s11;
	v13 =	vunpack.i.u.bf16.f32 v16;
	v4 =	vmov s13;
	s13 =	smov.u32 s25;
	s25 =	smov.u32 s6;
	v12 =	vld [tilespmem:s7+$0xFFFFFFF0];
	v9 =	vperm.xlane v6, v1  }
0x52: {  	s6 =	smov.u32 s28;
	s28 =	smov.u32 s23;
	s23 =	sadd.s32 $0x1, s23;
	v14 =	vld [tilespmem:s11+$0xFFFFFFF0];
	v15 =	vunpack.i.l.bf16.f32 v10;
	v13 =	vadd.f32 v11, v13;
	v11 =	vperm.xlane v5, v3  }
0x53: {  	_ =	sdelay $0x1  }
0x54: {  	v16 =	vld [tilespmem:s7+$0x0]  }
0x55: {  	v17 =	vld [tilespmem:s11+$0x0]  }
0x56: {  	v12 =	vmul.bf16 v14, v12;
	_ =	sdelay $0x1  }
0x57: {  	v39 =	vadd.f32 $0.0e+00, v15;
	v40 =	vunpack.i.l.bf16.f32 v12  }
0x58: {  	v7 =	vmul.bf16 v8, v7;
	v41 =	vunpack.i.u.bf16.f32 v10;
	v42 =	vadd.f32 $0.0e+00, v40  }
0x59: {  	v8 =	vadd.f32 v39, v41;
	v43 =	vmul.bf16 v17, v16;
	v12 =	vunpack.i.u.bf16.f32 v12  }
0x5a: {  	v44 =	vunpack.i.l.bf16.f32 v7;
	v10 =	vadd.f32 v42, v12  }
0x5b: {  	v8 =	vadd.f32 v44, v8;
	v45 =	vunpack.i.l.bf16.f32 v43  }
0x5c: {  	v7 =	vunpack.i.u.bf16.f32 v7;
	v10 =	vadd.f32 v45, v10  }
0x5d: {  	v7 =	vadd.f32 v8, v7;
	v46 =	vunpack.i.u.bf16.f32 v43  }
0x5e: {  	v47 =	vperm.xlane v13, v0;
	v8 =	vadd.f32 v10, v46  }
0x5f: {  	v48 =	vperm.xlane v7, v0  }
0x60: {  	v12 =	vadd.f32 v13, v47;
	v49 =	vperm.xlane v8, v0  }
0x61: {  	v7 =	vadd.f32 v7, v48  }
0x62: {  	v50 =	vperm.xlane v12, v1;
	v8 =	vadd.f32 v8, v49  }
0x63: {  	v6 =	vadd.f32 v6, v9;
	v51 =	vperm.xlane v7, v1  }
0x64: {  	v10 =	vadd.f32 v12, v50;
	v52 =	vperm.xlane v8, v1  }
0x65: {  	v53 =	vperm.xlane v6, v2;
	v7 =	vadd.f32 v7, v51  }
0x66: {  	v54 =	vperm.xlane v10, v2;
	v8 =	vadd.f32 v8, v52  }
0x67: {  	v56 =	vmov s13;
	v6 =	vadd.f32 v6, v53;
	v55 =	vperm.xlane v7, v2  }
0x68: {  	v58 =	vmov s25;
	v9 =	vadd.f32 v10, v54;
	v57 =	vperm.xlane v8, v2  }
0x69: {  	v60 =	vmov s6;
	v13 =	vperm.xlane v6, v3;
	v7 =	vadd.f32 v7, v55  }
0x6a: {  	v5 =	vadd.f32 v5, v11;
	v59 =	vperm.xlane v9, v3;
	v8 =	vadd.f32 v8, v57  }
0x6b: {  	v62 =	vmov s28;
	v6 =	vadd.f32 v6, v13;
	v61 =	vperm.xlane v7, v3  }
0x6c: {  	[tilespmem:v4+s1+$0x0] =	vst.idx.msk $0x1, v5;
	v4 =	vadd.f32 v9, v59;
	v5 =	vperm.xlane v8, v3  }
0x6d: {  	[tilespmem:v56+s1+$0x0] =	vst.idx.msk $0x1, v6;
	v63 =	vadd.f32 v7, v61  }
0x6e: {  	[tilespmem:v58+s1+$0x0] =	vst.idx.msk $0x1, v4;
	v4 =	vadd.f32 v8, v5  }
0x6f: {  	[tilespmem:v60+s1+$0x0] =	vst.idx.msk $0x1, v63  }
0x70: {  	s6 =	simm.s32 $0x0;
	[tilespmem:v62+s1+$0x0] =	vst.idx.msk $0x1, v4  }
0x71: {  	v4 =	vld [tilespmem:s6+$0x9E20];
	_ =	sdelay $0x4  }
0x72: {  	v4 =	vsub.f32 $0.0e+00, v4;
	_ =	sdelay $0x1  }
0x73: {  	v4 =	vmul.f32 $1.442695020e+00, v4;
	_ =	sdelay $0x1  }
0x74: {  	(erf) = vpow2.f32 v4  }
0x75: {  	s7 =	simm.s32 $0x10  }
0x76: {  	v4 =	vld [tilespmem:s7+$0x9E20];
	_ =	sdelay $0x4  }
0x77: {  	v4 =	vsub.f32 $0.0e+00, v4;
	_ =	sdelay $0x1  }
0x78: {  	v4 =	vmul.f32 $1.442695020e+00, v4;
	v5 =	vpop (erf)  }
0x79: {  	v5 =	vadd.f32 $1.000000000e+00, v5  }
0x7a: {  	(erf) = vpow2.f32 v4  }
0x7b: {  	s11 =	simm.s32 $0x20;
	s13 =	simm.s32 $0xC0;
	(erf) = vrcp.f32 v5  }
.LBB2_5:
0x7c: {  	p0 =	sne.s32 s13, $0x100;
	v4 =	vld [tilespmem:s11+$0x9E20];
	_ =	sdelay $0x4  }
0x7d: {  	v4 =	vsub.f32 $0.0e+00, v4  }
.Ltmp1:
0x7e: {  	(pc) =	sbr.rel @p0 .LBB2_5-.Ltmp1, $4  }
0x7f: {  	v4 =	vmul.f32 $1.442695020e+00, v4;
	v5 =	vpop (erf)  }
0x80: {  	v5 =	vadd.f32 $1.000000000e+00, v5;
	v6 =	vpop (erf)  }
0x81: {  	(erf) = vpow2.f32 v4;
	[tilespmem:s6+$0x9E20] =	vst v6;
	s6 =	smov.u32 s7;
	s7 =	smov.u32 s11  }
0x82: {  	s11 =	sshra.s32 s13, $0x2;
	s13 =	sadd.s32 $0x40, s13;
	(erf) = vrcp.f32 v5  }
0x83: {  	v4 =	vld [tilespmem:s11+$0x9E20];
	_ =	sdelay $0x4  }
0x84: {  	v4 =	vsub.f32 $0.0e+00, v4;
	_ =	sdelay $0x1  }
0x85: {  	v4 =	vmul.f32 $1.442695020e+00, v4;
	_ =	sdelay $0x1  }
0x86: {  	(erf) = vpow2.f32 v4;
	_ =	sdelay $0x6  }
0x87: {  	v4 =	vpop (erf)  }
0x88: {  	v5 =	vpop (erf)  }
0x89: {  	v4 =	vadd.f32 $1.000000000e+00, v4;
	v6 =	vpop (erf)  }
0x8a: {  	v6 =	vadd.f32 $1.000000000e+00, v6  }
0x8b: {  	(erf) = vrcp.f32 v4  }
0x8c: {  	(erf) = vrcp.f32 v6;
	_ =	sdelay $0x5  }
0x8d: {  	s25 =	smul.u32 $0x140, s24;
	_ =	sdelay $0x1  }
0x8e: {  	s13 =	sadd.s32 s4, s25;
	[tilespmem:s6+$0x9E20] =	vst v5;
	v4 =	vpop (erf)  }
0x8f: {  	s6 =	sshrl.u32 s13, $0x3;
	[tilespmem:s7+$0x9E20] =	vst v4;
	v4 =	vpop (erf)  }
0x90: {  	s6 =	sadd.s32 s2, s6;
	s7 =	simm.s32 $0x0;
	[tilespmem:s11+$0x9E20] =	vst v4  }
0x91: {  	[hbm4b:s6+s7] =	stream.linear.scatter [tilespmem:s1], [sflag:$0x9], $0x50, $0x38;
	[tilespmem:$0x9E70] =	vst v63  }
0x92: {  	_ =	swait.ge [sflag:s12], $0x50  }
0x93: {  	[sflag:s12] =	ssyncset.done $0x0  }
0x94: {  	s22 =	sadd.s32 $0x140, s25;
	[sflag:s12] =	ssyncadd.s32 $0xFFFFFFB0  }
0x95: {  	[tilespmem:s15], [sflag:$0x1] =	stream.indirect.gather [hbm4b:s5+s14], $0x20, s22, s14, $0xb8;
	[tilespmem:$0x9E70] =	vst v63  }
0x96: {  	s23 =	sadd.s32 $0x2850, s25  }
0x97: {  	[tilespmem:s16], [sflag:$0x5] =	stream.indirect.gather [hbm4b:s5+s14], $0x20, s23, s14, $0xb8;
	[tilespmem:$0x9E70] =	vst v63  }
0x98: {  	_ =	swait.ge [sflag:s0], $0xA00  }
0x99: {  	[sflag:s0] =	ssyncset.done $0x0  }
0x9a: {  	[sflag:s0] =	ssyncadd.s32 $0xFFFFF600  }
0x9b: {  	_ =	swait.ge [sflag:s17], $0xA00  }
0x9c: {  	[sflag:s17] =	ssyncset.done $0x0  }
0x9d: {  	s11 =	simm.s32 $0x5830;
	[sflag:s17] =	ssyncadd.s32 $0xFFFFF600  }
0x9e: {  	s13 =	simm.s32 $0x8030;
	v4 =	vld [tilespmem:s11+$0xFFFFFFF0]  }
0x9f: {  	v5 =	vld [tilespmem:s13+$0xFFFFFFF0];
	_ =	sdelay $0x2  }
0xa0: {  	v6 =	vld [tilespmem:s11+$0x0]  }
0xa1: {  	s23 =	simm.s32 $0x8050;
	v7 =	vld [tilespmem:s13+$0x0]  }
0xa2: {  	s22 =	simm.s32 $0x5850;
	v8 =	vld [tilespmem:s23+$0xFFFFFFF0];
	v4 =	vmul.bf16 v5, v4  }
0xa3: {  	v5 =	vld [tilespmem:s22+$0xFFFFFFF0]  }
0xa4: {  	v9 =	vunpack.i.l.bf16.f32 v4  }
0xa5: {  	v9 =	vadd.f32 $0.0e+00, v9  }
0xa6: {  	v6 =	vmul.bf16 v7, v6;
	v7 =	vld [tilespmem:s22+$0x0];
	v4 =	vunpack.i.u.bf16.f32 v4  }
0xa7: {  	v4 =	vadd.f32 v9, v4;
	v9 =	vld [tilespmem:s23+$0x0]  }
0xa8: {  	s11 =	simm.s32 $0x5870;
	v10 =	vunpack.i.l.bf16.f32 v6;
	v5 =	vmul.bf16 v8, v5  }
0xa9: {  	s13 =	simm.s32 $0x8070;
	v8 =	vld [tilespmem:s11+$0xFFFFFFF0];
	v4 =	vadd.f32 v10, v4  }
0xaa: {  	v6 =	vunpack.i.u.bf16.f32 v6;
	v10 =	vld [tilespmem:s13+$0xFFFFFFF0];
	v11 =	vunpack.i.l.bf16.f32 v5  }
0xab: {  	v4 =	vadd.f32 v4, v6;
	v6 =	vadd.f32 $0.0e+00, v11  }
0xac: {  	v5 =	vunpack.i.u.bf16.f32 v5;
	v11 =	vld [tilespmem:s11+$0x0];
	v7 =	vmul.bf16 v9, v7  }
0xad: {  	v9 =	vperm.xlane v4, v0;
	v5 =	vadd.f32 v6, v5;
	v6 =	vld [tilespmem:s13+$0x0]  }
0xae: {  	v12 =	vunpack.i.l.bf16.f32 v7  }
0xaf: {  	v8 =	vmul.bf16 v10, v8;
	v4 =	vadd.f32 v4, v9;
	v5 =	vadd.f32 v12, v5  }
0xb0: {  	s22 =	simm.s32 $0x5890;
	v7 =	vunpack.i.u.bf16.f32 v7  }
0xb1: {  	s23 =	simm.s32 $0x8090;
	v9 =	vld [tilespmem:s22+$0xFFFFFFF0];
	v13 =	vunpack.i.l.bf16.f32 v8;
	v10 =	vperm.xlane v4, v1;
	v5 =	vadd.f32 v5, v7  }
0xb2: {  	v12 =	vld [tilespmem:s23+$0xFFFFFFF0];
	v7 =	vadd.f32 $0.0e+00, v13;
	v11 =	vmul.bf16 v6, v11  }
0xb3: {  	v6 =	vunpack.i.u.bf16.f32 v8;
	v4 =	vadd.f32 v4, v10;
	v8 =	vperm.xlane v5, v0  }
0xb4: {  	v13 =	vadd.f32 v7, v6;
	v7 =	vld [tilespmem:s22+$0x0]  }
0xb5: {  	v14 =	vperm.xlane v4, v2;
	v6 =	vadd.f32 v5, v8;
	v8 =	vld [tilespmem:s23+$0x0]  }
0xb6: {  	v15 =	vunpack.i.l.bf16.f32 v11  }
0xb7: {  	s11 =	simm.s32 $0x58B0;
	v10 =	vmul.bf16 v12, v9;
	v13 =	vadd.f32 v15, v13;
	v5 =	vadd.f32 v4, v14  }
0xb8: {  	s28 =	simm.s32 $0x2;
	s6 =	simm.s32 $0x1;
	v12 =	vld [tilespmem:s11+$0xFFFFFFF0];
	v11 =	vunpack.i.u.bf16.f32 v11;
	s23 =	simm.s32 $0x80B0;
	v9 =	vperm.xlane v6, v1;
	v4 =	vmov s7  }
0xb9: {  	s13 =	simm.s32 $0x4;
	s22 =	simm.s32 $0x5;
	v15 =	vunpack.i.l.bf16.f32 v10;
	s7 =	simm.s32 $0x3;
	v14 =	vld [tilespmem:s23+$0xFFFFFFF0];
	v13 =	vadd.f32 v13, v11;
	v11 =	vperm.xlane v5, v3  }
.LBB2_7:
0xba: {  	p0 =	sne.s32 s22, $0x4F;
	v15 =	vadd.f32 $0.0e+00, v15;
	v16 =	vmul.bf16 v8, v7;
	v9 =	vadd.f32 v6, v9  }
0xbb: {  	v6 =	vunpack.i.u.bf16.f32 v10;
	v7 =	vld [tilespmem:s11+$0x0];
	v10 =	vperm.xlane v13, v0;
	v5 =	vadd.f32 v5, v11  }
.Ltmp2:
0xbc: {  	v8 =	vld [tilespmem:s23+$0x0];
	v11 =	vadd.f32 v15, v6;
	v15 =	vperm.xlane v9, v2;
	(pc) =	sbr.rel @p0 .LBB2_7-.Ltmp2, $4  }
0xbd: {  	v17 =	vunpack.i.l.bf16.f32 v16;
	v6 =	vadd.f32 v13, v10;
	[tilespmem:v4+s1+$0x0] =	vst.idx.msk $0x1, v5  }
0xbe: {  	s11 =	sadd.s32 $0x20, s11;
	v10 =	vmul.bf16 v14, v12;
	v11 =	vadd.f32 v17, v11;
	v5 =	vadd.f32 v9, v15  }
0xbf: {  	s23 =	sadd.s32 $0x20, s23;
	v13 =	vunpack.i.u.bf16.f32 v16;
	v4 =	vmov s6;
	s6 =	smov.u32 s28;
	s28 =	smov.u32 s7;
	v12 =	vld [tilespmem:s11+$0xFFFFFFF0];
	v9 =	vperm.xlane v6, v1  }
0xc0: {  	s7 =	smov.u32 s13;
	s13 =	smov.u32 s22;
	s22 =	sadd.s32 $0x1, s22;
	v14 =	vld [tilespmem:s23+$0xFFFFFFF0];
	v15 =	vunpack.i.l.bf16.f32 v10;
	v13 =	vadd.f32 v11, v13;
	v11 =	vperm.xlane v5, v3  }
0xc1: {  	_ =	sdelay $0x1  }
0xc2: {  	v16 =	vld [tilespmem:s11+$0x0]  }
0xc3: {  	v17 =	vld [tilespmem:s23+$0x0]  }
0xc4: {  	v12 =	vmul.bf16 v14, v12;
	_ =	sdelay $0x1  }
0xc5: {  	v39 =	vadd.f32 $0.0e+00, v15;
	v40 =	vunpack.i.l.bf16.f32 v12  }
0xc6: {  	v7 =	vmul.bf16 v8, v7;
	v41 =	vunpack.i.u.bf16.f32 v10;
	v42 =	vadd.f32 $0.0e+00, v40  }
0xc7: {  	v8 =	vadd.f32 v39, v41;
	v43 =	vmul.bf16 v17, v16;
	v12 =	vunpack.i.u.bf16.f32 v12  }
0xc8: {  	v44 =	vunpack.i.l.bf16.f32 v7;
	v10 =	vadd.f32 v42, v12  }
0xc9: {  	v8 =	vadd.f32 v44, v8;
	v45 =	vunpack.i.l.bf16.f32 v43  }
0xca: {  	v7 =	vunpack.i.u.bf16.f32 v7;
	v10 =	vadd.f32 v45, v10  }
0xcb: {  	v7 =	vadd.f32 v8, v7;
	v46 =	vunpack.i.u.bf16.f32 v43  }
0xcc: {  	v47 =	vperm.xlane v13, v0;
	v8 =	vadd.f32 v10, v46  }
0xcd: {  	v48 =	vperm.xlane v7, v0  }
0xce: {  	v12 =	vadd.f32 v13, v47;
	v49 =	vperm.xlane v8, v0  }
0xcf: {  	v7 =	vadd.f32 v7, v48  }
0xd0: {  	v50 =	vperm.xlane v12, v1;
	v8 =	vadd.f32 v8, v49  }
0xd1: {  	v6 =	vadd.f32 v6, v9;
	v51 =	vperm.xlane v7, v1  }
0xd2: {  	v10 =	vadd.f32 v12, v50;
	v52 =	vperm.xlane v8, v1  }
0xd3: {  	v53 =	vperm.xlane v6, v2;
	v7 =	vadd.f32 v7, v51  }
0xd4: {  	v54 =	vperm.xlane v10, v2;
	v8 =	vadd.f32 v8, v52  }
0xd5: {  	v56 =	vmov s6;
	v6 =	vadd.f32 v6, v53;
	v55 =	vperm.xlane v7, v2  }
0xd6: {  	v58 =	vmov s28;
	v9 =	vadd.f32 v10, v54;
	v57 =	vperm.xlane v8, v2  }
0xd7: {  	v60 =	vmov s7;
	v13 =	vperm.xlane v6, v3;
	v7 =	vadd.f32 v7, v55  }
0xd8: {  	v5 =	vadd.f32 v5, v11;
	v59 =	vperm.xlane v9, v3;
	v8 =	vadd.f32 v8, v57  }
0xd9: {  	v62 =	vmov s13;
	v6 =	vadd.f32 v6, v13;
	v61 =	vperm.xlane v7, v3  }
0xda: {  	[tilespmem:v4+s1+$0x0] =	vst.idx.msk $0x1, v5;
	v4 =	vadd.f32 v9, v59;
	v5 =	vperm.xlane v8, v3  }
0xdb: {  	[tilespmem:v56+s1+$0x0] =	vst.idx.msk $0x1, v6;
	v63 =	vadd.f32 v7, v61  }
0xdc: {  	[tilespmem:v58+s1+$0x0] =	vst.idx.msk $0x1, v4;
	v4 =	vadd.f32 v8, v5  }
0xdd: {  	[tilespmem:v60+s1+$0x0] =	vst.idx.msk $0x1, v63  }
0xde: {  	s6 =	simm.s32 $0x0;
	[tilespmem:v62+s1+$0x0] =	vst.idx.msk $0x1, v4  }
0xdf: {  	v4 =	vld [tilespmem:s6+$0x9E20];
	_ =	sdelay $0x4  }
0xe0: {  	v4 =	vsub.f32 $0.0e+00, v4;
	_ =	sdelay $0x1  }
0xe1: {  	v4 =	vmul.f32 $1.442695020e+00, v4;
	_ =	sdelay $0x1  }
0xe2: {  	(erf) = vpow2.f32 v4  }
0xe3: {  	s7 =	simm.s32 $0x10  }
0xe4: {  	v4 =	vld [tilespmem:s7+$0x9E20];
	_ =	sdelay $0x4  }
0xe5: {  	v4 =	vsub.f32 $0.0e+00, v4;
	_ =	sdelay $0x1  }
0xe6: {  	v4 =	vmul.f32 $1.442695020e+00, v4;
	v5 =	vpop (erf)  }
0xe7: {  	v5 =	vadd.f32 $1.000000000e+00, v5  }
0xe8: {  	(erf) = vpow2.f32 v4  }
0xe9: {  	s11 =	simm.s32 $0x20;
	s13 =	simm.s32 $0xC0;
	(erf) = vrcp.f32 v5  }
.LBB2_9:
0xea: {  	p0 =	sne.s32 s13, $0x100;
	v4 =	vld [tilespmem:s11+$0x9E20];
	_ =	sdelay $0x4  }
0xeb: {  	v4 =	vsub.f32 $0.0e+00, v4  }
.Ltmp3:
0xec: {  	(pc) =	sbr.rel @p0 .LBB2_9-.Ltmp3, $4  }
0xed: {  	v4 =	vmul.f32 $1.442695020e+00, v4;
	v5 =	vpop (erf)  }
0xee: {  	v5 =	vadd.f32 $1.000000000e+00, v5;
	v6 =	vpop (erf)  }
0xef: {  	(erf) = vpow2.f32 v4;
	[tilespmem:s6+$0x9E20] =	vst v6;
	s6 =	smov.u32 s7;
	s7 =	smov.u32 s11  }
0xf0: {  	s11 =	sshra.s32 s13, $0x2;
	s13 =	sadd.s32 $0x40, s13;
	(erf) = vrcp.f32 v5  }
0xf1: {  	v4 =	vld [tilespmem:s11+$0x9E20];
	_ =	sdelay $0x4  }
0xf2: {  	v4 =	vsub.f32 $0.0e+00, v4;
	_ =	sdelay $0x1  }
0xf3: {  	v4 =	vmul.f32 $1.442695020e+00, v4;
	_ =	sdelay $0x1  }
0xf4: {  	(erf) = vpow2.f32 v4;
	_ =	sdelay $0x6  }
0xf5: {  	v4 =	vpop (erf)  }
0xf6: {  	v5 =	vpop (erf)  }
0xf7: {  	v4 =	vadd.f32 $1.000000000e+00, v4;
	v6 =	vpop (erf)  }
0xf8: {  	v6 =	vadd.f32 $1.000000000e+00, v6  }
0xf9: {  	(erf) = vrcp.f32 v4  }
0xfa: {  	(erf) = vrcp.f32 v6;
	_ =	sdelay $0x7  }
0xfb: {  	s23 =	sadd.s32 s25, s8;
	[tilespmem:s6+$0x9E20] =	vst v5;
	v4 =	vpop (erf)  }
0xfc: {  	s6 =	sshrl.u32 s23, $0x3;
	[tilespmem:s7+$0x9E20] =	vst v4;
	v4 =	vpop (erf)  }
0xfd: {  	s6 =	sadd.s32 s2, s6;
	[tilespmem:s11+$0x9E20] =	vst v4  }
0xfe: {  	[hbm4b:s6+s3] =	stream.linear.scatter [tilespmem:s1], [sflag:$0x9], $0x50, $0x38;
	[tilespmem:$0x9E70] =	vst v63  }
0xff: {  	p0 =	seq.s32 s24, $0x1E;
	_ =	swait.ge [sflag:s12], $0x50  }
0x100: {  	s7 =	simm.s32 @!p0 $0x50;
	[sflag:s12] =	ssyncset.done $0x0  }
0x101: {  	s11 =	simm.s32 @!p0 $0x5820;
	s6 =	sadd.s32 @!p0 $0x190, s25;
	[sflag:s12] =	ssyncadd.s32 $0xFFFFFFB0  }
0x102: {  	[tilespmem:s11], [sflag:$0x2] =	stream.indirect.gather @!p0 [hbm4b:s5+s7], $0x20, s6, s7, $0xb8;
	[tilespmem:$0x9E70] =	vst v63  }
0x103: {  	s6 =	sadd.s32 @!p0 $0x28A0, s25;
	s11 =	simm.s32 @!p0 $0x8020  }
0x104: {  	[tilespmem:s11], [sflag:$0x6] =	stream.indirect.gather @!p0 [hbm4b:s5+s7], $0x20, s6, s7, $0xb8;
	[tilespmem:$0x9E70] =	vst v63  }
0x105: {  	_ =	swait.ge [sflag:s18], $0xA00  }
0x106: {  	[sflag:s18] =	ssyncset.done $0x0  }
0x107: {  	[sflag:s18] =	ssyncadd.s32 $0xFFFFF600  }
0x108: {  	_ =	swait.ge [sflag:s19], $0xA00  }
0x109: {  	[sflag:s19] =	ssyncset.done $0x0  }
0x10a: {  	s11 =	simm.s32 $0x6230;
	[sflag:s19] =	ssyncadd.s32 $0xFFFFF600  }
0x10b: {  	s13 =	simm.s32 $0x8A30;
	v4 =	vld [tilespmem:s11+$0xFFFFFFF0]  }
0x10c: {  	v5 =	vld [tilespmem:s13+$0xFFFFFFF0];
	_ =	sdelay $0x2  }
0x10d: {  	v6 =	vld [tilespmem:s11+$0x0]  }
0x10e: {  	s23 =	simm.s32 $0x8A50;
	v7 =	vld [tilespmem:s13+$0x0]  }
0x10f: {  	s22 =	simm.s32 $0x6250;
	v8 =	vld [tilespmem:s23+$0xFFFFFFF0];
	v4 =	vmul.bf16 v5, v4  }
0x110: {  	v5 =	vld [tilespmem:s22+$0xFFFFFFF0]  }
0x111: {  	v9 =	vunpack.i.l.bf16.f32 v4  }
0x112: {  	v9 =	vadd.f32 $0.0e+00, v9  }
0x113: {  	v6 =	vmul.bf16 v7, v6;
	v7 =	vld [tilespmem:s22+$0x0];
	v4 =	vunpack.i.u.bf16.f32 v4  }
0x114: {  	v4 =	vadd.f32 v9, v4;
	v9 =	vld [tilespmem:s23+$0x0]  }
0x115: {  	s11 =	simm.s32 $0x6270;
	v10 =	vunpack.i.l.bf16.f32 v6;
	v5 =	vmul.bf16 v8, v5  }
0x116: {  	s13 =	simm.s32 $0x8A70;
	v8 =	vld [tilespmem:s11+$0xFFFFFFF0];
	v4 =	vadd.f32 v10, v4  }
0x117: {  	v6 =	vunpack.i.u.bf16.f32 v6;
	v10 =	vld [tilespmem:s13+$0xFFFFFFF0];
	v11 =	vunpack.i.l.bf16.f32 v5  }
0x118: {  	v4 =	vadd.f32 v4, v6;
	v6 =	vadd.f32 $0.0e+00, v11  }
0x119: {  	v5 =	vunpack.i.u.bf16.f32 v5;
	v11 =	vld [tilespmem:s11+$0x0];
	v7 =	vmul.bf16 v9, v7  }
0x11a: {  	v9 =	vperm.xlane v4, v0;
	v5 =	vadd.f32 v6, v5;
	v6 =	vld [tilespmem:s13+$0x0]  }
0x11b: {  	v12 =	vunpack.i.l.bf16.f32 v7  }
0x11c: {  	v8 =	vmul.bf16 v10, v8;
	v4 =	vadd.f32 v4, v9;
	v5 =	vadd.f32 v12, v5  }
0x11d: {  	s22 =	simm.s32 $0x6290;
	v7 =	vunpack.i.u.bf16.f32 v7  }
0x11e: {  	s23 =	simm.s32 $0x8A90;
	v9 =	vld [tilespmem:s22+$0xFFFFFFF0];
	v13 =	vunpack.i.l.bf16.f32 v8;
	v10 =	vperm.xlane v4, v1;
	v5 =	vadd.f32 v5, v7  }
0x11f: {  	v12 =	vld [tilespmem:s23+$0xFFFFFFF0];
	v7 =	vadd.f32 $0.0e+00, v13;
	v11 =	vmul.bf16 v6, v11  }
0x120: {  	v6 =	vunpack.i.u.bf16.f32 v8;
	v4 =	vadd.f32 v4, v10;
	v8 =	vperm.xlane v5, v0  }
0x121: {  	v13 =	vadd.f32 v7, v6;
	v7 =	vld [tilespmem:s22+$0x0]  }
0x122: {  	v14 =	vperm.xlane v4, v2;
	v6 =	vadd.f32 v5, v8;
	v8 =	vld [tilespmem:s23+$0x0]  }
0x123: {  	v15 =	vunpack.i.l.bf16.f32 v11  }
0x124: {  	s11 =	simm.s32 $0x62B0;
	s22 =	simm.s32 $0x0;
	v10 =	vmul.bf16 v12, v9;
	v13 =	vadd.f32 v15, v13;
	v5 =	vadd.f32 v4, v14  }
0x125: {  	s28 =	simm.s32 $0x4;
	s6 =	simm.s32 $0x1;
	v12 =	vld [tilespmem:s11+$0xFFFFFFF0];
	v11 =	vunpack.i.u.bf16.f32 v11;
	s23 =	simm.s32 $0x8AB0;
	v9 =	vperm.xlane v6, v1;
	v4 =	vmov s22  }
0x126: {  	s7 =	simm.s32 $0x3;
	s13 =	simm.s32 $0x2;
	v15 =	vunpack.i.l.bf16.f32 v10;
	v14 =	vld [tilespmem:s23+$0xFFFFFFF0];
	s22 =	simm.s32 $0x5;
	v13 =	vadd.f32 v13, v11;
	v11 =	vperm.xlane v5, v3  }
.LBB2_11:
0x127: {  	p1 =	sne.s32 s22, $0x4F;
	v15 =	vadd.f32 $0.0e+00, v15;
	v16 =	vmul.bf16 v8, v7;
	v9 =	vadd.f32 v6, v9  }
0x128: {  	v6 =	vunpack.i.u.bf16.f32 v10;
	v7 =	vld [tilespmem:s11+$0x0];
	v10 =	vperm.xlane v13, v0;
	v5 =	vadd.f32 v5, v11  }
.Ltmp4:
0x129: {  	v8 =	vld [tilespmem:s23+$0x0];
	v11 =	vadd.f32 v15, v6;
	v15 =	vperm.xlane v9, v2;
	(pc) =	sbr.rel @p1 .LBB2_11-.Ltmp4, $4  }
0x12a: {  	v17 =	vunpack.i.l.bf16.f32 v16;
	v6 =	vadd.f32 v13, v10;
	[tilespmem:v4+s1+$0x0] =	vst.idx.msk $0x1, v5  }
0x12b: {  	s11 =	sadd.s32 $0x20, s11;
	v10 =	vmul.bf16 v14, v12;
	v11 =	vadd.f32 v17, v11;
	v5 =	vadd.f32 v9, v15  }
0x12c: {  	s23 =	sadd.s32 $0x20, s23;
	v13 =	vunpack.i.u.bf16.f32 v16;
	v4 =	vmov s6;
	s6 =	smov.u32 s13;
	s13 =	smov.u32 s7;
	v12 =	vld [tilespmem:s11+$0xFFFFFFF0];
	v9 =	vperm.xlane v6, v1  }
0x12d: {  	s7 =	smov.u32 s28;
	s28 =	smov.u32 s22;
	s22 =	sadd.s32 $0x1, s22;
	v14 =	vld [tilespmem:s23+$0xFFFFFFF0];
	v15 =	vunpack.i.l.bf16.f32 v10;
	v13 =	vadd.f32 v11, v13;
	v11 =	vperm.xlane v5, v3  }
0x12e: {  	_ =	sdelay $0x1  }
0x12f: {  	v16 =	vld [tilespmem:s11+$0x0]  }
0x130: {  	v17 =	vld [tilespmem:s23+$0x0]  }
0x131: {  	v12 =	vmul.bf16 v14, v12;
	_ =	sdelay $0x1  }
0x132: {  	v39 =	vadd.f32 $0.0e+00, v15;
	v40 =	vunpack.i.l.bf16.f32 v12  }
0x133: {  	v7 =	vmul.bf16 v8, v7;
	v41 =	vunpack.i.u.bf16.f32 v10;
	v42 =	vadd.f32 $0.0e+00, v40  }
0x134: {  	v8 =	vadd.f32 v39, v41;
	v43 =	vmul.bf16 v17, v16;
	v12 =	vunpack.i.u.bf16.f32 v12  }
0x135: {  	v44 =	vunpack.i.l.bf16.f32 v7;
	v10 =	vadd.f32 v42, v12  }
0x136: {  	v8 =	vadd.f32 v44, v8;
	v45 =	vunpack.i.l.bf16.f32 v43  }
0x137: {  	v7 =	vunpack.i.u.bf16.f32 v7;
	v10 =	vadd.f32 v45, v10  }
0x138: {  	v7 =	vadd.f32 v8, v7;
	v46 =	vunpack.i.u.bf16.f32 v43  }
0x139: {  	v47 =	vperm.xlane v13, v0;
	v8 =	vadd.f32 v10, v46  }
0x13a: {  	v48 =	vperm.xlane v7, v0  }
0x13b: {  	v12 =	vadd.f32 v13, v47;
	v49 =	vperm.xlane v8, v0  }
0x13c: {  	v7 =	vadd.f32 v7, v48  }
0x13d: {  	v50 =	vperm.xlane v12, v1;
	v8 =	vadd.f32 v8, v49  }
0x13e: {  	v6 =	vadd.f32 v6, v9;
	v51 =	vperm.xlane v7, v1  }
0x13f: {  	v10 =	vadd.f32 v12, v50;
	v52 =	vperm.xlane v8, v1  }
0x140: {  	v53 =	vperm.xlane v6, v2;
	v7 =	vadd.f32 v7, v51  }
0x141: {  	v54 =	vperm.xlane v10, v2;
	v8 =	vadd.f32 v8, v52  }
0x142: {  	v56 =	vmov s6;
	v6 =	vadd.f32 v6, v53;
	v55 =	vperm.xlane v7, v2  }
0x143: {  	v58 =	vmov s13;
	v9 =	vadd.f32 v10, v54;
	v57 =	vperm.xlane v8, v2  }
0x144: {  	v60 =	vmov s7;
	v13 =	vperm.xlane v6, v3;
	v7 =	vadd.f32 v7, v55  }
0x145: {  	v5 =	vadd.f32 v5, v11;
	v59 =	vperm.xlane v9, v3;
	v8 =	vadd.f32 v8, v57  }
0x146: {  	v62 =	vmov s28;
	v6 =	vadd.f32 v6, v13;
	v61 =	vperm.xlane v7, v3  }
0x147: {  	[tilespmem:v4+s1+$0x0] =	vst.idx.msk $0x1, v5;
	v4 =	vadd.f32 v9, v59;
	v5 =	vperm.xlane v8, v3  }
0x148: {  	[tilespmem:v56+s1+$0x0] =	vst.idx.msk $0x1, v6;
	v63 =	vadd.f32 v7, v61  }
0x149: {  	[tilespmem:v58+s1+$0x0] =	vst.idx.msk $0x1, v4;
	v4 =	vadd.f32 v8, v5  }
0x14a: {  	[tilespmem:v60+s1+$0x0] =	vst.idx.msk $0x1, v63  }
0x14b: {  	s6 =	simm.s32 $0x0;
	[tilespmem:v62+s1+$0x0] =	vst.idx.msk $0x1, v4  }
0x14c: {  	v4 =	vld [tilespmem:s6+$0x9E20];
	_ =	sdelay $0x4  }
0x14d: {  	v4 =	vsub.f32 $0.0e+00, v4;
	_ =	sdelay $0x1  }
0x14e: {  	v4 =	vmul.f32 $1.442695020e+00, v4;
	_ =	sdelay $0x1  }
0x14f: {  	(erf) = vpow2.f32 v4  }
0x150: {  	s7 =	simm.s32 $0x10  }
0x151: {  	v4 =	vld [tilespmem:s7+$0x9E20];
	_ =	sdelay $0x4  }
0x152: {  	v4 =	vsub.f32 $0.0e+00, v4;
	_ =	sdelay $0x1  }
0x153: {  	v4 =	vmul.f32 $1.442695020e+00, v4;
	v5 =	vpop (erf)  }
0x154: {  	v5 =	vadd.f32 $1.000000000e+00, v5  }
0x155: {  	(erf) = vpow2.f32 v4  }
0x156: {  	s11 =	simm.s32 $0x20;
	s13 =	simm.s32 $0xC0;
	(erf) = vrcp.f32 v5  }
.LBB2_13:
0x157: {  	p1 =	sne.s32 s13, $0x100;
	v4 =	vld [tilespmem:s11+$0x9E20];
	_ =	sdelay $0x4  }
0x158: {  	v4 =	vsub.f32 $0.0e+00, v4  }
.Ltmp5:
0x159: {  	(pc) =	sbr.rel @p1 .LBB2_13-.Ltmp5, $4  }
0x15a: {  	v4 =	vmul.f32 $1.442695020e+00, v4;
	v5 =	vpop (erf)  }
0x15b: {  	v5 =	vadd.f32 $1.000000000e+00, v5;
	v6 =	vpop (erf)  }
0x15c: {  	(erf) = vpow2.f32 v4;
	[tilespmem:s6+$0x9E20] =	vst v6;
	s6 =	smov.u32 s7;
	s7 =	smov.u32 s11  }
0x15d: {  	s11 =	sshra.s32 s13, $0x2;
	s13 =	sadd.s32 $0x40, s13;
	(erf) = vrcp.f32 v5  }
0x15e: {  	v4 =	vld [tilespmem:s11+$0x9E20];
	_ =	sdelay $0x4  }
0x15f: {  	v4 =	vsub.f32 $0.0e+00, v4;
	_ =	sdelay $0x1  }
0x160: {  	v4 =	vmul.f32 $1.442695020e+00, v4;
	_ =	sdelay $0x1  }
0x161: {  	(erf) = vpow2.f32 v4;
	_ =	sdelay $0x6  }
0x162: {  	v4 =	vpop (erf)  }
0x163: {  	v5 =	vpop (erf)  }
0x164: {  	v4 =	vadd.f32 $1.000000000e+00, v4;
	v6 =	vpop (erf)  }
0x165: {  	v6 =	vadd.f32 $1.000000000e+00, v6  }
0x166: {  	(erf) = vrcp.f32 v4  }
0x167: {  	(erf) = vrcp.f32 v6;
	_ =	sdelay $0x7  }
0x168: {  	s23 =	sadd.s32 s25, s9;
	[tilespmem:s6+$0x9E20] =	vst v5;
	v4 =	vpop (erf)  }
0x169: {  	s6 =	sshrl.u32 s23, $0x3;
	[tilespmem:s7+$0x9E20] =	vst v4;
	v4 =	vpop (erf)  }
0x16a: {  	s6 =	sadd.s32 s2, s6;
	[tilespmem:s11+$0x9E20] =	vst v4  }
0x16b: {  	[hbm4b:s6+s3] =	stream.linear.scatter [tilespmem:s1], [sflag:$0x9], $0x50, $0x38;
	[tilespmem:$0x9E70] =	vst v63  }
0x16c: {  	_ =	swait.ge [sflag:s12], $0x50  }
0x16d: {  	s7 =	simm.s32 @!p0 $0x50;
	[sflag:s12] =	ssyncset.done $0x0  }
0x16e: {  	s11 =	simm.s32 @!p0 $0x6220;
	s6 =	sadd.s32 @!p0 $0x1E0, s25;
	[sflag:s12] =	ssyncadd.s32 $0xFFFFFFB0  }
0x16f: {  	[tilespmem:s11], [sflag:$0x3] =	stream.indirect.gather @!p0 [hbm4b:s5+s7], $0x20, s6, s7, $0xb8;
	[tilespmem:$0x9E70] =	vst v63  }
0x170: {  	s6 =	sadd.s32 @!p0 $0x28F0, s25;
	s11 =	simm.s32 @!p0 $0x8A20  }
0x171: {  	[tilespmem:s11], [sflag:$0x7] =	stream.indirect.gather @!p0 [hbm4b:s5+s7], $0x20, s6, s7, $0xb8;
	[tilespmem:$0x9E70] =	vst v63  }
0x172: {  	_ =	swait.ge [sflag:s20], $0xA00  }
0x173: {  	[sflag:s20] =	ssyncset.done $0x0  }
0x174: {  	[sflag:s20] =	ssyncadd.s32 $0xFFFFF600  }
0x175: {  	_ =	swait.ge [sflag:s21], $0xA00  }
0x176: {  	[sflag:s21] =	ssyncset.done $0x0  }
0x177: {  	s11 =	simm.s32 $0x6C30;
	[sflag:s21] =	ssyncadd.s32 $0xFFFFF600  }
0x178: {  	s13 =	simm.s32 $0x9430;
	v4 =	vld [tilespmem:s11+$0xFFFFFFF0]  }
0x179: {  	v5 =	vld [tilespmem:s13+$0xFFFFFFF0];
	_ =	sdelay $0x2  }
0x17a: {  	v6 =	vld [tilespmem:s11+$0x0]  }
0x17b: {  	s23 =	simm.s32 $0x9450;
	v7 =	vld [tilespmem:s13+$0x0]  }
0x17c: {  	s22 =	simm.s32 $0x6C50;
	v8 =	vld [tilespmem:s23+$0xFFFFFFF0];
	v4 =	vmul.bf16 v5, v4  }
0x17d: {  	v5 =	vld [tilespmem:s22+$0xFFFFFFF0]  }
0x17e: {  	v9 =	vunpack.i.l.bf16.f32 v4  }
0x17f: {  	v9 =	vadd.f32 $0.0e+00, v9  }
0x180: {  	v6 =	vmul.bf16 v7, v6;
	v7 =	vld [tilespmem:s22+$0x0];
	v4 =	vunpack.i.u.bf16.f32 v4  }
0x181: {  	v4 =	vadd.f32 v9, v4;
	v9 =	vld [tilespmem:s23+$0x0]  }
0x182: {  	s11 =	simm.s32 $0x6C70;
	v10 =	vunpack.i.l.bf16.f32 v6;
	v5 =	vmul.bf16 v8, v5  }
0x183: {  	s13 =	simm.s32 $0x9470;
	v8 =	vld [tilespmem:s11+$0xFFFFFFF0];
	v4 =	vadd.f32 v10, v4  }
0x184: {  	v6 =	vunpack.i.u.bf16.f32 v6;
	v10 =	vld [tilespmem:s13+$0xFFFFFFF0];
	v11 =	vunpack.i.l.bf16.f32 v5  }
0x185: {  	v4 =	vadd.f32 v4, v6;
	v6 =	vadd.f32 $0.0e+00, v11  }
0x186: {  	v5 =	vunpack.i.u.bf16.f32 v5;
	v11 =	vld [tilespmem:s11+$0x0];
	v7 =	vmul.bf16 v9, v7  }
0x187: {  	v9 =	vperm.xlane v4, v0;
	v5 =	vadd.f32 v6, v5;
	v6 =	vld [tilespmem:s13+$0x0]  }
0x188: {  	v12 =	vunpack.i.l.bf16.f32 v7  }
0x189: {  	v8 =	vmul.bf16 v10, v8;
	v4 =	vadd.f32 v4, v9;
	v5 =	vadd.f32 v12, v5  }
0x18a: {  	s22 =	simm.s32 $0x6C90;
	v7 =	vunpack.i.u.bf16.f32 v7  }
0x18b: {  	s23 =	simm.s32 $0x9490;
	v9 =	vld [tilespmem:s22+$0xFFFFFFF0];
	v13 =	vunpack.i.l.bf16.f32 v8;
	v10 =	vperm.xlane v4, v1;
	v5 =	vadd.f32 v5, v7  }
0x18c: {  	v12 =	vld [tilespmem:s23+$0xFFFFFFF0];
	v7 =	vadd.f32 $0.0e+00, v13;
	v11 =	vmul.bf16 v6, v11  }
0x18d: {  	v6 =	vunpack.i.u.bf16.f32 v8;
	v4 =	vadd.f32 v4, v10;
	v8 =	vperm.xlane v5, v0  }
0x18e: {  	v13 =	vadd.f32 v7, v6;
	v7 =	vld [tilespmem:s22+$0x0]  }
0x18f: {  	v14 =	vperm.xlane v4, v2;
	v6 =	vadd.f32 v5, v8;
	v8 =	vld [tilespmem:s23+$0x0]  }
0x190: {  	v15 =	vunpack.i.l.bf16.f32 v11  }
0x191: {  	s11 =	simm.s32 $0x6CB0;
	s22 =	simm.s32 $0x0;
	v10 =	vmul.bf16 v12, v9;
	v13 =	vadd.f32 v15, v13;
	v5 =	vadd.f32 v4, v14  }
0x192: {  	s28 =	simm.s32 $0x4;
	s6 =	simm.s32 $0x1;
	v12 =	vld [tilespmem:s11+$0xFFFFFFF0];
	v11 =	vunpack.i.u.bf16.f32 v11;
	s23 =	simm.s32 $0x94B0;
	v9 =	vperm.xlane v6, v1;
	v4 =	vmov s22  }
0x193: {  	s7 =	simm.s32 $0x3;
	s13 =	simm.s32 $0x2;
	v15 =	vunpack.i.l.bf16.f32 v10;
	v14 =	vld [tilespmem:s23+$0xFFFFFFF0];
	s22 =	simm.s32 $0x5;
	v13 =	vadd.f32 v13, v11;
	v11 =	vperm.xlane v5, v3  }
.LBB2_15:
0x194: {  	p1 =	sne.s32 s22, $0x4F;
	v15 =	vadd.f32 $0.0e+00, v15;
	v16 =	vmul.bf16 v8, v7;
	v9 =	vadd.f32 v6, v9  }
0x195: {  	v6 =	vunpack.i.u.bf16.f32 v10;
	v7 =	vld [tilespmem:s11+$0x0];
	v10 =	vperm.xlane v13, v0;
	v5 =	vadd.f32 v5, v11  }
.Ltmp6:
0x196: {  	v8 =	vld [tilespmem:s23+$0x0];
	v11 =	vadd.f32 v15, v6;
	v15 =	vperm.xlane v9, v2;
	(pc) =	sbr.rel @p1 .LBB2_15-.Ltmp6, $4  }
0x197: {  	v17 =	vunpack.i.l.bf16.f32 v16;
	v6 =	vadd.f32 v13, v10;
	[tilespmem:v4+s1+$0x0] =	vst.idx.msk $0x1, v5  }
0x198: {  	s11 =	sadd.s32 $0x20, s11;
	v10 =	vmul.bf16 v14, v12;
	v11 =	vadd.f32 v17, v11;
	v5 =	vadd.f32 v9, v15  }
0x199: {  	s23 =	sadd.s32 $0x20, s23;
	v13 =	vunpack.i.u.bf16.f32 v16;
	v4 =	vmov s6;
	s6 =	smov.u32 s13;
	s13 =	smov.u32 s7;
	v12 =	vld [tilespmem:s11+$0xFFFFFFF0];
	v9 =	vperm.xlane v6, v1  }
0x19a: {  	s7 =	smov.u32 s28;
	s28 =	smov.u32 s22;
	s22 =	sadd.s32 $0x1, s22;
	v14 =	vld [tilespmem:s23+$0xFFFFFFF0];
	v15 =	vunpack.i.l.bf16.f32 v10;
	v13 =	vadd.f32 v11, v13;
	v11 =	vperm.xlane v5, v3  }
0x19b: {  	_ =	sdelay $0x1  }
0x19c: {  	v16 =	vld [tilespmem:s11+$0x0]  }
0x19d: {  	v17 =	vld [tilespmem:s23+$0x0]  }
0x19e: {  	v12 =	vmul.bf16 v14, v12;
	_ =	sdelay $0x1  }
0x19f: {  	v39 =	vadd.f32 $0.0e+00, v15;
	v40 =	vunpack.i.l.bf16.f32 v12  }
0x1a0: {  	v7 =	vmul.bf16 v8, v7;
	v41 =	vunpack.i.u.bf16.f32 v10;
	v42 =	vadd.f32 $0.0e+00, v40  }
0x1a1: {  	v8 =	vadd.f32 v39, v41;
	v43 =	vmul.bf16 v17, v16;
	v12 =	vunpack.i.u.bf16.f32 v12  }
0x1a2: {  	v44 =	vunpack.i.l.bf16.f32 v7;
	v10 =	vadd.f32 v42, v12  }
0x1a3: {  	v8 =	vadd.f32 v44, v8;
	v45 =	vunpack.i.l.bf16.f32 v43  }
0x1a4: {  	v7 =	vunpack.i.u.bf16.f32 v7;
	v10 =	vadd.f32 v45, v10  }
0x1a5: {  	v7 =	vadd.f32 v8, v7;
	v46 =	vunpack.i.u.bf16.f32 v43  }
0x1a6: {  	v47 =	vperm.xlane v13, v0;
	v8 =	vadd.f32 v10, v46  }
0x1a7: {  	v48 =	vperm.xlane v7, v0  }
0x1a8: {  	v12 =	vadd.f32 v13, v47;
	v49 =	vperm.xlane v8, v0  }
0x1a9: {  	v7 =	vadd.f32 v7, v48  }
0x1aa: {  	v50 =	vperm.xlane v12, v1;
	v8 =	vadd.f32 v8, v49  }
0x1ab: {  	v6 =	vadd.f32 v6, v9;
	v51 =	vperm.xlane v7, v1  }
0x1ac: {  	v10 =	vadd.f32 v12, v50;
	v52 =	vperm.xlane v8, v1  }
0x1ad: {  	v53 =	vperm.xlane v6, v2;
	v7 =	vadd.f32 v7, v51  }
0x1ae: {  	v54 =	vperm.xlane v10, v2;
	v8 =	vadd.f32 v8, v52  }
0x1af: {  	v56 =	vmov s6;
	v6 =	vadd.f32 v6, v53;
	v55 =	vperm.xlane v7, v2  }
0x1b0: {  	v58 =	vmov s13;
	v9 =	vadd.f32 v10, v54;
	v57 =	vperm.xlane v8, v2  }
0x1b1: {  	v60 =	vmov s7;
	v13 =	vperm.xlane v6, v3;
	v7 =	vadd.f32 v7, v55  }
0x1b2: {  	v5 =	vadd.f32 v5, v11;
	v59 =	vperm.xlane v9, v3;
	v8 =	vadd.f32 v8, v57  }
0x1b3: {  	v62 =	vmov s28;
	v6 =	vadd.f32 v6, v13;
	v61 =	vperm.xlane v7, v3  }
0x1b4: {  	[tilespmem:v4+s1+$0x0] =	vst.idx.msk $0x1, v5;
	v4 =	vadd.f32 v9, v59;
	v5 =	vperm.xlane v8, v3  }
0x1b5: {  	[tilespmem:v56+s1+$0x0] =	vst.idx.msk $0x1, v6;
	v63 =	vadd.f32 v7, v61  }
0x1b6: {  	[tilespmem:v58+s1+$0x0] =	vst.idx.msk $0x1, v4;
	v4 =	vadd.f32 v8, v5  }
0x1b7: {  	[tilespmem:v60+s1+$0x0] =	vst.idx.msk $0x1, v63  }
0x1b8: {  	s6 =	simm.s32 $0x0;
	[tilespmem:v62+s1+$0x0] =	vst.idx.msk $0x1, v4  }
0x1b9: {  	v4 =	vld [tilespmem:s6+$0x9E20];
	_ =	sdelay $0x4  }
0x1ba: {  	v4 =	vsub.f32 $0.0e+00, v4;
	_ =	sdelay $0x1  }
0x1bb: {  	v4 =	vmul.f32 $1.442695020e+00, v4;
	_ =	sdelay $0x1  }
0x1bc: {  	(erf) = vpow2.f32 v4  }
0x1bd: {  	s7 =	simm.s32 $0x10  }
0x1be: {  	v4 =	vld [tilespmem:s7+$0x9E20];
	_ =	sdelay $0x4  }
0x1bf: {  	v4 =	vsub.f32 $0.0e+00, v4;
	_ =	sdelay $0x1  }
0x1c0: {  	v4 =	vmul.f32 $1.442695020e+00, v4;
	v5 =	vpop (erf)  }
0x1c1: {  	v5 =	vadd.f32 $1.000000000e+00, v5  }
0x1c2: {  	(erf) = vpow2.f32 v4  }
0x1c3: {  	s11 =	simm.s32 $0x20;
	s13 =	simm.s32 $0xC0;
	(erf) = vrcp.f32 v5  }
.LBB2_17:
0x1c4: {  	p1 =	sne.s32 s13, $0x100;
	v4 =	vld [tilespmem:s11+$0x9E20];
	_ =	sdelay $0x4  }
0x1c5: {  	v4 =	vsub.f32 $0.0e+00, v4  }
.Ltmp7:
0x1c6: {  	(pc) =	sbr.rel @p1 .LBB2_17-.Ltmp7, $4  }
0x1c7: {  	v4 =	vmul.f32 $1.442695020e+00, v4;
	v5 =	vpop (erf)  }
0x1c8: {  	v5 =	vadd.f32 $1.000000000e+00, v5;
	v6 =	vpop (erf)  }
0x1c9: {  	(erf) = vpow2.f32 v4;
	[tilespmem:s6+$0x9E20] =	vst v6;
	s6 =	smov.u32 s7;
	s7 =	smov.u32 s11  }
0x1ca: {  	s11 =	sshra.s32 s13, $0x2;
	s13 =	sadd.s32 $0x40, s13;
	(erf) = vrcp.f32 v5  }
0x1cb: {  	v4 =	vld [tilespmem:s11+$0x9E20];
	_ =	sdelay $0x4  }
0x1cc: {  	v4 =	vsub.f32 $0.0e+00, v4;
	_ =	sdelay $0x1  }
0x1cd: {  	v4 =	vmul.f32 $1.442695020e+00, v4;
	_ =	sdelay $0x1  }
0x1ce: {  	(erf) = vpow2.f32 v4;
	_ =	sdelay $0x6  }
0x1cf: {  	v4 =	vpop (erf)  }
0x1d0: {  	v5 =	vpop (erf)  }
0x1d1: {  	v4 =	vadd.f32 $1.000000000e+00, v4;
	v6 =	vpop (erf)  }
0x1d2: {  	v6 =	vadd.f32 $1.000000000e+00, v6  }
0x1d3: {  	(erf) = vrcp.f32 v4  }
0x1d4: {  	(erf) = vrcp.f32 v6;
	_ =	sdelay $0x7  }
0x1d5: {  	s28 =	sadd.s32 s25, s10;
	[tilespmem:s6+$0x9E20] =	vst v5;
	v4 =	vpop (erf)  }
0x1d6: {  	s6 =	sshrl.u32 s28, $0x3;
	[tilespmem:s7+$0x9E20] =	vst v4;
	v4 =	vpop (erf)  }
.Ltmp8:
0x1d7: {  	s6 =	sadd.s32 s2, s6;
	[tilespmem:s11+$0x9E20] =	vst v4;
	(pc) =	sbr.rel @p0 .LBB2_20-.Ltmp8, $4  }
0x1d8: {  	[hbm4b:s6+s3] =	stream.linear.scatter [tilespmem:s1], [sflag:$0x9], $0x50, $0x38;
	[tilespmem:$0x9E70] =	vst v63  }
0x1d9: {  	_ =	swait.ge [sflag:s12], $0x50  }
0x1da: {  	[sflag:s12] =	ssyncset.done $0x0  }
0x1db: {  	[sflag:s12] =	ssyncadd.s32 $0xFFFFFFB0  }
.Ltmp9:
0x1dc: {  	(pc) =	sbr.rel .LBB2_2-.Ltmp9, $4  }
0x1dd: {  	s6 =	sadd.s32 $0x230, s25  }
0x1de: {  	[tilespmem:s26], [sflag:$0x4] =	stream.indirect.gather [hbm4b:s5+s14], $0x20, s6, s14, $0xb8;
	[tilespmem:$0x9E70] =	vst v63  }
0x1df: {  	s28 =	sadd.s32 $0x2940, s25;
	s24 =	sadd.s32 $0x1, s24  }
0x1e0: {  	[tilespmem:s29], [sflag:$0x8] =	stream.indirect.gather [hbm4b:s5+s14], $0x20, s28, s14, $0xb8;
	[tilespmem:$0x9E70] =	vst v63  }
.LBB2_20:
0x1e1: {  	_ =	swait.ge [sflag:s30], $0xA00  }
0x1e2: {  	[sflag:s30] =	ssyncset.done $0x0  }
0x1e3: {  	[sflag:s30] =	ssyncadd.s32 $0xFFFFF600  }
0x1e4: {  	_ =	swait.ge [sflag:s31], $0xA00  }
0x1e5: {  	[sflag:s31] =	ssyncset.done $0x0  }
0x1e6: {  	s6 =	simm.s32 $0x4E30;
	[sflag:s31] =	ssyncadd.s32 $0xFFFFF600  }
0x1e7: {  	s7 =	simm.s32 $0x7630;
	v4 =	vld [tilespmem:s6+$0xFFFFFFF0]  }
0x1e8: {  	v5 =	vld [tilespmem:s7+$0xFFFFFFF0];
	_ =	sdelay $0x2  }
0x1e9: {  	v6 =	vld [tilespmem:s6+$0x0]  }
0x1ea: {  	s22 =	simm.s32 $0x7650;
	v7 =	vld [tilespmem:s7+$0x0]  }
0x1eb: {  	s13 =	simm.s32 $0x4E50;
	v8 =	vld [tilespmem:s22+$0xFFFFFFF0];
	v4 =	vmul.bf16 v5, v4  }
0x1ec: {  	v5 =	vld [tilespmem:s13+$0xFFFFFFF0]  }
0x1ed: {  	v9 =	vunpack.i.l.bf16.f32 v4  }
0x1ee: {  	v9 =	vadd.f32 $0.0e+00, v9  }
0x1ef: {  	v6 =	vmul.bf16 v7, v6;
	v7 =	vld [tilespmem:s13+$0x0];
	v4 =	vunpack.i.u.bf16.f32 v4  }
0x1f0: {  	v4 =	vadd.f32 v9, v4;
	v9 =	vld [tilespmem:s22+$0x0]  }
0x1f1: {  	s23 =	simm.s32 $0x4E70;
	v10 =	vunpack.i.l.bf16.f32 v6;
	v5 =	vmul.bf16 v8, v5  }
0x1f2: {  	s24 =	simm.s32 $0x7670;
	v8 =	vld [tilespmem:s23+$0xFFFFFFF0];
	v4 =	vadd.f32 v10, v4  }
0x1f3: {  	v6 =	vunpack.i.u.bf16.f32 v6;
	v10 =	vld [tilespmem:s24+$0xFFFFFFF0];
	v11 =	vunpack.i.l.bf16.f32 v5  }
0x1f4: {  	v4 =	vadd.f32 v4, v6;
	v6 =	vadd.f32 $0.0e+00, v11  }
0x1f5: {  	v5 =	vunpack.i.u.bf16.f32 v5;
	v11 =	vld [tilespmem:s23+$0x0];
	v7 =	vmul.bf16 v9, v7  }
0x1f6: {  	v9 =	vperm.xlane v4, v0;
	v5 =	vadd.f32 v6, v5;
	v6 =	vld [tilespmem:s24+$0x0]  }
0x1f7: {  	v12 =	vunpack.i.l.bf16.f32 v7  }
0x1f8: {  	v8 =	vmul.bf16 v10, v8;
	v4 =	vadd.f32 v4, v9;
	v5 =	vadd.f32 v12, v5  }
0x1f9: {  	s25 =	simm.s32 $0x4E90;
	v7 =	vunpack.i.u.bf16.f32 v7  }
0x1fa: {  	s28 =	simm.s32 $0x7690;
	v9 =	vld [tilespmem:s25+$0xFFFFFFF0];
	v13 =	vunpack.i.l.bf16.f32 v8;
	v10 =	vperm.xlane v4, v1;
	v5 =	vadd.f32 v5, v7  }
0x1fb: {  	v12 =	vld [tilespmem:s28+$0xFFFFFFF0];
	v7 =	vadd.f32 $0.0e+00, v13;
	v11 =	vmul.bf16 v6, v11  }
0x1fc: {  	v6 =	vunpack.i.u.bf16.f32 v8;
	v4 =	vadd.f32 v4, v10;
	v8 =	vperm.xlane v5, v0  }
0x1fd: {  	v13 =	vadd.f32 v7, v6;
	v7 =	vld [tilespmem:s25+$0x0]  }
0x1fe: {  	v14 =	vperm.xlane v4, v2;
	v6 =	vadd.f32 v5, v8;
	v8 =	vld [tilespmem:s28+$0x0]  }
0x1ff: {  	v15 =	vunpack.i.l.bf16.f32 v11  }
0x200: {  	s11 =	simm.s32 $0x4EB0;
	s22 =	simm.s32 $0x0;
	v10 =	vmul.bf16 v12, v9;
	v13 =	vadd.f32 v15, v13;
	v5 =	vadd.f32 v4, v14  }
0x201: {  	s6 =	simm.s32 $0x1;
	s7 =	simm.s32 $0x3;
	s23 =	simm.s32 $0x76B0;
	v12 =	vld [tilespmem:s11+$0xFFFFFFF0];
	v11 =	vunpack.i.u.bf16.f32 v11;
	v9 =	vperm.xlane v6, v1;
	v4 =	vmov s22  }
0x202: {  	s13 =	simm.s32 $0x2;
	s24 =	simm.s32 $0x4;
	v15 =	vunpack.i.l.bf16.f32 v10;
	v14 =	vld [tilespmem:s23+$0xFFFFFFF0];
	s22 =	simm.s32 $0x5;
	v13 =	vadd.f32 v13, v11;
	v11 =	vperm.xlane v5, v3  }
.LBB2_21:
0x203: {  	p0 =	sne.s32 s22, $0x4F;
	v15 =	vadd.f32 $0.0e+00, v15;
	v16 =	vmul.bf16 v8, v7;
	v9 =	vadd.f32 v6, v9  }
0x204: {  	v6 =	vunpack.i.u.bf16.f32 v10;
	v7 =	vld [tilespmem:s11+$0x0];
	v10 =	vperm.xlane v13, v0;
	v5 =	vadd.f32 v5, v11  }
.Ltmp10:
0x205: {  	v8 =	vld [tilespmem:s23+$0x0];
	v11 =	vadd.f32 v15, v6;
	v15 =	vperm.xlane v9, v2;
	(pc) =	sbr.rel @p0 .LBB2_21-.Ltmp10, $4  }
0x206: {  	v17 =	vunpack.i.l.bf16.f32 v16;
	v6 =	vadd.f32 v13, v10;
	[tilespmem:v4+s1+$0x0] =	vst.idx.msk $0x1, v5  }
0x207: {  	s11 =	sadd.s32 $0x20, s11;
	v10 =	vmul.bf16 v14, v12;
	v11 =	vadd.f32 v17, v11;
	v5 =	vadd.f32 v9, v15  }
0x208: {  	s23 =	sadd.s32 $0x20, s23;
	v13 =	vunpack.i.u.bf16.f32 v16;
	v4 =	vmov s6;
	s6 =	smov.u32 s13;
	s13 =	smov.u32 s7;
	v12 =	vld [tilespmem:s11+$0xFFFFFFF0];
	v9 =	vperm.xlane v6, v1  }
0x209: {  	s7 =	smov.u32 s24;
	s24 =	smov.u32 s22;
	s22 =	sadd.s32 $0x1, s22;
	v14 =	vld [tilespmem:s23+$0xFFFFFFF0];
	v15 =	vunpack.i.l.bf16.f32 v10;
	v13 =	vadd.f32 v11, v13;
	v11 =	vperm.xlane v5, v3  }
0x20a: {  	_ =	sdelay $0x1  }
0x20b: {  	v16 =	vld [tilespmem:s11+$0x0]  }
0x20c: {  	v17 =	vld [tilespmem:s23+$0x0]  }
0x20d: {  	v12 =	vmul.bf16 v14, v12;
	_ =	sdelay $0x1  }
0x20e: {  	v39 =	vadd.f32 $0.0e+00, v15;
	v40 =	vunpack.i.l.bf16.f32 v12  }
0x20f: {  	v7 =	vmul.bf16 v8, v7;
	v41 =	vunpack.i.u.bf16.f32 v10;
	v42 =	vadd.f32 $0.0e+00, v40  }
0x210: {  	v8 =	vadd.f32 v39, v41;
	v43 =	vmul.bf16 v17, v16;
	v12 =	vunpack.i.u.bf16.f32 v12  }
0x211: {  	v44 =	vunpack.i.l.bf16.f32 v7;
	v10 =	vadd.f32 v42, v12  }
0x212: {  	v8 =	vadd.f32 v44, v8;
	v45 =	vunpack.i.l.bf16.f32 v43  }
0x213: {  	v7 =	vunpack.i.u.bf16.f32 v7;
	v10 =	vadd.f32 v45, v10  }
0x214: {  	v7 =	vadd.f32 v8, v7;
	v46 =	vunpack.i.u.bf16.f32 v43  }
0x215: {  	v47 =	vperm.xlane v13, v0;
	v8 =	vadd.f32 v10, v46  }
0x216: {  	v48 =	vperm.xlane v7, v0  }
0x217: {  	v12 =	vadd.f32 v13, v47;
	v49 =	vperm.xlane v8, v0  }
0x218: {  	v7 =	vadd.f32 v7, v48  }
0x219: {  	v50 =	vperm.xlane v12, v1;
	v8 =	vadd.f32 v8, v49  }
0x21a: {  	v6 =	vadd.f32 v6, v9;
	v51 =	vperm.xlane v7, v1  }
0x21b: {  	v10 =	vadd.f32 v12, v50;
	v52 =	vperm.xlane v8, v1  }
0x21c: {  	v53 =	vperm.xlane v6, v2;
	v7 =	vadd.f32 v7, v51  }
0x21d: {  	v54 =	vperm.xlane v10, v2;
	v8 =	vadd.f32 v8, v52  }
0x21e: {  	v56 =	vmov s6;
	v6 =	vadd.f32 v6, v53;
	v55 =	vperm.xlane v7, v2  }
0x21f: {  	v58 =	vmov s13;
	v9 =	vadd.f32 v10, v54;
	v57 =	vperm.xlane v8, v2  }
0x220: {  	v60 =	vmov s7;
	v13 =	vperm.xlane v6, v3;
	v7 =	vadd.f32 v7, v55  }
0x221: {  	v5 =	vadd.f32 v5, v11;
	v59 =	vperm.xlane v9, v3;
	v8 =	vadd.f32 v8, v57  }
0x222: {  	v62 =	vmov s24;
	v6 =	vadd.f32 v6, v13;
	v61 =	vperm.xlane v7, v3  }
0x223: {  	[tilespmem:v4+s1+$0x0] =	vst.idx.msk $0x1, v5;
	v4 =	vadd.f32 v9, v59;
	v5 =	vperm.xlane v8, v3  }
0x224: {  	[tilespmem:v56+s1+$0x0] =	vst.idx.msk $0x1, v6;
	v63 =	vadd.f32 v7, v61  }
0x225: {  	[tilespmem:v58+s1+$0x0] =	vst.idx.msk $0x1, v4;
	v4 =	vadd.f32 v8, v5  }
0x226: {  	[tilespmem:v60+s1+$0x0] =	vst.idx.msk $0x1, v63  }
0x227: {  	s6 =	simm.s32 $0x0;
	[tilespmem:v62+s1+$0x0] =	vst.idx.msk $0x1, v4  }
0x228: {  	v4 =	vld [tilespmem:s6+$0x9E20];
	_ =	sdelay $0x4  }
0x229: {  	v4 =	vsub.f32 $0.0e+00, v4;
	_ =	sdelay $0x1  }
0x22a: {  	v4 =	vmul.f32 $1.442695020e+00, v4;
	_ =	sdelay $0x1  }
0x22b: {  	(erf) = vpow2.f32 v4  }
0x22c: {  	s7 =	simm.s32 $0x10  }
0x22d: {  	v4 =	vld [tilespmem:s7+$0x9E20];
	_ =	sdelay $0x4  }
0x22e: {  	v4 =	vsub.f32 $0.0e+00, v4;
	_ =	sdelay $0x1  }
0x22f: {  	v4 =	vmul.f32 $1.442695020e+00, v4;
	v5 =	vpop (erf)  }
0x230: {  	v5 =	vadd.f32 $1.000000000e+00, v5  }
0x231: {  	(erf) = vpow2.f32 v4  }
0x232: {  	s11 =	simm.s32 $0x20;
	s13 =	simm.s32 $0xC0;
	(erf) = vrcp.f32 v5  }
.LBB2_23:
0x233: {  	p0 =	sne.s32 s13, $0x100;
	v4 =	vld [tilespmem:s11+$0x9E20];
	_ =	sdelay $0x4  }
0x234: {  	v4 =	vsub.f32 $0.0e+00, v4  }
.Ltmp11:
0x235: {  	(pc) =	sbr.rel @p0 .LBB2_23-.Ltmp11, $4  }
0x236: {  	v4 =	vmul.f32 $1.442695020e+00, v4;
	v5 =	vpop (erf)  }
0x237: {  	v5 =	vadd.f32 $1.000000000e+00, v5;
	v6 =	vpop (erf)  }
0x238: {  	(erf) = vpow2.f32 v4;
	[tilespmem:s6+$0x9E20] =	vst v6;
	s6 =	smov.u32 s7;
	s7 =	smov.u32 s11  }
0x239: {  	s11 =	sshra.s32 s13, $0x2;
	s13 =	sadd.s32 $0x40, s13;
	(erf) = vrcp.f32 v5  }
0x23a: {  	v4 =	vld [tilespmem:s11+$0x9E20];
	_ =	sdelay $0x4  }
0x23b: {  	v4 =	vsub.f32 $0.0e+00, v4;
	_ =	sdelay $0x1  }
0x23c: {  	v4 =	vmul.f32 $1.442695020e+00, v4;
	_ =	sdelay $0x1  }
0x23d: {  	(erf) = vpow2.f32 v4;
	_ =	sdelay $0x6  }
0x23e: {  	v4 =	vpop (erf)  }
0x23f: {  	v5 =	vpop (erf)  }
0x240: {  	v4 =	vadd.f32 $1.000000000e+00, v4;
	v6 =	vpop (erf)  }
0x241: {  	v6 =	vadd.f32 $1.000000000e+00, v6  }
0x242: {  	(erf) = vrcp.f32 v4  }
0x243: {  	(erf) = vrcp.f32 v6;
	_ =	sdelay $0x7  }
0x244: {  	[tilespmem:s6+$0x9E20] =	vst v5;
	v4 =	vpop (erf)  }
0x245: {  	[tilespmem:s7+$0x9E20] =	vst v4;
	v4 =	vpop (erf)  }
0x246: {  	[tilespmem:s11+$0x9E20] =	vst v4  }
0x247: {  	s6 =	rddreg [dreg:$0x5]  }
0x248: {  	[hbm4b:s6+s3] =	stream.linear.scatter [tilespmem:s1], [sflag:$0x9], $0x50, $0x38;
	[tilespmem:$0x9E70] =	vst v63  }
0x249: {  	_ =	swait.ge [sflag:s12], $0x50  }
0x24a: {  	s25 =	rddreg [dreg:$0x7]  }
0x24b: {  	s28 =	rddreg [dreg:$0x6];
	s7 =	sadd.s32 $0x1, s25  }
0x24c: {  	p0 =	sne.s32 s7, s28  }
.Ltmp12:
0x24d: {  	_ = 	snop;
	(pc) =	sbr.rel @p0 .LBB2_1-.Ltmp12, $3  }
0x24e: {  	_ =	sdelay $0x1  }
0x24f: {  	[sflag:s12] =	ssyncset.done $0x0  }
0x250: {  	[sflag:s12] =	ssyncadd.s32 $0xFFFFFFB0  }
0x251: {  	_ =	sfence.sel $0x180000  }
0x252: {  	[bflag:$0x0] =	sbarrier.arrive $0xFFFF  }
0x253: {  	_ =	strace $0x90000050  }
0x254: {  	s0 =	stileid.u32;
	[bflag:$0x2] =	sbarrier.arrive $0xFFFF  }
0x255: {  	p0 =	sne.s32 s0, $0x0;
	s0 =	rddreg [dreg:$0x2]  }
0x256: {  	s0 =	sadd.s32 @!p0 $0x100000, s0  }
0x257: {  	[sflag:s0] =	ssyncadd.tile.s32 @!p0 $0x1;
	_ =	shalt  }
.Lfunc_end2:
_tile_overlayer_lowered:
.L_overlay_start_2:
0x258: {  	(tag) =	ssettag $0x2  }
0x259: {  	s0 =	rddreg [dreg:$0x0];
	s2 =	stileid.u32  }
0x25a: {  	s1 =	rddreg [dreg:$0x1];
	p0 =	sne.s32 s2, $0x0  }
0x25b: {  	s3 =	rddreg [dreg:$0x2];
	[bflag:$0x3] =	sbarrier.arrive $0xFFFF;
	s2 =	simm.s32 @!p0 $0x1C09  }
0x25c: {  	[timem:s3], [sflag:s2] =	dma.local @!p0 [hbm:s0], s1  }
0x25d: {  	s0 =	simm.s32 @!p0 $0x9  }
0x25e: {  	_ =	swait.ge @!p0 [sflag:s0], s1  }
0x25f: {  	s1 =	ssub.s32 @!p0 $0x0, s1;
	[sflag:s0] =	ssyncset.done @!p0 $0x0  }
0x260: {  	[sflag:s0] =	ssyncadd.s32 @!p0 s1  }
0x261: {  	[bflag:$0x3] =	sbarrier.arrive $0xFFFF  }
0x262: {  	_ =	shalt  }

// kernel: kernel.9.cloned.1.call-start
scs
__scs_entry_jumppad:
0x0: {  	(pc) =	sbr.rel $0x88, $3  }
0x1: {  	(tag) =	ssettag $0x0;
	lr =	simm.s32 $0x1  }
0x2: {  	[smem:$0x3F9B] =	sst lr;
	_ =	strace $0xD0000000  }
0x3: {  	_ = 	snop  }
0x4: {  	_ = 	snop  }
0x5: {  	_ = 	snop  }
0x6: {  	_ = 	snop  }
0x7: {  	_ = 	snop  }
__scs_overlays_trampoline_lowered:
0x8: {  	[smem:$0x3FAA] =	sst s0  }
0x9: {  	[smem:$0x3FAB] =	sst s1  }
0xa: {  	[smem:$0x3FAC] =	sst s2  }
0xb: {  	[smem:$0x3FAD] =	sst s3  }
0xc: {  	[smem:$0x3FAE] =	sst s4  }
0xd: {  	[smem:$0x3FAF] =	sst s5  }
0xe: {  	[smem:$0x3FB0] =	sst s6  }
0xf: {  	[smem:$0x3FB1] =	sst s7  }
0x10: {  	[smem:$0x3FB2] =	sst s8  }
0x11: {  	[smem:$0x3FB3] =	sst s9;
	s0 =	simm.s32 @!p0 $0x0  }
0x12: {  	s1 =	sld [smem:$0x3F99];
	s0 =	simm.s32 @p0 $0x1  }
0x13: {  	[smem:$0x3FB4] =	sst s0;
	s0 =	simm.s32 @!p1 $0x0  }
0x14: {  	s2 =	sld [smem:$0x3F98];
	s0 =	simm.s32 @p1 $0x1  }
0x15: {  	[smem:$0x3FB5] =	sst s0;
	s0 =	simm.s32 @!p2 $0x0  }
0x16: {  	s3 =	sld [smem:$0x3FDB];
	s0 =	simm.s32 @p2 $0x1  }
0x17: {  	s4 =	simm.s32 $0x1BF5;
	[smem:$0x3FB7] =	sst s0  }
0x18: {  	s0 =	sld [smem:$0x3F9A];
	_ =	swait.ge [sflag:s4], $0x0  }
0x19: {  	s7 =	sld [smem:$0x3F9B]  }
0x1a: {  	s8 =	sadd.s32 $0xFFFFE003, lr  }
0x1b: {  	s9 =	sadd.s32 $0xFFFFFEF7, lr;
	s5 =	simm.s32 $0xFFFFFFFF;
	p2 =	slt.u32 s8, $0xFFFFF086  }
0x1c: {  	p1 =	slt.u32 s9, $0xF7A;
	s5 =	simm.s32 @!p2 $0x0  }
0x1d: {  	s5 =	simm.s32 @p1 $0x1;
	p0 =	seq.s32 s7, s2  }
0x1e: {  	s7 =	smul.u32 @!p0 $0xF7A, s2;
	p2 =	seq.s32 @!p0 s5, $0x0  }
0x1f: {  	s9 =	smul.u32 $0xF7A, s1;
	s8 =	simm.s32 @!p0 $0x1BF5;
	p2 =	por !p2, p0  }
0x20: {  	[sflag:s8] =	ssyncset.s32 @!p0 $0xFFFFF086;
	s6 =	sadd.s32 @!p0 s3, s7;
	s7 =	simm.s32 @!p0 $0x108  }
0x21: {  	s3 =	sadd.s32 s3, s9;
	s6 =	sadd.s32 @!p0 $0x88, s6;
	s7 =	simm.s32 @p2 $0x1082  }
0x22: {  	[simem:s7], [sflag:s8] =	dma.local @!p0 [hbm:s6], $0xF7A  }
0x23: {  	s9 =	sor.u32 $0xD0000000, s2;
	s6 =	simm.s32 $0x108;
	_ =	swait.ge @!p0 [sflag:s8], $0x0  }
0x24: {  	s3 =	sadd.s32 $0x88, s3;
	s6 =	simm.s32 @!p1 $0x1082;
	[sflag:s4] =	ssyncset.s32 $0xFFFFF086  }
0x25: {  	[simem:s6], [sflag:s4] =	dma.local [hbm:s3], $0xF7A  }
0x26: {  	[smem:$0x3F9B] =	sst s1;
	(tag) =	ssettag s2;
	_ =	strace s9  }
0x27: {  	s1 =	sld [smem:$0x3FAB]  }
0x28: {  	s2 =	sld [smem:$0x3FAC]  }
0x29: {  	s4 =	sld [smem:$0x3FAE]  }
0x2a: {  	p0 =	seq.s32 s5, $0x0;
	s5 =	sld [smem:$0x3FAF]  }
0x2b: {  	s6 =	sld [smem:$0x3FB0]  }
0x2c: {  	s7 =	sld [smem:$0x3FB1]  }
0x2d: {  	s3 =	simm.s32 $0x108;
	s8 =	sld [smem:$0x3FB2]  }
0x2e: {  	s3 =	simm.s32 @!p0 $0x1082;
	s9 =	sld [smem:$0x3FB3]  }
0x2f: {  	lr =	sadd.s32 s0, s3;
	s0 =	sld [smem:$0x3FAA]  }
0x30: {  	s3 =	sld [smem:$0x3FAD]  }
0x31: {  	[smem:$0x3FB6] =	sst s10  }
0x32: {  	s10 =	sld [smem:$0x3FB4];
	_ =	sdelay $0x3  }
0x33: {  	p0 =	seq.s32 s10, $0x1;
	s10 =	sld [smem:$0x3FB6];
	_ =	sdelay $0x3  }
0x34: {  	[smem:$0x3FB6] =	sst s10  }
0x35: {  	s10 =	sld [smem:$0x3FB5];
	_ =	sdelay $0x3  }
0x36: {  	p1 =	seq.s32 s10, $0x1;
	s10 =	sld [smem:$0x3FB6];
	_ =	sdelay $0x3  }
0x37: {  	[smem:$0x3FB6] =	sst s10  }
0x38: {  	s10 =	sld [smem:$0x3FB7]  }
0x39: {  	_ = 	snop;
	(pc) =	sbr.ind lr, $3  }
0x3a: {  	_ = 	snop  }
0x3b: {  	_ = 	snop  }
0x3c: {  	p2 =	seq.s32 s10, $0x1;
	s10 =	sld [smem:$0x3FB6]  }
0x3d: {  	_ =	shalt  }
0x3e: {  	_ =	shalt  }
0x3f: {  	_ =	shalt  }
0x40: {  	_ =	shalt  }
0x41: {  	_ =	shalt  }
0x42: {  	_ =	shalt  }
0x43: {  	_ =	shalt  }
0x44: {  	_ =	shalt  }
0x45: {  	_ =	shalt  }
0x46: {  	_ =	shalt  }
0x47: {  	_ =	shalt  }
0x48: {  	_ =	shalt  }
0x49: {  	_ =	shalt  }
0x4a: {  	_ =	shalt  }
0x4b: {  	_ =	shalt  }
0x4c: {  	_ =	shalt  }
0x4d: {  	_ =	shalt  }
0x4e: {  	_ =	shalt  }
0x4f: {  	_ =	shalt  }
0x50: {  	_ =	shalt  }
0x51: {  	_ =	shalt  }
0x52: {  	_ =	shalt  }
0x53: {  	_ =	shalt  }
0x54: {  	_ =	shalt  }
0x55: {  	_ =	shalt  }
0x56: {  	_ =	shalt  }
0x57: {  	_ =	shalt  }
0x58: {  	_ =	shalt  }
0x59: {  	_ =	shalt  }
0x5a: {  	_ =	shalt  }
0x5b: {  	_ =	shalt  }
0x5c: {  	_ =	shalt  }
0x5d: {  	_ =	shalt  }
0x5e: {  	_ =	shalt  }
0x5f: {  	_ =	shalt  }
0x60: {  	_ =	shalt  }
0x61: {  	_ =	shalt  }
0x62: {  	_ =	shalt  }
0x63: {  	_ =	shalt  }
0x64: {  	_ =	shalt  }
0x65: {  	_ =	shalt  }
0x66: {  	_ =	shalt  }
0x67: {  	_ =	shalt  }
0x68: {  	_ =	shalt  }
0x69: {  	_ =	shalt  }
0x6a: {  	_ =	shalt  }
0x6b: {  	_ =	shalt  }
0x6c: {  	_ =	shalt  }
0x6d: {  	_ =	shalt  }
0x6e: {  	_ =	shalt  }
0x6f: {  	_ =	shalt  }
0x70: {  	_ =	shalt  }
0x71: {  	_ =	shalt  }
0x72: {  	_ =	shalt  }
0x73: {  	_ =	shalt  }
0x74: {  	_ =	shalt  }
0x75: {  	_ =	shalt  }
0x76: {  	_ =	shalt  }
0x77: {  	_ =	shalt  }
0x78: {  	_ =	shalt  }
0x79: {  	_ =	shalt  }
0x7a: {  	_ =	shalt  }
0x7b: {  	_ =	shalt  }
0x7c: {  	_ =	shalt  }
0x7d: {  	_ =	shalt  }
0x7e: {  	_ =	shalt  }
0x7f: {  	_ =	shalt  }
0x80: {  	_ =	shalt  }
0x81: {  	_ =	shalt  }
0x82: {  	_ =	shalt  }
0x83: {  	_ =	shalt  }
0x84: {  	_ =	shalt  }
0x85: {  	_ =	shalt  }
0x86: {  	_ =	shalt  }
0x87: {  	_ =	shalt  }
.Lfunc_end0:
.L_simem_size_0:
called_computation_lowered:
.L_overlay_start_0:
0x88: {  	s2 =	sld [smem:$0x3FD9]  }
0x89: {  	s3 =	sld [smem:$0x3FFE];
	_ =	sdelay $0x1  }
0x8a: {  	s1 =	srdreg.scid  }
0x8b: {  	s0 =	sand.u32 $0x1, s1  }
0x8c: {  	s17 =	sshll.u32 s0, $0xA;
	s2 =	sadd.s32 s3, s2  }
0x8d: {  	s2 =	sadd.s32 s2, s17  }
0x8e: {  	[smem:$0x3FC2] =	sst s2  }
0x8f: {  	_ = 	snop  }
0x90: {  	s2 =	sld [smem:$0x3FD0];
	(tm) =	ssettm $0x1  }
0x91: {  	s18 =	sld [smem:$0x3FFB];
	_ =	sdelay $0x3  }
0x92: {  	_ =	strace s18  }
0x93: {  	s3 =	sld [smem:$0x3FFC];
	_ =	sdelay $0x3  }
0x94: {  	_ =	strace s3  }
0x95: {  	s3 =	sld [smem:$0x3FFD];
	_ =	sdelay $0x3  }
0x96: {  	_ =	strace s3  }
0x97: {  	_ =	strace $0x8FFFFFFF  }
0x98: {  	s19 =	sld [smem:$0x3FDB];
	_ =	sdelay $0x1  }
0x99: {  	s4 =	simm.s32 $_scs_section_size  }
0x9a: {  	s5 =	simm.s32 $_size__tile_overlayer_lowered;
	s6 =	simm.s32 $_tile_overlayer_lowered  }
0x9b: {  	s22 =	simm.s32 $0x1BFF;
	s21 =	sshll.u32 s6, $0x1;
	s3 =	sadd.s32 s4, s19  }
0x9c: {  	s7 =	simm.s32 $0x0;
	s20 =	sshll.u32 s5, $0x1;
	s5 =	sadd.s32 s21, s3  }
0x9d: {  	[timem:s7], [sflag:s22] =	dma.local [hbm:s5], s20  }
0x9e: {  	_ =	swait.ge [sflag:s22], s20  }
0x9f: {  	s4 =	ssub.s32 $0x0, s20;
	[sflag:s22] =	ssyncset.done $0x0  }
0xa0: {  	[sflag:s22] =	ssyncadd.s32 s4;
	_ =	sdelay $0x1  }
0xa1: {  	s23 =	simm.s32 $0x1B8B  }
0xa2: {  	_ =	swait.ge [sflag:s23], $0x1  }
0xa3: {  	[sflag:s23] =	ssyncset.done $0x0  }
0xa4: {  	s25 =	simm.s32 $0x1B8E;
	s24 =	sld [smem:$0x3FFE];
	[sflag:s23] =	ssyncadd.s32 $0xFFFFFFFF  }
0xa5: {  	s26 =	simm.s32 $execute0_lowered;
	[smem:$0x3FD2] =	sst s25  }
0xa6: {  	s5 =	sshll.u32 s26, $0x1;
	_ =	strace $0x80000046;
	[dreg:$0x1] =	wrdreg $0xFFFFFFFF  }
0xa7: {  	s28 =	simm.s32 $_size_execute0_lowered;
	s3 =	sadd.s32 s3, s5;
	[dreg:$0x0] =	wrdreg $0x0  }
0xa8: {  	s5 =	sshll.u32 s28, $0x1;
	[dreg:$0x2] =	wrdreg s3  }
0xa9: {  	[dreg:$0x3] =	wrdreg s5  }
0xaa: {  	[dreg:$0x4] =	wrdreg $0xC0  }
0xab: {  	_ =	task [dreg:s7], $0x5FFFF  }
0xac: {  	[dreg:$0x1] =	wrdreg $0xFFFFFFFF  }
0xad: {  	[dreg:$0x0] =	wrdreg $0x60  }
0xae: {  	[dreg:$0x2] =	wrdreg s24  }
0xaf: {  	[dreg:$0x3] =	wrdreg s2  }
0xb0: {  	[dreg:$0x4] =	wrdreg $0x2C100  }
0xb1: {  	[dreg:$0x5] =	wrdreg $0x9  }
0xb2: {  	_ =	task.clear_ibuf [dreg:s7], $0x6FFFF;
	_ =	strace $0x90000046  }
0xb3: {  	s29 =	simm.s32 $0x9;
	_ =	strace $0x80000048  }
0xb4: {  	_ =	swait.ge [sflag:s29], $0x1  }
0xb5: {  	[sflag:s29] =	ssyncadd.s32 $0xFFFFFFFF  }
0xb6: {  	_ =	strace $0x90000048  }
0xb7: {  	_ =	sfence  }
0xb8: {  	s30 =	sld [smem:$0x0];
	_ =	sdelay $0x2  }
0xb9: {  	s31 =	sshll.u32 s1, $0xD;
	s1 =	sshrl.u32 s1, $0x2  }
0xba: {  	s3 =	sand.u32 $0x4000, s31;
	s1 =	sadd.s32 s1, s30  }
0xbb: {  	s0 =	sor.u32 s3, s0;
	s1 =	sshll.u32 s1, $0x11  }
0xbc: {  	s0 =	sor.u32 s1, s0  }
0xbd: {  	s0 =	sadd.s32 $0x8F2B, s0  }
0xbe: {  	[sflag:s0] =	ssyncadd.remote.s32 $0x1  }
0xbf: {  	_ =	sfence.sel $0xFFFF  }
0xc0: {  	[dreg:$0x0] =	wrdreg $0xFFFFFFFF;
	(pc) =	sbr.abs _section_cstart, $3  }
0xc1: {  	[dreg:$0x1] =	wrdreg $0xFFFFFFFF  }
0xc2: {  	_ =	task.clear_ibuf [dreg:s7], $0x2FFFF;
	_ =	strace $0x9FFFFFFF  }
0xc3: {  	(tm) =	ssettm $0x7FFFFFFF  }
tec
execute0_lowered:
.L_overlay_start_1:
0x0: {  	(tag) =	ssettag $0x1  }
0x1: {  	s5 =	rddreg [dreg:$0x0];
	s1 =	srdreg.scid  }
0x2: {  	s0 =	stileid.u32;
	s7 =	rddreg [dreg:$0x1]  }
0x3: {  	s2 =	rddreg [dreg:$0x2];
	s3 =	simm.s32 $0x0;
	s14 =	simm.s32 $0x1  }
0x4: {  	s15 =	simm.s32 $0x0;
	s6 =	sand.u32 $0x1, s1;
	s1 =	rddreg [dreg:$0x3]  }
0x5: {  	s28 =	sshll.u32 s0, $0x1;
	[smem:$0x7FF] =	sst s3;
	s8 =	smul.u32 $0x2710, s0  }
0x6: {  	s31 =	sshll.u32 s0, $0x6;
	s4 =	sor.u32 s6, s28;
	s10 =	smul.u32 $0x27100, s6  }
0x7: {  	_ =	strace $0x80000047;
	s6 =	ssub.s32 $0x2, s6;
	s4 =	smul.u32 $0x4E2, s4  }
0x8: {  	s11 =	sshrl.u32 s8, $0x3;
	s29 =	sshrl.u32 s6, $0x1;
	s13 =	sadd.s32 s8, s2  }
0x9: {  	s11 =	sadd.s32 s11, s5;
	s10 =	sadd.s32 s8, s10;
	s12 =	ssub.s32 s6, s29  }
0xa: {  	s9 =	sadd.s32 s4, s5;
	s4 =	sadd.s32 $0x1B000, s5;
	s30 =	sshrl.u32 s10, $0x3  }
0xb: {  	s6 =	sadd.s32 $0x16000, s11;
	s8 =	smax.u32 s12, $0x1;
	s10 =	simm.s32 $0x2710  }
0xc: {  	s11 =	sor.u32 $0x1C02, s31;
	s12 =	sshrl.u32 s13, $0x3;
	s13 =	simm.s32 $0x50  }
0xd: {  	s5 =	sadd.s32 $0xC200, s9;
	s7 =	sadd.s32 s7, s30;
	s9 =	simm.s32 $0x2  }
.LBB2_1:
0xe: {  	[tilespmem:s3], [sflag:$0x2] =	stream.linear.gather [hbm4b:s5+s3], $0x2710, $0x38;
	[tilespmem:$0x5320] =	vst v63  }
0xf: {  	_ =	swait.ge [sflag:s9], $0x2710  }
0x10: {  	[sflag:s9] =	ssyncset.done $0x0  }
0x11: {  	[sflag:s9] =	ssyncadd.s32 $0xFFFFD8F0  }
0x12: {  	[tilespmem:s10], [sflag:$0x2] =	stream.linear.gather [hbm4b:s4+s3], $0x500, $0x38;
	[tilespmem:$0x5320] =	vst v63  }
0x13: {  	_ =	swait.ge [sflag:s9], $0x500  }
0x14: {  	[sflag:s9] =	ssyncset.done $0x0  }
0x15: {  	[sflag:s9] =	ssyncadd.s32 $0xFFFFFB00  }
0x16: {  	[spmem:s12], [sflag:s11] =	dma.local [hbm:s6], $0x4E2  }
0x17: {  	_ =	swait.ge [sflag:s9], $0x4E2  }
0x18: {  	[sflag:s9] =	ssyncset.done $0x0  }
0x19: {  	[sflag:s9] =	ssyncadd.s32 $0xFFFFFB1E  }
0x1a: {  	s16 =	simm.s32 $0x0;
	[bflag:$0x0] =	sbarrier.arrive $0xFFFF  }
0x1b: {  	[spmem:s2] =	stream.indirect.scatter.add.f32 [tilespmem:s10], [sflag:$0x1], $0x10, s16, s13, $0xb8;
	[tilespmem:$0x5320] =	vst v63  }
0x1c: {  	s21 =	simm.s32 $0x50  }
0x1d: {  	[spmem:s2] =	stream.indirect.scatter.add.f32 [tilespmem:s10], [sflag:$0x1], $0x10, s21, s13, $0xb8;
	[tilespmem:$0x5320] =	vst v63  }
0x1e: {  	s22 =	simm.s32 $0xA0  }
0x1f: {  	[spmem:s2] =	stream.indirect.scatter.add.f32 [tilespmem:s10], [sflag:$0x1], $0x10, s22, s13, $0xb8;
	[tilespmem:$0x5320] =	vst v63  }
0x20: {  	s23 =	simm.s32 $0xF0  }
0x21: {  	[spmem:s2] =	stream.indirect.scatter.add.f32 [tilespmem:s10], [sflag:$0x1], $0x10, s23, s13, $0xb8;
	[tilespmem:$0x5320] =	vst v63  }
0x22: {  	s24 =	simm.s32 $0x140  }
0x23: {  	[spmem:s2] =	stream.indirect.scatter.add.f32 [tilespmem:s10], [sflag:$0x1], $0x10, s24, s13, $0xb8;
	[tilespmem:$0x5320] =	vst v63  }
0x24: {  	s25 =	simm.s32 $0x190  }
0x25: {  	[spmem:s2] =	stream.indirect.scatter.add.f32 [tilespmem:s10], [sflag:$0x1], $0x10, s25, s13, $0xb8;
	[tilespmem:$0x5320] =	vst v63  }
0x26: {  	s26 =	simm.s32 $0x1E0  }
0x27: {  	[spmem:s2] =	stream.indirect.scatter.add.f32 [tilespmem:s10], [sflag:$0x1], $0x10, s26, s13, $0xb8;
	[tilespmem:$0x5320] =	vst v63  }
0x28: {  	s28 =	simm.s32 $0x230  }
0x29: {  	[spmem:s2] =	stream.indirect.scatter.add.f32 [tilespmem:s10], [sflag:$0x1], $0x10, s28, s13, $0xb8;
	[tilespmem:$0x5320] =	vst v63  }
0x2a: {  	s29 =	simm.s32 $0x280  }
0x2b: {  	[spmem:s2] =	stream.indirect.scatter.add.f32 [tilespmem:s10], [sflag:$0x1], $0x10, s29, s13, $0xb8;
	[tilespmem:$0x5320] =	vst v63  }
0x2c: {  	s30 =	simm.s32 $0x2D0  }
0x2d: {  	[spmem:s2] =	stream.indirect.scatter.add.f32 [tilespmem:s10], [sflag:$0x1], $0x10, s30, s13, $0xb8;
	[tilespmem:$0x5320] =	vst v63  }
0x2e: {  	s31 =	simm.s32 $0x320  }
0x2f: {  	[spmem:s2] =	stream.indirect.scatter.add.f32 [tilespmem:s10], [sflag:$0x1], $0x10, s31, s13, $0xb8;
	[tilespmem:$0x5320] =	vst v63  }
0x30: {  	s17 =	simm.s32 $0x370  }
0x31: {  	[spmem:s2] =	stream.indirect.scatter.add.f32 [tilespmem:s10], [sflag:$0x1], $0x10, s17, s13, $0xb8;
	[tilespmem:$0x5320] =	vst v63  }
0x32: {  	s18 =	simm.s32 $0x3C0  }
0x33: {  	[spmem:s2] =	stream.indirect.scatter.add.f32 [tilespmem:s10], [sflag:$0x1], $0x10, s18, s13, $0xb8;
	[tilespmem:$0x5320] =	vst v63  }
0x34: {  	s19 =	simm.s32 $0x410  }
0x35: {  	[spmem:s2] =	stream.indirect.scatter.add.f32 [tilespmem:s10], [sflag:$0x1], $0x10, s19, s13, $0xb8;
	[tilespmem:$0x5320] =	vst v63  }
0x36: {  	s20 =	simm.s32 $0x460  }
0x37: {  	[spmem:s2] =	stream.indirect.scatter.add.f32 [tilespmem:s10], [sflag:$0x1], $0x10, s20, s13, $0xb8;
	[tilespmem:$0x5320] =	vst v63  }
0x38: {  	s21 =	simm.s32 $0x4B0  }
0x39: {  	[spmem:s2] =	stream.indirect.scatter.add.f32 [tilespmem:s10], [sflag:$0x1], $0x10, s21, s13, $0xb8;
	[tilespmem:$0x5320] =	vst v63  }
0x3a: {  	s22 =	simm.s32 $0x500  }
0x3b: {  	[spmem:s2] =	stream.indirect.scatter.add.f32 [tilespmem:s10], [sflag:$0x1], $0x10, s22, s13, $0xb8;
	[tilespmem:$0x5320] =	vst v63  }
0x3c: {  	s23 =	simm.s32 $0x550  }
0x3d: {  	[spmem:s2] =	stream.indirect.scatter.add.f32 [tilespmem:s10], [sflag:$0x1], $0x10, s23, s13, $0xb8;
	[tilespmem:$0x5320] =	vst v63  }
0x3e: {  	s24 =	simm.s32 $0x5A0  }
0x3f: {  	[spmem:s2] =	stream.indirect.scatter.add.f32 [tilespmem:s10], [sflag:$0x1], $0x10, s24, s13, $0xb8;
	[tilespmem:$0x5320] =	vst v63  }
0x40: {  	s25 =	simm.s32 $0x5F0  }
0x41: {  	[spmem:s2] =	stream.indirect.scatter.add.f32 [tilespmem:s10], [sflag:$0x1], $0x10, s25, s13, $0xb8;
	[tilespmem:$0x5320] =	vst v63  }
0x42: {  	s26 =	simm.s32 $0x640  }
0x43: {  	[spmem:s2] =	stream.indirect.scatter.add.f32 [tilespmem:s10], [sflag:$0x1], $0x10, s26, s13, $0xb8;
	[tilespmem:$0x5320] =	vst v63  }
0x44: {  	s28 =	simm.s32 $0x690  }
0x45: {  	[spmem:s2] =	stream.indirect.scatter.add.f32 [tilespmem:s10], [sflag:$0x1], $0x10, s28, s13, $0xb8;
	[tilespmem:$0x5320] =	vst v63  }
0x46: {  	s29 =	simm.s32 $0x6E0  }
0x47: {  	[spmem:s2] =	stream.indirect.scatter.add.f32 [tilespmem:s10], [sflag:$0x1], $0x10, s29, s13, $0xb8;
	[tilespmem:$0x5320] =	vst v63  }
0x48: {  	s30 =	simm.s32 $0x730  }
0x49: {  	[spmem:s2] =	stream.indirect.scatter.add.f32 [tilespmem:s10], [sflag:$0x1], $0x10, s30, s13, $0xb8;
	[tilespmem:$0x5320] =	vst v63  }
0x4a: {  	s31 =	simm.s32 $0x780  }
0x4b: {  	[spmem:s2] =	stream.indirect.scatter.add.f32 [tilespmem:s10], [sflag:$0x1], $0x10, s31, s13, $0xb8;
	[tilespmem:$0x5320] =	vst v63  }
0x4c: {  	_ =	swait.ge [sflag:s14], $0x500  }
0x4d: {  	[sflag:s14] =	ssyncset.done $0x0  }
0x4e: {  	[sflag:s14] =	ssyncadd.s32 $0xFFFFFB00  }
0x4f: {  	_ =	swait.ge [sflag:s14], $0x500  }
0x50: {  	[sflag:s14] =	ssyncset.done $0x0  }
0x51: {  	[sflag:s14] =	ssyncadd.s32 $0xFFFFFB00  }
0x52: {  	_ =	swait.ge [sflag:s14], $0x500  }
0x53: {  	[sflag:s14] =	ssyncset.done $0x0  }
0x54: {  	[sflag:s14] =	ssyncadd.s32 $0xFFFFFB00  }
0x55: {  	_ =	swait.ge [sflag:s14], $0x500  }
0x56: {  	[sflag:s14] =	ssyncset.done $0x0  }
0x57: {  	[sflag:s14] =	ssyncadd.s32 $0xFFFFFB00  }
0x58: {  	_ =	swait.ge [sflag:s14], $0x500  }
0x59: {  	[sflag:s14] =	ssyncset.done $0x0  }
0x5a: {  	[sflag:s14] =	ssyncadd.s32 $0xFFFFFB00  }
0x5b: {  	_ =	swait.ge [sflag:s14], $0x500  }
0x5c: {  	[sflag:s14] =	ssyncset.done $0x0  }
0x5d: {  	[sflag:s14] =	ssyncadd.s32 $0xFFFFFB00  }
0x5e: {  	_ =	swait.ge [sflag:s14], $0x500  }
0x5f: {  	[sflag:s14] =	ssyncset.done $0x0  }
0x60: {  	[sflag:s14] =	ssyncadd.s32 $0xFFFFFB00  }
0x61: {  	_ =	swait.ge [sflag:s14], $0x500  }
0x62: {  	[sflag:s14] =	ssyncset.done $0x0  }
0x63: {  	[sflag:s14] =	ssyncadd.s32 $0xFFFFFB00  }
0x64: {  	_ =	swait.ge [sflag:s14], $0x500  }
0x65: {  	[sflag:s14] =	ssyncset.done $0x0  }
0x66: {  	[sflag:s14] =	ssyncadd.s32 $0xFFFFFB00  }
0x67: {  	_ =	swait.ge [sflag:s14], $0x500  }
0x68: {  	[sflag:s14] =	ssyncset.done $0x0  }
0x69: {  	[sflag:s14] =	ssyncadd.s32 $0xFFFFFB00  }
0x6a: {  	_ =	swait.ge [sflag:s14], $0x500  }
0x6b: {  	[sflag:s14] =	ssyncset.done $0x0  }
0x6c: {  	[sflag:s14] =	ssyncadd.s32 $0xFFFFFB00  }
0x6d: {  	_ =	swait.ge [sflag:s14], $0x500  }
0x6e: {  	[sflag:s14] =	ssyncset.done $0x0  }
0x6f: {  	[sflag:s14] =	ssyncadd.s32 $0xFFFFFB00  }
0x70: {  	_ =	swait.ge [sflag:s14], $0x500  }
0x71: {  	[sflag:s14] =	ssyncset.done $0x0  }
0x72: {  	[sflag:s14] =	ssyncadd.s32 $0xFFFFFB00  }
0x73: {  	_ =	swait.ge [sflag:s14], $0x500  }
0x74: {  	[sflag:s14] =	ssyncset.done $0x0  }
0x75: {  	[sflag:s14] =	ssyncadd.s32 $0xFFFFFB00  }
0x76: {  	_ =	swait.ge [sflag:s14], $0x500  }
0x77: {  	[sflag:s14] =	ssyncset.done $0x0  }
0x78: {  	[sflag:s14] =	ssyncadd.s32 $0xFFFFFB00  }
0x79: {  	_ =	swait.ge [sflag:s14], $0x500  }
0x7a: {  	[sflag:s14] =	ssyncset.done $0x0  }
0x7b: {  	[sflag:s14] =	ssyncadd.s32 $0xFFFFFB00  }
0x7c: {  	_ =	swait.ge [sflag:s14], $0x500  }
0x7d: {  	[sflag:s14] =	ssyncset.done $0x0  }
0x7e: {  	[sflag:s14] =	ssyncadd.s32 $0xFFFFFB00  }
0x7f: {  	_ =	swait.ge [sflag:s14], $0x500  }
0x80: {  	[sflag:s14] =	ssyncset.done $0x0  }
0x81: {  	[sflag:s14] =	ssyncadd.s32 $0xFFFFFB00  }
0x82: {  	_ =	swait.ge [sflag:s14], $0x500  }
0x83: {  	[sflag:s14] =	ssyncset.done $0x0  }
0x84: {  	[sflag:s14] =	ssyncadd.s32 $0xFFFFFB00  }
0x85: {  	_ =	swait.ge [sflag:s14], $0x500  }
0x86: {  	[sflag:s14] =	ssyncset.done $0x0  }
0x87: {  	[sflag:s14] =	ssyncadd.s32 $0xFFFFFB00  }
0x88: {  	_ =	swait.ge [sflag:s14], $0x500  }
0x89: {  	[sflag:s14] =	ssyncset.done $0x0  }
0x8a: {  	[sflag:s14] =	ssyncadd.s32 $0xFFFFFB00  }
0x8b: {  	_ =	swait.ge [sflag:s14], $0x500  }
0x8c: {  	[sflag:s14] =	ssyncset.done $0x0  }
0x8d: {  	[sflag:s14] =	ssyncadd.s32 $0xFFFFFB00  }
0x8e: {  	_ =	swait.ge [sflag:s14], $0x500  }
0x8f: {  	[sflag:s14] =	ssyncset.done $0x0  }
0x90: {  	[sflag:s14] =	ssyncadd.s32 $0xFFFFFB00  }
0x91: {  	_ =	swait.ge [sflag:s14], $0x500  }
0x92: {  	[sflag:s14] =	ssyncset.done $0x0  }
0x93: {  	[sflag:s14] =	ssyncadd.s32 $0xFFFFFB00  }
0x94: {  	_ =	swait.ge [sflag:s14], $0x500  }
0x95: {  	s16 =	simm.s32 $0x1F40;
	s19 =	simm.s32 $0x3E80;
	[sflag:s14] =	ssyncset.done $0x0  }
.LBB2_2:
0x96: {  	s18 =	sshra.s32 s16, $0x2  }
0x97: {  	[sflag:s14] =	ssyncadd.s32 $0xFFFFFB00;
	s16 =	smov.u32 s19;
	s17 =	sadd.s32 $0x1F40, s19  }
0x98: {  	[spmem:s2] =	stream.indirect.scatter.add.f32 [tilespmem:s10], [sflag:$0x1], $0x10, s18, s13, $0xb8;
	[tilespmem:$0x5320] =	vst v63  }
0x99: {  	p0 =	sne.s32 s19, $0x7D00;
	s19 =	sadd.s32 $0x50, s18  }
0x9a: {  	[spmem:s2] =	stream.indirect.scatter.add.f32 [tilespmem:s10], [sflag:$0x1], $0x10, s19, s13, $0xb8;
	[tilespmem:$0x5320] =	vst v63  }
0x9b: {  	s19 =	sadd.s32 $0xA0, s18  }
0x9c: {  	[spmem:s2] =	stream.indirect.scatter.add.f32 [tilespmem:s10], [sflag:$0x1], $0x10, s19, s13, $0xb8;
	[tilespmem:$0x5320] =	vst v63  }
0x9d: {  	s19 =	sadd.s32 $0xF0, s18  }
0x9e: {  	[spmem:s2] =	stream.indirect.scatter.add.f32 [tilespmem:s10], [sflag:$0x1], $0x10, s19, s13, $0xb8;
	[tilespmem:$0x5320] =	vst v63  }
0x9f: {  	s19 =	sadd.s32 $0x140, s18  }
0xa0: {  	[spmem:s2] =	stream.indirect.scatter.add.f32 [tilespmem:s10], [sflag:$0x1], $0x10, s19, s13, $0xb8;
	[tilespmem:$0x5320] =	vst v63  }
0xa1: {  	s19 =	sadd.s32 $0x190, s18  }
0xa2: {  	[spmem:s2] =	stream.indirect.scatter.add.f32 [tilespmem:s10], [sflag:$0x1], $0x10, s19, s13, $0xb8;
	[tilespmem:$0x5320] =	vst v63  }
0xa3: {  	s19 =	sadd.s32 $0x1E0, s18  }
0xa4: {  	[spmem:s2] =	stream.indirect.scatter.add.f32 [tilespmem:s10], [sflag:$0x1], $0x10, s19, s13, $0xb8;
	[tilespmem:$0x5320] =	vst v63  }
0xa5: {  	s19 =	sadd.s32 $0x230, s18  }
0xa6: {  	[spmem:s2] =	stream.indirect.scatter.add.f32 [tilespmem:s10], [sflag:$0x1], $0x10, s19, s13, $0xb8;
	[tilespmem:$0x5320] =	vst v63  }
0xa7: {  	s19 =	sadd.s32 $0x280, s18  }
0xa8: {  	[spmem:s2] =	stream.indirect.scatter.add.f32 [tilespmem:s10], [sflag:$0x1], $0x10, s19, s13, $0xb8;
	[tilespmem:$0x5320] =	vst v63  }
0xa9: {  	s19 =	sadd.s32 $0x2D0, s18  }
0xaa: {  	[spmem:s2] =	stream.indirect.scatter.add.f32 [tilespmem:s10], [sflag:$0x1], $0x10, s19, s13, $0xb8;
	[tilespmem:$0x5320] =	vst v63  }
0xab: {  	s19 =	sadd.s32 $0x320, s18  }
0xac: {  	[spmem:s2] =	stream.indirect.scatter.add.f32 [tilespmem:s10], [sflag:$0x1], $0x10, s19, s13, $0xb8;
	[tilespmem:$0x5320] =	vst v63  }
0xad: {  	s19 =	sadd.s32 $0x370, s18  }
0xae: {  	[spmem:s2] =	stream.indirect.scatter.add.f32 [tilespmem:s10], [sflag:$0x1], $0x10, s19, s13, $0xb8;
	[tilespmem:$0x5320] =	vst v63  }
0xaf: {  	s19 =	sadd.s32 $0x3C0, s18  }
0xb0: {  	[spmem:s2] =	stream.indirect.scatter.add.f32 [tilespmem:s10], [sflag:$0x1], $0x10, s19, s13, $0xb8;
	[tilespmem:$0x5320] =	vst v63  }
0xb1: {  	s19 =	sadd.s32 $0x410, s18  }
0xb2: {  	[spmem:s2] =	stream.indirect.scatter.add.f32 [tilespmem:s10], [sflag:$0x1], $0x10, s19, s13, $0xb8;
	[tilespmem:$0x5320] =	vst v63  }
0xb3: {  	s19 =	sadd.s32 $0x460, s18  }
0xb4: {  	[spmem:s2] =	stream.indirect.scatter.add.f32 [tilespmem:s10], [sflag:$0x1], $0x10, s19, s13, $0xb8;
	[tilespmem:$0x5320] =	vst v63  }
0xb5: {  	s19 =	sadd.s32 $0x4B0, s18  }
0xb6: {  	[spmem:s2] =	stream.indirect.scatter.add.f32 [tilespmem:s10], [sflag:$0x1], $0x10, s19, s13, $0xb8;
	[tilespmem:$0x5320] =	vst v63  }
0xb7: {  	s19 =	sadd.s32 $0x500, s18  }
0xb8: {  	[spmem:s2] =	stream.indirect.scatter.add.f32 [tilespmem:s10], [sflag:$0x1], $0x10, s19, s13, $0xb8;
	[tilespmem:$0x5320] =	vst v63  }
0xb9: {  	s19 =	sadd.s32 $0x550, s18  }
0xba: {  	[spmem:s2] =	stream.indirect.scatter.add.f32 [tilespmem:s10], [sflag:$0x1], $0x10, s19, s13, $0xb8;
	[tilespmem:$0x5320] =	vst v63  }
0xbb: {  	s19 =	sadd.s32 $0x5A0, s18  }
0xbc: {  	[spmem:s2] =	stream.indirect.scatter.add.f32 [tilespmem:s10], [sflag:$0x1], $0x10, s19, s13, $0xb8;
	[tilespmem:$0x5320] =	vst v63  }
0xbd: {  	s19 =	sadd.s32 $0x5F0, s18  }
0xbe: {  	[spmem:s2] =	stream.indirect.scatter.add.f32 [tilespmem:s10], [sflag:$0x1], $0x10, s19, s13, $0xb8;
	[tilespmem:$0x5320] =	vst v63  }
0xbf: {  	s19 =	sadd.s32 $0x640, s18  }
0xc0: {  	[spmem:s2] =	stream.indirect.scatter.add.f32 [tilespmem:s10], [sflag:$0x1], $0x10, s19, s13, $0xb8;
	[tilespmem:$0x5320] =	vst v63  }
0xc1: {  	s19 =	sadd.s32 $0x690, s18  }
0xc2: {  	[spmem:s2] =	stream.indirect.scatter.add.f32 [tilespmem:s10], [sflag:$0x1], $0x10, s19, s13, $0xb8;
	[tilespmem:$0x5320] =	vst v63  }
0xc3: {  	s19 =	sadd.s32 $0x6E0, s18  }
0xc4: {  	[spmem:s2] =	stream.indirect.scatter.add.f32 [tilespmem:s10], [sflag:$0x1], $0x10, s19, s13, $0xb8;
	[tilespmem:$0x5320] =	vst v63  }
0xc5: {  	s19 =	sadd.s32 $0x730, s18  }
0xc6: {  	[spmem:s2] =	stream.indirect.scatter.add.f32 [tilespmem:s10], [sflag:$0x1], $0x10, s19, s13, $0xb8;
	[tilespmem:$0x5320] =	vst v63  }
0xc7: {  	s18 =	sadd.s32 $0x780, s18  }
0xc8: {  	[spmem:s2] =	stream.indirect.scatter.add.f32 [tilespmem:s10], [sflag:$0x1], $0x10, s18, s13, $0xb8;
	[tilespmem:$0x5320] =	vst v63  }
0xc9: {  	_ =	swait.ge [sflag:s14], $0x500  }
0xca: {  	[sflag:s14] =	ssyncset.done $0x0  }
0xcb: {  	[sflag:s14] =	ssyncadd.s32 $0xFFFFFB00  }
0xcc: {  	_ =	swait.ge [sflag:s14], $0x500  }
0xcd: {  	[sflag:s14] =	ssyncset.done $0x0  }
0xce: {  	[sflag:s14] =	ssyncadd.s32 $0xFFFFFB00  }
0xcf: {  	_ =	swait.ge [sflag:s14], $0x500  }
0xd0: {  	[sflag:s14] =	ssyncset.done $0x0  }
0xd1: {  	[sflag:s14] =	ssyncadd.s32 $0xFFFFFB00  }
0xd2: {  	_ =	swait.ge [sflag:s14], $0x500  }
0xd3: {  	[sflag:s14] =	ssyncset.done $0x0  }
0xd4: {  	[sflag:s14] =	ssyncadd.s32 $0xFFFFFB00  }
0xd5: {  	_ =	swait.ge [sflag:s14], $0x500  }
0xd6: {  	[sflag:s14] =	ssyncset.done $0x0  }
0xd7: {  	[sflag:s14] =	ssyncadd.s32 $0xFFFFFB00  }
0xd8: {  	_ =	swait.ge [sflag:s14], $0x500  }
0xd9: {  	[sflag:s14] =	ssyncset.done $0x0  }
0xda: {  	[sflag:s14] =	ssyncadd.s32 $0xFFFFFB00  }
0xdb: {  	_ =	swait.ge [sflag:s14], $0x500  }
0xdc: {  	[sflag:s14] =	ssyncset.done $0x0  }
0xdd: {  	[sflag:s14] =	ssyncadd.s32 $0xFFFFFB00  }
0xde: {  	_ =	swait.ge [sflag:s14], $0x500  }
0xdf: {  	[sflag:s14] =	ssyncset.done $0x0  }
0xe0: {  	[sflag:s14] =	ssyncadd.s32 $0xFFFFFB00  }
0xe1: {  	_ =	swait.ge [sflag:s14], $0x500  }
0xe2: {  	[sflag:s14] =	ssyncset.done $0x0  }
0xe3: {  	[sflag:s14] =	ssyncadd.s32 $0xFFFFFB00  }
0xe4: {  	_ =	swait.ge [sflag:s14], $0x500  }
0xe5: {  	[sflag:s14] =	ssyncset.done $0x0  }
0xe6: {  	[sflag:s14] =	ssyncadd.s32 $0xFFFFFB00  }
0xe7: {  	_ =	swait.ge [sflag:s14], $0x500  }
0xe8: {  	[sflag:s14] =	ssyncset.done $0x0  }
0xe9: {  	[sflag:s14] =	ssyncadd.s32 $0xFFFFFB00  }
0xea: {  	_ =	swait.ge [sflag:s14], $0x500  }
0xeb: {  	[sflag:s14] =	ssyncset.done $0x0  }
0xec: {  	[sflag:s14] =	ssyncadd.s32 $0xFFFFFB00  }
0xed: {  	_ =	swait.ge [sflag:s14], $0x500  }
0xee: {  	[sflag:s14] =	ssyncset.done $0x0  }
0xef: {  	[sflag:s14] =	ssyncadd.s32 $0xFFFFFB00  }
0xf0: {  	_ =	swait.ge [sflag:s14], $0x500  }
0xf1: {  	[sflag:s14] =	ssyncset.done $0x0  }
0xf2: {  	[sflag:s14] =	ssyncadd.s32 $0xFFFFFB00  }
0xf3: {  	_ =	swait.ge [sflag:s14], $0x500  }
0xf4: {  	[sflag:s14] =	ssyncset.done $0x0  }
0xf5: {  	[sflag:s14] =	ssyncadd.s32 $0xFFFFFB00  }
0xf6: {  	_ =	swait.ge [sflag:s14], $0x500  }
0xf7: {  	[sflag:s14] =	ssyncset.done $0x0  }
0xf8: {  	[sflag:s14] =	ssyncadd.s32 $0xFFFFFB00  }
0xf9: {  	_ =	swait.ge [sflag:s14], $0x500  }
0xfa: {  	[sflag:s14] =	ssyncset.done $0x0  }
0xfb: {  	[sflag:s14] =	ssyncadd.s32 $0xFFFFFB00  }
0xfc: {  	_ =	swait.ge [sflag:s14], $0x500  }
0xfd: {  	[sflag:s14] =	ssyncset.done $0x0  }
0xfe: {  	[sflag:s14] =	ssyncadd.s32 $0xFFFFFB00  }
0xff: {  	_ =	swait.ge [sflag:s14], $0x500  }
0x100: {  	[sflag:s14] =	ssyncset.done $0x0  }
0x101: {  	[sflag:s14] =	ssyncadd.s32 $0xFFFFFB00  }
0x102: {  	_ =	swait.ge [sflag:s14], $0x500  }
0x103: {  	[sflag:s14] =	ssyncset.done $0x0  }
0x104: {  	[sflag:s14] =	ssyncadd.s32 $0xFFFFFB00  }
0x105: {  	_ =	swait.ge [sflag:s14], $0x500  }
0x106: {  	[sflag:s14] =	ssyncset.done $0x0  }
0x107: {  	[sflag:s14] =	ssyncadd.s32 $0xFFFFFB00  }
0x108: {  	_ =	swait.ge [sflag:s14], $0x500  }
0x109: {  	[sflag:s14] =	ssyncset.done $0x0  }
0x10a: {  	[sflag:s14] =	ssyncadd.s32 $0xFFFFFB00  }
0x10b: {  	_ =	swait.ge [sflag:s14], $0x500  }
0x10c: {  	[sflag:s14] =	ssyncset.done $0x0  }
0x10d: {  	[sflag:s14] =	ssyncadd.s32 $0xFFFFFB00  }
.Ltmp0:
0x10e: {  	_ =	swait.ge [sflag:s14], $0x500;
	(pc) =	sbr.rel @p0 .LBB2_2-.Ltmp0, $4  }
0x10f: {  	[sflag:s14] =	ssyncset.done $0x0  }
0x110: {  	[sflag:s14] =	ssyncadd.s32 $0xFFFFFB00  }
0x111: {  	_ =	swait.ge [sflag:s14], $0x500  }
0x112: {  	s19 =	smov.u32 s17;
	[sflag:s14] =	ssyncset.done $0x0  }
0x113: {  	s16 =	sshra.s32 s16, $0x2;
	[sflag:s14] =	ssyncadd.s32 $0xFFFFFB00  }
0x114: {  	[spmem:s2] =	stream.indirect.scatter.add.f32 [tilespmem:s10], [sflag:$0x1], $0x10, s16, s13, $0xb8;
	[tilespmem:$0x5320] =	vst v63  }
0x115: {  	s17 =	sadd.s32 $0x50, s16  }
0x116: {  	[spmem:s2] =	stream.indirect.scatter.add.f32 [tilespmem:s10], [sflag:$0x1], $0x10, s17, s13, $0xb8;
	[tilespmem:$0x5320] =	vst v63  }
0x117: {  	s22 =	sadd.s32 $0xA0, s16  }
0x118: {  	[spmem:s2] =	stream.indirect.scatter.add.f32 [tilespmem:s10], [sflag:$0x1], $0x10, s22, s13, $0xb8;
	[tilespmem:$0x5320] =	vst v63  }
0x119: {  	s23 =	sadd.s32 $0xF0, s16  }
0x11a: {  	[spmem:s2] =	stream.indirect.scatter.add.f32 [tilespmem:s10], [sflag:$0x1], $0x10, s23, s13, $0xb8;
	[tilespmem:$0x5320] =	vst v63  }
0x11b: {  	s24 =	sadd.s32 $0x140, s16  }
0x11c: {  	[spmem:s2] =	stream.indirect.scatter.add.f32 [tilespmem:s10], [sflag:$0x1], $0x10, s24, s13, $0xb8;
	[tilespmem:$0x5320] =	vst v63  }
0x11d: {  	s25 =	sadd.s32 $0x190, s16  }
0x11e: {  	[spmem:s2] =	stream.indirect.scatter.add.f32 [tilespmem:s10], [sflag:$0x1], $0x10, s25, s13, $0xb8;
	[tilespmem:$0x5320] =	vst v63  }
0x11f: {  	s26 =	sadd.s32 $0x1E0, s16  }
0x120: {  	[spmem:s2] =	stream.indirect.scatter.add.f32 [tilespmem:s10], [sflag:$0x1], $0x10, s26, s13, $0xb8;
	[tilespmem:$0x5320] =	vst v63  }
0x121: {  	s28 =	sadd.s32 $0x230, s16  }
0x122: {  	[spmem:s2] =	stream.indirect.scatter.add.f32 [tilespmem:s10], [sflag:$0x1], $0x10, s28, s13, $0xb8;
	[tilespmem:$0x5320] =	vst v63  }
0x123: {  	s29 =	sadd.s32 $0x280, s16  }
0x124: {  	[spmem:s2] =	stream.indirect.scatter.add.f32 [tilespmem:s10], [sflag:$0x1], $0x10, s29, s13, $0xb8;
	[tilespmem:$0x5320] =	vst v63  }
0x125: {  	s30 =	sadd.s32 $0x2D0, s16  }
0x126: {  	[spmem:s2] =	stream.indirect.scatter.add.f32 [tilespmem:s10], [sflag:$0x1], $0x10, s30, s13, $0xb8;
	[tilespmem:$0x5320] =	vst v63  }
0x127: {  	s31 =	sadd.s32 $0x320, s16  }
0x128: {  	[spmem:s2] =	stream.indirect.scatter.add.f32 [tilespmem:s10], [sflag:$0x1], $0x10, s31, s13, $0xb8;
	[tilespmem:$0x5320] =	vst v63  }
0x129: {  	s18 =	sadd.s32 $0x370, s16  }
0x12a: {  	[spmem:s2] =	stream.indirect.scatter.add.f32 [tilespmem:s10], [sflag:$0x1], $0x10, s18, s13, $0xb8;
	[tilespmem:$0x5320] =	vst v63  }
0x12b: {  	s19 =	sadd.s32 $0x3C0, s16  }
0x12c: {  	[spmem:s2] =	stream.indirect.scatter.add.f32 [tilespmem:s10], [sflag:$0x1], $0x10, s19, s13, $0xb8;
	[tilespmem:$0x5320] =	vst v63  }
0x12d: {  	s20 =	sadd.s32 $0x410, s16  }
0x12e: {  	[spmem:s2] =	stream.indirect.scatter.add.f32 [tilespmem:s10], [sflag:$0x1], $0x10, s20, s13, $0xb8;
	[tilespmem:$0x5320] =	vst v63  }
0x12f: {  	s21 =	sadd.s32 $0x460, s16  }
0x130: {  	[spmem:s2] =	stream.indirect.scatter.add.f32 [tilespmem:s10], [sflag:$0x1], $0x10, s21, s13, $0xb8;
	[tilespmem:$0x5320] =	vst v63  }
0x131: {  	s22 =	sadd.s32 $0x4B0, s16  }
0x132: {  	[spmem:s2] =	stream.indirect.scatter.add.f32 [tilespmem:s10], [sflag:$0x1], $0x10, s22, s13, $0xb8;
	[tilespmem:$0x5320] =	vst v63  }
0x133: {  	s23 =	sadd.s32 $0x500, s16  }
0x134: {  	[spmem:s2] =	stream.indirect.scatter.add.f32 [tilespmem:s10], [sflag:$0x1], $0x10, s23, s13, $0xb8;
	[tilespmem:$0x5320] =	vst v63  }
0x135: {  	s24 =	sadd.s32 $0x550, s16  }
0x136: {  	[spmem:s2] =	stream.indirect.scatter.add.f32 [tilespmem:s10], [sflag:$0x1], $0x10, s24, s13, $0xb8;
	[tilespmem:$0x5320] =	vst v63  }
0x137: {  	s25 =	sadd.s32 $0x5A0, s16  }
0x138: {  	[spmem:s2] =	stream.indirect.scatter.add.f32 [tilespmem:s10], [sflag:$0x1], $0x10, s25, s13, $0xb8;
	[tilespmem:$0x5320] =	vst v63  }
0x139: {  	s26 =	sadd.s32 $0x5F0, s16  }
0x13a: {  	[spmem:s2] =	stream.indirect.scatter.add.f32 [tilespmem:s10], [sflag:$0x1], $0x10, s26, s13, $0xb8;
	[tilespmem:$0x5320] =	vst v63  }
0x13b: {  	s28 =	sadd.s32 $0x640, s16  }
0x13c: {  	[spmem:s2] =	stream.indirect.scatter.add.f32 [tilespmem:s10], [sflag:$0x1], $0x10, s28, s13, $0xb8;
	[tilespmem:$0x5320] =	vst v63  }
0x13d: {  	s29 =	sadd.s32 $0x690, s16  }
0x13e: {  	[spmem:s2] =	stream.indirect.scatter.add.f32 [tilespmem:s10], [sflag:$0x1], $0x10, s29, s13, $0xb8;
	[tilespmem:$0x5320] =	vst v63  }
0x13f: {  	s30 =	sadd.s32 $0x6E0, s16  }
0x140: {  	[spmem:s2] =	stream.indirect.scatter.add.f32 [tilespmem:s10], [sflag:$0x1], $0x10, s30, s13, $0xb8;
	[tilespmem:$0x5320] =	vst v63  }
0x141: {  	s31 =	sadd.s32 $0x730, s16  }
0x142: {  	[spmem:s2] =	stream.indirect.scatter.add.f32 [tilespmem:s10], [sflag:$0x1], $0x10, s31, s13, $0xb8;
	[tilespmem:$0x5320] =	vst v63  }
0x143: {  	s16 =	sadd.s32 $0x780, s16  }
0x144: {  	[spmem:s2] =	stream.indirect.scatter.add.f32 [tilespmem:s10], [sflag:$0x1], $0x10, s16, s13, $0xb8;
	[tilespmem:$0x5320] =	vst v63  }
0x145: {  	_ =	swait.ge [sflag:s14], $0x500  }
0x146: {  	[sflag:s14] =	ssyncset.done $0x0  }
0x147: {  	[sflag:s14] =	ssyncadd.s32 $0xFFFFFB00  }
0x148: {  	_ =	swait.ge [sflag:s14], $0x500  }
0x149: {  	[sflag:s14] =	ssyncset.done $0x0  }
0x14a: {  	[sflag:s14] =	ssyncadd.s32 $0xFFFFFB00  }
0x14b: {  	_ =	swait.ge [sflag:s14], $0x500  }
0x14c: {  	[sflag:s14] =	ssyncset.done $0x0  }
0x14d: {  	[sflag:s14] =	ssyncadd.s32 $0xFFFFFB00  }
0x14e: {  	_ =	swait.ge [sflag:s14], $0x500  }
0x14f: {  	[sflag:s14] =	ssyncset.done $0x0  }
0x150: {  	[sflag:s14] =	ssyncadd.s32 $0xFFFFFB00  }
0x151: {  	_ =	swait.ge [sflag:s14], $0x500  }
0x152: {  	[sflag:s14] =	ssyncset.done $0x0  }
0x153: {  	[sflag:s14] =	ssyncadd.s32 $0xFFFFFB00  }
0x154: {  	_ =	swait.ge [sflag:s14], $0x500  }
0x155: {  	[sflag:s14] =	ssyncset.done $0x0  }
0x156: {  	[sflag:s14] =	ssyncadd.s32 $0xFFFFFB00  }
0x157: {  	_ =	swait.ge [sflag:s14], $0x500  }
0x158: {  	[sflag:s14] =	ssyncset.done $0x0  }
0x159: {  	[sflag:s14] =	ssyncadd.s32 $0xFFFFFB00  }
0x15a: {  	_ =	swait.ge [sflag:s14], $0x500  }
0x15b: {  	[sflag:s14] =	ssyncset.done $0x0  }
0x15c: {  	[sflag:s14] =	ssyncadd.s32 $0xFFFFFB00  }
0x15d: {  	_ =	swait.ge [sflag:s14], $0x500  }
0x15e: {  	[sflag:s14] =	ssyncset.done $0x0  }
0x15f: {  	[sflag:s14] =	ssyncadd.s32 $0xFFFFFB00  }
0x160: {  	_ =	swait.ge [sflag:s14], $0x500  }
0x161: {  	[sflag:s14] =	ssyncset.done $0x0  }
0x162: {  	[sflag:s14] =	ssyncadd.s32 $0xFFFFFB00  }
0x163: {  	_ =	swait.ge [sflag:s14], $0x500  }
0x164: {  	[sflag:s14] =	ssyncset.done $0x0  }
0x165: {  	[sflag:s14] =	ssyncadd.s32 $0xFFFFFB00  }
0x166: {  	_ =	swait.ge [sflag:s14], $0x500  }
0x167: {  	[sflag:s14] =	ssyncset.done $0x0  }
0x168: {  	[sflag:s14] =	ssyncadd.s32 $0xFFFFFB00  }
0x169: {  	_ =	swait.ge [sflag:s14], $0x500  }
0x16a: {  	[sflag:s14] =	ssyncset.done $0x0  }
0x16b: {  	[sflag:s14] =	ssyncadd.s32 $0xFFFFFB00  }
0x16c: {  	_ =	swait.ge [sflag:s14], $0x500  }
0x16d: {  	[sflag:s14] =	ssyncset.done $0x0  }
0x16e: {  	[sflag:s14] =	ssyncadd.s32 $0xFFFFFB00  }
0x16f: {  	_ =	swait.ge [sflag:s14], $0x500  }
0x170: {  	[sflag:s14] =	ssyncset.done $0x0  }
0x171: {  	[sflag:s14] =	ssyncadd.s32 $0xFFFFFB00  }
0x172: {  	_ =	swait.ge [sflag:s14], $0x500  }
0x173: {  	[sflag:s14] =	ssyncset.done $0x0  }
0x174: {  	[sflag:s14] =	ssyncadd.s32 $0xFFFFFB00  }
0x175: {  	_ =	swait.ge [sflag:s14], $0x500  }
0x176: {  	[sflag:s14] =	ssyncset.done $0x0  }
0x177: {  	[sflag:s14] =	ssyncadd.s32 $0xFFFFFB00  }
0x178: {  	_ =	swait.ge [sflag:s14], $0x500  }
0x179: {  	[sflag:s14] =	ssyncset.done $0x0  }
0x17a: {  	[sflag:s14] =	ssyncadd.s32 $0xFFFFFB00  }
0x17b: {  	_ =	swait.ge [sflag:s14], $0x500  }
0x17c: {  	[sflag:s14] =	ssyncset.done $0x0  }
0x17d: {  	[sflag:s14] =	ssyncadd.s32 $0xFFFFFB00  }
0x17e: {  	_ =	swait.ge [sflag:s14], $0x500  }
0x17f: {  	[sflag:s14] =	ssyncset.done $0x0  }
0x180: {  	[sflag:s14] =	ssyncadd.s32 $0xFFFFFB00  }
0x181: {  	_ =	swait.ge [sflag:s14], $0x500  }
0x182: {  	[sflag:s14] =	ssyncset.done $0x0  }
0x183: {  	[sflag:s14] =	ssyncadd.s32 $0xFFFFFB00  }
0x184: {  	_ =	swait.ge [sflag:s14], $0x500  }
0x185: {  	[sflag:s14] =	ssyncset.done $0x0  }
0x186: {  	[sflag:s14] =	ssyncadd.s32 $0xFFFFFB00  }
0x187: {  	_ =	swait.ge [sflag:s14], $0x500  }
0x188: {  	[sflag:s14] =	ssyncset.done $0x0  }
0x189: {  	[sflag:s14] =	ssyncadd.s32 $0xFFFFFB00  }
0x18a: {  	_ =	swait.ge [sflag:s14], $0x500  }
0x18b: {  	[sflag:s14] =	ssyncset.done $0x0  }
0x18c: {  	[sflag:s14] =	ssyncadd.s32 $0xFFFFFB00  }
0x18d: {  	_ =	swait.ge [sflag:s14], $0x500  }
0x18e: {  	s15 =	sadd.s32 $0x1, s15;
	[sflag:s14] =	ssyncset.done $0x0  }
0x18f: {  	p0 =	sne.s32 s15, s8;
	[sflag:s14] =	ssyncadd.s32 $0xFFFFFB00  }
.Ltmp1:
0x190: {  	[bflag:$0x0] =	sbarrier.arrive $0xFFFF;
	(pc) =	sbr.rel @p0 .LBB2_1-.Ltmp1, $4  }
0x191: {  	[hbm:s7], [sflag:s11] =	dma.local [spmem:s12], $0x4E2  }
0x192: {  	_ =	swait.ge [sflag:s9], $0x4E2  }
0x193: {  	[sflag:s9] =	ssyncset.done $0x0  }
0x194: {  	[sflag:s9] =	ssyncadd.s32 $0xFFFFFB1E  }
0x195: {  	_ =	sfence.sel $0x180000  }
0x196: {  	[bflag:$0x0] =	sbarrier.arrive $0xFFFF  }
0x197: {  	p0 =	sne.s32 s0, $0x0;
	_ =	strace $0x90000047  }
0x198: {  	s0 =	sadd.s32 @!p0 $0x100000, s1;
	[bflag:$0x2] =	sbarrier.arrive $0xFFFF  }
0x199: {  	[sflag:s0] =	ssyncadd.tile.s32 @!p0 $0x1;
	_ =	shalt  }
.Lfunc_end2:
_tile_overlayer_lowered:
.L_overlay_start_2:
0x19a: {  	(tag) =	ssettag $0x2  }
0x19b: {  	s0 =	rddreg [dreg:$0x0];
	s2 =	stileid.u32  }
0x19c: {  	s1 =	rddreg [dreg:$0x1];
	p0 =	sne.s32 s2, $0x0  }
0x19d: {  	s3 =	rddreg [dreg:$0x2];
	[bflag:$0x3] =	sbarrier.arrive $0xFFFF;
	s2 =	simm.s32 @!p0 $0x1C02  }
0x19e: {  	[timem:s3], [sflag:s2] =	dma.local @!p0 [hbm:s0], s1  }
0x19f: {  	s0 =	simm.s32 @!p0 $0x2  }
0x1a0: {  	_ =	swait.ge @!p0 [sflag:s0], s1  }
0x1a1: {  	s1 =	ssub.s32 @!p0 $0x0, s1;
	[sflag:s0] =	ssyncset.done @!p0 $0x0  }
0x1a2: {  	[sflag:s0] =	ssyncadd.s32 @!p0 s1  }
0x1a3: {  	[bflag:$0x3] =	sbarrier.arrive $0xFFFF  }
0x1a4: {  	_ =	shalt  }

</sc_bundles>
